<compile_context>
chip_gen: v7x
topology: tpu7x:2x2x1
jax: 0.10.2.dev20260603
libtpu: 0.0.44.dev20260713+nightly
codegen_flags: <defaults>
</compile_context>

<pallas_src>
import functools

import jax
import jax.numpy as jnp
from jax import lax
from jax.experimental import pallas as pl
from jax.experimental.pallas import tpu as pltpu
from jax.experimental.pallas import tpu_sc as plsc

NN = 100000
NP = 102400
EE = 1600000
EP = 1638400
GG = 64
BN = 1024
NB = NP // BN
NS = 16
RT = NP // NS
ER = EP // 128
KC = 10
CB = 640
NBUF = 2
F32 = jnp.float32


def _mesh():
    return plsc.VectorSubcoreMesh(core_axis_name="c", subcore_axis_name="s")


@functools.partial(
    pl.kernel,
    mesh=_mesh(),
    out_type=jax.ShapeDtypeStruct((2 * NP,), F32),
    compiler_params=pltpu.CompilerParams(use_tc_tiling_on_sc=False),
    scratch_types=[
        pltpu.VMEM((KC * 128,), jnp.int32),
        pltpu.VMEM((KC * 128,), F32),
        pltpu.VMEM_SHARED((NP,), F32),
        pltpu.SemaphoreType.DMA,
    ],
)
def _deg_kernel(dst2, zeros_hbm, degp, idxv, onesv, acc, ssem):
    c = lax.axis_index("c")
    s = lax.axis_index("s")

    def ones_init(i, _):
        onesv[pl.ds(i * 16, 16)] = jnp.ones((16,), F32)
        return 0

    lax.fori_loop(0, KC * 8, ones_init, 0)
    pltpu.sync_copy(zeros_hbm.at[pl.ds(s * RT, RT)], acc.at[pl.ds(s * RT, RT)])
    plsc.subcore_barrier()
    tile_edges = EP // 32
    cb = KC * 128

    def chunk(t, _):
        e0 = c * (EP // 2) + s * tile_edges + t * cb
        pltpu.sync_copy(dst2.at[pl.ds(e0, cb)], idxv)
        pltpu.async_copy(onesv, acc.at[idxv], ssem, add=True).wait()
        return 0

    lax.fori_loop(0, tile_edges // cb, chunk, 0)
    plsc.subcore_barrier()
    pltpu.sync_copy(acc.at[pl.ds(s * RT, RT)],
                    degp.at[pl.ds(c * NP + s * RT, RT)])


def _make_agg(num_slices):
    spc = num_slices // 2
    out_type = [jax.ShapeDtypeStruct((NP, 16), F32) for _ in range(num_slices)]

    @functools.partial(
        pl.kernel,
        mesh=_mesh(),
        out_type=out_type,
        compiler_params=pltpu.CompilerParams(use_tc_tiling_on_sc=False),
        scratch_types=(
            [pltpu.VMEM((2, CB), jnp.int32) for _ in range(NBUF)]
            + [pltpu.VMEM((CB, 16), F32) for _ in range(NBUF)]
            + [pltpu.VMEM_SHARED((NP, 16), F32)]
            + [pltpu.SemaphoreType.DMA] * (2 * NBUF)
        ),
    )
    def agg(*refs):
        u_refs = refs[:num_slices]
        ei = refs[num_slices]
        v_refs = refs[num_slices + 1:2 * num_slices + 1]
        rest = refs[2 * num_slices + 1:]
        eidx = rest[:NBUF]
        rows = rest[NBUF:2 * NBUF]
        acc = rest[2 * NBUF]
        gsem = rest[2 * NBUF + 1:2 * NBUF + 1 + NBUF]
        ssem = rest[2 * NBUF + 1 + NBUF:]
        c = lax.axis_index("c")
        s = lax.axis_index("s")
        tile_edges = EP // NS
        nch = tile_edges // CB

        for ci in range(2):
            @pl.when(c == ci)
            def _():
                for si in range(spc):
                    u_ref = u_refs[ci * spc + si]
                    v_ref = v_refs[ci * spc + si]

                    def wait_gather(b):
                        pltpu.make_async_copy(u_ref.at[eidx[b].at[0]],
                                              rows[b], gsem[b]).wait()

                    def wait_scatter(b):
                        pltpu.make_async_copy(rows[b], acc.at[eidx[b].at[1]],
                                              ssem[b]).wait()

                    def fire_chunk(t, b):
                        g = s * nch + t
                        pltpu.sync_copy(ei.at[g], eidx[b])
                        pltpu.async_copy(u_ref.at[eidx[b].at[0]], rows[b],
                                         gsem[b])

                    def fire_scatter(b):
                        pltpu.async_copy(rows[b], acc.at[eidx[b].at[1]],
                                         ssem[b], add=True)

                    pltpu.sync_copy(u_ref.at[pl.ds(s * RT, RT)],
                                    acc.at[pl.ds(s * RT, RT)])
                    plsc.subcore_barrier()

                    def step(t2, _):
                        for b in range(NBUF):
                            t = NBUF * t2 + b

                            @pl.when(t >= NBUF)
                            def _():
                                wait_scatter(b)

                            fire_chunk(t, b)
                            ob = (b + NBUF - 1) % NBUF

                            @pl.when(t >= 1)
                            def _():
                                wait_gather(ob)
                                fire_scatter(ob)
                        return 0

                    lax.fori_loop(0, nch // NBUF, step, 0)
                    last = (nch - 1) % NBUF
                    wait_gather(last)
                    fire_scatter(last)
                    for b in range(NBUF):
                        wait_scatter(b)
                    plsc.subcore_barrier()
                    pltpu.sync_copy(acc.at[pl.ds(s * RT, RT)],
                                    v_ref.at[pl.ds(s * RT, RT)])
                    plsc.subcore_barrier()

    return agg


_agg4 = _make_agg(4)
_agg2 = _make_agg(2)


R8 = NP // 8
BR = 128
NG = R8 // BR

_blk = pl.BlockSpec((BR, 128), lambda i: (i, 0))


def _full(a, b):
    return pl.BlockSpec((a, b), lambda i: (0, 0))


def _l1_body(x8_ref, d0_ref, d1_ref, e16_ref, wb1_ref,
             u0, u1, u2, u3, dinvx_ref):
    deg = d0_ref[...] + d1_ref[...] + 1.0
    dinv = lax.rsqrt(deg)
    dinvx = jnp.dot(dinv, e16_ref[...], preferred_element_type=F32,
                    precision=lax.Precision.HIGHEST)
    dinvx_ref[...] = dinvx
    h = jnp.dot(x8_ref[...], wb1_ref[...], preferred_element_type=F32)
    for so, ref in enumerate((u0, u1, u2, u3)):
        ref[...] = h[:, so * 128:(so + 1) * 128] * dinvx


def _layer1(x8, d0_8, d1_8, e16, wb1):
    outs = ([jax.ShapeDtypeStruct((R8, 128), F32) for _ in range(5)])
    return pl.pallas_call(
        _l1_body,
        grid=(NG,),
        in_specs=[pl.BlockSpec((BR, 40), lambda i: (i, 0)),
                  pl.BlockSpec((BR, 8), lambda i: (i, 0)),
                  pl.BlockSpec((BR, 8), lambda i: (i, 0)),
                  _full(8, 128), _full(40, 512)],
        out_specs=[_blk] * 5,
        out_shape=outs,
    )(x8, d0_8, d1_8, e16, wb1)


def _make_mid(sin, sout):
    def body(*refs):
        v_refs = refs[:sin]
        dinvx_ref, b8_ref, wb_ref = refs[sin:sin + 3]
        u_refs = refs[sin + 3:]
        dinvx = dinvx_ref[...]
        b8 = b8_ref[...]
        xs = [jnp.maximum(dinvx * v_refs[si][...]
                          + b8[:, si * 128:(si + 1) * 128], 0.0)
              for si in range(sin)]
        xcat = jnp.concatenate(xs, axis=1)
        h = jnp.dot(xcat, wb_ref[...], preferred_element_type=F32)
        for so in range(sout):
            u_refs[so][...] = h[:, so * 128:(so + 1) * 128] * dinvx

    def run(v_list, dinvx, b8, wb):
        return pl.pallas_call(
            body,
            grid=(NG,),
            in_specs=[_blk] * (sin + 1)
            + [_full(1, sin * 128), _full(sin * 128, sout * 128)],
            out_specs=[_blk] * sout,
            out_shape=[jax.ShapeDtypeStruct((R8, 128), F32)
                       for _ in range(sout)],
        )(*v_list, dinvx, b8, wb)

    return run


_mid_44 = _make_mid(4, 4)
_mid_42 = _make_mid(4, 2)


def _pool_body(v0, v1, dinvx_ref, b8_ref, batch_ref, wp1, bp1, wp2, bp2,
               out_ref, emb_ref, acc):
    j = pl.program_id(0)

    @pl.when(j == 0)
    def _():
        acc[...] = jnp.zeros_like(acc)

    dinvx = dinvx_ref[...]
    b8 = b8_ref[...]
    g0 = dinvx * v0[...] + b8[:, :128]
    g1 = dinvx * v1[...] + b8[:, 128:]
    bat = batch_ref[...]
    seg = jnp.zeros((GG, 40), F32)
    for jj in range(8):
        oh = (bat[:, jj:jj + 1]
              == lax.broadcasted_iota(jnp.int32, (BR, GG), 1)).astype(F32)
        gj = jnp.concatenate(
            [g0[:, jj * 16:(jj + 1) * 16], g1[:, jj * 16:(jj + 1) * 16],
             jnp.ones((BR, 8), F32)], axis=1)
        seg = seg + lax.dot_general(oh, gj, (((0,), (0,)), ((), ())),
                                    preferred_element_type=F32)
    acc[...] += seg

    @pl.when(j == NG - 1)
    def _():
        accv = acc[...]
        cnt = jnp.maximum(accv[:, 32:33], 1.0)
        emb = accv[:, :32] / cnt
        emb_ref[...] = emb
        hid = jnp.maximum(
            jnp.dot(emb, wp1[...], preferred_element_type=F32) + bp1[...],
            0.0)
        raw = jnp.dot(hid, wp2[...], preferred_element_type=F32) + bp2[...]
        sp = jnp.maximum(raw, 0.0) + jnp.log(1.0 + jnp.exp(-jnp.abs(raw)))
        out_ref[...] = jnp.concatenate(
            [sp[:, 0:1] + 1.0,
             sp[:, 0:1] + sp[:, 1:2] + 2.0,
             sp[:, 2:3] + 0.1,
             sp[:, 2:3] + sp[:, 3:4] + 0.3], axis=1)


def _pool(v0, v1, dinvx, b8_3, batch8, Wp1, bp1, Wp2, bp2):
    return pl.pallas_call(
        _pool_body,
        grid=(NG,),
        in_specs=[_blk, _blk, _blk, _full(1, 256),
                  pl.BlockSpec((BR, 8), lambda i: (i, 0)),
                  _full(32, 32), _full(1, 32), _full(32, 4), _full(1, 4)],
        out_specs=[_full(GG, 4), _full(GG, 32)],
        out_shape=[jax.ShapeDtypeStruct((GG, 4), F32),
                   jax.ShapeDtypeStruct((GG, 32), F32)],
        scratch_shapes=[pltpu.VMEM((GG, 40), F32)],
        compiler_params=pltpu.CompilerParams(
            dimension_semantics=("arbitrary",)),
    )(v0, v1, dinvx, b8_3, batch8, Wp1, bp1, Wp2, bp2)


def _expand_w(W, sin, sout):
    Wr = W.reshape(sin, 16, sout, 16)
    WB = jnp.einsum("ab,uksf->uaksbf", jnp.eye(8, dtype=F32), Wr)
    return WB.reshape(sin * 128, sout * 128)


def _expand_b(b, s):
    return jnp.broadcast_to(b.reshape(s, 1, 16),
                            (s, 8, 16)).reshape(1, s * 128)


def _to_sc(u):
    return u.reshape(NP, 16)


def _to_tc(v):
    return v.reshape(R8, 128)


def kernel(x, edge_index, batch, W1, b1, W2, b2, W3, b3, Wp1, bp1, Wp2, bp2):
    x8 = jnp.pad(x, ((0, NP - NN), (0, 0))).reshape(R8, 40)
    src = jnp.pad(edge_index[0].astype(jnp.int32), (0, EP - EE),
                  constant_values=0)
    dst = jnp.pad(edge_index[1].astype(jnp.int32), (0, EP - EE),
                  constant_values=NN)
    batch8 = jnp.pad(batch.astype(jnp.int32), (0, NP - NN),
                     constant_values=GG).reshape(R8, 8)
    zeros = jnp.zeros((NP,), F32)
    e16 = jnp.repeat(jnp.eye(8, dtype=F32), 16, axis=1)
    W1r = W1.reshape(5, 4, 16)
    wb1 = jnp.einsum("ab,ksf->aksbf", jnp.eye(8, dtype=F32),
                     W1r).reshape(40, 512)

    ei = jnp.stack([src.reshape(-1, CB), dst.reshape(-1, CB)], axis=1)

    degp = _deg_kernel(dst, zeros)
    deg8 = degp.reshape(2, R8, 8)

    u0, u1, u2, u3, dinvx = _layer1(x8, deg8[0], deg8[1], e16, wb1)
    v = _agg4(_to_sc(u0), _to_sc(u1), _to_sc(u2), _to_sc(u3), ei)
    u = _mid_44([_to_tc(t) for t in v], dinvx,
                _expand_b(b1, 4), _expand_w(W2, 4, 4))
    v = _agg4(*[_to_sc(t) for t in u], ei)
    u = _mid_42([_to_tc(t) for t in v], dinvx,
                _expand_b(b2, 4), _expand_w(W3, 4, 2))
    v = _agg2(*[_to_sc(t) for t in u], ei)
    out, emb = _pool(_to_tc(v[0]), _to_tc(v[1]), dinvx, _expand_b(b3, 2),
                     batch8, Wp1, bp1.reshape(1, 32), Wp2, bp2.reshape(1, 4))
    return (out, emb)

# --- scband reference (transcript-rebuilt; emitter-appended) ---
"""Pipeline reference for scband-range-predictor-58617713656460 (READ-ONLY COPY).

The authoritative reference and input builder live on the scoring server;
editing this copy changes nothing except your own understanding.
"""

import jax, jax.numpy as jnp
import numpy as np

N = 100000
E = 1600000
G = 64


def gcn_conv(x, edge_index, W, b):
    n = x.shape[0]
    src = edge_index[0]
    dst = edge_index[1]
    loop = jnp.arange(n, dtype=src.dtype)
    src = jnp.concatenate([src, loop])
    dst = jnp.concatenate([dst, loop])
    deg = jax.ops.segment_sum(jnp.ones(src.shape[0], dtype=x.dtype), dst, num_segments=n)
    dinv = jnp.where(deg > 0, 1.0 / jnp.sqrt(deg), 0.0)
    norm = dinv[src] * dinv[dst]
    h = x @ W
    msg = h[src] * norm[:, None]
    out = jax.ops.segment_sum(msg, dst, num_segments=n)
    return out + b


def setup_inputs(seed: int = 0):
    key = jax.random.key(seed)
    ks = jax.random.split(key, 13)
    x = jax.random.normal(ks[0], (N, 5), dtype=jnp.float32)
    edge_index = jax.random.randint(ks[1], (2, E), 0, N)
    batch = jnp.sort(jax.random.randint(ks[2], (N,), 0, G))
    def glorot(k, fan_in, fan_out):
        lim = float(np.sqrt(6.0 / (fan_in + fan_out)))
        return jax.random.uniform(k, (fan_in, fan_out), dtype=jnp.float32, minval=-lim, maxval=lim)
    W1 = glorot(ks[3], 5, 64)
    b1 = jnp.zeros((64,), dtype=jnp.float32)
    W2 = glorot(ks[4], 64, 64)
    b2 = jnp.zeros((64,), dtype=jnp.float32)
    W3 = glorot(ks[5], 64, 32)
    b3 = jnp.zeros((32,), dtype=jnp.float32)
    Wp1 = glorot(ks[6], 32, 32)
    bp1 = jnp.zeros((32,), dtype=jnp.float32)
    Wp2 = glorot(ks[7], 32, 4)
    bp2 = jnp.zeros((4,), dtype=jnp.float32)
    return {"x": x, "edge_index": edge_index, "batch": batch,
            "W1": W1, "b1": b1, "W2": W2, "b2": b2, "W3": W3, "b3": b3,
            "Wp1": Wp1, "bp1": bp1, "Wp2": Wp2, "bp2": bp2}


def reference(x, edge_index, batch, W1, b1, W2, b2, W3, b3, Wp1, bp1, Wp2, bp2):
    h = jax.nn.relu(gcn_conv(x, edge_index, W1, b1))
    h = jax.nn.relu(gcn_conv(h, edge_index, W2, b2))
    h = gcn_conv(h, edge_index, W3, b3)
    seg_sum = jax.ops.segment_sum(h, batch, num_segments=G)
    cnt = jax.ops.segment_sum(jnp.ones((h.shape[0],), dtype=h.dtype), batch, num_segments=G)
    embedding = seg_sum / jnp.maximum(cnt, 1.0)[:, None]
    hid = jax.nn.relu(embedding @ Wp1 + bp1)
    raw = hid @ Wp2 + bp2
    val = jax.nn.softplus(raw)
    alpha_min = val[:, 0] + 1.0
    alpha_max = alpha_min + val[:, 1] + 1.0
    beta_min = val[:, 2] + 0.1
    beta_max = beta_min + val[:, 3] + 0.2
    out = jnp.stack([alpha_min, alpha_max, beta_min, beta_max], axis=1)
    return (out, embedding)

if __name__ == "__main__":
    import jax
    _d = setup_inputs()
    print(jax.jit(kernel)(*tuple(_d.values())))

</pallas_src>

<mosaic_0001>
#map = affine_map<(d0, d1) -> (0, 0)>
#map1 = affine_map<(d0, d1) -> (0, 0, 0)>
module attributes {stable_mosaic.version = 14 : i64} {
  func.func @agg(%arg0: i32, %arg1: i32, %arg2: memref<102400x16xf32, #tpu.memory_space<hbm>>, %arg3: memref<102400x16xf32, #tpu.memory_space<hbm>>, %arg4: memref<102400x16xf32, #tpu.memory_space<hbm>>, %arg5: memref<102400x16xf32, #tpu.memory_space<hbm>>, %arg6: memref<2560x2x640xi32, #tpu.memory_space<hbm>>, %arg7: memref<102400x16xf32, #tpu.memory_space<hbm>>, %arg8: memref<102400x16xf32, #tpu.memory_space<hbm>>, %arg9: memref<102400x16xf32, #tpu.memory_space<hbm>>, %arg10: memref<102400x16xf32, #tpu.memory_space<hbm>>, %arg11: memref<2x640xi32, #tpu.memory_space<vmem>>, %arg12: memref<2x640xi32, #tpu.memory_space<vmem>>, %arg13: memref<640x16xf32, #tpu.memory_space<vmem>>, %arg14: memref<640x16xf32, #tpu.memory_space<vmem>>, %arg15: memref<102400x16xf32, #tpu.memory_space<vmem_shared>>, %arg16: memref<!tpu.dma_semaphore, #tpu.memory_space<semaphore_mem>>, %arg17: memref<!tpu.dma_semaphore, #tpu.memory_space<semaphore_mem>>, %arg18: memref<!tpu.dma_semaphore, #tpu.memory_space<semaphore_mem>>, %arg19: memref<!tpu.dma_semaphore, #tpu.memory_space<semaphore_mem>>) attributes {dimension_semantics = [#tpu.dimension_semantics<core_parallel>, #tpu.dimension_semantics<subcore_parallel>], iteration_bounds = array<i64: 2, 16>, scalar_prefetch = 0 : i64, scratch_operands = 9 : i64, tpu.core_type = #tpu.core_type<sc_vector_subcore>, window_params = [{transform_indices = #map}, {transform_indices = #map}, {transform_indices = #map}, {transform_indices = #map}, {transform_indices = #map1}, {transform_indices = #map}, {transform_indices = #map}, {transform_indices = #map}, {transform_indices = #map}]} {
    %eq3A = arith.constant 0 : i32
    %eq3A_0 = arith.cmpi eq, %arg0, %eq3A : i32
    %convert_element_type3A = arith.extui %eq3A_0 : i1 to i32
    %cond3A = arith.constant 0 : i32
    %cond3A_1 = arith.cmpi ne, %convert_element_type3A, %cond3A : i32
    scf.if %cond3A_1 {
      %mul3A = arith.constant 6400 : i32
      %mul3A_7 = arith.muli %arg1, %mul3A : i32
      %mul3A_8 = arith.constant 6400 : i32
      %mul3A_9 = arith.muli %arg1, %mul3A_8 : i32
      "tpu.region"() ({
        %run_scoped3A = tpu.sem_alloc : memref<!tpu.dma_semaphore, #tpu.memory_space<semaphore_mem>>
        %dma_start3A_94 = arith.constant 0 : i32
        %dma_start3A_95 = tpu.memref_slice %arg15[%mul3A_9, %dma_start3A_94] : memref<102400x16xf32, #tpu.memory_space<vmem_shared>> -> memref<6400x16xf32, #tpu.memory_space<vmem_shared>>
        %dma_start3A_96 = arith.constant 0 : i32
        %dma_start3A_97 = tpu.memref_slice %arg2[%mul3A_7, %dma_start3A_96] : memref<102400x16xf32, #tpu.memory_space<hbm>> -> memref<6400x16xf32, #tpu.memory_space<hbm>>
        tpu.enqueue_dma source(%dma_start3A_97 : memref<6400x16xf32, #tpu.memory_space<hbm>>) target(%dma_start3A_95 : memref<6400x16xf32, #tpu.memory_space<vmem_shared>>) target_semaphore(%run_scoped3A : memref<!tpu.dma_semaphore, #tpu.memory_space<semaphore_mem>>)
        %dma_wait3A_98 = arith.constant 0 : i32
        %dma_wait3A_99 = tpu.memref_slice %arg15[%mul3A_9, %dma_wait3A_98] : memref<102400x16xf32, #tpu.memory_space<vmem_shared>> -> memref<6400x16xf32, #tpu.memory_space<vmem_shared>>
        %dma_wait3A_100 = arith.constant 0 : i32
        %dma_wait3A_101 = tpu.memref_slice %arg2[%mul3A_7, %dma_wait3A_100] : memref<102400x16xf32, #tpu.memory_space<hbm>> -> memref<6400x16xf32, #tpu.memory_space<hbm>>
        tpu.wait_dma2 semaphore(%run_scoped3A : memref<!tpu.dma_semaphore, #tpu.memory_space<semaphore_mem>>) src(%dma_wait3A_101 : memref<6400x16xf32, #tpu.memory_space<hbm>>) dst(%dma_wait3A_99 : memref<6400x16xf32, #tpu.memory_space<vmem_shared>>)
        tpu.yield
      }) : () -> ()
      %barrier3A = arith.constant 0 : index
      tpu.barrier barrier_id(%barrier3A)
      %scan3A = arith.constant 0 : i32
      %scan3A_10 = arith.constant 0 : i32
      %scan3A_11 = arith.constant 80 : i32
      %scan3A_12 = arith.addi %scan3A_10, %scan3A_11 : i32
      %scan3A_13 = arith.constant 1 : i32
      %scan3A_14 = scf.for %scan3A_94 = %scan3A_10 to %scan3A_12 step %scan3A_13 iter_args(%scan3A_95 = %scan3A) -> (i32)  : i32 {
        %mul3A_96 = arith.constant 2 : i32
        %mul3A_97 = arith.muli %mul3A_96, %scan3A_94 : i32
        %add3A = arith.constant 0 : i32
        %add3A_98 = arith.addi %mul3A_97, %add3A : i32
        %ge3A = arith.constant 2 : i32
        %ge3A_99 = arith.cmpi sge, %add3A_98, %ge3A : i32
        %convert_element_type3A_100 = arith.extui %ge3A_99 : i1 to i32
        %cond3A_101 = arith.constant 0 : i32
        %cond3A_102 = arith.cmpi ne, %convert_element_type3A_100, %cond3A_101 : i32
        scf.if %cond3A_102 {
          %dma_wait3A_143 = arith.constant 1 : i32
          %dma_wait3A_144 = arith.constant 0 : i32
          %dma_wait3A_145 = tpu.memref_slice %arg11[%dma_wait3A_143, %dma_wait3A_144] : memref<2x640xi32, #tpu.memory_space<vmem>> -> memref<1x640xi32, #tpu.memory_space<vmem>>
          %dma_wait3A_146 = tpu.memref_squeeze %dma_wait3A_145 : memref<1x640xi32, #tpu.memory_space<vmem>> -> memref<640xi32, #tpu.memory_space<vmem>>
          %dma_wait3A_147 = arith.constant 0 : i32
          %dma_wait3A_148 = arith.constant 0 : i32
          %dma_wait3A_149 = tpu.memref_slice %arg15[%dma_wait3A_147, %dma_wait3A_148] : memref<102400x16xf32, #tpu.memory_space<vmem_shared>> -> memref<102400x16xf32, #tpu.memory_space<vmem_shared>>
          tpu.wait_indirect_dma semaphore(%arg18 : memref<!tpu.dma_semaphore, #tpu.memory_space<semaphore_mem>>) src(%arg13 : memref<640x16xf32, #tpu.memory_space<vmem>>) dst(%dma_wait3A_149 : memref<102400x16xf32, #tpu.memory_space<vmem_shared>>)
        } else {
        }
        %mul3A_103 = arith.constant 160 : i32
        %mul3A_104 = arith.muli %arg1, %mul3A_103 : i32
        %add3A_105 = arith.addi %mul3A_104, %add3A_98 : i32
        "tpu.region"() ({
          %run_scoped3A = tpu.sem_alloc : memref<!tpu.dma_semaphore, #tpu.memory_space<semaphore_mem>>
          %dma_start3A_143 = arith.constant 0 : i32
          %dma_start3A_144 = arith.constant 0 : i32
          %dma_start3A_145 = tpu.memref_slice %arg6[%add3A_105, %dma_start3A_143, %dma_start3A_144] : memref<2560x2x640xi32, #tpu.memory_space<hbm>> -> memref<1x2x640xi32, #tpu.memory_space<hbm>>
          %dma_start3A_146 = tpu.memref_squeeze %dma_start3A_145 : memref<1x2x640xi32, #tpu.memory_space<hbm>> -> memref<2x640xi32, #tpu.memory_space<hbm>>
          %dma_start3A_147 = arith.constant 0 : i32
          %dma_start3A_148 = arith.constant 0 : i32
          %dma_start3A_149 = tpu.memref_slice %arg6[%add3A_105, %dma_start3A_147, %dma_start3A_148] : memref<2560x2x640xi32, #tpu.memory_space<hbm>> -> memref<1x2x640xi32, #tpu.memory_space<hbm>>
          %dma_start3A_150 = tpu.memref_squeeze %dma_start3A_149 : memref<1x2x640xi32, #tpu.memory_space<hbm>> -> memref<2x640xi32, #tpu.memory_space<hbm>>
          tpu.enqueue_dma source(%dma_start3A_150 : memref<2x640xi32, #tpu.memory_space<hbm>>) target(%arg11 : memref<2x640xi32, #tpu.memory_space<vmem>>) target_semaphore(%run_scoped3A : memref<!tpu.dma_semaphore, #tpu.memory_space<semaphore_mem>>)
          %dma_wait3A_151 = arith.constant 0 : i32
          %dma_wait3A_152 = arith.constant 0 : i32
          %dma_wait3A_153 = tpu.memref_slice %arg6[%add3A_105, %dma_wait3A_151, %dma_wait3A_152] : memref<2560x2x640xi32, #tpu.memory_space<hbm>> -> memref<1x2x640xi32, #tpu.memory_space<hbm>>
          %dma_wait3A_154 = tpu.memref_squeeze %dma_wait3A_153 : memref<1x2x640xi32, #tpu.memory_space<hbm>> -> memref<2x640xi32, #tpu.memory_space<hbm>>
          %dma_wait3A_155 = arith.constant 0 : i32
          %dma_wait3A_156 = arith.constant 0 : i32
          %dma_wait3A_157 = tpu.memref_slice %arg6[%add3A_105, %dma_wait3A_155, %dma_wait3A_156] : memref<2560x2x640xi32, #tpu.memory_space<hbm>> -> memref<1x2x640xi32, #tpu.memory_space<hbm>>
          %dma_wait3A_158 = tpu.memref_squeeze %dma_wait3A_157 : memref<1x2x640xi32, #tpu.memory_space<hbm>> -> memref<2x640xi32, #tpu.memory_space<hbm>>
          tpu.wait_dma2 semaphore(%run_scoped3A : memref<!tpu.dma_semaphore, #tpu.memory_space<semaphore_mem>>) src(%dma_wait3A_158 : memref<2x640xi32, #tpu.memory_space<hbm>>) dst(%arg11 : memref<2x640xi32, #tpu.memory_space<vmem>>)
          tpu.yield
        }) : () -> ()
        %dma_start3A_106 = arith.constant 0 : i32
        %dma_start3A_107 = arith.constant 0 : i32
        %dma_start3A_108 = tpu.memref_slice %arg11[%dma_start3A_106, %dma_start3A_107] : memref<2x640xi32, #tpu.memory_space<vmem>> -> memref<1x640xi32, #tpu.memory_space<vmem>>
        %dma_start3A_109 = tpu.memref_squeeze %dma_start3A_108 : memref<1x640xi32, #tpu.memory_space<vmem>> -> memref<640xi32, #tpu.memory_space<vmem>>
        %dma_start3A_110 = arith.constant 0 : i32
        %dma_start3A_111 = arith.constant 0 : i32
        %dma_start3A_112 = tpu.memref_slice %arg2[%dma_start3A_110, %dma_start3A_111] : memref<102400x16xf32, #tpu.memory_space<hbm>> -> memref<102400x16xf32, #tpu.memory_space<hbm>>
        tpu.enqueue_indirect_dma source(%dma_start3A_112 : memref<102400x16xf32, #tpu.memory_space<hbm>>) target(%arg13 : memref<640x16xf32, #tpu.memory_space<vmem>>) offsets(%dma_start3A_109 : memref<640xi32, #tpu.memory_space<vmem>>) semaphore(%arg16 : memref<!tpu.dma_semaphore, #tpu.memory_space<semaphore_mem>>)
        %ge3A_113 = arith.constant 1 : i32
        %ge3A_114 = arith.cmpi sge, %add3A_98, %ge3A_113 : i32
        %convert_element_type3A_115 = arith.extui %ge3A_114 : i1 to i32
        %cond3A_116 = arith.constant 0 : i32
        %cond3A_117 = arith.cmpi ne, %convert_element_type3A_115, %cond3A_116 : i32
        scf.if %cond3A_117 {
          %dma_wait3A_143 = arith.constant 0 : i32
          %dma_wait3A_144 = arith.constant 0 : i32
          %dma_wait3A_145 = tpu.memref_slice %arg12[%dma_wait3A_143, %dma_wait3A_144] : memref<2x640xi32, #tpu.memory_space<vmem>> -> memref<1x640xi32, #tpu.memory_space<vmem>>
          %dma_wait3A_146 = tpu.memref_squeeze %dma_wait3A_145 : memref<1x640xi32, #tpu.memory_space<vmem>> -> memref<640xi32, #tpu.memory_space<vmem>>
          %dma_wait3A_147 = arith.constant 0 : i32
          %dma_wait3A_148 = arith.constant 0 : i32
          %dma_wait3A_149 = tpu.memref_slice %arg2[%dma_wait3A_147, %dma_wait3A_148] : memref<102400x16xf32, #tpu.memory_space<hbm>> -> memref<102400x16xf32, #tpu.memory_space<hbm>>
          tpu.wait_indirect_dma semaphore(%arg17 : memref<!tpu.dma_semaphore, #tpu.memory_space<semaphore_mem>>) src(%dma_wait3A_149 : memref<102400x16xf32, #tpu.memory_space<hbm>>) dst(%arg14 : memref<640x16xf32, #tpu.memory_space<vmem>>)
          %dma_start3A_150 = arith.constant 1 : i32
          %dma_start3A_151 = arith.constant 0 : i32
          %dma_start3A_152 = tpu.memref_slice %arg12[%dma_start3A_150, %dma_start3A_151] : memref<2x640xi32, #tpu.memory_space<vmem>> -> memref<1x640xi32, #tpu.memory_space<vmem>>
          %dma_start3A_153 = tpu.memref_squeeze %dma_start3A_152 : memref<1x640xi32, #tpu.memory_space<vmem>> -> memref<640xi32, #tpu.memory_space<vmem>>
          %dma_start3A_154 = arith.constant 0 : i32
          %dma_start3A_155 = arith.constant 0 : i32
          %dma_start3A_156 = tpu.memref_slice %arg15[%dma_start3A_154, %dma_start3A_155] : memref<102400x16xf32, #tpu.memory_space<vmem_shared>> -> memref<102400x16xf32, #tpu.memory_space<vmem_shared>>
          tpu.enqueue_indirect_dma source(%arg14 : memref<640x16xf32, #tpu.memory_space<vmem>>) target(%dma_start3A_156 : memref<102400x16xf32, #tpu.memory_space<vmem_shared>>) offsets(%dma_start3A_153 : memref<640xi32, #tpu.memory_space<vmem>>) semaphore(%arg19 : memref<!tpu.dma_semaphore, #tpu.memory_space<semaphore_mem>>) {add = true}
        } else {
        }
        %mul3A_118 = arith.constant 2 : i32
        %mul3A_119 = arith.muli %mul3A_118, %scan3A_94 : i32
        %add3A_120 = arith.constant 1 : i32
        %add3A_121 = arith.addi %mul3A_119, %add3A_120 : i32
        %ge3A_122 = arith.constant 2 : i32
        %ge3A_123 = arith.cmpi sge, %add3A_121, %ge3A_122 : i32
        %convert_element_type3A_124 = arith.extui %ge3A_123 : i1 to i32
        %cond3A_125 = arith.constant 0 : i32
        %cond3A_126 = arith.cmpi ne, %convert_element_type3A_124, %cond3A_125 : i32
        scf.if %cond3A_126 {
          %dma_wait3A_143 = arith.constant 1 : i32
          %dma_wait3A_144 = arith.constant 0 : i32
          %dma_wait3A_145 = tpu.memref_slice %arg12[%dma_wait3A_143, %dma_wait3A_144] : memref<2x640xi32, #tpu.memory_space<vmem>> -> memref<1x640xi32, #tpu.memory_space<vmem>>
          %dma_wait3A_146 = tpu.memref_squeeze %dma_wait3A_145 : memref<1x640xi32, #tpu.memory_space<vmem>> -> memref<640xi32, #tpu.memory_space<vmem>>
          %dma_wait3A_147 = arith.constant 0 : i32
          %dma_wait3A_148 = arith.constant 0 : i32
          %dma_wait3A_149 = tpu.memref_slice %arg15[%dma_wait3A_147, %dma_wait3A_148] : memref<102400x16xf32, #tpu.memory_space<vmem_shared>> -> memref<102400x16xf32, #tpu.memory_space<vmem_shared>>
          tpu.wait_indirect_dma semaphore(%arg19 : memref<!tpu.dma_semaphore, #tpu.memory_space<semaphore_mem>>) src(%arg14 : memref<640x16xf32, #tpu.memory_space<vmem>>) dst(%dma_wait3A_149 : memref<102400x16xf32, #tpu.memory_space<vmem_shared>>)
        } else {
        }
        %mul3A_127 = arith.constant 160 : i32
        %mul3A_128 = arith.muli %arg1, %mul3A_127 : i32
        %add3A_129 = arith.addi %mul3A_128, %add3A_121 : i32
        "tpu.region"() ({
          %run_scoped3A = tpu.sem_alloc : memref<!tpu.dma_semaphore, #tpu.memory_space<semaphore_mem>>
          %dma_start3A_143 = arith.constant 0 : i32
          %dma_start3A_144 = arith.constant 0 : i32
          %dma_start3A_145 = tpu.memref_slice %arg6[%add3A_129, %dma_start3A_143, %dma_start3A_144] : memref<2560x2x640xi32, #tpu.memory_space<hbm>> -> memref<1x2x640xi32, #tpu.memory_space<hbm>>
          %dma_start3A_146 = tpu.memref_squeeze %dma_start3A_145 : memref<1x2x640xi32, #tpu.memory_space<hbm>> -> memref<2x640xi32, #tpu.memory_space<hbm>>
          %dma_start3A_147 = arith.constant 0 : i32
          %dma_start3A_148 = arith.constant 0 : i32
          %dma_start3A_149 = tpu.memref_slice %arg6[%add3A_129, %dma_start3A_147, %dma_start3A_148] : memref<2560x2x640xi32, #tpu.memory_space<hbm>> -> memref<1x2x640xi32, #tpu.memory_space<hbm>>
          %dma_start3A_150 = tpu.memref_squeeze %dma_start3A_149 : memref<1x2x640xi32, #tpu.memory_space<hbm>> -> memref<2x640xi32, #tpu.memory_space<hbm>>
          tpu.enqueue_dma source(%dma_start3A_150 : memref<2x640xi32, #tpu.memory_space<hbm>>) target(%arg12 : memref<2x640xi32, #tpu.memory_space<vmem>>) target_semaphore(%run_scoped3A : memref<!tpu.dma_semaphore, #tpu.memory_space<semaphore_mem>>)
          %dma_wait3A_151 = arith.constant 0 : i32
          %dma_wait3A_152 = arith.constant 0 : i32
          %dma_wait3A_153 = tpu.memref_slice %arg6[%add3A_129, %dma_wait3A_151, %dma_wait3A_152] : memref<2560x2x640xi32, #tpu.memory_space<hbm>> -> memref<1x2x640xi32, #tpu.memory_space<hbm>>
          %dma_wait3A_154 = tpu.memref_squeeze %dma_wait3A_153 : memref<1x2x640xi32, #tpu.memory_space<hbm>> -> memref<2x640xi32, #tpu.memory_space<hbm>>
          %dma_wait3A_155 = arith.constant 0 : i32
          %dma_wait3A_156 = arith.constant 0 : i32
          %dma_wait3A_157 = tpu.memref_slice %arg6[%add3A_129, %dma_wait3A_155, %dma_wait3A_156] : memref<2560x2x640xi32, #tpu.memory_space<hbm>> -> memref<1x2x640xi32, #tpu.memory_space<hbm>>
          %dma_wait3A_158 = tpu.memref_squeeze %dma_wait3A_157 : memref<1x2x640xi32, #tpu.memory_space<hbm>> -> memref<2x640xi32, #tpu.memory_space<hbm>>
          tpu.wait_dma2 semaphore(%run_scoped3A : memref<!tpu.dma_semaphore, #tpu.memory_space<semaphore_mem>>) src(%dma_wait3A_158 : memref<2x640xi32, #tpu.memory_space<hbm>>) dst(%arg12 : memref<2x640xi32, #tpu.memory_space<vmem>>)
          tpu.yield
        }) : () -> ()
        %dma_start3A_130 = arith.constant 0 : i32
        %dma_start3A_131 = arith.constant 0 : i32
        %dma_start3A_132 = tpu.memref_slice %arg12[%dma_start3A_130, %dma_start3A_131] : memref<2x640xi32, #tpu.memory_space<vmem>> -> memref<1x640xi32, #tpu.memory_space<vmem>>
        %dma_start3A_133 = tpu.memref_squeeze %dma_start3A_132 : memref<1x640xi32, #tpu.memory_space<vmem>> -> memref<640xi32, #tpu.memory_space<vmem>>
        %dma_start3A_134 = arith.constant 0 : i32
        %dma_start3A_135 = arith.constant 0 : i32
        %dma_start3A_136 = tpu.memref_slice %arg2[%dma_start3A_134, %dma_start3A_135] : memref<102400x16xf32, #tpu.memory_space<hbm>> -> memref<102400x16xf32, #tpu.memory_space<hbm>>
        tpu.enqueue_indirect_dma source(%dma_start3A_136 : memref<102400x16xf32, #tpu.memory_space<hbm>>) target(%arg14 : memref<640x16xf32, #tpu.memory_space<vmem>>) offsets(%dma_start3A_133 : memref<640xi32, #tpu.memory_space<vmem>>) semaphore(%arg17 : memref<!tpu.dma_semaphore, #tpu.memory_space<semaphore_mem>>)
        %ge3A_137 = arith.constant 1 : i32
        %ge3A_138 = arith.cmpi sge, %add3A_121, %ge3A_137 : i32
        %convert_element_type3A_139 = arith.extui %ge3A_138 : i1 to i32
        %cond3A_140 = arith.constant 0 : i32
        %cond3A_141 = arith.cmpi ne, %convert_element_type3A_139, %cond3A_140 : i32
        scf.if %cond3A_141 {
          %dma_wait3A_143 = arith.constant 0 : i32
          %dma_wait3A_144 = arith.constant 0 : i32
          %dma_wait3A_145 = tpu.memref_slice %arg11[%dma_wait3A_143, %dma_wait3A_144] : memref<2x640xi32, #tpu.memory_space<vmem>> -> memref<1x640xi32, #tpu.memory_space<vmem>>
          %dma_wait3A_146 = tpu.memref_squeeze %dma_wait3A_145 : memref<1x640xi32, #tpu.memory_space<vmem>> -> memref<640xi32, #tpu.memory_space<vmem>>
          %dma_wait3A_147 = arith.constant 0 : i32
          %dma_wait3A_148 = arith.constant 0 : i32
          %dma_wait3A_149 = tpu.memref_slice %arg2[%dma_wait3A_147, %dma_wait3A_148] : memref<102400x16xf32, #tpu.memory_space<hbm>> -> memref<102400x16xf32, #tpu.memory_space<hbm>>
          tpu.wait_indirect_dma semaphore(%arg16 : memref<!tpu.dma_semaphore, #tpu.memory_space<semaphore_mem>>) src(%dma_wait3A_149 : memref<102400x16xf32, #tpu.memory_space<hbm>>) dst(%arg13 : memref<640x16xf32, #tpu.memory_space<vmem>>)
          %dma_start3A_150 = arith.constant 1 : i32
          %dma_start3A_151 = arith.constant 0 : i32
          %dma_start3A_152 = tpu.memref_slice %arg11[%dma_start3A_150, %dma_start3A_151] : memref<2x640xi32, #tpu.memory_space<vmem>> -> memref<1x640xi32, #tpu.memory_space<vmem>>
          %dma_start3A_153 = tpu.memref_squeeze %dma_start3A_152 : memref<1x640xi32, #tpu.memory_space<vmem>> -> memref<640xi32, #tpu.memory_space<vmem>>
          %dma_start3A_154 = arith.constant 0 : i32
          %dma_start3A_155 = arith.constant 0 : i32
          %dma_start3A_156 = tpu.memref_slice %arg15[%dma_start3A_154, %dma_start3A_155] : memref<102400x16xf32, #tpu.memory_space<vmem_shared>> -> memref<102400x16xf32, #tpu.memory_space<vmem_shared>>
          tpu.enqueue_indirect_dma source(%arg13 : memref<640x16xf32, #tpu.memory_space<vmem>>) target(%dma_start3A_156 : memref<102400x16xf32, #tpu.memory_space<vmem_shared>>) offsets(%dma_start3A_153 : memref<640xi32, #tpu.memory_space<vmem>>) semaphore(%arg18 : memref<!tpu.dma_semaphore, #tpu.memory_space<semaphore_mem>>) {add = true}
        } else {
        }
        %scan3A_142 = arith.constant 0 : i32
        scf.yield %scan3A_142 : i32
      }
      %scan3A_15 = arith.constant 80 : i32
      %dma_wait3A = arith.constant 0 : i32
      %dma_wait3A_16 = arith.constant 0 : i32
      %dma_wait3A_17 = tpu.memref_slice %arg12[%dma_wait3A, %dma_wait3A_16] : memref<2x640xi32, #tpu.memory_space<vmem>> -> memref<1x640xi32, #tpu.memory_space<vmem>>
      %dma_wait3A_18 = tpu.memref_squeeze %dma_wait3A_17 : memref<1x640xi32, #tpu.memory_space<vmem>> -> memref<640xi32, #tpu.memory_space<vmem>>
      %dma_wait3A_19 = arith.constant 0 : i32
      %dma_wait3A_20 = arith.constant 0 : i32
      %dma_wait3A_21 = tpu.memref_slice %arg2[%dma_wait3A_19, %dma_wait3A_20] : memref<102400x16xf32, #tpu.memory_space<hbm>> -> memref<102400x16xf32, #tpu.memory_space<hbm>>
      tpu.wait_indirect_dma semaphore(%arg17 : memref<!tpu.dma_semaphore, #tpu.memory_space<semaphore_mem>>) src(%dma_wait3A_21 : memref<102400x16xf32, #tpu.memory_space<hbm>>) dst(%arg14 : memref<640x16xf32, #tpu.memory_space<vmem>>)
      %dma_start3A = arith.constant 1 : i32
      %dma_start3A_22 = arith.constant 0 : i32
      %dma_start3A_23 = tpu.memref_slice %arg12[%dma_start3A, %dma_start3A_22] : memref<2x640xi32, #tpu.memory_space<vmem>> -> memref<1x640xi32, #tpu.memory_space<vmem>>
      %dma_start3A_24 = tpu.memref_squeeze %dma_start3A_23 : memref<1x640xi32, #tpu.memory_space<vmem>> -> memref<640xi32, #tpu.memory_space<vmem>>
      %dma_start3A_25 = arith.constant 0 : i32
      %dma_start3A_26 = arith.constant 0 : i32
      %dma_start3A_27 = tpu.memref_slice %arg15[%dma_start3A_25, %dma_start3A_26] : memref<102400x16xf32, #tpu.memory_space<vmem_shared>> -> memref<102400x16xf32, #tpu.memory_space<vmem_shared>>
      tpu.enqueue_indirect_dma source(%arg14 : memref<640x16xf32, #tpu.memory_space<vmem>>) target(%dma_start3A_27 : memref<102400x16xf32, #tpu.memory_space<vmem_shared>>) offsets(%dma_start3A_24 : memref<640xi32, #tpu.memory_space<vmem>>) semaphore(%arg19 : memref<!tpu.dma_semaphore, #tpu.memory_space<semaphore_mem>>) {add = true}
      %dma_wait3A_28 = arith.constant 1 : i32
      %dma_wait3A_29 = arith.constant 0 : i32
      %dma_wait3A_30 = tpu.memref_slice %arg11[%dma_wait3A_28, %dma_wait3A_29] : memref<2x640xi32, #tpu.memory_space<vmem>> -> memref<1x640xi32, #tpu.memory_space<vmem>>
      %dma_wait3A_31 = tpu.memref_squeeze %dma_wait3A_30 : memref<1x640xi32, #tpu.memory_space<vmem>> -> memref<640xi32, #tpu.memory_space<vmem>>
      %dma_wait3A_32 = arith.constant 0 : i32
      %dma_wait3A_33 = arith.constant 0 : i32
      %dma_wait3A_34 = tpu.memref_slice %arg15[%dma_wait3A_32, %dma_wait3A_33] : memref<102400x16xf32, #tpu.memory_space<vmem_shared>> -> memref<102400x16xf32, #tpu.memory_space<vmem_shared>>
      tpu.wait_indirect_dma semaphore(%arg18 : memref<!tpu.dma_semaphore, #tpu.memory_space<semaphore_mem>>) src(%arg13 : memref<640x16xf32, #tpu.memory_space<vmem>>) dst(%dma_wait3A_34 : memref<102400x16xf32, #tpu.memory_space<vmem_shared>>)
      %dma_wait3A_35 = arith.constant 1 : i32
      %dma_wait3A_36 = arith.constant 0 : i32
      %dma_wait3A_37 = tpu.memref_slice %arg12[%dma_wait3A_35, %dma_wait3A_36] : memref<2x640xi32, #tpu.memory_space<vmem>> -> memref<1x640xi32, #tpu.memory_space<vmem>>
      %dma_wait3A_38 = tpu.memref_squeeze %dma_wait3A_37 : memref<1x640xi32, #tpu.memory_space<vmem>> -> memref<640xi32, #tpu.memory_space<vmem>>
      %dma_wait3A_39 = arith.constant 0 : i32
      %dma_wait3A_40 = arith.constant 0 : i32
      %dma_wait3A_41 = tpu.memref_slice %arg15[%dma_wait3A_39, %dma_wait3A_40] : memref<102400x16xf32, #tpu.memory_space<vmem_shared>> -> memref<102400x16xf32, #tpu.memory_space<vmem_shared>>
      tpu.wait_indirect_dma semaphore(%arg19 : memref<!tpu.dma_semaphore, #tpu.memory_space<semaphore_mem>>) src(%arg14 : memref<640x16xf32, #tpu.memory_space<vmem>>) dst(%dma_wait3A_41 : memref<102400x16xf32, #tpu.memory_space<vmem_shared>>)
      %barrier3A_42 = arith.constant 0 : index
      tpu.barrier barrier_id(%barrier3A_42)
      %mul3A_43 = arith.constant 6400 : i32
      %mul3A_44 = arith.muli %arg1, %mul3A_43 : i32
      %mul3A_45 = arith.constant 6400 : i32
      %mul3A_46 = arith.muli %arg1, %mul3A_45 : i32
      "tpu.region"() ({
        %run_scoped3A = tpu.sem_alloc : memref<!tpu.dma_semaphore, #tpu.memory_space<semaphore_mem>>
        %dma_start3A_94 = arith.constant 0 : i32
        %dma_start3A_95 = tpu.memref_slice %arg7[%mul3A_46, %dma_start3A_94] : memref<102400x16xf32, #tpu.memory_space<hbm>> -> memref<6400x16xf32, #tpu.memory_space<hbm>>
        %dma_start3A_96 = arith.constant 0 : i32
        %dma_start3A_97 = tpu.memref_slice %arg15[%mul3A_44, %dma_start3A_96] : memref<102400x16xf32, #tpu.memory_space<vmem_shared>> -> memref<6400x16xf32, #tpu.memory_space<vmem_shared>>
        tpu.enqueue_dma source(%dma_start3A_97 : memref<6400x16xf32, #tpu.memory_space<vmem_shared>>) target(%dma_start3A_95 : memref<6400x16xf32, #tpu.memory_space<hbm>>) target_semaphore(%run_scoped3A : memref<!tpu.dma_semaphore, #tpu.memory_space<semaphore_mem>>)
        %dma_wait3A_98 = arith.constant 0 : i32
        %dma_wait3A_99 = tpu.memref_slice %arg7[%mul3A_46, %dma_wait3A_98] : memref<102400x16xf32, #tpu.memory_space<hbm>> -> memref<6400x16xf32, #tpu.memory_space<hbm>>
        %dma_wait3A_100 = arith.constant 0 : i32
        %dma_wait3A_101 = tpu.memref_slice %arg15[%mul3A_44, %dma_wait3A_100] : memref<102400x16xf32, #tpu.memory_space<vmem_shared>> -> memref<6400x16xf32, #tpu.memory_space<vmem_shared>>
        tpu.wait_dma2 semaphore(%run_scoped3A : memref<!tpu.dma_semaphore, #tpu.memory_space<semaphore_mem>>) src(%dma_wait3A_101 : memref<6400x16xf32, #tpu.memory_space<vmem_shared>>) dst(%dma_wait3A_99 : memref<6400x16xf32, #tpu.memory_space<hbm>>)
        tpu.yield
      }) : () -> ()
      %barrier3A_47 = arith.constant 0 : index
      tpu.barrier barrier_id(%barrier3A_47)
      %mul3A_48 = arith.constant 6400 : i32
      %mul3A_49 = arith.muli %arg1, %mul3A_48 : i32
      %mul3A_50 = arith.constant 6400 : i32
      %mul3A_51 = arith.muli %arg1, %mul3A_50 : i32
      "tpu.region"() ({
        %run_scoped3A = tpu.sem_alloc : memref<!tpu.dma_semaphore, #tpu.memory_space<semaphore_mem>>
        %dma_start3A_94 = arith.constant 0 : i32
        %dma_start3A_95 = tpu.memref_slice %arg15[%mul3A_51, %dma_start3A_94] : memref<102400x16xf32, #tpu.memory_space<vmem_shared>> -> memref<6400x16xf32, #tpu.memory_space<vmem_shared>>
        %dma_start3A_96 = arith.constant 0 : i32
        %dma_start3A_97 = tpu.memref_slice %arg3[%mul3A_49, %dma_start3A_96] : memref<102400x16xf32, #tpu.memory_space<hbm>> -> memref<6400x16xf32, #tpu.memory_space<hbm>>
        tpu.enqueue_dma source(%dma_start3A_97 : memref<6400x16xf32, #tpu.memory_space<hbm>>) target(%dma_start3A_95 : memref<6400x16xf32, #tpu.memory_space<vmem_shared>>) target_semaphore(%run_scoped3A : memref<!tpu.dma_semaphore, #tpu.memory_space<semaphore_mem>>)
        %dma_wait3A_98 = arith.constant 0 : i32
        %dma_wait3A_99 = tpu.memref_slice %arg15[%mul3A_51, %dma_wait3A_98] : memref<102400x16xf32, #tpu.memory_space<vmem_shared>> -> memref<6400x16xf32, #tpu.memory_space<vmem_shared>>
        %dma_wait3A_100 = arith.constant 0 : i32
        %dma_wait3A_101 = tpu.memref_slice %arg3[%mul3A_49, %dma_wait3A_100] : memref<102400x16xf32, #tpu.memory_space<hbm>> -> memref<6400x16xf32, #tpu.memory_space<hbm>>
        tpu.wait_dma2 semaphore(%run_scoped3A : memref<!tpu.dma_semaphore, #tpu.memory_space<semaphore_mem>>) src(%dma_wait3A_101 : memref<6400x16xf32, #tpu.memory_space<hbm>>) dst(%dma_wait3A_99 : memref<6400x16xf32, #tpu.memory_space<vmem_shared>>)
        tpu.yield
      }) : () -> ()
      %barrier3A_52 = arith.constant 0 : index
      tpu.barrier barrier_id(%barrier3A_52)
      %scan3A_53 = arith.constant 0 : i32
      %scan3A_54 = arith.constant 0 : i32
      %scan3A_55 = arith.constant 80 : i32
      %scan3A_56 = arith.addi %scan3A_54, %scan3A_55 : i32
      %scan3A_57 = arith.constant 1 : i32
      %scan3A_58 = scf.for %scan3A_94 = %scan3A_54 to %scan3A_56 step %scan3A_57 iter_args(%scan3A_95 = %scan3A_53) -> (i32)  : i32 {
        %mul3A_96 = arith.constant 2 : i32
        %mul3A_97 = arith.muli %mul3A_96, %scan3A_94 : i32
        %add3A = arith.constant 0 : i32
        %add3A_98 = arith.addi %mul3A_97, %add3A : i32
        %ge3A = arith.constant 2 : i32
        %ge3A_99 = arith.cmpi sge, %add3A_98, %ge3A : i32
        %convert_element_type3A_100 = arith.extui %ge3A_99 : i1 to i32
        %cond3A_101 = arith.constant 0 : i32
        %cond3A_102 = arith.cmpi ne, %convert_element_type3A_100, %cond3A_101 : i32
        scf.if %cond3A_102 {
          %dma_wait3A_143 = arith.constant 1 : i32
          %dma_wait3A_144 = arith.constant 0 : i32
          %dma_wait3A_145 = tpu.memref_slice %arg11[%dma_wait3A_143, %dma_wait3A_144] : memref<2x640xi32, #tpu.memory_space<vmem>> -> memref<1x640xi32, #tpu.memory_space<vmem>>
          %dma_wait3A_146 = tpu.memref_squeeze %dma_wait3A_145 : memref<1x640xi32, #tpu.memory_space<vmem>> -> memref<640xi32, #tpu.memory_space<vmem>>
          %dma_wait3A_147 = arith.constant 0 : i32
          %dma_wait3A_148 = arith.constant 0 : i32
          %dma_wait3A_149 = tpu.memref_slice %arg15[%dma_wait3A_147, %dma_wait3A_148] : memref<102400x16xf32, #tpu.memory_space<vmem_shared>> -> memref<102400x16xf32, #tpu.memory_space<vmem_shared>>
          tpu.wait_indirect_dma semaphore(%arg18 : memref<!tpu.dma_semaphore, #tpu.memory_space<semaphore_mem>>) src(%arg13 : memref<640x16xf32, #tpu.memory_space<vmem>>) dst(%dma_wait3A_149 : memref<102400x16xf32, #tpu.memory_space<vmem_shared>>)
        } else {
        }
        %mul3A_103 = arith.constant 160 : i32
        %mul3A_104 = arith.muli %arg1, %mul3A_103 : i32
        %add3A_105 = arith.addi %mul3A_104, %add3A_98 : i32
        "tpu.region"() ({
          %run_scoped3A = tpu.sem_alloc : memref<!tpu.dma_semaphore, #tpu.memory_space<semaphore_mem>>
          %dma_start3A_143 = arith.constant 0 : i32
          %dma_start3A_144 = arith.constant 0 : i32
          %dma_start3A_145 = tpu.memref_slice %arg6[%add3A_105, %dma_start3A_143, %dma_start3A_144] : memref<2560x2x640xi32, #tpu.memory_space<hbm>> -> memref<1x2x640xi32, #tpu.memory_space<hbm>>
          %dma_start3A_146 = tpu.memref_squeeze %dma_start3A_145 : memref<1x2x640xi32, #tpu.memory_space<hbm>> -> memref<2x640xi32, #tpu.memory_space<hbm>>
          %dma_start3A_147 = arith.constant 0 : i32
          %dma_start3A_148 = arith.constant 0 : i32
          %dma_start3A_149 = tpu.memref_slice %arg6[%add3A_105, %dma_start3A_147, %dma_start3A_148] : memref<2560x2x640xi32, #tpu.memory_space<hbm>> -> memref<1x2x640xi32, #tpu.memory_space<hbm>>
          %dma_start3A_150 = tpu.memref_squeeze %dma_start3A_149 : memref<1x2x640xi32, #tpu.memory_space<hbm>> -> memref<2x640xi32, #tpu.memory_space<hbm>>
          tpu.enqueue_dma source(%dma_start3A_150 : memref<2x640xi32, #tpu.memory_space<hbm>>) target(%arg11 : memref<2x640xi32, #tpu.memory_space<vmem>>) target_semaphore(%run_scoped3A : memref<!tpu.dma_semaphore, #tpu.memory_space<semaphore_mem>>)
          %dma_wait3A_151 = arith.constant 0 : i32
          %dma_wait3A_152 = arith.constant 0 : i32
          %dma_wait3A_153 = tpu.memref_slice %arg6[%add3A_105, %dma_wait3A_151, %dma_wait3A_152] : memref<2560x2x640xi32, #tpu.memory_space<hbm>> -> memref<1x2x640xi32, #tpu.memory_space<hbm>>
          %dma_wait3A_154 = tpu.memref_squeeze %dma_wait3A_153 : memref<1x2x640xi32, #tpu.memory_space<hbm>> -> memref<2x640xi32, #tpu.memory_space<hbm>>
          %dma_wait3A_155 = arith.constant 0 : i32
          %dma_wait3A_156 = arith.constant 0 : i32
          %dma_wait3A_157 = tpu.memref_slice %arg6[%add3A_105, %dma_wait3A_155, %dma_wait3A_156] : memref<2560x2x640xi32, #tpu.memory_space<hbm>> -> memref<1x2x640xi32, #tpu.memory_space<hbm>>
          %dma_wait3A_158 = tpu.memref_squeeze %dma_wait3A_157 : memref<1x2x640xi32, #tpu.memory_space<hbm>> -> memref<2x640xi32, #tpu.memory_space<hbm>>
          tpu.wait_dma2 semaphore(%run_scoped3A : memref<!tpu.dma_semaphore, #tpu.memory_space<semaphore_mem>>) src(%dma_wait3A_158 : memref<2x640xi32, #tpu.memory_space<hbm>>) dst(%arg11 : memref<2x640xi32, #tpu.memory_space<vmem>>)
          tpu.yield
        }) : () -> ()
        %dma_start3A_106 = arith.constant 0 : i32
        %dma_start3A_107 = arith.constant 0 : i32
        %dma_start3A_108 = tpu.memref_slice %arg11[%dma_start3A_106, %dma_start3A_107] : memref<2x640xi32, #tpu.memory_space<vmem>> -> memref<1x640xi32, #tpu.memory_space<vmem>>
        %dma_start3A_109 = tpu.memref_squeeze %dma_start3A_108 : memref<1x640xi32, #tpu.memory_space<vmem>> -> memref<640xi32, #tpu.memory_space<vmem>>
        %dma_start3A_110 = arith.constant 0 : i32
        %dma_start3A_111 = arith.constant 0 : i32
        %dma_start3A_112 = tpu.memref_slice %arg3[%dma_start3A_110, %dma_start3A_111] : memref<102400x16xf32, #tpu.memory_space<hbm>> -> memref<102400x16xf32, #tpu.memory_space<hbm>>
        tpu.enqueue_indirect_dma source(%dma_start3A_112 : memref<102400x16xf32, #tpu.memory_space<hbm>>) target(%arg13 : memref<640x16xf32, #tpu.memory_space<vmem>>) offsets(%dma_start3A_109 : memref<640xi32, #tpu.memory_space<vmem>>) semaphore(%arg16 : memref<!tpu.dma_semaphore, #tpu.memory_space<semaphore_mem>>)
        %ge3A_113 = arith.constant 1 : i32
        %ge3A_114 = arith.cmpi sge, %add3A_98, %ge3A_113 : i32
        %convert_element_type3A_115 = arith.extui %ge3A_114 : i1 to i32
        %cond3A_116 = arith.constant 0 : i32
        %cond3A_117 = arith.cmpi ne, %convert_element_type3A_115, %cond3A_116 : i32
        scf.if %cond3A_117 {
          %dma_wait3A_143 = arith.constant 0 : i32
          %dma_wait3A_144 = arith.constant 0 : i32
          %dma_wait3A_145 = tpu.memref_slice %arg12[%dma_wait3A_143, %dma_wait3A_144] : memref<2x640xi32, #tpu.memory_space<vmem>> -> memref<1x640xi32, #tpu.memory_space<vmem>>
          %dma_wait3A_146 = tpu.memref_squeeze %dma_wait3A_145 : memref<1x640xi32, #tpu.memory_space<vmem>> -> memref<640xi32, #tpu.memory_space<vmem>>
          %dma_wait3A_147 = arith.constant 0 : i32
          %dma_wait3A_148 = arith.constant 0 : i32
          %dma_wait3A_149 = tpu.memref_slice %arg3[%dma_wait3A_147, %dma_wait3A_148] : memref<102400x16xf32, #tpu.memory_space<hbm>> -> memref<102400x16xf32, #tpu.memory_space<hbm>>
          tpu.wait_indirect_dma semaphore(%arg17 : memref<!tpu.dma_semaphore, #tpu.memory_space<semaphore_mem>>) src(%dma_wait3A_149 : memref<102400x16xf32, #tpu.memory_space<hbm>>) dst(%arg14 : memref<640x16xf32, #tpu.memory_space<vmem>>)
          %dma_start3A_150 = arith.constant 1 : i32
          %dma_start3A_151 = arith.constant 0 : i32
          %dma_start3A_152 = tpu.memref_slice %arg12[%dma_start3A_150, %dma_start3A_151] : memref<2x640xi32, #tpu.memory_space<vmem>> -> memref<1x640xi32, #tpu.memory_space<vmem>>
          %dma_start3A_153 = tpu.memref_squeeze %dma_start3A_152 : memref<1x640xi32, #tpu.memory_space<vmem>> -> memref<640xi32, #tpu.memory_space<vmem>>
          %dma_start3A_154 = arith.constant 0 : i32
          %dma_start3A_155 = arith.constant 0 : i32
          %dma_start3A_156 = tpu.memref_slice %arg15[%dma_start3A_154, %dma_start3A_155] : memref<102400x16xf32, #tpu.memory_space<vmem_shared>> -> memref<102400x16xf32, #tpu.memory_space<vmem_shared>>
          tpu.enqueue_indirect_dma source(%arg14 : memref<640x16xf32, #tpu.memory_space<vmem>>) target(%dma_start3A_156 : memref<102400x16xf32, #tpu.memory_space<vmem_shared>>) offsets(%dma_start3A_153 : memref<640xi32, #tpu.memory_space<vmem>>) semaphore(%arg19 : memref<!tpu.dma_semaphore, #tpu.memory_space<semaphore_mem>>) {add = true}
        } else {
        }
        %mul3A_118 = arith.constant 2 : i32
        %mul3A_119 = arith.muli %mul3A_118, %scan3A_94 : i32
        %add3A_120 = arith.constant 1 : i32
        %add3A_121 = arith.addi %mul3A_119, %add3A_120 : i32
        %ge3A_122 = arith.constant 2 : i32
        %ge3A_123 = arith.cmpi sge, %add3A_121, %ge3A_122 : i32
        %convert_element_type3A_124 = arith.extui %ge3A_123 : i1 to i32
        %cond3A_125 = arith.constant 0 : i32
        %cond3A_126 = arith.cmpi ne, %convert_element_type3A_124, %cond3A_125 : i32
        scf.if %cond3A_126 {
          %dma_wait3A_143 = arith.constant 1 : i32
          %dma_wait3A_144 = arith.constant 0 : i32
          %dma_wait3A_145 = tpu.memref_slice %arg12[%dma_wait3A_143, %dma_wait3A_144] : memref<2x640xi32, #tpu.memory_space<vmem>> -> memref<1x640xi32, #tpu.memory_space<vmem>>
          %dma_wait3A_146 = tpu.memref_squeeze %dma_wait3A_145 : memref<1x640xi32, #tpu.memory_space<vmem>> -> memref<640xi32, #tpu.memory_space<vmem>>
          %dma_wait3A_147 = arith.constant 0 : i32
          %dma_wait3A_148 = arith.constant 0 : i32
          %dma_wait3A_149 = tpu.memref_slice %arg15[%dma_wait3A_147, %dma_wait3A_148] : memref<102400x16xf32, #tpu.memory_space<vmem_shared>> -> memref<102400x16xf32, #tpu.memory_space<vmem_shared>>
          tpu.wait_indirect_dma semaphore(%arg19 : memref<!tpu.dma_semaphore, #tpu.memory_space<semaphore_mem>>) src(%arg14 : memref<640x16xf32, #tpu.memory_space<vmem>>) dst(%dma_wait3A_149 : memref<102400x16xf32, #tpu.memory_space<vmem_shared>>)
        } else {
        }
        %mul3A_127 = arith.constant 160 : i32
        %mul3A_128 = arith.muli %arg1, %mul3A_127 : i32
        %add3A_129 = arith.addi %mul3A_128, %add3A_121 : i32
        "tpu.region"() ({
          %run_scoped3A = tpu.sem_alloc : memref<!tpu.dma_semaphore, #tpu.memory_space<semaphore_mem>>
          %dma_start3A_143 = arith.constant 0 : i32
          %dma_start3A_144 = arith.constant 0 : i32
          %dma_start3A_145 = tpu.memref_slice %arg6[%add3A_129, %dma_start3A_143, %dma_start3A_144] : memref<2560x2x640xi32, #tpu.memory_space<hbm>> -> memref<1x2x640xi32, #tpu.memory_space<hbm>>
          %dma_start3A_146 = tpu.memref_squeeze %dma_start3A_145 : memref<1x2x640xi32, #tpu.memory_space<hbm>> -> memref<2x640xi32, #tpu.memory_space<hbm>>
          %dma_start3A_147 = arith.constant 0 : i32
          %dma_start3A_148 = arith.constant 0 : i32
          %dma_start3A_149 = tpu.memref_slice %arg6[%add3A_129, %dma_start3A_147, %dma_start3A_148] : memref<2560x2x640xi32, #tpu.memory_space<hbm>> -> memref<1x2x640xi32, #tpu.memory_space<hbm>>
          %dma_start3A_150 = tpu.memref_squeeze %dma_start3A_149 : memref<1x2x640xi32, #tpu.memory_space<hbm>> -> memref<2x640xi32, #tpu.memory_space<hbm>>
          tpu.enqueue_dma source(%dma_start3A_150 : memref<2x640xi32, #tpu.memory_space<hbm>>) target(%arg12 : memref<2x640xi32, #tpu.memory_space<vmem>>) target_semaphore(%run_scoped3A : memref<!tpu.dma_semaphore, #tpu.memory_space<semaphore_mem>>)
          %dma_wait3A_151 = arith.constant 0 : i32
          %dma_wait3A_152 = arith.constant 0 : i32
          %dma_wait3A_153 = tpu.memref_slice %arg6[%add3A_129, %dma_wait3A_151, %dma_wait3A_152] : memref<2560x2x640xi32, #tpu.memory_space<hbm>> -> memref<1x2x640xi32, #tpu.memory_space<hbm>>
          %dma_wait3A_154 = tpu.memref_squeeze %dma_wait3A_153 : memref<1x2x640xi32, #tpu.memory_space<hbm>> -> memref<2x640xi32, #tpu.memory_space<hbm>>
          %dma_wait3A_155 = arith.constant 0 : i32
          %dma_wait3A_156 = arith.constant 0 : i32
          %dma_wait3A_157 = tpu.memref_slice %arg6[%add3A_129, %dma_wait3A_155, %dma_wait3A_156] : memref<2560x2x640xi32, #tpu.memory_space<hbm>> -> memref<1x2x640xi32, #tpu.memory_space<hbm>>
          %dma_wait3A_158 = tpu.memref_squeeze %dma_wait3A_157 : memref<1x2x640xi32, #tpu.memory_space<hbm>> -> memref<2x640xi32, #tpu.memory_space<hbm>>
          tpu.wait_dma2 semaphore(%run_scoped3A : memref<!tpu.dma_semaphore, #tpu.memory_space<semaphore_mem>>) src(%dma_wait3A_158 : memref<2x640xi32, #tpu.memory_space<hbm>>) dst(%arg12 : memref<2x640xi32, #tpu.memory_space<vmem>>)
          tpu.yield
        }) : () -> ()
        %dma_start3A_130 = arith.constant 0 : i32
        %dma_start3A_131 = arith.constant 0 : i32
        %dma_start3A_132 = tpu.memref_slice %arg12[%dma_start3A_130, %dma_start3A_131] : memref<2x640xi32, #tpu.memory_space<vmem>> -> memref<1x640xi32, #tpu.memory_space<vmem>>
        %dma_start3A_133 = tpu.memref_squeeze %dma_start3A_132 : memref<1x640xi32, #tpu.memory_space<vmem>> -> memref<640xi32, #tpu.memory_space<vmem>>
        %dma_start3A_134 = arith.constant 0 : i32
        %dma_start3A_135 = arith.constant 0 : i32
        %dma_start3A_136 = tpu.memref_slice %arg3[%dma_start3A_134, %dma_start3A_135] : memref<102400x16xf32, #tpu.memory_space<hbm>> -> memref<102400x16xf32, #tpu.memory_space<hbm>>
        tpu.enqueue_indirect_dma source(%dma_start3A_136 : memref<102400x16xf32, #tpu.memory_space<hbm>>) target(%arg14 : memref<640x16xf32, #tpu.memory_space<vmem>>) offsets(%dma_start3A_133 : memref<640xi32, #tpu.memory_space<vmem>>) semaphore(%arg17 : memref<!tpu.dma_semaphore, #tpu.memory_space<semaphore_mem>>)
        %ge3A_137 = arith.constant 1 : i32
        %ge3A_138 = arith.cmpi sge, %add3A_121, %ge3A_137 : i32
        %convert_element_type3A_139 = arith.extui %ge3A_138 : i1 to i32
        %cond3A_140 = arith.constant 0 : i32
        %cond3A_141 = arith.cmpi ne, %convert_element_type3A_139, %cond3A_140 : i32
        scf.if %cond3A_141 {
          %dma_wait3A_143 = arith.constant 0 : i32
          %dma_wait3A_144 = arith.constant 0 : i32
          %dma_wait3A_145 = tpu.memref_slice %arg11[%dma_wait3A_143, %dma_wait3A_144] : memref<2x640xi32, #tpu.memory_space<vmem>> -> memref<1x640xi32, #tpu.memory_space<vmem>>
          %dma_wait3A_146 = tpu.memref_squeeze %dma_wait3A_145 : memref<1x640xi32, #tpu.memory_space<vmem>> -> memref<640xi32, #tpu.memory_space<vmem>>
          %dma_wait3A_147 = arith.constant 0 : i32
          %dma_wait3A_148 = arith.constant 0 : i32
          %dma_wait3A_149 = tpu.memref_slice %arg3[%dma_wait3A_147, %dma_wait3A_148] : memref<102400x16xf32, #tpu.memory_space<hbm>> -> memref<102400x16xf32, #tpu.memory_space<hbm>>
          tpu.wait_indirect_dma semaphore(%arg16 : memref<!tpu.dma_semaphore, #tpu.memory_space<semaphore_mem>>) src(%dma_wait3A_149 : memref<102400x16xf32, #tpu.memory_space<hbm>>) dst(%arg13 : memref<640x16xf32, #tpu.memory_space<vmem>>)
          %dma_start3A_150 = arith.constant 1 : i32
          %dma_start3A_151 = arith.constant 0 : i32
          %dma_start3A_152 = tpu.memref_slice %arg11[%dma_start3A_150, %dma_start3A_151] : memref<2x640xi32, #tpu.memory_space<vmem>> -> memref<1x640xi32, #tpu.memory_space<vmem>>
          %dma_start3A_153 = tpu.memref_squeeze %dma_start3A_152 : memref<1x640xi32, #tpu.memory_space<vmem>> -> memref<640xi32, #tpu.memory_space<vmem>>
          %dma_start3A_154 = arith.constant 0 : i32
          %dma_start3A_155 = arith.constant 0 : i32
          %dma_start3A_156 = tpu.memref_slice %arg15[%dma_start3A_154, %dma_start3A_155] : memref<102400x16xf32, #tpu.memory_space<vmem_shared>> -> memref<102400x16xf32, #tpu.memory_space<vmem_shared>>
          tpu.enqueue_indirect_dma source(%arg13 : memref<640x16xf32, #tpu.memory_space<vmem>>) target(%dma_start3A_156 : memref<102400x16xf32, #tpu.memory_space<vmem_shared>>) offsets(%dma_start3A_153 : memref<640xi32, #tpu.memory_space<vmem>>) semaphore(%arg18 : memref<!tpu.dma_semaphore, #tpu.memory_space<semaphore_mem>>) {add = true}
        } else {
        }
        %scan3A_142 = arith.constant 0 : i32
        scf.yield %scan3A_142 : i32
      }
      %scan3A_59 = arith.constant 80 : i32
      %dma_wait3A_60 = arith.constant 0 : i32
      %dma_wait3A_61 = arith.constant 0 : i32
      %dma_wait3A_62 = tpu.memref_slice %arg12[%dma_wait3A_60, %dma_wait3A_61] : memref<2x640xi32, #tpu.memory_space<vmem>> -> memref<1x640xi32, #tpu.memory_space<vmem>>
      %dma_wait3A_63 = tpu.memref_squeeze %dma_wait3A_62 : memref<1x640xi32, #tpu.memory_space<vmem>> -> memref<640xi32, #tpu.memory_space<vmem>>
      %dma_wait3A_64 = arith.constant 0 : i32
      %dma_wait3A_65 = arith.constant 0 : i32
      %dma_wait3A_66 = tpu.memref_slice %arg3[%dma_wait3A_64, %dma_wait3A_65] : memref<102400x16xf32, #tpu.memory_space<hbm>> -> memref<102400x16xf32, #tpu.memory_space<hbm>>
      tpu.wait_indirect_dma semaphore(%arg17 : memref<!tpu.dma_semaphore, #tpu.memory_space<semaphore_mem>>) src(%dma_wait3A_66 : memref<102400x16xf32, #tpu.memory_space<hbm>>) dst(%arg14 : memref<640x16xf32, #tpu.memory_space<vmem>>)
      %dma_start3A_67 = arith.constant 1 : i32
      %dma_start3A_68 = arith.constant 0 : i32
      %dma_start3A_69 = tpu.memref_slice %arg12[%dma_start3A_67, %dma_start3A_68] : memref<2x640xi32, #tpu.memory_space<vmem>> -> memref<1x640xi32, #tpu.memory_space<vmem>>
      %dma_start3A_70 = tpu.memref_squeeze %dma_start3A_69 : memref<1x640xi32, #tpu.memory_space<vmem>> -> memref<640xi32, #tpu.memory_space<vmem>>
      %dma_start3A_71 = arith.constant 0 : i32
      %dma_start3A_72 = arith.constant 0 : i32
      %dma_start3A_73 = tpu.memref_slice %arg15[%dma_start3A_71, %dma_start3A_72] : memref<102400x16xf32, #tpu.memory_space<vmem_shared>> -> memref<102400x16xf32, #tpu.memory_space<vmem_shared>>
      tpu.enqueue_indirect_dma source(%arg14 : memref<640x16xf32, #tpu.memory_space<vmem>>) target(%dma_start3A_73 : memref<102400x16xf32, #tpu.memory_space<vmem_shared>>) offsets(%dma_start3A_70 : memref<640xi32, #tpu.memory_space<vmem>>) semaphore(%arg19 : memref<!tpu.dma_semaphore, #tpu.memory_space<semaphore_mem>>) {add = true}
      %dma_wait3A_74 = arith.constant 1 : i32
      %dma_wait3A_75 = arith.constant 0 : i32
      %dma_wait3A_76 = tpu.memref_slice %arg11[%dma_wait3A_74, %dma_wait3A_75] : memref<2x640xi32, #tpu.memory_space<vmem>> -> memref<1x640xi32, #tpu.memory_space<vmem>>
      %dma_wait3A_77 = tpu.memref_squeeze %dma_wait3A_76 : memref<1x640xi32, #tpu.memory_space<vmem>> -> memref<640xi32, #tpu.memory_space<vmem>>
      %dma_wait3A_78 = arith.constant 0 : i32
      %dma_wait3A_79 = arith.constant 0 : i32
      %dma_wait3A_80 = tpu.memref_slice %arg15[%dma_wait3A_78, %dma_wait3A_79] : memref<102400x16xf32, #tpu.memory_space<vmem_shared>> -> memref<102400x16xf32, #tpu.memory_space<vmem_shared>>
      tpu.wait_indirect_dma semaphore(%arg18 : memref<!tpu.dma_semaphore, #tpu.memory_space<semaphore_mem>>) src(%arg13 : memref<640x16xf32, #tpu.memory_space<vmem>>) dst(%dma_wait3A_80 : memref<102400x16xf32, #tpu.memory_space<vmem_shared>>)
      %dma_wait3A_81 = arith.constant 1 : i32
      %dma_wait3A_82 = arith.constant 0 : i32
      %dma_wait3A_83 = tpu.memref_slice %arg12[%dma_wait3A_81, %dma_wait3A_82] : memref<2x640xi32, #tpu.memory_space<vmem>> -> memref<1x640xi32, #tpu.memory_space<vmem>>
      %dma_wait3A_84 = tpu.memref_squeeze %dma_wait3A_83 : memref<1x640xi32, #tpu.memory_space<vmem>> -> memref<640xi32, #tpu.memory_space<vmem>>
      %dma_wait3A_85 = arith.constant 0 : i32
      %dma_wait3A_86 = arith.constant 0 : i32
      %dma_wait3A_87 = tpu.memref_slice %arg15[%dma_wait3A_85, %dma_wait3A_86] : memref<102400x16xf32, #tpu.memory_space<vmem_shared>> -> memref<102400x16xf32, #tpu.memory_space<vmem_shared>>
      tpu.wait_indirect_dma semaphore(%arg19 : memref<!tpu.dma_semaphore, #tpu.memory_space<semaphore_mem>>) src(%arg14 : memref<640x16xf32, #tpu.memory_space<vmem>>) dst(%dma_wait3A_87 : memref<102400x16xf32, #tpu.memory_space<vmem_shared>>)
      %barrier3A_88 = arith.constant 0 : index
      tpu.barrier barrier_id(%barrier3A_88)
      %mul3A_89 = arith.constant 6400 : i32
      %mul3A_90 = arith.muli %arg1, %mul3A_89 : i32
      %mul3A_91 = arith.constant 6400 : i32
      %mul3A_92 = arith.muli %arg1, %mul3A_91 : i32
      "tpu.region"() ({
        %run_scoped3A = tpu.sem_alloc : memref<!tpu.dma_semaphore, #tpu.memory_space<semaphore_mem>>
        %dma_start3A_94 = arith.constant 0 : i32
        %dma_start3A_95 = tpu.memref_slice %arg8[%mul3A_92, %dma_start3A_94] : memref<102400x16xf32, #tpu.memory_space<hbm>> -> memref<6400x16xf32, #tpu.memory_space<hbm>>
        %dma_start3A_96 = arith.constant 0 : i32
        %dma_start3A_97 = tpu.memref_slice %arg15[%mul3A_90, %dma_start3A_96] : memref<102400x16xf32, #tpu.memory_space<vmem_shared>> -> memref<6400x16xf32, #tpu.memory_space<vmem_shared>>
        tpu.enqueue_dma source(%dma_start3A_97 : memref<6400x16xf32, #tpu.memory_space<vmem_shared>>) target(%dma_start3A_95 : memref<6400x16xf32, #tpu.memory_space<hbm>>) target_semaphore(%run_scoped3A : memref<!tpu.dma_semaphore, #tpu.memory_space<semaphore_mem>>)
        %dma_wait3A_98 = arith.constant 0 : i32
        %dma_wait3A_99 = tpu.memref_slice %arg8[%mul3A_92, %dma_wait3A_98] : memref<102400x16xf32, #tpu.memory_space<hbm>> -> memref<6400x16xf32, #tpu.memory_space<hbm>>
        %dma_wait3A_100 = arith.constant 0 : i32
        %dma_wait3A_101 = tpu.memref_slice %arg15[%mul3A_90, %dma_wait3A_100] : memref<102400x16xf32, #tpu.memory_space<vmem_shared>> -> memref<6400x16xf32, #tpu.memory_space<vmem_shared>>
        tpu.wait_dma2 semaphore(%run_scoped3A : memref<!tpu.dma_semaphore, #tpu.memory_space<semaphore_mem>>) src(%dma_wait3A_101 : memref<6400x16xf32, #tpu.memory_space<vmem_shared>>) dst(%dma_wait3A_99 : memref<6400x16xf32, #tpu.memory_space<hbm>>)
        tpu.yield
      }) : () -> ()
      %barrier3A_93 = arith.constant 0 : index
      tpu.barrier barrier_id(%barrier3A_93)
    } else {
    }
    %eq3A_2 = arith.constant 1 : i32
    %eq3A_3 = arith.cmpi eq, %arg0, %eq3A_2 : i32
    %convert_element_type3A_4 = arith.extui %eq3A_3 : i1 to i32
    %cond3A_5 = arith.constant 0 : i32
    %cond3A_6 = arith.cmpi ne, %convert_element_type3A_4, %cond3A_5 : i32
    scf.if %cond3A_6 {
      %mul3A = arith.constant 6400 : i32
      %mul3A_7 = arith.muli %arg1, %mul3A : i32
      %mul3A_8 = arith.constant 6400 : i32
      %mul3A_9 = arith.muli %arg1, %mul3A_8 : i32
      "tpu.region"() ({
        %run_scoped3A = tpu.sem_alloc : memref<!tpu.dma_semaphore, #tpu.memory_space<semaphore_mem>>
        %dma_start3A_94 = arith.constant 0 : i32
        %dma_start3A_95 = tpu.memref_slice %arg15[%mul3A_9, %dma_start3A_94] : memref<102400x16xf32, #tpu.memory_space<vmem_shared>> -> memref<6400x16xf32, #tpu.memory_space<vmem_shared>>
        %dma_start3A_96 = arith.constant 0 : i32
        %dma_start3A_97 = tpu.memref_slice %arg4[%mul3A_7, %dma_start3A_96] : memref<102400x16xf32, #tpu.memory_space<hbm>> -> memref<6400x16xf32, #tpu.memory_space<hbm>>
        tpu.enqueue_dma source(%dma_start3A_97 : memref<6400x16xf32, #tpu.memory_space<hbm>>) target(%dma_start3A_95 : memref<6400x16xf32, #tpu.memory_space<vmem_shared>>) target_semaphore(%run_scoped3A : memref<!tpu.dma_semaphore, #tpu.memory_space<semaphore_mem>>)
        %dma_wait3A_98 = arith.constant 0 : i32
        %dma_wait3A_99 = tpu.memref_slice %arg15[%mul3A_9, %dma_wait3A_98] : memref<102400x16xf32, #tpu.memory_space<vmem_shared>> -> memref<6400x16xf32, #tpu.memory_space<vmem_shared>>
        %dma_wait3A_100 = arith.constant 0 : i32
        %dma_wait3A_101 = tpu.memref_slice %arg4[%mul3A_7, %dma_wait3A_100] : memref<102400x16xf32, #tpu.memory_space<hbm>> -> memref<6400x16xf32, #tpu.memory_space<hbm>>
        tpu.wait_dma2 semaphore(%run_scoped3A : memref<!tpu.dma_semaphore, #tpu.memory_space<semaphore_mem>>) src(%dma_wait3A_101 : memref<6400x16xf32, #tpu.memory_space<hbm>>) dst(%dma_wait3A_99 : memref<6400x16xf32, #tpu.memory_space<vmem_shared>>)
        tpu.yield
      }) : () -> ()
      %barrier3A = arith.constant 0 : index
      tpu.barrier barrier_id(%barrier3A)
      %scan3A = arith.constant 0 : i32
      %scan3A_10 = arith.constant 0 : i32
      %scan3A_11 = arith.constant 80 : i32
      %scan3A_12 = arith.addi %scan3A_10, %scan3A_11 : i32
      %scan3A_13 = arith.constant 1 : i32
      %scan3A_14 = scf.for %scan3A_94 = %scan3A_10 to %scan3A_12 step %scan3A_13 iter_args(%scan3A_95 = %scan3A) -> (i32)  : i32 {
        %mul3A_96 = arith.constant 2 : i32
        %mul3A_97 = arith.muli %mul3A_96, %scan3A_94 : i32
        %add3A = arith.constant 0 : i32
        %add3A_98 = arith.addi %mul3A_97, %add3A : i32
        %ge3A = arith.constant 2 : i32
        %ge3A_99 = arith.cmpi sge, %add3A_98, %ge3A : i32
        %convert_element_type3A_100 = arith.extui %ge3A_99 : i1 to i32
        %cond3A_101 = arith.constant 0 : i32
        %cond3A_102 = arith.cmpi ne, %convert_element_type3A_100, %cond3A_101 : i32
        scf.if %cond3A_102 {
          %dma_wait3A_143 = arith.constant 1 : i32
          %dma_wait3A_144 = arith.constant 0 : i32
          %dma_wait3A_145 = tpu.memref_slice %arg11[%dma_wait3A_143, %dma_wait3A_144] : memref<2x640xi32, #tpu.memory_space<vmem>> -> memref<1x640xi32, #tpu.memory_space<vmem>>
          %dma_wait3A_146 = tpu.memref_squeeze %dma_wait3A_145 : memref<1x640xi32, #tpu.memory_space<vmem>> -> memref<640xi32, #tpu.memory_space<vmem>>
          %dma_wait3A_147 = arith.constant 0 : i32
          %dma_wait3A_148 = arith.constant 0 : i32
          %dma_wait3A_149 = tpu.memref_slice %arg15[%dma_wait3A_147, %dma_wait3A_148] : memref<102400x16xf32, #tpu.memory_space<vmem_shared>> -> memref<102400x16xf32, #tpu.memory_space<vmem_shared>>
          tpu.wait_indirect_dma semaphore(%arg18 : memref<!tpu.dma_semaphore, #tpu.memory_space<semaphore_mem>>) src(%arg13 : memref<640x16xf32, #tpu.memory_space<vmem>>) dst(%dma_wait3A_149 : memref<102400x16xf32, #tpu.memory_space<vmem_shared>>)
        } else {
        }
        %mul3A_103 = arith.constant 160 : i32
        %mul3A_104 = arith.muli %arg1, %mul3A_103 : i32
        %add3A_105 = arith.addi %mul3A_104, %add3A_98 : i32
        "tpu.region"() ({
          %run_scoped3A = tpu.sem_alloc : memref<!tpu.dma_semaphore, #tpu.memory_space<semaphore_mem>>
          %dma_start3A_143 = arith.constant 0 : i32
          %dma_start3A_144 = arith.constant 0 : i32
          %dma_start3A_145 = tpu.memref_slice %arg6[%add3A_105, %dma_start3A_143, %dma_start3A_144] : memref<2560x2x640xi32, #tpu.memory_space<hbm>> -> memref<1x2x640xi32, #tpu.memory_space<hbm>>
          %dma_start3A_146 = tpu.memref_squeeze %dma_start3A_145 : memref<1x2x640xi32, #tpu.memory_space<hbm>> -> memref<2x640xi32, #tpu.memory_space<hbm>>
          %dma_start3A_147 = arith.constant 0 : i32
          %dma_start3A_148 = arith.constant 0 : i32
          %dma_start3A_149 = tpu.memref_slice %arg6[%add3A_105, %dma_start3A_147, %dma_start3A_148] : memref<2560x2x640xi32, #tpu.memory_space<hbm>> -> memref<1x2x640xi32, #tpu.memory_space<hbm>>
          %dma_start3A_150 = tpu.memref_squeeze %dma_start3A_149 : memref<1x2x640xi32, #tpu.memory_space<hbm>> -> memref<2x640xi32, #tpu.memory_space<hbm>>
          tpu.enqueue_dma source(%dma_start3A_150 : memref<2x640xi32, #tpu.memory_space<hbm>>) target(%arg11 : memref<2x640xi32, #tpu.memory_space<vmem>>) target_semaphore(%run_scoped3A : memref<!tpu.dma_semaphore, #tpu.memory_space<semaphore_mem>>)
          %dma_wait3A_151 = arith.constant 0 : i32
          %dma_wait3A_152 = arith.constant 0 : i32
          %dma_wait3A_153 = tpu.memref_slice %arg6[%add3A_105, %dma_wait3A_151, %dma_wait3A_152] : memref<2560x2x640xi32, #tpu.memory_space<hbm>> -> memref<1x2x640xi32, #tpu.memory_space<hbm>>
          %dma_wait3A_154 = tpu.memref_squeeze %dma_wait3A_153 : memref<1x2x640xi32, #tpu.memory_space<hbm>> -> memref<2x640xi32, #tpu.memory_space<hbm>>
          %dma_wait3A_155 = arith.constant 0 : i32
          %dma_wait3A_156 = arith.constant 0 : i32
          %dma_wait3A_157 = tpu.memref_slice %arg6[%add3A_105, %dma_wait3A_155, %dma_wait3A_156] : memref<2560x2x640xi32, #tpu.memory_space<hbm>> -> memref<1x2x640xi32, #tpu.memory_space<hbm>>
          %dma_wait3A_158 = tpu.memref_squeeze %dma_wait3A_157 : memref<1x2x640xi32, #tpu.memory_space<hbm>> -> memref<2x640xi32, #tpu.memory_space<hbm>>
          tpu.wait_dma2 semaphore(%run_scoped3A : memref<!tpu.dma_semaphore, #tpu.memory_space<semaphore_mem>>) src(%dma_wait3A_158 : memref<2x640xi32, #tpu.memory_space<hbm>>) dst(%arg11 : memref<2x640xi32, #tpu.memory_space<vmem>>)
          tpu.yield
        }) : () -> ()
        %dma_start3A_106 = arith.constant 0 : i32
        %dma_start3A_107 = arith.constant 0 : i32
        %dma_start3A_108 = tpu.memref_slice %arg11[%dma_start3A_106, %dma_start3A_107] : memref<2x640xi32, #tpu.memory_space<vmem>> -> memref<1x640xi32, #tpu.memory_space<vmem>>
        %dma_start3A_109 = tpu.memref_squeeze %dma_start3A_108 : memref<1x640xi32, #tpu.memory_space<vmem>> -> memref<640xi32, #tpu.memory_space<vmem>>
        %dma_start3A_110 = arith.constant 0 : i32
        %dma_start3A_111 = arith.constant 0 : i32
        %dma_start3A_112 = tpu.memref_slice %arg4[%dma_start3A_110, %dma_start3A_111] : memref<102400x16xf32, #tpu.memory_space<hbm>> -> memref<102400x16xf32, #tpu.memory_space<hbm>>
        tpu.enqueue_indirect_dma source(%dma_start3A_112 : memref<102400x16xf32, #tpu.memory_space<hbm>>) target(%arg13 : memref<640x16xf32, #tpu.memory_space<vmem>>) offsets(%dma_start3A_109 : memref<640xi32, #tpu.memory_space<vmem>>) semaphore(%arg16 : memref<!tpu.dma_semaphore, #tpu.memory_space<semaphore_mem>>)
        %ge3A_113 = arith.constant 1 : i32
        %ge3A_114 = arith.cmpi sge, %add3A_98, %ge3A_113 : i32
        %convert_element_type3A_115 = arith.extui %ge3A_114 : i1 to i32
        %cond3A_116 = arith.constant 0 : i32
        %cond3A_117 = arith.cmpi ne, %convert_element_type3A_115, %cond3A_116 : i32
        scf.if %cond3A_117 {
          %dma_wait3A_143 = arith.constant 0 : i32
          %dma_wait3A_144 = arith.constant 0 : i32
          %dma_wait3A_145 = tpu.memref_slice %arg12[%dma_wait3A_143, %dma_wait3A_144] : memref<2x640xi32, #tpu.memory_space<vmem>> -> memref<1x640xi32, #tpu.memory_space<vmem>>
          %dma_wait3A_146 = tpu.memref_squeeze %dma_wait3A_145 : memref<1x640xi32, #tpu.memory_space<vmem>> -> memref<640xi32, #tpu.memory_space<vmem>>
          %dma_wait3A_147 = arith.constant 0 : i32
          %dma_wait3A_148 = arith.constant 0 : i32
          %dma_wait3A_149 = tpu.memref_slice %arg4[%dma_wait3A_147, %dma_wait3A_148] : memref<102400x16xf32, #tpu.memory_space<hbm>> -> memref<102400x16xf32, #tpu.memory_space<hbm>>
          tpu.wait_indirect_dma semaphore(%arg17 : memref<!tpu.dma_semaphore, #tpu.memory_space<semaphore_mem>>) src(%dma_wait3A_149 : memref<102400x16xf32, #tpu.memory_space<hbm>>) dst(%arg14 : memref<640x16xf32, #tpu.memory_space<vmem>>)
          %dma_start3A_150 = arith.constant 1 : i32
          %dma_start3A_151 = arith.constant 0 : i32
          %dma_start3A_152 = tpu.memref_slice %arg12[%dma_start3A_150, %dma_start3A_151] : memref<2x640xi32, #tpu.memory_space<vmem>> -> memref<1x640xi32, #tpu.memory_space<vmem>>
          %dma_start3A_153 = tpu.memref_squeeze %dma_start3A_152 : memref<1x640xi32, #tpu.memory_space<vmem>> -> memref<640xi32, #tpu.memory_space<vmem>>
          %dma_start3A_154 = arith.constant 0 : i32
          %dma_start3A_155 = arith.constant 0 : i32
          %dma_start3A_156 = tpu.memref_slice %arg15[%dma_start3A_154, %dma_start3A_155] : memref<102400x16xf32, #tpu.memory_space<vmem_shared>> -> memref<102400x16xf32, #tpu.memory_space<vmem_shared>>
          tpu.enqueue_indirect_dma source(%arg14 : memref<640x16xf32, #tpu.memory_space<vmem>>) target(%dma_start3A_156 : memref<102400x16xf32, #tpu.memory_space<vmem_shared>>) offsets(%dma_start3A_153 : memref<640xi32, #tpu.memory_space<vmem>>) semaphore(%arg19 : memref<!tpu.dma_semaphore, #tpu.memory_space<semaphore_mem>>) {add = true}
        } else {
        }
        %mul3A_118 = arith.constant 2 : i32
        %mul3A_119 = arith.muli %mul3A_118, %scan3A_94 : i32
        %add3A_120 = arith.constant 1 : i32
        %add3A_121 = arith.addi %mul3A_119, %add3A_120 : i32
        %ge3A_122 = arith.constant 2 : i32
        %ge3A_123 = arith.cmpi sge, %add3A_121, %ge3A_122 : i32
        %convert_element_type3A_124 = arith.extui %ge3A_123 : i1 to i32
        %cond3A_125 = arith.constant 0 : i32
        %cond3A_126 = arith.cmpi ne, %convert_element_type3A_124, %cond3A_125 : i32
        scf.if %cond3A_126 {
          %dma_wait3A_143 = arith.constant 1 : i32
          %dma_wait3A_144 = arith.constant 0 : i32
          %dma_wait3A_145 = tpu.memref_slice %arg12[%dma_wait3A_143, %dma_wait3A_144] : memref<2x640xi32, #tpu.memory_space<vmem>> -> memref<1x640xi32, #tpu.memory_space<vmem>>
          %dma_wait3A_146 = tpu.memref_squeeze %dma_wait3A_145 : memref<1x640xi32, #tpu.memory_space<vmem>> -> memref<640xi32, #tpu.memory_space<vmem>>
          %dma_wait3A_147 = arith.constant 0 : i32
          %dma_wait3A_148 = arith.constant 0 : i32
          %dma_wait3A_149 = tpu.memref_slice %arg15[%dma_wait3A_147, %dma_wait3A_148] : memref<102400x16xf32, #tpu.memory_space<vmem_shared>> -> memref<102400x16xf32, #tpu.memory_space<vmem_shared>>
          tpu.wait_indirect_dma semaphore(%arg19 : memref<!tpu.dma_semaphore, #tpu.memory_space<semaphore_mem>>) src(%arg14 : memref<640x16xf32, #tpu.memory_space<vmem>>) dst(%dma_wait3A_149 : memref<102400x16xf32, #tpu.memory_space<vmem_shared>>)
        } else {
        }
        %mul3A_127 = arith.constant 160 : i32
        %mul3A_128 = arith.muli %arg1, %mul3A_127 : i32
        %add3A_129 = arith.addi %mul3A_128, %add3A_121 : i32
        "tpu.region"() ({
          %run_scoped3A = tpu.sem_alloc : memref<!tpu.dma_semaphore, #tpu.memory_space<semaphore_mem>>
          %dma_start3A_143 = arith.constant 0 : i32
          %dma_start3A_144 = arith.constant 0 : i32
          %dma_start3A_145 = tpu.memref_slice %arg6[%add3A_129, %dma_start3A_143, %dma_start3A_144] : memref<2560x2x640xi32, #tpu.memory_space<hbm>> -> memref<1x2x640xi32, #tpu.memory_space<hbm>>
          %dma_start3A_146 = tpu.memref_squeeze %dma_start3A_145 : memref<1x2x640xi32, #tpu.memory_space<hbm>> -> memref<2x640xi32, #tpu.memory_space<hbm>>
          %dma_start3A_147 = arith.constant 0 : i32
          %dma_start3A_148 = arith.constant 0 : i32
          %dma_start3A_149 = tpu.memref_slice %arg6[%add3A_129, %dma_start3A_147, %dma_start3A_148] : memref<2560x2x640xi32, #tpu.memory_space<hbm>> -> memref<1x2x640xi32, #tpu.memory_space<hbm>>
          %dma_start3A_150 = tpu.memref_squeeze %dma_start3A_149 : memref<1x2x640xi32, #tpu.memory_space<hbm>> -> memref<2x640xi32, #tpu.memory_space<hbm>>
          tpu.enqueue_dma source(%dma_start3A_150 : memref<2x640xi32, #tpu.memory_space<hbm>>) target(%arg12 : memref<2x640xi32, #tpu.memory_space<vmem>>) target_semaphore(%run_scoped3A : memref<!tpu.dma_semaphore, #tpu.memory_space<semaphore_mem>>)
          %dma_wait3A_151 = arith.constant 0 : i32
          %dma_wait3A_152 = arith.constant 0 : i32
          %dma_wait3A_153 = tpu.memref_slice %arg6[%add3A_129, %dma_wait3A_151, %dma_wait3A_152] : memref<2560x2x640xi32, #tpu.memory_space<hbm>> -> memref<1x2x640xi32, #tpu.memory_space<hbm>>
          %dma_wait3A_154 = tpu.memref_squeeze %dma_wait3A_153 : memref<1x2x640xi32, #tpu.memory_space<hbm>> -> memref<2x640xi32, #tpu.memory_space<hbm>>
          %dma_wait3A_155 = arith.constant 0 : i32
          %dma_wait3A_156 = arith.constant 0 : i32
          %dma_wait3A_157 = tpu.memref_slice %arg6[%add3A_129, %dma_wait3A_155, %dma_wait3A_156] : memref<2560x2x640xi32, #tpu.memory_space<hbm>> -> memref<1x2x640xi32, #tpu.memory_space<hbm>>
          %dma_wait3A_158 = tpu.memref_squeeze %dma_wait3A_157 : memref<1x2x640xi32, #tpu.memory_space<hbm>> -> memref<2x640xi32, #tpu.memory_space<hbm>>
          tpu.wait_dma2 semaphore(%run_scoped3A : memref<!tpu.dma_semaphore, #tpu.memory_space<semaphore_mem>>) src(%dma_wait3A_158 : memref<2x640xi32, #tpu.memory_space<hbm>>) dst(%arg12 : memref<2x640xi32, #tpu.memory_space<vmem>>)
          tpu.yield
        }) : () -> ()
        %dma_start3A_130 = arith.constant 0 : i32
        %dma_start3A_131 = arith.constant 0 : i32
        %dma_start3A_132 = tpu.memref_slice %arg12[%dma_start3A_130, %dma_start3A_131] : memref<2x640xi32, #tpu.memory_space<vmem>> -> memref<1x640xi32, #tpu.memory_space<vmem>>
        %dma_start3A_133 = tpu.memref_squeeze %dma_start3A_132 : memref<1x640xi32, #tpu.memory_space<vmem>> -> memref<640xi32, #tpu.memory_space<vmem>>
        %dma_start3A_134 = arith.constant 0 : i32
        %dma_start3A_135 = arith.constant 0 : i32
        %dma_start3A_136 = tpu.memref_slice %arg4[%dma_start3A_134, %dma_start3A_135] : memref<102400x16xf32, #tpu.memory_space<hbm>> -> memref<102400x16xf32, #tpu.memory_space<hbm>>
        tpu.enqueue_indirect_dma source(%dma_start3A_136 : memref<102400x16xf32, #tpu.memory_space<hbm>>) target(%arg14 : memref<640x16xf32, #tpu.memory_space<vmem>>) offsets(%dma_start3A_133 : memref<640xi32, #tpu.memory_space<vmem>>) semaphore(%arg17 : memref<!tpu.dma_semaphore, #tpu.memory_space<semaphore_mem>>)
        %ge3A_137 = arith.constant 1 : i32
        %ge3A_138 = arith.cmpi sge, %add3A_121, %ge3A_137 : i32
        %convert_element_type3A_139 = arith.extui %ge3A_138 : i1 to i32
        %cond3A_140 = arith.constant 0 : i32
        %cond3A_141 = arith.cmpi ne, %convert_element_type3A_139, %cond3A_140 : i32
        scf.if %cond3A_141 {
          %dma_wait3A_143 = arith.constant 0 : i32
          %dma_wait3A_144 = arith.constant 0 : i32
          %dma_wait3A_145 = tpu.memref_slice %arg11[%dma_wait3A_143, %dma_wait3A_144] : memref<2x640xi32, #tpu.memory_space<vmem>> -> memref<1x640xi32, #tpu.memory_space<vmem>>
          %dma_wait3A_146 = tpu.memref_squeeze %dma_wait3A_145 : memref<1x640xi32, #tpu.memory_space<vmem>> -> memref<640xi32, #tpu.memory_space<vmem>>
          %dma_wait3A_147 = arith.constant 0 : i32
          %dma_wait3A_148 = arith.constant 0 : i32
          %dma_wait3A_149 = tpu.memref_slice %arg4[%dma_wait3A_147, %dma_wait3A_148] : memref<102400x16xf32, #tpu.memory_space<hbm>> -> memref<102400x16xf32, #tpu.memory_space<hbm>>
          tpu.wait_indirect_dma semaphore(%arg16 : memref<!tpu.dma_semaphore, #tpu.memory_space<semaphore_mem>>) src(%dma_wait3A_149 : memref<102400x16xf32, #tpu.memory_space<hbm>>) dst(%arg13 : memref<640x16xf32, #tpu.memory_space<vmem>>)
          %dma_start3A_150 = arith.constant 1 : i32
          %dma_start3A_151 = arith.constant 0 : i32
          %dma_start3A_152 = tpu.memref_slice %arg11[%dma_start3A_150, %dma_start3A_151] : memref<2x640xi32, #tpu.memory_space<vmem>> -> memref<1x640xi32, #tpu.memory_space<vmem>>
          %dma_start3A_153 = tpu.memref_squeeze %dma_start3A_152 : memref<1x640xi32, #tpu.memory_space<vmem>> -> memref<640xi32, #tpu.memory_space<vmem>>
          %dma_start3A_154 = arith.constant 0 : i32
          %dma_start3A_155 = arith.constant 0 : i32
          %dma_start3A_156 = tpu.memref_slice %arg15[%dma_start3A_154, %dma_start3A_155] : memref<102400x16xf32, #tpu.memory_space<vmem_shared>> -> memref<102400x16xf32, #tpu.memory_space<vmem_shared>>
          tpu.enqueue_indirect_dma source(%arg13 : memref<640x16xf32, #tpu.memory_space<vmem>>) target(%dma_start3A_156 : memref<102400x16xf32, #tpu.memory_space<vmem_shared>>) offsets(%dma_start3A_153 : memref<640xi32, #tpu.memory_space<vmem>>) semaphore(%arg18 : memref<!tpu.dma_semaphore, #tpu.memory_space<semaphore_mem>>) {add = true}
        } else {
        }
        %scan3A_142 = arith.constant 0 : i32
        scf.yield %scan3A_142 : i32
      }
      %scan3A_15 = arith.constant 80 : i32
      %dma_wait3A = arith.constant 0 : i32
      %dma_wait3A_16 = arith.constant 0 : i32
      %dma_wait3A_17 = tpu.memref_slice %arg12[%dma_wait3A, %dma_wait3A_16] : memref<2x640xi32, #tpu.memory_space<vmem>> -> memref<1x640xi32, #tpu.memory_space<vmem>>
      %dma_wait3A_18 = tpu.memref_squeeze %dma_wait3A_17 : memref<1x640xi32, #tpu.memory_space<vmem>> -> memref<640xi32, #tpu.memory_space<vmem>>
      %dma_wait3A_19 = arith.constant 0 : i32
      %dma_wait3A_20 = arith.constant 0 : i32
      %dma_wait3A_21 = tpu.memref_slice %arg4[%dma_wait3A_19, %dma_wait3A_20] : memref<102400x16xf32, #tpu.memory_space<hbm>> -> memref<102400x16xf32, #tpu.memory_space<hbm>>
      tpu.wait_indirect_dma semaphore(%arg17 : memref<!tpu.dma_semaphore, #tpu.memory_space<semaphore_mem>>) src(%dma_wait3A_21 : memref<102400x16xf32, #tpu.memory_space<hbm>>) dst(%arg14 : memref<640x16xf32, #tpu.memory_space<vmem>>)
      %dma_start3A = arith.constant 1 : i32
      %dma_start3A_22 = arith.constant 0 : i32
      %dma_start3A_23 = tpu.memref_slice %arg12[%dma_start3A, %dma_start3A_22] : memref<2x640xi32, #tpu.memory_space<vmem>> -> memref<1x640xi32, #tpu.memory_space<vmem>>
      %dma_start3A_24 = tpu.memref_squeeze %dma_start3A_23 : memref<1x640xi32, #tpu.memory_space<vmem>> -> memref<640xi32, #tpu.memory_space<vmem>>
      %dma_start3A_25 = arith.constant 0 : i32
      %dma_start3A_26 = arith.constant 0 : i32
      %dma_start3A_27 = tpu.memref_slice %arg15[%dma_start3A_25, %dma_start3A_26] : memref<102400x16xf32, #tpu.memory_space<vmem_shared>> -> memref<102400x16xf32, #tpu.memory_space<vmem_shared>>
      tpu.enqueue_indirect_dma source(%arg14 : memref<640x16xf32, #tpu.memory_space<vmem>>) target(%dma_start3A_27 : memref<102400x16xf32, #tpu.memory_space<vmem_shared>>) offsets(%dma_start3A_24 : memref<640xi32, #tpu.memory_space<vmem>>) semaphore(%arg19 : memref<!tpu.dma_semaphore, #tpu.memory_space<semaphore_mem>>) {add = true}
      %dma_wait3A_28 = arith.constant 1 : i32
      %dma_wait3A_29 = arith.constant 0 : i32
      %dma_wait3A_30 = tpu.memref_slice %arg11[%dma_wait3A_28, %dma_wait3A_29] : memref<2x640xi32, #tpu.memory_space<vmem>> -> memref<1x640xi32, #tpu.memory_space<vmem>>
      %dma_wait3A_31 = tpu.memref_squeeze %dma_wait3A_30 : memref<1x640xi32, #tpu.memory_space<vmem>> -> memref<640xi32, #tpu.memory_space<vmem>>
      %dma_wait3A_32 = arith.constant 0 : i32
      %dma_wait3A_33 = arith.constant 0 : i32
      %dma_wait3A_34 = tpu.memref_slice %arg15[%dma_wait3A_32, %dma_wait3A_33] : memref<102400x16xf32, #tpu.memory_space<vmem_shared>> -> memref<102400x16xf32, #tpu.memory_space<vmem_shared>>
      tpu.wait_indirect_dma semaphore(%arg18 : memref<!tpu.dma_semaphore, #tpu.memory_space<semaphore_mem>>) src(%arg13 : memref<640x16xf32, #tpu.memory_space<vmem>>) dst(%dma_wait3A_34 : memref<102400x16xf32, #tpu.memory_space<vmem_shared>>)
      %dma_wait3A_35 = arith.constant 1 : i32
      %dma_wait3A_36 = arith.constant 0 : i32
      %dma_wait3A_37 = tpu.memref_slice %arg12[%dma_wait3A_35, %dma_wait3A_36] : memref<2x640xi32, #tpu.memory_space<vmem>> -> memref<1x640xi32, #tpu.memory_space<vmem>>
      %dma_wait3A_38 = tpu.memref_squeeze %dma_wait3A_37 : memref<1x640xi32, #tpu.memory_space<vmem>> -> memref<640xi32, #tpu.memory_space<vmem>>
      %dma_wait3A_39 = arith.constant 0 : i32
      %dma_wait3A_40 = arith.constant 0 : i32
      %dma_wait3A_41 = tpu.memref_slice %arg15[%dma_wait3A_39, %dma_wait3A_40] : memref<102400x16xf32, #tpu.memory_space<vmem_shared>> -> memref<102400x16xf32, #tpu.memory_space<vmem_shared>>
      tpu.wait_indirect_dma semaphore(%arg19 : memref<!tpu.dma_semaphore, #tpu.memory_space<semaphore_mem>>) src(%arg14 : memref<640x16xf32, #tpu.memory_space<vmem>>) dst(%dma_wait3A_41 : memref<102400x16xf32, #tpu.memory_space<vmem_shared>>)
      %barrier3A_42 = arith.constant 0 : index
      tpu.barrier barrier_id(%barrier3A_42)
      %mul3A_43 = arith.constant 6400 : i32
      %mul3A_44 = arith.muli %arg1, %mul3A_43 : i32
      %mul3A_45 = arith.constant 6400 : i32
      %mul3A_46 = arith.muli %arg1, %mul3A_45 : i32
      "tpu.region"() ({
        %run_scoped3A = tpu.sem_alloc : memref<!tpu.dma_semaphore, #tpu.memory_space<semaphore_mem>>
        %dma_start3A_94 = arith.constant 0 : i32
        %dma_start3A_95 = tpu.memref_slice %arg9[%mul3A_46, %dma_start3A_94] : memref<102400x16xf32, #tpu.memory_space<hbm>> -> memref<6400x16xf32, #tpu.memory_space<hbm>>
        %dma_start3A_96 = arith.constant 0 : i32
        %dma_start3A_97 = tpu.memref_slice %arg15[%mul3A_44, %dma_start3A_96] : memref<102400x16xf32, #tpu.memory_space<vmem_shared>> -> memref<6400x16xf32, #tpu.memory_space<vmem_shared>>
        tpu.enqueue_dma source(%dma_start3A_97 : memref<6400x16xf32, #tpu.memory_space<vmem_shared>>) target(%dma_start3A_95 : memref<6400x16xf32, #tpu.memory_space<hbm>>) target_semaphore(%run_scoped3A : memref<!tpu.dma_semaphore, #tpu.memory_space<semaphore_mem>>)
        %dma_wait3A_98 = arith.constant 0 : i32
        %dma_wait3A_99 = tpu.memref_slice %arg9[%mul3A_46, %dma_wait3A_98] : memref<102400x16xf32, #tpu.memory_space<hbm>> -> memref<6400x16xf32, #tpu.memory_space<hbm>>
        %dma_wait3A_100 = arith.constant 0 : i32
        %dma_wait3A_101 = tpu.memref_slice %arg15[%mul3A_44, %dma_wait3A_100] : memref<102400x16xf32, #tpu.memory_space<vmem_shared>> -> memref<6400x16xf32, #tpu.memory_space<vmem_shared>>
        tpu.wait_dma2 semaphore(%run_scoped3A : memref<!tpu.dma_semaphore, #tpu.memory_space<semaphore_mem>>) src(%dma_wait3A_101 : memref<6400x16xf32, #tpu.memory_space<vmem_shared>>) dst(%dma_wait3A_99 : memref<6400x16xf32, #tpu.memory_space<hbm>>)
        tpu.yield
      }) : () -> ()
      %barrier3A_47 = arith.constant 0 : index
      tpu.barrier barrier_id(%barrier3A_47)
      %mul3A_48 = arith.constant 6400 : i32
      %mul3A_49 = arith.muli %arg1, %mul3A_48 : i32
      %mul3A_50 = arith.constant 6400 : i32
      %mul3A_51 = arith.muli %arg1, %mul3A_50 : i32
      "tpu.region"() ({
        %run_scoped3A = tpu.sem_alloc : memref<!tpu.dma_semaphore, #tpu.memory_space<semaphore_mem>>
        %dma_start3A_94 = arith.constant 0 : i32
        %dma_start3A_95 = tpu.memref_slice %arg15[%mul3A_51, %dma_start3A_94] : memref<102400x16xf32, #tpu.memory_space<vmem_shared>> -> memref<6400x16xf32, #tpu.memory_space<vmem_shared>>
        %dma_start3A_96 = arith.constant 0 : i32
        %dma_start3A_97 = tpu.memref_slice %arg5[%mul3A_49, %dma_start3A_96] : memref<102400x16xf32, #tpu.memory_space<hbm>> -> memref<6400x16xf32, #tpu.memory_space<hbm>>
        tpu.enqueue_dma source(%dma_start3A_97 : memref<6400x16xf32, #tpu.memory_space<hbm>>) target(%dma_start3A_95 : memref<6400x16xf32, #tpu.memory_space<vmem_shared>>) target_semaphore(%run_scoped3A : memref<!tpu.dma_semaphore, #tpu.memory_space<semaphore_mem>>)
        %dma_wait3A_98 = arith.constant 0 : i32
        %dma_wait3A_99 = tpu.memref_slice %arg15[%mul3A_51, %dma_wait3A_98] : memref<102400x16xf32, #tpu.memory_space<vmem_shared>> -> memref<6400x16xf32, #tpu.memory_space<vmem_shared>>
        %dma_wait3A_100 = arith.constant 0 : i32
        %dma_wait3A_101 = tpu.memref_slice %arg5[%mul3A_49, %dma_wait3A_100] : memref<102400x16xf32, #tpu.memory_space<hbm>> -> memref<6400x16xf32, #tpu.memory_space<hbm>>
        tpu.wait_dma2 semaphore(%run_scoped3A : memref<!tpu.dma_semaphore, #tpu.memory_space<semaphore_mem>>) src(%dma_wait3A_101 : memref<6400x16xf32, #tpu.memory_space<hbm>>) dst(%dma_wait3A_99 : memref<6400x16xf32, #tpu.memory_space<vmem_shared>>)
        tpu.yield
      }) : () -> ()
      %barrier3A_52 = arith.constant 0 : index
      tpu.barrier barrier_id(%barrier3A_52)
      %scan3A_53 = arith.constant 0 : i32
      %scan3A_54 = arith.constant 0 : i32
      %scan3A_55 = arith.constant 80 : i32
      %scan3A_56 = arith.addi %scan3A_54, %scan3A_55 : i32
      %scan3A_57 = arith.constant 1 : i32
      %scan3A_58 = scf.for %scan3A_94 = %scan3A_54 to %scan3A_56 step %scan3A_57 iter_args(%scan3A_95 = %scan3A_53) -> (i32)  : i32 {
        %mul3A_96 = arith.constant 2 : i32
        %mul3A_97 = arith.muli %mul3A_96, %scan3A_94 : i32
        %add3A = arith.constant 0 : i32
        %add3A_98 = arith.addi %mul3A_97, %add3A : i32
        %ge3A = arith.constant 2 : i32
        %ge3A_99 = arith.cmpi sge, %add3A_98, %ge3A : i32
        %convert_element_type3A_100 = arith.extui %ge3A_99 : i1 to i32
        %cond3A_101 = arith.constant 0 : i32
        %cond3A_102 = arith.cmpi ne, %convert_element_type3A_100, %cond3A_101 : i32
        scf.if %cond3A_102 {
          %dma_wait3A_143 = arith.constant 1 : i32
          %dma_wait3A_144 = arith.constant 0 : i32
          %dma_wait3A_145 = tpu.memref_slice %arg11[%dma_wait3A_143, %dma_wait3A_144] : memref<2x640xi32, #tpu.memory_space<vmem>> -> memref<1x640xi32, #tpu.memory_space<vmem>>
          %dma_wait3A_146 = tpu.memref_squeeze %dma_wait3A_145 : memref<1x640xi32, #tpu.memory_space<vmem>> -> memref<640xi32, #tpu.memory_space<vmem>>
          %dma_wait3A_147 = arith.constant 0 : i32
          %dma_wait3A_148 = arith.constant 0 : i32
          %dma_wait3A_149 = tpu.memref_slice %arg15[%dma_wait3A_147, %dma_wait3A_148] : memref<102400x16xf32, #tpu.memory_space<vmem_shared>> -> memref<102400x16xf32, #tpu.memory_space<vmem_shared>>
          tpu.wait_indirect_dma semaphore(%arg18 : memref<!tpu.dma_semaphore, #tpu.memory_space<semaphore_mem>>) src(%arg13 : memref<640x16xf32, #tpu.memory_space<vmem>>) dst(%dma_wait3A_149 : memref<102400x16xf32, #tpu.memory_space<vmem_shared>>)
        } else {
        }
        %mul3A_103 = arith.constant 160 : i32
        %mul3A_104 = arith.muli %arg1, %mul3A_103 : i32
        %add3A_105 = arith.addi %mul3A_104, %add3A_98 : i32
        "tpu.region"() ({
          %run_scoped3A = tpu.sem_alloc : memref<!tpu.dma_semaphore, #tpu.memory_space<semaphore_mem>>
          %dma_start3A_143 = arith.constant 0 : i32
          %dma_start3A_144 = arith.constant 0 : i32
          %dma_start3A_145 = tpu.memref_slice %arg6[%add3A_105, %dma_start3A_143, %dma_start3A_144] : memref<2560x2x640xi32, #tpu.memory_space<hbm>> -> memref<1x2x640xi32, #tpu.memory_space<hbm>>
          %dma_start3A_146 = tpu.memref_squeeze %dma_start3A_145 : memref<1x2x640xi32, #tpu.memory_space<hbm>> -> memref<2x640xi32, #tpu.memory_space<hbm>>
          %dma_start3A_147 = arith.constant 0 : i32
          %dma_start3A_148 = arith.constant 0 : i32
          %dma_start3A_149 = tpu.memref_slice %arg6[%add3A_105, %dma_start3A_147, %dma_start3A_148] : memref<2560x2x640xi32, #tpu.memory_space<hbm>> -> memref<1x2x640xi32, #tpu.memory_space<hbm>>
          %dma_start3A_150 = tpu.memref_squeeze %dma_start3A_149 : memref<1x2x640xi32, #tpu.memory_space<hbm>> -> memref<2x640xi32, #tpu.memory_space<hbm>>
          tpu.enqueue_dma source(%dma_start3A_150 : memref<2x640xi32, #tpu.memory_space<hbm>>) target(%arg11 : memref<2x640xi32, #tpu.memory_space<vmem>>) target_semaphore(%run_scoped3A : memref<!tpu.dma_semaphore, #tpu.memory_space<semaphore_mem>>)
          %dma_wait3A_151 = arith.constant 0 : i32
          %dma_wait3A_152 = arith.constant 0 : i32
          %dma_wait3A_153 = tpu.memref_slice %arg6[%add3A_105, %dma_wait3A_151, %dma_wait3A_152] : memref<2560x2x640xi32, #tpu.memory_space<hbm>> -> memref<1x2x640xi32, #tpu.memory_space<hbm>>
          %dma_wait3A_154 = tpu.memref_squeeze %dma_wait3A_153 : memref<1x2x640xi32, #tpu.memory_space<hbm>> -> memref<2x640xi32, #tpu.memory_space<hbm>>
          %dma_wait3A_155 = arith.constant 0 : i32
          %dma_wait3A_156 = arith.constant 0 : i32
          %dma_wait3A_157 = tpu.memref_slice %arg6[%add3A_105, %dma_wait3A_155, %dma_wait3A_156] : memref<2560x2x640xi32, #tpu.memory_space<hbm>> -> memref<1x2x640xi32, #tpu.memory_space<hbm>>
          %dma_wait3A_158 = tpu.memref_squeeze %dma_wait3A_157 : memref<1x2x640xi32, #tpu.memory_space<hbm>> -> memref<2x640xi32, #tpu.memory_space<hbm>>
          tpu.wait_dma2 semaphore(%run_scoped3A : memref<!tpu.dma_semaphore, #tpu.memory_space<semaphore_mem>>) src(%dma_wait3A_158 : memref<2x640xi32, #tpu.memory_space<hbm>>) dst(%arg11 : memref<2x640xi32, #tpu.memory_space<vmem>>)
          tpu.yield
        }) : () -> ()
        %dma_start3A_106 = arith.constant 0 : i32
        %dma_start3A_107 = arith.constant 0 : i32
        %dma_start3A_108 = tpu.memref_slice %arg11[%dma_start3A_106, %dma_start3A_107] : memref<2x640xi32, #tpu.memory_space<vmem>> -> memref<1x640xi32, #tpu.memory_space<vmem>>
        %dma_start3A_109 = tpu.memref_squeeze %dma_start3A_108 : memref<1x640xi32, #tpu.memory_space<vmem>> -> memref<640xi32, #tpu.memory_space<vmem>>
        %dma_start3A_110 = arith.constant 0 : i32
        %dma_start3A_111 = arith.constant 0 : i32
        %dma_start3A_112 = tpu.memref_slice %arg5[%dma_start3A_110, %dma_start3A_111] : memref<102400x16xf32, #tpu.memory_space<hbm>> -> memref<102400x16xf32, #tpu.memory_space<hbm>>
        tpu.enqueue_indirect_dma source(%dma_start3A_112 : memref<102400x16xf32, #tpu.memory_space<hbm>>) target(%arg13 : memref<640x16xf32, #tpu.memory_space<vmem>>) offsets(%dma_start3A_109 : memref<640xi32, #tpu.memory_space<vmem>>) semaphore(%arg16 : memref<!tpu.dma_semaphore, #tpu.memory_space<semaphore_mem>>)
        %ge3A_113 = arith.constant 1 : i32
        %ge3A_114 = arith.cmpi sge, %add3A_98, %ge3A_113 : i32
        %convert_element_type3A_115 = arith.extui %ge3A_114 : i1 to i32
        %cond3A_116 = arith.constant 0 : i32
        %cond3A_117 = arith.cmpi ne, %convert_element_type3A_115, %cond3A_116 : i32
        scf.if %cond3A_117 {
          %dma_wait3A_143 = arith.constant 0 : i32
          %dma_wait3A_144 = arith.constant 0 : i32
          %dma_wait3A_145 = tpu.memref_slice %arg12[%dma_wait3A_143, %dma_wait3A_144] : memref<2x640xi32, #tpu.memory_space<vmem>> -> memref<1x640xi32, #tpu.memory_space<vmem>>
          %dma_wait3A_146 = tpu.memref_squeeze %dma_wait3A_145 : memref<1x640xi32, #tpu.memory_space<vmem>> -> memref<640xi32, #tpu.memory_space<vmem>>
          %dma_wait3A_147 = arith.constant 0 : i32
          %dma_wait3A_148 = arith.constant 0 : i32
          %dma_wait3A_149 = tpu.memref_slice %arg5[%dma_wait3A_147, %dma_wait3A_148] : memref<102400x16xf32, #tpu.memory_space<hbm>> -> memref<102400x16xf32, #tpu.memory_space<hbm>>
          tpu.wait_indirect_dma semaphore(%arg17 : memref<!tpu.dma_semaphore, #tpu.memory_space<semaphore_mem>>) src(%dma_wait3A_149 : memref<102400x16xf32, #tpu.memory_space<hbm>>) dst(%arg14 : memref<640x16xf32, #tpu.memory_space<vmem>>)
          %dma_start3A_150 = arith.constant 1 : i32
          %dma_start3A_151 = arith.constant 0 : i32
          %dma_start3A_152 = tpu.memref_slice %arg12[%dma_start3A_150, %dma_start3A_151] : memref<2x640xi32, #tpu.memory_space<vmem>> -> memref<1x640xi32, #tpu.memory_space<vmem>>
          %dma_start3A_153 = tpu.memref_squeeze %dma_start3A_152 : memref<1x640xi32, #tpu.memory_space<vmem>> -> memref<640xi32, #tpu.memory_space<vmem>>
          %dma_start3A_154 = arith.constant 0 : i32
          %dma_start3A_155 = arith.constant 0 : i32
          %dma_start3A_156 = tpu.memref_slice %arg15[%dma_start3A_154, %dma_start3A_155] : memref<102400x16xf32, #tpu.memory_space<vmem_shared>> -> memref<102400x16xf32, #tpu.memory_space<vmem_shared>>
          tpu.enqueue_indirect_dma source(%arg14 : memref<640x16xf32, #tpu.memory_space<vmem>>) target(%dma_start3A_156 : memref<102400x16xf32, #tpu.memory_space<vmem_shared>>) offsets(%dma_start3A_153 : memref<640xi32, #tpu.memory_space<vmem>>) semaphore(%arg19 : memref<!tpu.dma_semaphore, #tpu.memory_space<semaphore_mem>>) {add = true}
        } else {
        }
        %mul3A_118 = arith.constant 2 : i32
        %mul3A_119 = arith.muli %mul3A_118, %scan3A_94 : i32
        %add3A_120 = arith.constant 1 : i32
        %add3A_121 = arith.addi %mul3A_119, %add3A_120 : i32
        %ge3A_122 = arith.constant 2 : i32
        %ge3A_123 = arith.cmpi sge, %add3A_121, %ge3A_122 : i32
        %convert_element_type3A_124 = arith.extui %ge3A_123 : i1 to i32
        %cond3A_125 = arith.constant 0 : i32
        %cond3A_126 = arith.cmpi ne, %convert_element_type3A_124, %cond3A_125 : i32
        scf.if %cond3A_126 {
          %dma_wait3A_143 = arith.constant 1 : i32
          %dma_wait3A_144 = arith.constant 0 : i32
          %dma_wait3A_145 = tpu.memref_slice %arg12[%dma_wait3A_143, %dma_wait3A_144] : memref<2x640xi32, #tpu.memory_space<vmem>> -> memref<1x640xi32, #tpu.memory_space<vmem>>
          %dma_wait3A_146 = tpu.memref_squeeze %dma_wait3A_145 : memref<1x640xi32, #tpu.memory_space<vmem>> -> memref<640xi32, #tpu.memory_space<vmem>>
          %dma_wait3A_147 = arith.constant 0 : i32
          %dma_wait3A_148 = arith.constant 0 : i32
          %dma_wait3A_149 = tpu.memref_slice %arg15[%dma_wait3A_147, %dma_wait3A_148] : memref<102400x16xf32, #tpu.memory_space<vmem_shared>> -> memref<102400x16xf32, #tpu.memory_space<vmem_shared>>
          tpu.wait_indirect_dma semaphore(%arg19 : memref<!tpu.dma_semaphore, #tpu.memory_space<semaphore_mem>>) src(%arg14 : memref<640x16xf32, #tpu.memory_space<vmem>>) dst(%dma_wait3A_149 : memref<102400x16xf32, #tpu.memory_space<vmem_shared>>)
        } else {
        }
        %mul3A_127 = arith.constant 160 : i32
        %mul3A_128 = arith.muli %arg1, %mul3A_127 : i32
        %add3A_129 = arith.addi %mul3A_128, %add3A_121 : i32
        "tpu.region"() ({
          %run_scoped3A = tpu.sem_alloc : memref<!tpu.dma_semaphore, #tpu.memory_space<semaphore_mem>>
          %dma_start3A_143 = arith.constant 0 : i32
          %dma_start3A_144 = arith.constant 0 : i32
          %dma_start3A_145 = tpu.memref_slice %arg6[%add3A_129, %dma_start3A_143, %dma_start3A_144] : memref<2560x2x640xi32, #tpu.memory_space<hbm>> -> memref<1x2x640xi32, #tpu.memory_space<hbm>>
          %dma_start3A_146 = tpu.memref_squeeze %dma_start3A_145 : memref<1x2x640xi32, #tpu.memory_space<hbm>> -> memref<2x640xi32, #tpu.memory_space<hbm>>
          %dma_start3A_147 = arith.constant 0 : i32
          %dma_start3A_148 = arith.constant 0 : i32
          %dma_start3A_149 = tpu.memref_slice %arg6[%add3A_129, %dma_start3A_147, %dma_start3A_148] : memref<2560x2x640xi32, #tpu.memory_space<hbm>> -> memref<1x2x640xi32, #tpu.memory_space<hbm>>
          %dma_start3A_150 = tpu.memref_squeeze %dma_start3A_149 : memref<1x2x640xi32, #tpu.memory_space<hbm>> -> memref<2x640xi32, #tpu.memory_space<hbm>>
          tpu.enqueue_dma source(%dma_start3A_150 : memref<2x640xi32, #tpu.memory_space<hbm>>) target(%arg12 : memref<2x640xi32, #tpu.memory_space<vmem>>) target_semaphore(%run_scoped3A : memref<!tpu.dma_semaphore, #tpu.memory_space<semaphore_mem>>)
          %dma_wait3A_151 = arith.constant 0 : i32
          %dma_wait3A_152 = arith.constant 0 : i32
          %dma_wait3A_153 = tpu.memref_slice %arg6[%add3A_129, %dma_wait3A_151, %dma_wait3A_152] : memref<2560x2x640xi32, #tpu.memory_space<hbm>> -> memref<1x2x640xi32, #tpu.memory_space<hbm>>
          %dma_wait3A_154 = tpu.memref_squeeze %dma_wait3A_153 : memref<1x2x640xi32, #tpu.memory_space<hbm>> -> memref<2x640xi32, #tpu.memory_space<hbm>>
          %dma_wait3A_155 = arith.constant 0 : i32
          %dma_wait3A_156 = arith.constant 0 : i32
          %dma_wait3A_157 = tpu.memref_slice %arg6[%add3A_129, %dma_wait3A_155, %dma_wait3A_156] : memref<2560x2x640xi32, #tpu.memory_space<hbm>> -> memref<1x2x640xi32, #tpu.memory_space<hbm>>
          %dma_wait3A_158 = tpu.memref_squeeze %dma_wait3A_157 : memref<1x2x640xi32, #tpu.memory_space<hbm>> -> memref<2x640xi32, #tpu.memory_space<hbm>>
          tpu.wait_dma2 semaphore(%run_scoped3A : memref<!tpu.dma_semaphore, #tpu.memory_space<semaphore_mem>>) src(%dma_wait3A_158 : memref<2x640xi32, #tpu.memory_space<hbm>>) dst(%arg12 : memref<2x640xi32, #tpu.memory_space<vmem>>)
          tpu.yield
        }) : () -> ()
        %dma_start3A_130 = arith.constant 0 : i32
        %dma_start3A_131 = arith.constant 0 : i32
        %dma_start3A_132 = tpu.memref_slice %arg12[%dma_start3A_130, %dma_start3A_131] : memref<2x640xi32, #tpu.memory_space<vmem>> -> memref<1x640xi32, #tpu.memory_space<vmem>>
        %dma_start3A_133 = tpu.memref_squeeze %dma_start3A_132 : memref<1x640xi32, #tpu.memory_space<vmem>> -> memref<640xi32, #tpu.memory_space<vmem>>
        %dma_start3A_134 = arith.constant 0 : i32
        %dma_start3A_135 = arith.constant 0 : i32
        %dma_start3A_136 = tpu.memref_slice %arg5[%dma_start3A_134, %dma_start3A_135] : memref<102400x16xf32, #tpu.memory_space<hbm>> -> memref<102400x16xf32, #tpu.memory_space<hbm>>
        tpu.enqueue_indirect_dma source(%dma_start3A_136 : memref<102400x16xf32, #tpu.memory_space<hbm>>) target(%arg14 : memref<640x16xf32, #tpu.memory_space<vmem>>) offsets(%dma_start3A_133 : memref<640xi32, #tpu.memory_space<vmem>>) semaphore(%arg17 : memref<!tpu.dma_semaphore, #tpu.memory_space<semaphore_mem>>)
        %ge3A_137 = arith.constant 1 : i32
        %ge3A_138 = arith.cmpi sge, %add3A_121, %ge3A_137 : i32
        %convert_element_type3A_139 = arith.extui %ge3A_138 : i1 to i32
        %cond3A_140 = arith.constant 0 : i32
        %cond3A_141 = arith.cmpi ne, %convert_element_type3A_139, %cond3A_140 : i32
        scf.if %cond3A_141 {
          %dma_wait3A_143 = arith.constant 0 : i32
          %dma_wait3A_144 = arith.constant 0 : i32
          %dma_wait3A_145 = tpu.memref_slice %arg11[%dma_wait3A_143, %dma_wait3A_144] : memref<2x640xi32, #tpu.memory_space<vmem>> -> memref<1x640xi32, #tpu.memory_space<vmem>>
          %dma_wait3A_146 = tpu.memref_squeeze %dma_wait3A_145 : memref<1x640xi32, #tpu.memory_space<vmem>> -> memref<640xi32, #tpu.memory_space<vmem>>
          %dma_wait3A_147 = arith.constant 0 : i32
          %dma_wait3A_148 = arith.constant 0 : i32
          %dma_wait3A_149 = tpu.memref_slice %arg5[%dma_wait3A_147, %dma_wait3A_148] : memref<102400x16xf32, #tpu.memory_space<hbm>> -> memref<102400x16xf32, #tpu.memory_space<hbm>>
          tpu.wait_indirect_dma semaphore(%arg16 : memref<!tpu.dma_semaphore, #tpu.memory_space<semaphore_mem>>) src(%dma_wait3A_149 : memref<102400x16xf32, #tpu.memory_space<hbm>>) dst(%arg13 : memref<640x16xf32, #tpu.memory_space<vmem>>)
          %dma_start3A_150 = arith.constant 1 : i32
          %dma_start3A_151 = arith.constant 0 : i32
          %dma_start3A_152 = tpu.memref_slice %arg11[%dma_start3A_150, %dma_start3A_151] : memref<2x640xi32, #tpu.memory_space<vmem>> -> memref<1x640xi32, #tpu.memory_space<vmem>>
          %dma_start3A_153 = tpu.memref_squeeze %dma_start3A_152 : memref<1x640xi32, #tpu.memory_space<vmem>> -> memref<640xi32, #tpu.memory_space<vmem>>
          %dma_start3A_154 = arith.constant 0 : i32
          %dma_start3A_155 = arith.constant 0 : i32
          %dma_start3A_156 = tpu.memref_slice %arg15[%dma_start3A_154, %dma_start3A_155] : memref<102400x16xf32, #tpu.memory_space<vmem_shared>> -> memref<102400x16xf32, #tpu.memory_space<vmem_shared>>
          tpu.enqueue_indirect_dma source(%arg13 : memref<640x16xf32, #tpu.memory_space<vmem>>) target(%dma_start3A_156 : memref<102400x16xf32, #tpu.memory_space<vmem_shared>>) offsets(%dma_start3A_153 : memref<640xi32, #tpu.memory_space<vmem>>) semaphore(%arg18 : memref<!tpu.dma_semaphore, #tpu.memory_space<semaphore_mem>>) {add = true}
        } else {
        }
        %scan3A_142 = arith.constant 0 : i32
        scf.yield %scan3A_142 : i32
      }
      %scan3A_59 = arith.constant 80 : i32
      %dma_wait3A_60 = arith.constant 0 : i32
      %dma_wait3A_61 = arith.constant 0 : i32
      %dma_wait3A_62 = tpu.memref_slice %arg12[%dma_wait3A_60, %dma_wait3A_61] : memref<2x640xi32, #tpu.memory_space<vmem>> -> memref<1x640xi32, #tpu.memory_space<vmem>>
      %dma_wait3A_63 = tpu.memref_squeeze %dma_wait3A_62 : memref<1x640xi32, #tpu.memory_space<vmem>> -> memref<640xi32, #tpu.memory_space<vmem>>
      %dma_wait3A_64 = arith.constant 0 : i32
      %dma_wait3A_65 = arith.constant 0 : i32
      %dma_wait3A_66 = tpu.memref_slice %arg5[%dma_wait3A_64, %dma_wait3A_65] : memref<102400x16xf32, #tpu.memory_space<hbm>> -> memref<102400x16xf32, #tpu.memory_space<hbm>>
      tpu.wait_indirect_dma semaphore(%arg17 : memref<!tpu.dma_semaphore, #tpu.memory_space<semaphore_mem>>) src(%dma_wait3A_66 : memref<102400x16xf32, #tpu.memory_space<hbm>>) dst(%arg14 : memref<640x16xf32, #tpu.memory_space<vmem>>)
      %dma_start3A_67 = arith.constant 1 : i32
      %dma_start3A_68 = arith.constant 0 : i32
      %dma_start3A_69 = tpu.memref_slice %arg12[%dma_start3A_67, %dma_start3A_68] : memref<2x640xi32, #tpu.memory_space<vmem>> -> memref<1x640xi32, #tpu.memory_space<vmem>>
      %dma_start3A_70 = tpu.memref_squeeze %dma_start3A_69 : memref<1x640xi32, #tpu.memory_space<vmem>> -> memref<640xi32, #tpu.memory_space<vmem>>
      %dma_start3A_71 = arith.constant 0 : i32
      %dma_start3A_72 = arith.constant 0 : i32
      %dma_start3A_73 = tpu.memref_slice %arg15[%dma_start3A_71, %dma_start3A_72] : memref<102400x16xf32, #tpu.memory_space<vmem_shared>> -> memref<102400x16xf32, #tpu.memory_space<vmem_shared>>
      tpu.enqueue_indirect_dma source(%arg14 : memref<640x16xf32, #tpu.memory_space<vmem>>) target(%dma_start3A_73 : memref<102400x16xf32, #tpu.memory_space<vmem_shared>>) offsets(%dma_start3A_70 : memref<640xi32, #tpu.memory_space<vmem>>) semaphore(%arg19 : memref<!tpu.dma_semaphore, #tpu.memory_space<semaphore_mem>>) {add = true}
      %dma_wait3A_74 = arith.constant 1 : i32
      %dma_wait3A_75 = arith.constant 0 : i32
      %dma_wait3A_76 = tpu.memref_slice %arg11[%dma_wait3A_74, %dma_wait3A_75] : memref<2x640xi32, #tpu.memory_space<vmem>> -> memref<1x640xi32, #tpu.memory_space<vmem>>
      %dma_wait3A_77 = tpu.memref_squeeze %dma_wait3A_76 : memref<1x640xi32, #tpu.memory_space<vmem>> -> memref<640xi32, #tpu.memory_space<vmem>>
      %dma_wait3A_78 = arith.constant 0 : i32
      %dma_wait3A_79 = arith.constant 0 : i32
      %dma_wait3A_80 = tpu.memref_slice %arg15[%dma_wait3A_78, %dma_wait3A_79] : memref<102400x16xf32, #tpu.memory_space<vmem_shared>> -> memref<102400x16xf32, #tpu.memory_space<vmem_shared>>
      tpu.wait_indirect_dma semaphore(%arg18 : memref<!tpu.dma_semaphore, #tpu.memory_space<semaphore_mem>>) src(%arg13 : memref<640x16xf32, #tpu.memory_space<vmem>>) dst(%dma_wait3A_80 : memref<102400x16xf32, #tpu.memory_space<vmem_shared>>)
      %dma_wait3A_81 = arith.constant 1 : i32
      %dma_wait3A_82 = arith.constant 0 : i32
      %dma_wait3A_83 = tpu.memref_slice %arg12[%dma_wait3A_81, %dma_wait3A_82] : memref<2x640xi32, #tpu.memory_space<vmem>> -> memref<1x640xi32, #tpu.memory_space<vmem>>
      %dma_wait3A_84 = tpu.memref_squeeze %dma_wait3A_83 : memref<1x640xi32, #tpu.memory_space<vmem>> -> memref<640xi32, #tpu.memory_space<vmem>>
      %dma_wait3A_85 = arith.constant 0 : i32
      %dma_wait3A_86 = arith.constant 0 : i32
      %dma_wait3A_87 = tpu.memref_slice %arg15[%dma_wait3A_85, %dma_wait3A_86] : memref<102400x16xf32, #tpu.memory_space<vmem_shared>> -> memref<102400x16xf32, #tpu.memory_space<vmem_shared>>
      tpu.wait_indirect_dma semaphore(%arg19 : memref<!tpu.dma_semaphore, #tpu.memory_space<semaphore_mem>>) src(%arg14 : memref<640x16xf32, #tpu.memory_space<vmem>>) dst(%dma_wait3A_87 : memref<102400x16xf32, #tpu.memory_space<vmem_shared>>)
      %barrier3A_88 = arith.constant 0 : index
      tpu.barrier barrier_id(%barrier3A_88)
      %mul3A_89 = arith.constant 6400 : i32
      %mul3A_90 = arith.muli %arg1, %mul3A_89 : i32
      %mul3A_91 = arith.constant 6400 : i32
      %mul3A_92 = arith.muli %arg1, %mul3A_91 : i32
      "tpu.region"() ({
        %run_scoped3A = tpu.sem_alloc : memref<!tpu.dma_semaphore, #tpu.memory_space<semaphore_mem>>
        %dma_start3A_94 = arith.constant 0 : i32
        %dma_start3A_95 = tpu.memref_slice %arg10[%mul3A_92, %dma_start3A_94] : memref<102400x16xf32, #tpu.memory_space<hbm>> -> memref<6400x16xf32, #tpu.memory_space<hbm>>
        %dma_start3A_96 = arith.constant 0 : i32
        %dma_start3A_97 = tpu.memref_slice %arg15[%mul3A_90, %dma_start3A_96] : memref<102400x16xf32, #tpu.memory_space<vmem_shared>> -> memref<6400x16xf32, #tpu.memory_space<vmem_shared>>
        tpu.enqueue_dma source(%dma_start3A_97 : memref<6400x16xf32, #tpu.memory_space<vmem_shared>>) target(%dma_start3A_95 : memref<6400x16xf32, #tpu.memory_space<hbm>>) target_semaphore(%run_scoped3A : memref<!tpu.dma_semaphore, #tpu.memory_space<semaphore_mem>>)
        %dma_wait3A_98 = arith.constant 0 : i32
        %dma_wait3A_99 = tpu.memref_slice %arg10[%mul3A_92, %dma_wait3A_98] : memref<102400x16xf32, #tpu.memory_space<hbm>> -> memref<6400x16xf32, #tpu.memory_space<hbm>>
        %dma_wait3A_100 = arith.constant 0 : i32
        %dma_wait3A_101 = tpu.memref_slice %arg15[%mul3A_90, %dma_wait3A_100] : memref<102400x16xf32, #tpu.memory_space<vmem_shared>> -> memref<6400x16xf32, #tpu.memory_space<vmem_shared>>
        tpu.wait_dma2 semaphore(%run_scoped3A : memref<!tpu.dma_semaphore, #tpu.memory_space<semaphore_mem>>) src(%dma_wait3A_101 : memref<6400x16xf32, #tpu.memory_space<vmem_shared>>) dst(%dma_wait3A_99 : memref<6400x16xf32, #tpu.memory_space<hbm>>)
        tpu.yield
      }) : () -> ()
      %barrier3A_93 = arith.constant 0 : index
      tpu.barrier barrier_id(%barrier3A_93)
    } else {
    }
    return
  }
}

#map = affine_map<(d0, d1) -> (0, 0)>
#map1 = affine_map<(d0, d1) -> (0, 0, 0)>
module attributes {stable_mosaic.version = 14 : i64} {
  func.func @agg(%arg0: i32, %arg1: i32, %arg2: memref<102400x16xf32, #tpu.memory_space<hbm>>, %arg3: memref<102400x16xf32, #tpu.memory_space<hbm>>, %arg4: memref<102400x16xf32, #tpu.memory_space<hbm>>, %arg5: memref<102400x16xf32, #tpu.memory_space<hbm>>, %arg6: memref<2560x2x640xi32, #tpu.memory_space<hbm>>, %arg7: memref<102400x16xf32, #tpu.memory_space<hbm>>, %arg8: memref<102400x16xf32, #tpu.memory_space<hbm>>, %arg9: memref<102400x16xf32, #tpu.memory_space<hbm>>, %arg10: memref<102400x16xf32, #tpu.memory_space<hbm>>, %arg11: memref<2x640xi32, #tpu.memory_space<vmem>>, %arg12: memref<2x640xi32, #tpu.memory_space<vmem>>, %arg13: memref<640x16xf32, #tpu.memory_space<vmem>>, %arg14: memref<640x16xf32, #tpu.memory_space<vmem>>, %arg15: memref<102400x16xf32, #tpu.memory_space<vmem_shared>>, %arg16: memref<!tpu.dma_semaphore, #tpu.memory_space<semaphore_mem>>, %arg17: memref<!tpu.dma_semaphore, #tpu.memory_space<semaphore_mem>>, %arg18: memref<!tpu.dma_semaphore, #tpu.memory_space<semaphore_mem>>, %arg19: memref<!tpu.dma_semaphore, #tpu.memory_space<semaphore_mem>>) attributes {dimension_semantics = [#tpu.dimension_semantics<core_parallel>, #tpu.dimension_semantics<subcore_parallel>], iteration_bounds = array<i64: 2, 16>, scalar_prefetch = 0 : i64, scratch_operands = 9 : i64, tpu.core_type = #tpu.core_type<sc_vector_subcore>, window_params = [{transform_indices = #map}, {transform_indices = #map}, {transform_indices = #map}, {transform_indices = #map}, {transform_indices = #map1}, {transform_indices = #map}, {transform_indices = #map}, {transform_indices = #map}, {transform_indices = #map}]} {
    %eq3A = arith.constant 0 : i32
    %eq3A_0 = arith.cmpi eq, %arg0, %eq3A : i32
    %convert_element_type3A = arith.extui %eq3A_0 : i1 to i32
    %cond3A = arith.constant 0 : i32
    %cond3A_1 = arith.cmpi ne, %convert_element_type3A, %cond3A : i32
    scf.if %cond3A_1 {
      %mul3A = arith.constant 6400 : i32
      %mul3A_7 = arith.muli %arg1, %mul3A : i32
      %mul3A_8 = arith.constant 6400 : i32
      %mul3A_9 = arith.muli %arg1, %mul3A_8 : i32
      "tpu.region"() ({
        %run_scoped3A = tpu.sem_alloc : memref<!tpu.dma_semaphore, #tpu.memory_space<semaphore_mem>>
        %dma_start3A_94 = arith.constant 0 : i32
        %dma_start3A_95 = tpu.memref_slice %arg15[%mul3A_9, %dma_start3A_94] : memref<102400x16xf32, #tpu.memory_space<vmem_shared>> -> memref<6400x16xf32, #tpu.memory_space<vmem_shared>>
        %dma_start3A_96 = arith.constant 0 : i32
        %dma_start3A_97 = tpu.memref_slice %arg2[%mul3A_7, %dma_start3A_96] : memref<102400x16xf32, #tpu.memory_space<hbm>> -> memref<6400x16xf32, #tpu.memory_space<hbm>>
        tpu.enqueue_dma source(%dma_start3A_97 : memref<6400x16xf32, #tpu.memory_space<hbm>>) target(%dma_start3A_95 : memref<6400x16xf32, #tpu.memory_space<vmem_shared>>) target_semaphore(%run_scoped3A : memref<!tpu.dma_semaphore, #tpu.memory_space<semaphore_mem>>)
        %dma_wait3A_98 = arith.constant 0 : i32
        %dma_wait3A_99 = tpu.memref_slice %arg15[%mul3A_9, %dma_wait3A_98] : memref<102400x16xf32, #tpu.memory_space<vmem_shared>> -> memref<6400x16xf32, #tpu.memory_space<vmem_shared>>
        %dma_wait3A_100 = arith.constant 0 : i32
        %dma_wait3A_101 = tpu.memref_slice %arg2[%mul3A_7, %dma_wait3A_100] : memref<102400x16xf32, #tpu.memory_space<hbm>> -> memref<6400x16xf32, #tpu.memory_space<hbm>>
        tpu.wait_dma2 semaphore(%run_scoped3A : memref<!tpu.dma_semaphore, #tpu.memory_space<semaphore_mem>>) src(%dma_wait3A_101 : memref<6400x16xf32, #tpu.memory_space<hbm>>) dst(%dma_wait3A_99 : memref<6400x16xf32, #tpu.memory_space<vmem_shared>>)
        tpu.yield
      }) : () -> ()
      %barrier3A = arith.constant 0 : index
      tpu.barrier barrier_id(%barrier3A)
      %scan3A = arith.constant 0 : i32
      %scan3A_10 = arith.constant 0 : i32
      %scan3A_11 = arith.constant 80 : i32
      %scan3A_12 = arith.addi %scan3A_10, %scan3A_11 : i32
      %scan3A_13 = arith.constant 1 : i32
      %scan3A_14 = scf.for %scan3A_94 = %scan3A_10 to %scan3A_12 step %scan3A_13 iter_args(%scan3A_95 = %scan3A) -> (i32)  : i32 {
        %mul3A_96 = arith.constant 2 : i32
        %mul3A_97 = arith.muli %mul3A_96, %scan3A_94 : i32
        %add3A = arith.constant 0 : i32
        %add3A_98 = arith.addi %mul3A_97, %add3A : i32
        %ge3A = arith.constant 2 : i32
        %ge3A_99 = arith.cmpi sge, %add3A_98, %ge3A : i32
        %convert_element_type3A_100 = arith.extui %ge3A_99 : i1 to i32
        %cond3A_101 = arith.constant 0 : i32
        %cond3A_102 = arith.cmpi ne, %convert_element_type3A_100, %cond3A_101 : i32
        scf.if %cond3A_102 {
          %dma_wait3A_143 = arith.constant 1 : i32
          %dma_wait3A_144 = arith.constant 0 : i32
          %dma_wait3A_145 = tpu.memref_slice %arg11[%dma_wait3A_143, %dma_wait3A_144] : memref<2x640xi32, #tpu.memory_space<vmem>> -> memref<1x640xi32, #tpu.memory_space<vmem>>
          %dma_wait3A_146 = tpu.memref_squeeze %dma_wait3A_145 : memref<1x640xi32, #tpu.memory_space<vmem>> -> memref<640xi32, #tpu.memory_space<vmem>>
          %dma_wait3A_147 = arith.constant 0 : i32
          %dma_wait3A_148 = arith.constant 0 : i32
          %dma_wait3A_149 = tpu.memref_slice %arg15[%dma_wait3A_147, %dma_wait3A_148] : memref<102400x16xf32, #tpu.memory_space<vmem_shared>> -> memref<102400x16xf32, #tpu.memory_space<vmem_shared>>
          tpu.wait_indirect_dma semaphore(%arg18 : memref<!tpu.dma_semaphore, #tpu.memory_space<semaphore_mem>>) src(%arg13 : memref<640x16xf32, #tpu.memory_space<vmem>>) dst(%dma_wait3A_149 : memref<102400x16xf32, #tpu.memory_space<vmem_shared>>)
        } else {
        }
        %mul3A_103 = arith.constant 160 : i32
        %mul3A_104 = arith.muli %arg1, %mul3A_103 : i32
        %add3A_105 = arith.addi %mul3A_104, %add3A_98 : i32
        "tpu.region"() ({
          %run_scoped3A = tpu.sem_alloc : memref<!tpu.dma_semaphore, #tpu.memory_space<semaphore_mem>>
          %dma_start3A_143 = arith.constant 0 : i32
          %dma_start3A_144 = arith.constant 0 : i32
          %dma_start3A_145 = tpu.memref_slice %arg6[%add3A_105, %dma_start3A_143, %dma_start3A_144] : memref<2560x2x640xi32, #tpu.memory_space<hbm>> -> memref<1x2x640xi32, #tpu.memory_space<hbm>>
          %dma_start3A_146 = tpu.memref_squeeze %dma_start3A_145 : memref<1x2x640xi32, #tpu.memory_space<hbm>> -> memref<2x640xi32, #tpu.memory_space<hbm>>
          %dma_start3A_147 = arith.constant 0 : i32
          %dma_start3A_148 = arith.constant 0 : i32
          %dma_start3A_149 = tpu.memref_slice %arg6[%add3A_105, %dma_start3A_147, %dma_start3A_148] : memref<2560x2x640xi32, #tpu.memory_space<hbm>> -> memref<1x2x640xi32, #tpu.memory_space<hbm>>
          %dma_start3A_150 = tpu.memref_squeeze %dma_start3A_149 : memref<1x2x640xi32, #tpu.memory_space<hbm>> -> memref<2x640xi32, #tpu.memory_space<hbm>>
          tpu.enqueue_dma source(%dma_start3A_150 : memref<2x640xi32, #tpu.memory_space<hbm>>) target(%arg11 : memref<2x640xi32, #tpu.memory_space<vmem>>) target_semaphore(%run_scoped3A : memref<!tpu.dma_semaphore, #tpu.memory_space<semaphore_mem>>)
          %dma_wait3A_151 = arith.constant 0 : i32
          %dma_wait3A_152 = arith.constant 0 : i32
          %dma_wait3A_153 = tpu.memref_slice %arg6[%add3A_105, %dma_wait3A_151, %dma_wait3A_152] : memref<2560x2x640xi32, #tpu.memory_space<hbm>> -> memref<1x2x640xi32, #tpu.memory_space<hbm>>
          %dma_wait3A_154 = tpu.memref_squeeze %dma_wait3A_153 : memref<1x2x640xi32, #tpu.memory_space<hbm>> -> memref<2x640xi32, #tpu.memory_space<hbm>>
          %dma_wait3A_155 = arith.constant 0 : i32
          %dma_wait3A_156 = arith.constant 0 : i32
          %dma_wait3A_157 = tpu.memref_slice %arg6[%add3A_105, %dma_wait3A_155, %dma_wait3A_156] : memref<2560x2x640xi32, #tpu.memory_space<hbm>> -> memref<1x2x640xi32, #tpu.memory_space<hbm>>
          %dma_wait3A_158 = tpu.memref_squeeze %dma_wait3A_157 : memref<1x2x640xi32, #tpu.memory_space<hbm>> -> memref<2x640xi32, #tpu.memory_space<hbm>>
          tpu.wait_dma2 semaphore(%run_scoped3A : memref<!tpu.dma_semaphore, #tpu.memory_space<semaphore_mem>>) src(%dma_wait3A_158 : memref<2x640xi32, #tpu.memory_space<hbm>>) dst(%arg11 : memref<2x640xi32, #tpu.memory_space<vmem>>)
          tpu.yield
        }) : () -> ()
        %dma_start3A_106 = arith.constant 0 : i32
        %dma_start3A_107 = arith.constant 0 : i32
        %dma_start3A_108 = tpu.memref_slice %arg11[%dma_start3A_106, %dma_start3A_107] : memref<2x640xi32, #tpu.memory_space<vmem>> -> memref<1x640xi32, #tpu.memory_space<vmem>>
        %dma_start3A_109 = tpu.memref_squeeze %dma_start3A_108 : memref<1x640xi32, #tpu.memory_space<vmem>> -> memref<640xi32, #tpu.memory_space<vmem>>
        %dma_start3A_110 = arith.constant 0 : i32
        %dma_start3A_111 = arith.constant 0 : i32
        %dma_start3A_112 = tpu.memref_slice %arg2[%dma_start3A_110, %dma_start3A_111] : memref<102400x16xf32, #tpu.memory_space<hbm>> -> memref<102400x16xf32, #tpu.memory_space<hbm>>
        tpu.enqueue_indirect_dma source(%dma_start3A_112 : memref<102400x16xf32, #tpu.memory_space<hbm>>) target(%arg13 : memref<640x16xf32, #tpu.memory_space<vmem>>) offsets(%dma_start3A_109 : memref<640xi32, #tpu.memory_space<vmem>>) semaphore(%arg16 : memref<!tpu.dma_semaphore, #tpu.memory_space<semaphore_mem>>)
        %ge3A_113 = arith.constant 1 : i32
        %ge3A_114 = arith.cmpi sge, %add3A_98, %ge3A_113 : i32
        %convert_element_type3A_115 = arith.extui %ge3A_114 : i1 to i32
        %cond3A_116 = arith.constant 0 : i32
        %cond3A_117 = arith.cmpi ne, %convert_element_type3A_115, %cond3A_116 : i32
        scf.if %cond3A_117 {
          %dma_wait3A_143 = arith.constant 0 : i32
          %dma_wait3A_144 = arith.constant 0 : i32
          %dma_wait3A_145 = tpu.memref_slice %arg12[%dma_wait3A_143, %dma_wait3A_144] : memref<2x640xi32, #tpu.memory_space<vmem>> -> memref<1x640xi32, #tpu.memory_space<vmem>>
          %dma_wait3A_146 = tpu.memref_squeeze %dma_wait3A_145 : memref<1x640xi32, #tpu.memory_space<vmem>> -> memref<640xi32, #tpu.memory_space<vmem>>
          %dma_wait3A_147 = arith.constant 0 : i32
          %dma_wait3A_148 = arith.constant 0 : i32
          %dma_wait3A_149 = tpu.memref_slice %arg2[%dma_wait3A_147, %dma_wait3A_148] : memref<102400x16xf32, #tpu.memory_space<hbm>> -> memref<102400x16xf32, #tpu.memory_space<hbm>>
          tpu.wait_indirect_dma semaphore(%arg17 : memref<!tpu.dma_semaphore, #tpu.memory_space<semaphore_mem>>) src(%dma_wait3A_149 : memref<102400x16xf32, #tpu.memory_space<hbm>>) dst(%arg14 : memref<640x16xf32, #tpu.memory_space<vmem>>)
          %dma_start3A_150 = arith.constant 1 : i32
          %dma_start3A_151 = arith.constant 0 : i32
          %dma_start3A_152 = tpu.memref_slice %arg12[%dma_start3A_150, %dma_start3A_151] : memref<2x640xi32, #tpu.memory_space<vmem>> -> memref<1x640xi32, #tpu.memory_space<vmem>>
          %dma_start3A_153 = tpu.memref_squeeze %dma_start3A_152 : memref<1x640xi32, #tpu.memory_space<vmem>> -> memref<640xi32, #tpu.memory_space<vmem>>
          %dma_start3A_154 = arith.constant 0 : i32
          %dma_start3A_155 = arith.constant 0 : i32
          %dma_start3A_156 = tpu.memref_slice %arg15[%dma_start3A_154, %dma_start3A_155] : memref<102400x16xf32, #tpu.memory_space<vmem_shared>> -> memref<102400x16xf32, #tpu.memory_space<vmem_shared>>
          tpu.enqueue_indirect_dma source(%arg14 : memref<640x16xf32, #tpu.memory_space<vmem>>) target(%dma_start3A_156 : memref<102400x16xf32, #tpu.memory_space<vmem_shared>>) offsets(%dma_start3A_153 : memref<640xi32, #tpu.memory_space<vmem>>) semaphore(%arg19 : memref<!tpu.dma_semaphore, #tpu.memory_space<semaphore_mem>>) {add = true}
        } else {
        }
        %mul3A_118 = arith.constant 2 : i32
        %mul3A_119 = arith.muli %mul3A_118, %scan3A_94 : i32
        %add3A_120 = arith.constant 1 : i32
        %add3A_121 = arith.addi %mul3A_119, %add3A_120 : i32
        %ge3A_122 = arith.constant 2 : i32
        %ge3A_123 = arith.cmpi sge, %add3A_121, %ge3A_122 : i32
        %convert_element_type3A_124 = arith.extui %ge3A_123 : i1 to i32
        %cond3A_125 = arith.constant 0 : i32
        %cond3A_126 = arith.cmpi ne, %convert_element_type3A_124, %cond3A_125 : i32
        scf.if %cond3A_126 {
          %dma_wait3A_143 = arith.constant 1 : i32
          %dma_wait3A_144 = arith.constant 0 : i32
          %dma_wait3A_145 = tpu.memref_slice %arg12[%dma_wait3A_143, %dma_wait3A_144] : memref<2x640xi32, #tpu.memory_space<vmem>> -> memref<1x640xi32, #tpu.memory_space<vmem>>
          %dma_wait3A_146 = tpu.memref_squeeze %dma_wait3A_145 : memref<1x640xi32, #tpu.memory_space<vmem>> -> memref<640xi32, #tpu.memory_space<vmem>>
          %dma_wait3A_147 = arith.constant 0 : i32
          %dma_wait3A_148 = arith.constant 0 : i32
          %dma_wait3A_149 = tpu.memref_slice %arg15[%dma_wait3A_147, %dma_wait3A_148] : memref<102400x16xf32, #tpu.memory_space<vmem_shared>> -> memref<102400x16xf32, #tpu.memory_space<vmem_shared>>
          tpu.wait_indirect_dma semaphore(%arg19 : memref<!tpu.dma_semaphore, #tpu.memory_space<semaphore_mem>>) src(%arg14 : memref<640x16xf32, #tpu.memory_space<vmem>>) dst(%dma_wait3A_149 : memref<102400x16xf32, #tpu.memory_space<vmem_shared>>)
        } else {
        }
        %mul3A_127 = arith.constant 160 : i32
        %mul3A_128 = arith.muli %arg1, %mul3A_127 : i32
        %add3A_129 = arith.addi %mul3A_128, %add3A_121 : i32
        "tpu.region"() ({
          %run_scoped3A = tpu.sem_alloc : memref<!tpu.dma_semaphore, #tpu.memory_space<semaphore_mem>>
          %dma_start3A_143 = arith.constant 0 : i32
          %dma_start3A_144 = arith.constant 0 : i32
          %dma_start3A_145 = tpu.memref_slice %arg6[%add3A_129, %dma_start3A_143, %dma_start3A_144] : memref<2560x2x640xi32, #tpu.memory_space<hbm>> -> memref<1x2x640xi32, #tpu.memory_space<hbm>>
          %dma_start3A_146 = tpu.memref_squeeze %dma_start3A_145 : memref<1x2x640xi32, #tpu.memory_space<hbm>> -> memref<2x640xi32, #tpu.memory_space<hbm>>
          %dma_start3A_147 = arith.constant 0 : i32
          %dma_start3A_148 = arith.constant 0 : i32
          %dma_start3A_149 = tpu.memref_slice %arg6[%add3A_129, %dma_start3A_147, %dma_start3A_148] : memref<2560x2x640xi32, #tpu.memory_space<hbm>> -> memref<1x2x640xi32, #tpu.memory_space<hbm>>
          %dma_start3A_150 = tpu.memref_squeeze %dma_start3A_149 : memref<1x2x640xi32, #tpu.memory_space<hbm>> -> memref<2x640xi32, #tpu.memory_space<hbm>>
          tpu.enqueue_dma source(%dma_start3A_150 : memref<2x640xi32, #tpu.memory_space<hbm>>) target(%arg12 : memref<2x640xi32, #tpu.memory_space<vmem>>) target_semaphore(%run_scoped3A : memref<!tpu.dma_semaphore, #tpu.memory_space<semaphore_mem>>)
          %dma_wait3A_151 = arith.constant 0 : i32
          %dma_wait3A_152 = arith.constant 0 : i32
          %dma_wait3A_153 = tpu.memref_slice %arg6[%add3A_129, %dma_wait3A_151, %dma_wait3A_152] : memref<2560x2x640xi32, #tpu.memory_space<hbm>> -> memref<1x2x640xi32, #tpu.memory_space<hbm>>
          %dma_wait3A_154 = tpu.memref_squeeze %dma_wait3A_153 : memref<1x2x640xi32, #tpu.memory_space<hbm>> -> memref<2x640xi32, #tpu.memory_space<hbm>>
          %dma_wait3A_155 = arith.constant 0 : i32
          %dma_wait3A_156 = arith.constant 0 : i32
          %dma_wait3A_157 = tpu.memref_slice %arg6[%add3A_129, %dma_wait3A_155, %dma_wait3A_156] : memref<2560x2x640xi32, #tpu.memory_space<hbm>> -> memref<1x2x640xi32, #tpu.memory_space<hbm>>
          %dma_wait3A_158 = tpu.memref_squeeze %dma_wait3A_157 : memref<1x2x640xi32, #tpu.memory_space<hbm>> -> memref<2x640xi32, #tpu.memory_space<hbm>>
          tpu.wait_dma2 semaphore(%run_scoped3A : memref<!tpu.dma_semaphore, #tpu.memory_space<semaphore_mem>>) src(%dma_wait3A_158 : memref<2x640xi32, #tpu.memory_space<hbm>>) dst(%arg12 : memref<2x640xi32, #tpu.memory_space<vmem>>)
          tpu.yield
        }) : () -> ()
        %dma_start3A_130 = arith.constant 0 : i32
        %dma_start3A_131 = arith.constant 0 : i32
        %dma_start3A_132 = tpu.memref_slice %arg12[%dma_start3A_130, %dma_start3A_131] : memref<2x640xi32, #tpu.memory_space<vmem>> -> memref<1x640xi32, #tpu.memory_space<vmem>>
        %dma_start3A_133 = tpu.memref_squeeze %dma_start3A_132 : memref<1x640xi32, #tpu.memory_space<vmem>> -> memref<640xi32, #tpu.memory_space<vmem>>
        %dma_start3A_134 = arith.constant 0 : i32
        %dma_start3A_135 = arith.constant 0 : i32
        %dma_start3A_136 = tpu.memref_slice %arg2[%dma_start3A_134, %dma_start3A_135] : memref<102400x16xf32, #tpu.memory_space<hbm>> -> memref<102400x16xf32, #tpu.memory_space<hbm>>
        tpu.enqueue_indirect_dma source(%dma_start3A_136 : memref<102400x16xf32, #tpu.memory_space<hbm>>) target(%arg14 : memref<640x16xf32, #tpu.memory_space<vmem>>) offsets(%dma_start3A_133 : memref<640xi32, #tpu.memory_space<vmem>>) semaphore(%arg17 : memref<!tpu.dma_semaphore, #tpu.memory_space<semaphore_mem>>)
        %ge3A_137 = arith.constant 1 : i32
        %ge3A_138 = arith.cmpi sge, %add3A_121, %ge3A_137 : i32
        %convert_element_type3A_139 = arith.extui %ge3A_138 : i1 to i32
        %cond3A_140 = arith.constant 0 : i32
        %cond3A_141 = arith.cmpi ne, %convert_element_type3A_139, %cond3A_140 : i32
        scf.if %cond3A_141 {
          %dma_wait3A_143 = arith.constant 0 : i32
          %dma_wait3A_144 = arith.constant 0 : i32
          %dma_wait3A_145 = tpu.memref_slice %arg11[%dma_wait3A_143, %dma_wait3A_144] : memref<2x640xi32, #tpu.memory_space<vmem>> -> memref<1x640xi32, #tpu.memory_space<vmem>>
          %dma_wait3A_146 = tpu.memref_squeeze %dma_wait3A_145 : memref<1x640xi32, #tpu.memory_space<vmem>> -> memref<640xi32, #tpu.memory_space<vmem>>
          %dma_wait3A_147 = arith.constant 0 : i32
          %dma_wait3A_148 = arith.constant 0 : i32
          %dma_wait3A_149 = tpu.memref_slice %arg2[%dma_wait3A_147, %dma_wait3A_148] : memref<102400x16xf32, #tpu.memory_space<hbm>> -> memref<102400x16xf32, #tpu.memory_space<hbm>>
          tpu.wait_indirect_dma semaphore(%arg16 : memref<!tpu.dma_semaphore, #tpu.memory_space<semaphore_mem>>) src(%dma_wait3A_149 : memref<102400x16xf32, #tpu.memory_space<hbm>>) dst(%arg13 : memref<640x16xf32, #tpu.memory_space<vmem>>)
          %dma_start3A_150 = arith.constant 1 : i32
          %dma_start3A_151 = arith.constant 0 : i32
          %dma_start3A_152 = tpu.memref_slice %arg11[%dma_start3A_150, %dma_start3A_151] : memref<2x640xi32, #tpu.memory_space<vmem>> -> memref<1x640xi32, #tpu.memory_space<vmem>>
          %dma_start3A_153 = tpu.memref_squeeze %dma_start3A_152 : memref<1x640xi32, #tpu.memory_space<vmem>> -> memref<640xi32, #tpu.memory_space<vmem>>
          %dma_start3A_154 = arith.constant 0 : i32
          %dma_start3A_155 = arith.constant 0 : i32
          %dma_start3A_156 = tpu.memref_slice %arg15[%dma_start3A_154, %dma_start3A_155] : memref<102400x16xf32, #tpu.memory_space<vmem_shared>> -> memref<102400x16xf32, #tpu.memory_space<vmem_shared>>
          tpu.enqueue_indirect_dma source(%arg13 : memref<640x16xf32, #tpu.memory_space<vmem>>) target(%dma_start3A_156 : memref<102400x16xf32, #tpu.memory_space<vmem_shared>>) offsets(%dma_start3A_153 : memref<640xi32, #tpu.memory_space<vmem>>) semaphore(%arg18 : memref<!tpu.dma_semaphore, #tpu.memory_space<semaphore_mem>>) {add = true}
        } else {
        }
        %scan3A_142 = arith.constant 0 : i32
        scf.yield %scan3A_142 : i32
      }
      %scan3A_15 = arith.constant 80 : i32
      %dma_wait3A = arith.constant 0 : i32
      %dma_wait3A_16 = arith.constant 0 : i32
      %dma_wait3A_17 = tpu.memref_slice %arg12[%dma_wait3A, %dma_wait3A_16] : memref<2x640xi32, #tpu.memory_space<vmem>> -> memref<1x640xi32, #tpu.memory_space<vmem>>
      %dma_wait3A_18 = tpu.memref_squeeze %dma_wait3A_17 : memref<1x640xi32, #tpu.memory_space<vmem>> -> memref<640xi32, #tpu.memory_space<vmem>>
      %dma_wait3A_19 = arith.constant 0 : i32
      %dma_wait3A_20 = arith.constant 0 : i32
      %dma_wait3A_21 = tpu.memref_slice %arg2[%dma_wait3A_19, %dma_wait3A_20] : memref<102400x16xf32, #tpu.memory_space<hbm>> -> memref<102400x16xf32, #tpu.memory_space<hbm>>
      tpu.wait_indirect_dma semaphore(%arg17 : memref<!tpu.dma_semaphore, #tpu.memory_space<semaphore_mem>>) src(%dma_wait3A_21 : memref<102400x16xf32, #tpu.memory_space<hbm>>) dst(%arg14 : memref<640x16xf32, #tpu.memory_space<vmem>>)
      %dma_start3A = arith.constant 1 : i32
      %dma_start3A_22 = arith.constant 0 : i32
      %dma_start3A_23 = tpu.memref_slice %arg12[%dma_start3A, %dma_start3A_22] : memref<2x640xi32, #tpu.memory_space<vmem>> -> memref<1x640xi32, #tpu.memory_space<vmem>>
      %dma_start3A_24 = tpu.memref_squeeze %dma_start3A_23 : memref<1x640xi32, #tpu.memory_space<vmem>> -> memref<640xi32, #tpu.memory_space<vmem>>
      %dma_start3A_25 = arith.constant 0 : i32
      %dma_start3A_26 = arith.constant 0 : i32
      %dma_start3A_27 = tpu.memref_slice %arg15[%dma_start3A_25, %dma_start3A_26] : memref<102400x16xf32, #tpu.memory_space<vmem_shared>> -> memref<102400x16xf32, #tpu.memory_space<vmem_shared>>
      tpu.enqueue_indirect_dma source(%arg14 : memref<640x16xf32, #tpu.memory_space<vmem>>) target(%dma_start3A_27 : memref<102400x16xf32, #tpu.memory_space<vmem_shared>>) offsets(%dma_start3A_24 : memref<640xi32, #tpu.memory_space<vmem>>) semaphore(%arg19 : memref<!tpu.dma_semaphore, #tpu.memory_space<semaphore_mem>>) {add = true}
      %dma_wait3A_28 = arith.constant 1 : i32
      %dma_wait3A_29 = arith.constant 0 : i32
      %dma_wait3A_30 = tpu.memref_slice %arg11[%dma_wait3A_28, %dma_wait3A_29] : memref<2x640xi32, #tpu.memory_space<vmem>> -> memref<1x640xi32, #tpu.memory_space<vmem>>
      %dma_wait3A_31 = tpu.memref_squeeze %dma_wait3A_30 : memref<1x640xi32, #tpu.memory_space<vmem>> -> memref<640xi32, #tpu.memory_space<vmem>>
      %dma_wait3A_32 = arith.constant 0 : i32
      %dma_wait3A_33 = arith.constant 0 : i32
      %dma_wait3A_34 = tpu.memref_slice %arg15[%dma_wait3A_32, %dma_wait3A_33] : memref<102400x16xf32, #tpu.memory_space<vmem_shared>> -> memref<102400x16xf32, #tpu.memory_space<vmem_shared>>
      tpu.wait_indirect_dma semaphore(%arg18 : memref<!tpu.dma_semaphore, #tpu.memory_space<semaphore_mem>>) src(%arg13 : memref<640x16xf32, #tpu.memory_space<vmem>>) dst(%dma_wait3A_34 : memref<102400x16xf32, #tpu.memory_space<vmem_shared>>)
      %dma_wait3A_35 = arith.constant 1 : i32
      %dma_wait3A_36 = arith.constant 0 : i32
      %dma_wait3A_37 = tpu.memref_slice %arg12[%dma_wait3A_35, %dma_wait3A_36] : memref<2x640xi32, #tpu.memory_space<vmem>> -> memref<1x640xi32, #tpu.memory_space<vmem>>
      %dma_wait3A_38 = tpu.memref_squeeze %dma_wait3A_37 : memref<1x640xi32, #tpu.memory_space<vmem>> -> memref<640xi32, #tpu.memory_space<vmem>>
      %dma_wait3A_39 = arith.constant 0 : i32
      %dma_wait3A_40 = arith.constant 0 : i32
      %dma_wait3A_41 = tpu.memref_slice %arg15[%dma_wait3A_39, %dma_wait3A_40] : memref<102400x16xf32, #tpu.memory_space<vmem_shared>> -> memref<102400x16xf32, #tpu.memory_space<vmem_shared>>
      tpu.wait_indirect_dma semaphore(%arg19 : memref<!tpu.dma_semaphore, #tpu.memory_space<semaphore_mem>>) src(%arg14 : memref<640x16xf32, #tpu.memory_space<vmem>>) dst(%dma_wait3A_41 : memref<102400x16xf32, #tpu.memory_space<vmem_shared>>)
      %barrier3A_42 = arith.constant 0 : index
      tpu.barrier barrier_id(%barrier3A_42)
      %mul3A_43 = arith.constant 6400 : i32
      %mul3A_44 = arith.muli %arg1, %mul3A_43 : i32
      %mul3A_45 = arith.constant 6400 : i32
      %mul3A_46 = arith.muli %arg1, %mul3A_45 : i32
      "tpu.region"() ({
        %run_scoped3A = tpu.sem_alloc : memref<!tpu.dma_semaphore, #tpu.memory_space<semaphore_mem>>
        %dma_start3A_94 = arith.constant 0 : i32
        %dma_start3A_95 = tpu.memref_slice %arg7[%mul3A_46, %dma_start3A_94] : memref<102400x16xf32, #tpu.memory_space<hbm>> -> memref<6400x16xf32, #tpu.memory_space<hbm>>
        %dma_start3A_96 = arith.constant 0 : i32
        %dma_start3A_97 = tpu.memref_slice %arg15[%mul3A_44, %dma_start3A_96] : memref<102400x16xf32, #tpu.memory_space<vmem_shared>> -> memref<6400x16xf32, #tpu.memory_space<vmem_shared>>
        tpu.enqueue_dma source(%dma_start3A_97 : memref<6400x16xf32, #tpu.memory_space<vmem_shared>>) target(%dma_start3A_95 : memref<6400x16xf32, #tpu.memory_space<hbm>>) target_semaphore(%run_scoped3A : memref<!tpu.dma_semaphore, #tpu.memory_space<semaphore_mem>>)
        %dma_wait3A_98 = arith.constant 0 : i32
        %dma_wait3A_99 = tpu.memref_slice %arg7[%mul3A_46, %dma_wait3A_98] : memref<102400x16xf32, #tpu.memory_space<hbm>> -> memref<6400x16xf32, #tpu.memory_space<hbm>>
        %dma_wait3A_100 = arith.constant 0 : i32
        %dma_wait3A_101 = tpu.memref_slice %arg15[%mul3A_44, %dma_wait3A_100] : memref<102400x16xf32, #tpu.memory_space<vmem_shared>> -> memref<6400x16xf32, #tpu.memory_space<vmem_shared>>
        tpu.wait_dma2 semaphore(%run_scoped3A : memref<!tpu.dma_semaphore, #tpu.memory_space<semaphore_mem>>) src(%dma_wait3A_101 : memref<6400x16xf32, #tpu.memory_space<vmem_shared>>) dst(%dma_wait3A_99 : memref<6400x16xf32, #tpu.memory_space<hbm>>)
        tpu.yield
      }) : () -> ()
      %barrier3A_47 = arith.constant 0 : index
      tpu.barrier barrier_id(%barrier3A_47)
      %mul3A_48 = arith.constant 6400 : i32
      %mul3A_49 = arith.muli %arg1, %mul3A_48 : i32
      %mul3A_50 = arith.constant 6400 : i32
      %mul3A_51 = arith.muli %arg1, %mul3A_50 : i32
      "tpu.region"() ({
        %run_scoped3A = tpu.sem_alloc : memref<!tpu.dma_semaphore, #tpu.memory_space<semaphore_mem>>
        %dma_start3A_94 = arith.constant 0 : i32
        %dma_start3A_95 = tpu.memref_slice %arg15[%mul3A_51, %dma_start3A_94] : memref<102400x16xf32, #tpu.memory_space<vmem_shared>> -> memref<6400x16xf32, #tpu.memory_space<vmem_shared>>
        %dma_start3A_96 = arith.constant 0 : i32
        %dma_start3A_97 = tpu.memref_slice %arg3[%mul3A_49, %dma_start3A_96] : memref<102400x16xf32, #tpu.memory_space<hbm>> -> memref<6400x16xf32, #tpu.memory_space<hbm>>
        tpu.enqueue_dma source(%dma_start3A_97 : memref<6400x16xf32, #tpu.memory_space<hbm>>) target(%dma_start3A_95 : memref<6400x16xf32, #tpu.memory_space<vmem_shared>>) target_semaphore(%run_scoped3A : memref<!tpu.dma_semaphore, #tpu.memory_space<semaphore_mem>>)
        %dma_wait3A_98 = arith.constant 0 : i32
        %dma_wait3A_99 = tpu.memref_slice %arg15[%mul3A_51, %dma_wait3A_98] : memref<102400x16xf32, #tpu.memory_space<vmem_shared>> -> memref<6400x16xf32, #tpu.memory_space<vmem_shared>>
        %dma_wait3A_100 = arith.constant 0 : i32
        %dma_wait3A_101 = tpu.memref_slice %arg3[%mul3A_49, %dma_wait3A_100] : memref<102400x16xf32, #tpu.memory_space<hbm>> -> memref<6400x16xf32, #tpu.memory_space<hbm>>
        tpu.wait_dma2 semaphore(%run_scoped3A : memref<!tpu.dma_semaphore, #tpu.memory_space<semaphore_mem>>) src(%dma_wait3A_101 : memref<6400x16xf32, #tpu.memory_space<hbm>>) dst(%dma_wait3A_99 : memref<6400x16xf32, #tpu.memory_space<vmem_shared>>)
        tpu.yield
      }) : () -> ()
      %barrier3A_52 = arith.constant 0 : index
      tpu.barrier barrier_id(%barrier3A_52)
      %scan3A_53 = arith.constant 0 : i32
      %scan3A_54 = arith.constant 0 : i32
      %scan3A_55 = arith.constant 80 : i32
      %scan3A_56 = arith.addi %scan3A_54, %scan3A_55 : i32
      %scan3A_57 = arith.constant 1 : i32
      %scan3A_58 = scf.for %scan3A_94 = %scan3A_54 to %scan3A_56 step %scan3A_57 iter_args(%scan3A_95 = %scan3A_53) -> (i32)  : i32 {
        %mul3A_96 = arith.constant 2 : i32
        %mul3A_97 = arith.muli %mul3A_96, %scan3A_94 : i32
        %add3A = arith.constant 0 : i32
        %add3A_98 = arith.addi %mul3A_97, %add3A : i32
        %ge3A = arith.constant 2 : i32
        %ge3A_99 = arith.cmpi sge, %add3A_98, %ge3A : i32
        %convert_element_type3A_100 = arith.extui %ge3A_99 : i1 to i32
        %cond3A_101 = arith.constant 0 : i32
        %cond3A_102 = arith.cmpi ne, %convert_element_type3A_100, %cond3A_101 : i32
        scf.if %cond3A_102 {
          %dma_wait3A_143 = arith.constant 1 : i32
          %dma_wait3A_144 = arith.constant 0 : i32
          %dma_wait3A_145 = tpu.memref_slice %arg11[%dma_wait3A_143, %dma_wait3A_144] : memref<2x640xi32, #tpu.memory_space<vmem>> -> memref<1x640xi32, #tpu.memory_space<vmem>>
          %dma_wait3A_146 = tpu.memref_squeeze %dma_wait3A_145 : memref<1x640xi32, #tpu.memory_space<vmem>> -> memref<640xi32, #tpu.memory_space<vmem>>
          %dma_wait3A_147 = arith.constant 0 : i32
          %dma_wait3A_148 = arith.constant 0 : i32
          %dma_wait3A_149 = tpu.memref_slice %arg15[%dma_wait3A_147, %dma_wait3A_148] : memref<102400x16xf32, #tpu.memory_space<vmem_shared>> -> memref<102400x16xf32, #tpu.memory_space<vmem_shared>>
          tpu.wait_indirect_dma semaphore(%arg18 : memref<!tpu.dma_semaphore, #tpu.memory_space<semaphore_mem>>) src(%arg13 : memref<640x16xf32, #tpu.memory_space<vmem>>) dst(%dma_wait3A_149 : memref<102400x16xf32, #tpu.memory_space<vmem_shared>>)
        } else {
        }
        %mul3A_103 = arith.constant 160 : i32
        %mul3A_104 = arith.muli %arg1, %mul3A_103 : i32
        %add3A_105 = arith.addi %mul3A_104, %add3A_98 : i32
        "tpu.region"() ({
          %run_scoped3A = tpu.sem_alloc : memref<!tpu.dma_semaphore, #tpu.memory_space<semaphore_mem>>
          %dma_start3A_143 = arith.constant 0 : i32
          %dma_start3A_144 = arith.constant 0 : i32
          %dma_start3A_145 = tpu.memref_slice %arg6[%add3A_105, %dma_start3A_143, %dma_start3A_144] : memref<2560x2x640xi32, #tpu.memory_space<hbm>> -> memref<1x2x640xi32, #tpu.memory_space<hbm>>
          %dma_start3A_146 = tpu.memref_squeeze %dma_start3A_145 : memref<1x2x640xi32, #tpu.memory_space<hbm>> -> memref<2x640xi32, #tpu.memory_space<hbm>>
          %dma_start3A_147 = arith.constant 0 : i32
          %dma_start3A_148 = arith.constant 0 : i32
          %dma_start3A_149 = tpu.memref_slice %arg6[%add3A_105, %dma_start3A_147, %dma_start3A_148] : memref<2560x2x640xi32, #tpu.memory_space<hbm>> -> memref<1x2x640xi32, #tpu.memory_space<hbm>>
          %dma_start3A_150 = tpu.memref_squeeze %dma_start3A_149 : memref<1x2x640xi32, #tpu.memory_space<hbm>> -> memref<2x640xi32, #tpu.memory_space<hbm>>
          tpu.enqueue_dma source(%dma_start3A_150 : memref<2x640xi32, #tpu.memory_space<hbm>>) target(%arg11 : memref<2x640xi32, #tpu.memory_space<vmem>>) target_semaphore(%run_scoped3A : memref<!tpu.dma_semaphore, #tpu.memory_space<semaphore_mem>>)
          %dma_wait3A_151 = arith.constant 0 : i32
          %dma_wait3A_152 = arith.constant 0 : i32
          %dma_wait3A_153 = tpu.memref_slice %arg6[%add3A_105, %dma_wait3A_151, %dma_wait3A_152] : memref<2560x2x640xi32, #tpu.memory_space<hbm>> -> memref<1x2x640xi32, #tpu.memory_space<hbm>>
          %dma_wait3A_154 = tpu.memref_squeeze %dma_wait3A_153 : memref<1x2x640xi32, #tpu.memory_space<hbm>> -> memref<2x640xi32, #tpu.memory_space<hbm>>
          %dma_wait3A_155 = arith.constant 0 : i32
          %dma_wait3A_156 = arith.constant 0 : i32
          %dma_wait3A_157 = tpu.memref_slice %arg6[%add3A_105, %dma_wait3A_155, %dma_wait3A_156] : memref<2560x2x640xi32, #tpu.memory_space<hbm>> -> memref<1x2x640xi32, #tpu.memory_space<hbm>>
          %dma_wait3A_158 = tpu.memref_squeeze %dma_wait3A_157 : memref<1x2x640xi32, #tpu.memory_space<hbm>> -> memref<2x640xi32, #tpu.memory_space<hbm>>
          tpu.wait_dma2 semaphore(%run_scoped3A : memref<!tpu.dma_semaphore, #tpu.memory_space<semaphore_mem>>) src(%dma_wait3A_158 : memref<2x640xi32, #tpu.memory_space<hbm>>) dst(%arg11 : memref<2x640xi32, #tpu.memory_space<vmem>>)
          tpu.yield
        }) : () -> ()
        %dma_start3A_106 = arith.constant 0 : i32
        %dma_start3A_107 = arith.constant 0 : i32
        %dma_start3A_108 = tpu.memref_slice %arg11[%dma_start3A_106, %dma_start3A_107] : memref<2x640xi32, #tpu.memory_space<vmem>> -> memref<1x640xi32, #tpu.memory_space<vmem>>
        %dma_start3A_109 = tpu.memref_squeeze %dma_start3A_108 : memref<1x640xi32, #tpu.memory_space<vmem>> -> memref<640xi32, #tpu.memory_space<vmem>>
        %dma_start3A_110 = arith.constant 0 : i32
        %dma_start3A_111 = arith.constant 0 : i32
        %dma_start3A_112 = tpu.memref_slice %arg3[%dma_start3A_110, %dma_start3A_111] : memref<102400x16xf32, #tpu.memory_space<hbm>> -> memref<102400x16xf32, #tpu.memory_space<hbm>>
        tpu.enqueue_indirect_dma source(%dma_start3A_112 : memref<102400x16xf32, #tpu.memory_space<hbm>>) target(%arg13 : memref<640x16xf32, #tpu.memory_space<vmem>>) offsets(%dma_start3A_109 : memref<640xi32, #tpu.memory_space<vmem>>) semaphore(%arg16 : memref<!tpu.dma_semaphore, #tpu.memory_space<semaphore_mem>>)
        %ge3A_113 = arith.constant 1 : i32
        %ge3A_114 = arith.cmpi sge, %add3A_98, %ge3A_113 : i32
        %convert_element_type3A_115 = arith.extui %ge3A_114 : i1 to i32
        %cond3A_116 = arith.constant 0 : i32
        %cond3A_117 = arith.cmpi ne, %convert_element_type3A_115, %cond3A_116 : i32
        scf.if %cond3A_117 {
          %dma_wait3A_143 = arith.constant 0 : i32
          %dma_wait3A_144 = arith.constant 0 : i32
          %dma_wait3A_145 = tpu.memref_slice %arg12[%dma_wait3A_143, %dma_wait3A_144] : memref<2x640xi32, #tpu.memory_space<vmem>> -> memref<1x640xi32, #tpu.memory_space<vmem>>
          %dma_wait3A_146 = tpu.memref_squeeze %dma_wait3A_145 : memref<1x640xi32, #tpu.memory_space<vmem>> -> memref<640xi32, #tpu.memory_space<vmem>>
          %dma_wait3A_147 = arith.constant 0 : i32
          %dma_wait3A_148 = arith.constant 0 : i32
          %dma_wait3A_149 = tpu.memref_slice %arg3[%dma_wait3A_147, %dma_wait3A_148] : memref<102400x16xf32, #tpu.memory_space<hbm>> -> memref<102400x16xf32, #tpu.memory_space<hbm>>
          tpu.wait_indirect_dma semaphore(%arg17 : memref<!tpu.dma_semaphore, #tpu.memory_space<semaphore_mem>>) src(%dma_wait3A_149 : memref<102400x16xf32, #tpu.memory_space<hbm>>) dst(%arg14 : memref<640x16xf32, #tpu.memory_space<vmem>>)
          %dma_start3A_150 = arith.constant 1 : i32
          %dma_start3A_151 = arith.constant 0 : i32
          %dma_start3A_152 = tpu.memref_slice %arg12[%dma_start3A_150, %dma_start3A_151] : memref<2x640xi32, #tpu.memory_space<vmem>> -> memref<1x640xi32, #tpu.memory_space<vmem>>
          %dma_start3A_153 = tpu.memref_squeeze %dma_start3A_152 : memref<1x640xi32, #tpu.memory_space<vmem>> -> memref<640xi32, #tpu.memory_space<vmem>>
          %dma_start3A_154 = arith.constant 0 : i32
          %dma_start3A_155 = arith.constant 0 : i32
          %dma_start3A_156 = tpu.memref_slice %arg15[%dma_start3A_154, %dma_start3A_155] : memref<102400x16xf32, #tpu.memory_space<vmem_shared>> -> memref<102400x16xf32, #tpu.memory_space<vmem_shared>>
          tpu.enqueue_indirect_dma source(%arg14 : memref<640x16xf32, #tpu.memory_space<vmem>>) target(%dma_start3A_156 : memref<102400x16xf32, #tpu.memory_space<vmem_shared>>) offsets(%dma_start3A_153 : memref<640xi32, #tpu.memory_space<vmem>>) semaphore(%arg19 : memref<!tpu.dma_semaphore, #tpu.memory_space<semaphore_mem>>) {add = true}
        } else {
        }
        %mul3A_118 = arith.constant 2 : i32
        %mul3A_119 = arith.muli %mul3A_118, %scan3A_94 : i32
        %add3A_120 = arith.constant 1 : i32
        %add3A_121 = arith.addi %mul3A_119, %add3A_120 : i32
        %ge3A_122 = arith.constant 2 : i32
        %ge3A_123 = arith.cmpi sge, %add3A_121, %ge3A_122 : i32
        %convert_element_type3A_124 = arith.extui %ge3A_123 : i1 to i32
        %cond3A_125 = arith.constant 0 : i32
        %cond3A_126 = arith.cmpi ne, %convert_element_type3A_124, %cond3A_125 : i32
        scf.if %cond3A_126 {
          %dma_wait3A_143 = arith.constant 1 : i32
          %dma_wait3A_144 = arith.constant 0 : i32
          %dma_wait3A_145 = tpu.memref_slice %arg12[%dma_wait3A_143, %dma_wait3A_144] : memref<2x640xi32, #tpu.memory_space<vmem>> -> memref<1x640xi32, #tpu.memory_space<vmem>>
          %dma_wait3A_146 = tpu.memref_squeeze %dma_wait3A_145 : memref<1x640xi32, #tpu.memory_space<vmem>> -> memref<640xi32, #tpu.memory_space<vmem>>
          %dma_wait3A_147 = arith.constant 0 : i32
          %dma_wait3A_148 = arith.constant 0 : i32
          %dma_wait3A_149 = tpu.memref_slice %arg15[%dma_wait3A_147, %dma_wait3A_148] : memref<102400x16xf32, #tpu.memory_space<vmem_shared>> -> memref<102400x16xf32, #tpu.memory_space<vmem_shared>>
          tpu.wait_indirect_dma semaphore(%arg19 : memref<!tpu.dma_semaphore, #tpu.memory_space<semaphore_mem>>) src(%arg14 : memref<640x16xf32, #tpu.memory_space<vmem>>) dst(%dma_wait3A_149 : memref<102400x16xf32, #tpu.memory_space<vmem_shared>>)
        } else {
        }
        %mul3A_127 = arith.constant 160 : i32
        %mul3A_128 = arith.muli %arg1, %mul3A_127 : i32
        %add3A_129 = arith.addi %mul3A_128, %add3A_121 : i32
        "tpu.region"() ({
          %run_scoped3A = tpu.sem_alloc : memref<!tpu.dma_semaphore, #tpu.memory_space<semaphore_mem>>
          %dma_start3A_143 = arith.constant 0 : i32
          %dma_start3A_144 = arith.constant 0 : i32
          %dma_start3A_145 = tpu.memref_slice %arg6[%add3A_129, %dma_start3A_143, %dma_start3A_144] : memref<2560x2x640xi32, #tpu.memory_space<hbm>> -> memref<1x2x640xi32, #tpu.memory_space<hbm>>
          %dma_start3A_146 = tpu.memref_squeeze %dma_start3A_145 : memref<1x2x640xi32, #tpu.memory_space<hbm>> -> memref<2x640xi32, #tpu.memory_space<hbm>>
          %dma_start3A_147 = arith.constant 0 : i32
          %dma_start3A_148 = arith.constant 0 : i32
          %dma_start3A_149 = tpu.memref_slice %arg6[%add3A_129, %dma_start3A_147, %dma_start3A_148] : memref<2560x2x640xi32, #tpu.memory_space<hbm>> -> memref<1x2x640xi32, #tpu.memory_space<hbm>>
          %dma_start3A_150 = tpu.memref_squeeze %dma_start3A_149 : memref<1x2x640xi32, #tpu.memory_space<hbm>> -> memref<2x640xi32, #tpu.memory_space<hbm>>
          tpu.enqueue_dma source(%dma_start3A_150 : memref<2x640xi32, #tpu.memory_space<hbm>>) target(%arg12 : memref<2x640xi32, #tpu.memory_space<vmem>>) target_semaphore(%run_scoped3A : memref<!tpu.dma_semaphore, #tpu.memory_space<semaphore_mem>>)
          %dma_wait3A_151 = arith.constant 0 : i32
          %dma_wait3A_152 = arith.constant 0 : i32
          %dma_wait3A_153 = tpu.memref_slice %arg6[%add3A_129, %dma_wait3A_151, %dma_wait3A_152] : memref<2560x2x640xi32, #tpu.memory_space<hbm>> -> memref<1x2x640xi32, #tpu.memory_space<hbm>>
          %dma_wait3A_154 = tpu.memref_squeeze %dma_wait3A_153 : memref<1x2x640xi32, #tpu.memory_space<hbm>> -> memref<2x640xi32, #tpu.memory_space<hbm>>
          %dma_wait3A_155 = arith.constant 0 : i32
          %dma_wait3A_156 = arith.constant 0 : i32
          %dma_wait3A_157 = tpu.memref_slice %arg6[%add3A_129, %dma_wait3A_155, %dma_wait3A_156] : memref<2560x2x640xi32, #tpu.memory_space<hbm>> -> memref<1x2x640xi32, #tpu.memory_space<hbm>>
          %dma_wait3A_158 = tpu.memref_squeeze %dma_wait3A_157 : memref<1x2x640xi32, #tpu.memory_space<hbm>> -> memref<2x640xi32, #tpu.memory_space<hbm>>
          tpu.wait_dma2 semaphore(%run_scoped3A : memref<!tpu.dma_semaphore, #tpu.memory_space<semaphore_mem>>) src(%dma_wait3A_158 : memref<2x640xi32, #tpu.memory_space<hbm>>) dst(%arg12 : memref<2x640xi32, #tpu.memory_space<vmem>>)
          tpu.yield
        }) : () -> ()
        %dma_start3A_130 = arith.constant 0 : i32
        %dma_start3A_131 = arith.constant 0 : i32
        %dma_start3A_132 = tpu.memref_slice %arg12[%dma_start3A_130, %dma_start3A_131] : memref<2x640xi32, #tpu.memory_space<vmem>> -> memref<1x640xi32, #tpu.memory_space<vmem>>
        %dma_start3A_133 = tpu.memref_squeeze %dma_start3A_132 : memref<1x640xi32, #tpu.memory_space<vmem>> -> memref<640xi32, #tpu.memory_space<vmem>>
        %dma_start3A_134 = arith.constant 0 : i32
        %dma_start3A_135 = arith.constant 0 : i32
        %dma_start3A_136 = tpu.memref_slice %arg3[%dma_start3A_134, %dma_start3A_135] : memref<102400x16xf32, #tpu.memory_space<hbm>> -> memref<102400x16xf32, #tpu.memory_space<hbm>>
        tpu.enqueue_indirect_dma source(%dma_start3A_136 : memref<102400x16xf32, #tpu.memory_space<hbm>>) target(%arg14 : memref<640x16xf32, #tpu.memory_space<vmem>>) offsets(%dma_start3A_133 : memref<640xi32, #tpu.memory_space<vmem>>) semaphore(%arg17 : memref<!tpu.dma_semaphore, #tpu.memory_space<semaphore_mem>>)
        %ge3A_137 = arith.constant 1 : i32
        %ge3A_138 = arith.cmpi sge, %add3A_121, %ge3A_137 : i32
        %convert_element_type3A_139 = arith.extui %ge3A_138 : i1 to i32
        %cond3A_140 = arith.constant 0 : i32
        %cond3A_141 = arith.cmpi ne, %convert_element_type3A_139, %cond3A_140 : i32
        scf.if %cond3A_141 {
          %dma_wait3A_143 = arith.constant 0 : i32
          %dma_wait3A_144 = arith.constant 0 : i32
          %dma_wait3A_145 = tpu.memref_slice %arg11[%dma_wait3A_143, %dma_wait3A_144] : memref<2x640xi32, #tpu.memory_space<vmem>> -> memref<1x640xi32, #tpu.memory_space<vmem>>
          %dma_wait3A_146 = tpu.memref_squeeze %dma_wait3A_145 : memref<1x640xi32, #tpu.memory_space<vmem>> -> memref<640xi32, #tpu.memory_space<vmem>>
          %dma_wait3A_147 = arith.constant 0 : i32
          %dma_wait3A_148 = arith.constant 0 : i32
          %dma_wait3A_149 = tpu.memref_slice %arg3[%dma_wait3A_147, %dma_wait3A_148] : memref<102400x16xf32, #tpu.memory_space<hbm>> -> memref<102400x16xf32, #tpu.memory_space<hbm>>
          tpu.wait_indirect_dma semaphore(%arg16 : memref<!tpu.dma_semaphore, #tpu.memory_space<semaphore_mem>>) src(%dma_wait3A_149 : memref<102400x16xf32, #tpu.memory_space<hbm>>) dst(%arg13 : memref<640x16xf32, #tpu.memory_space<vmem>>)
          %dma_start3A_150 = arith.constant 1 : i32
          %dma_start3A_151 = arith.constant 0 : i32
          %dma_start3A_152 = tpu.memref_slice %arg11[%dma_start3A_150, %dma_start3A_151] : memref<2x640xi32, #tpu.memory_space<vmem>> -> memref<1x640xi32, #tpu.memory_space<vmem>>
          %dma_start3A_153 = tpu.memref_squeeze %dma_start3A_152 : memref<1x640xi32, #tpu.memory_space<vmem>> -> memref<640xi32, #tpu.memory_space<vmem>>
          %dma_start3A_154 = arith.constant 0 : i32
          %dma_start3A_155 = arith.constant 0 : i32
          %dma_start3A_156 = tpu.memref_slice %arg15[%dma_start3A_154, %dma_start3A_155] : memref<102400x16xf32, #tpu.memory_space<vmem_shared>> -> memref<102400x16xf32, #tpu.memory_space<vmem_shared>>
          tpu.enqueue_indirect_dma source(%arg13 : memref<640x16xf32, #tpu.memory_space<vmem>>) target(%dma_start3A_156 : memref<102400x16xf32, #tpu.memory_space<vmem_shared>>) offsets(%dma_start3A_153 : memref<640xi32, #tpu.memory_space<vmem>>) semaphore(%arg18 : memref<!tpu.dma_semaphore, #tpu.memory_space<semaphore_mem>>) {add = true}
        } else {
        }
        %scan3A_142 = arith.constant 0 : i32
        scf.yield %scan3A_142 : i32
      }
      %scan3A_59 = arith.constant 80 : i32
      %dma_wait3A_60 = arith.constant 0 : i32
      %dma_wait3A_61 = arith.constant 0 : i32
      %dma_wait3A_62 = tpu.memref_slice %arg12[%dma_wait3A_60, %dma_wait3A_61] : memref<2x640xi32, #tpu.memory_space<vmem>> -> memref<1x640xi32, #tpu.memory_space<vmem>>
      %dma_wait3A_63 = tpu.memref_squeeze %dma_wait3A_62 : memref<1x640xi32, #tpu.memory_space<vmem>> -> memref<640xi32, #tpu.memory_space<vmem>>
      %dma_wait3A_64 = arith.constant 0 : i32
      %dma_wait3A_65 = arith.constant 0 : i32
      %dma_wait3A_66 = tpu.memref_slice %arg3[%dma_wait3A_64, %dma_wait3A_65] : memref<102400x16xf32, #tpu.memory_space<hbm>> -> memref<102400x16xf32, #tpu.memory_space<hbm>>
      tpu.wait_indirect_dma semaphore(%arg17 : memref<!tpu.dma_semaphore, #tpu.memory_space<semaphore_mem>>) src(%dma_wait3A_66 : memref<102400x16xf32, #tpu.memory_space<hbm>>) dst(%arg14 : memref<640x16xf32, #tpu.memory_space<vmem>>)
      %dma_start3A_67 = arith.constant 1 : i32
      %dma_start3A_68 = arith.constant 0 : i32
      %dma_start3A_69 = tpu.memref_slice %arg12[%dma_start3A_67, %dma_start3A_68] : memref<2x640xi32, #tpu.memory_space<vmem>> -> memref<1x640xi32, #tpu.memory_space<vmem>>
      %dma_start3A_70 = tpu.memref_squeeze %dma_start3A_69 : memref<1x640xi32, #tpu.memory_space<vmem>> -> memref<640xi32, #tpu.memory_space<vmem>>
      %dma_start3A_71 = arith.constant 0 : i32
      %dma_start3A_72 = arith.constant 0 : i32
      %dma_start3A_73 = tpu.memref_slice %arg15[%dma_start3A_71, %dma_start3A_72] : memref<102400x16xf32, #tpu.memory_space<vmem_shared>> -> memref<102400x16xf32, #tpu.memory_space<vmem_shared>>
      tpu.enqueue_indirect_dma source(%arg14 : memref<640x16xf32, #tpu.memory_space<vmem>>) target(%dma_start3A_73 : memref<102400x16xf32, #tpu.memory_space<vmem_shared>>) offsets(%dma_start3A_70 : memref<640xi32, #tpu.memory_space<vmem>>) semaphore(%arg19 : memref<!tpu.dma_semaphore, #tpu.memory_space<semaphore_mem>>) {add = true}
      %dma_wait3A_74 = arith.constant 1 : i32
      %dma_wait3A_75 = arith.constant 0 : i32
      %dma_wait3A_76 = tpu.memref_slice %arg11[%dma_wait3A_74, %dma_wait3A_75] : memref<2x640xi32, #tpu.memory_space<vmem>> -> memref<1x640xi32, #tpu.memory_space<vmem>>
      %dma_wait3A_77 = tpu.memref_squeeze %dma_wait3A_76 : memref<1x640xi32, #tpu.memory_space<vmem>> -> memref<640xi32, #tpu.memory_space<vmem>>
      %dma_wait3A_78 = arith.constant 0 : i32
      %dma_wait3A_79 = arith.constant 0 : i32
      %dma_wait3A_80 = tpu.memref_slice %arg15[%dma_wait3A_78, %dma_wait3A_79] : memref<102400x16xf32, #tpu.memory_space<vmem_shared>> -> memref<102400x16xf32, #tpu.memory_space<vmem_shared>>
      tpu.wait_indirect_dma semaphore(%arg18 : memref<!tpu.dma_semaphore, #tpu.memory_space<semaphore_mem>>) src(%arg13 : memref<640x16xf32, #tpu.memory_space<vmem>>) dst(%dma_wait3A_80 : memref<102400x16xf32, #tpu.memory_space<vmem_shared>>)
      %dma_wait3A_81 = arith.constant 1 : i32
      %dma_wait3A_82 = arith.constant 0 : i32
      %dma_wait3A_83 = tpu.memref_slice %arg12[%dma_wait3A_81, %dma_wait3A_82] : memref<2x640xi32, #tpu.memory_space<vmem>> -> memref<1x640xi32, #tpu.memory_space<vmem>>
      %dma_wait3A_84 = tpu.memref_squeeze %dma_wait3A_83 : memref<1x640xi32, #tpu.memory_space<vmem>> -> memref<640xi32, #tpu.memory_space<vmem>>
      %dma_wait3A_85 = arith.constant 0 : i32
      %dma_wait3A_86 = arith.constant 0 : i32
      %dma_wait3A_87 = tpu.memref_slice %arg15[%dma_wait3A_85, %dma_wait3A_86] : memref<102400x16xf32, #tpu.memory_space<vmem_shared>> -> memref<102400x16xf32, #tpu.memory_space<vmem_shared>>
      tpu.wait_indirect_dma semaphore(%arg19 : memref<!tpu.dma_semaphore, #tpu.memory_space<semaphore_mem>>) src(%arg14 : memref<640x16xf32, #tpu.memory_space<vmem>>) dst(%dma_wait3A_87 : memref<102400x16xf32, #tpu.memory_space<vmem_shared>>)
      %barrier3A_88 = arith.constant 0 : index
      tpu.barrier barrier_id(%barrier3A_88)
      %mul3A_89 = arith.constant 6400 : i32
      %mul3A_90 = arith.muli %arg1, %mul3A_89 : i32
      %mul3A_91 = arith.constant 6400 : i32
      %mul3A_92 = arith.muli %arg1, %mul3A_91 : i32
      "tpu.region"() ({
        %run_scoped3A = tpu.sem_alloc : memref<!tpu.dma_semaphore, #tpu.memory_space<semaphore_mem>>
        %dma_start3A_94 = arith.constant 0 : i32
        %dma_start3A_95 = tpu.memref_slice %arg8[%mul3A_92, %dma_start3A_94] : memref<102400x16xf32, #tpu.memory_space<hbm>> -> memref<6400x16xf32, #tpu.memory_space<hbm>>
        %dma_start3A_96 = arith.constant 0 : i32
        %dma_start3A_97 = tpu.memref_slice %arg15[%mul3A_90, %dma_start3A_96] : memref<102400x16xf32, #tpu.memory_space<vmem_shared>> -> memref<6400x16xf32, #tpu.memory_space<vmem_shared>>
        tpu.enqueue_dma source(%dma_start3A_97 : memref<6400x16xf32, #tpu.memory_space<vmem_shared>>) target(%dma_start3A_95 : memref<6400x16xf32, #tpu.memory_space<hbm>>) target_semaphore(%run_scoped3A : memref<!tpu.dma_semaphore, #tpu.memory_space<semaphore_mem>>)
        %dma_wait3A_98 = arith.constant 0 : i32
        %dma_wait3A_99 = tpu.memref_slice %arg8[%mul3A_92, %dma_wait3A_98] : memref<102400x16xf32, #tpu.memory_space<hbm>> -> memref<6400x16xf32, #tpu.memory_space<hbm>>
        %dma_wait3A_100 = arith.constant 0 : i32
        %dma_wait3A_101 = tpu.memref_slice %arg15[%mul3A_90, %dma_wait3A_100] : memref<102400x16xf32, #tpu.memory_space<vmem_shared>> -> memref<6400x16xf32, #tpu.memory_space<vmem_shared>>
        tpu.wait_dma2 semaphore(%run_scoped3A : memref<!tpu.dma_semaphore, #tpu.memory_space<semaphore_mem>>) src(%dma_wait3A_101 : memref<6400x16xf32, #tpu.memory_space<vmem_shared>>) dst(%dma_wait3A_99 : memref<6400x16xf32, #tpu.memory_space<hbm>>)
        tpu.yield
      }) : () -> ()
      %barrier3A_93 = arith.constant 0 : index
      tpu.barrier barrier_id(%barrier3A_93)
    } else {
    }
    %eq3A_2 = arith.constant 1 : i32
    %eq3A_3 = arith.cmpi eq, %arg0, %eq3A_2 : i32
    %convert_element_type3A_4 = arith.extui %eq3A_3 : i1 to i32
    %cond3A_5 = arith.constant 0 : i32
    %cond3A_6 = arith.cmpi ne, %convert_element_type3A_4, %cond3A_5 : i32
    scf.if %cond3A_6 {
      %mul3A = arith.constant 6400 : i32
      %mul3A_7 = arith.muli %arg1, %mul3A : i32
      %mul3A_8 = arith.constant 6400 : i32
      %mul3A_9 = arith.muli %arg1, %mul3A_8 : i32
      "tpu.region"() ({
        %run_scoped3A = tpu.sem_alloc : memref<!tpu.dma_semaphore, #tpu.memory_space<semaphore_mem>>
        %dma_start3A_94 = arith.constant 0 : i32
        %dma_start3A_95 = tpu.memref_slice %arg15[%mul3A_9, %dma_start3A_94] : memref<102400x16xf32, #tpu.memory_space<vmem_shared>> -> memref<6400x16xf32, #tpu.memory_space<vmem_shared>>
        %dma_start3A_96 = arith.constant 0 : i32
        %dma_start3A_97 = tpu.memref_slice %arg4[%mul3A_7, %dma_start3A_96] : memref<102400x16xf32, #tpu.memory_space<hbm>> -> memref<6400x16xf32, #tpu.memory_space<hbm>>
        tpu.enqueue_dma source(%dma_start3A_97 : memref<6400x16xf32, #tpu.memory_space<hbm>>) target(%dma_start3A_95 : memref<6400x16xf32, #tpu.memory_space<vmem_shared>>) target_semaphore(%run_scoped3A : memref<!tpu.dma_semaphore, #tpu.memory_space<semaphore_mem>>)
        %dma_wait3A_98 = arith.constant 0 : i32
        %dma_wait3A_99 = tpu.memref_slice %arg15[%mul3A_9, %dma_wait3A_98] : memref<102400x16xf32, #tpu.memory_space<vmem_shared>> -> memref<6400x16xf32, #tpu.memory_space<vmem_shared>>
        %dma_wait3A_100 = arith.constant 0 : i32
        %dma_wait3A_101 = tpu.memref_slice %arg4[%mul3A_7, %dma_wait3A_100] : memref<102400x16xf32, #tpu.memory_space<hbm>> -> memref<6400x16xf32, #tpu.memory_space<hbm>>
        tpu.wait_dma2 semaphore(%run_scoped3A : memref<!tpu.dma_semaphore, #tpu.memory_space<semaphore_mem>>) src(%dma_wait3A_101 : memref<6400x16xf32, #tpu.memory_space<hbm>>) dst(%dma_wait3A_99 : memref<6400x16xf32, #tpu.memory_space<vmem_shared>>)
        tpu.yield
      }) : () -> ()
      %barrier3A = arith.constant 0 : index
      tpu.barrier barrier_id(%barrier3A)
      %scan3A = arith.constant 0 : i32
      %scan3A_10 = arith.constant 0 : i32
      %scan3A_11 = arith.constant 80 : i32
      %scan3A_12 = arith.addi %scan3A_10, %scan3A_11 : i32
      %scan3A_13 = arith.constant 1 : i32
      %scan3A_14 = scf.for %scan3A_94 = %scan3A_10 to %scan3A_12 step %scan3A_13 iter_args(%scan3A_95 = %scan3A) -> (i32)  : i32 {
        %mul3A_96 = arith.constant 2 : i32
        %mul3A_97 = arith.muli %mul3A_96, %scan3A_94 : i32
        %add3A = arith.constant 0 : i32
        %add3A_98 = arith.addi %mul3A_97, %add3A : i32
        %ge3A = arith.constant 2 : i32
        %ge3A_99 = arith.cmpi sge, %add3A_98, %ge3A : i32
        %convert_element_type3A_100 = arith.extui %ge3A_99 : i1 to i32
        %cond3A_101 = arith.constant 0 : i32
        %cond3A_102 = arith.cmpi ne, %convert_element_type3A_100, %cond3A_101 : i32
        scf.if %cond3A_102 {
          %dma_wait3A_143 = arith.constant 1 : i32
          %dma_wait3A_144 = arith.constant 0 : i32
          %dma_wait3A_145 = tpu.memref_slice %arg11[%dma_wait3A_143, %dma_wait3A_144] : memref<2x640xi32, #tpu.memory_space<vmem>> -> memref<1x640xi32, #tpu.memory_space<vmem>>
          %dma_wait3A_146 = tpu.memref_squeeze %dma_wait3A_145 : memref<1x640xi32, #tpu.memory_space<vmem>> -> memref<640xi32, #tpu.memory_space<vmem>>
          %dma_wait3A_147 = arith.constant 0 : i32
          %dma_wait3A_148 = arith.constant 0 : i32
          %dma_wait3A_149 = tpu.memref_slice %arg15[%dma_wait3A_147, %dma_wait3A_148] : memref<102400x16xf32, #tpu.memory_space<vmem_shared>> -> memref<102400x16xf32, #tpu.memory_space<vmem_shared>>
          tpu.wait_indirect_dma semaphore(%arg18 : memref<!tpu.dma_semaphore, #tpu.memory_space<semaphore_mem>>) src(%arg13 : memref<640x16xf32, #tpu.memory_space<vmem>>) dst(%dma_wait3A_149 : memref<102400x16xf32, #tpu.memory_space<vmem_shared>>)
        } else {
        }
        %mul3A_103 = arith.constant 160 : i32
        %mul3A_104 = arith.muli %arg1, %mul3A_103 : i32
        %add3A_105 = arith.addi %mul3A_104, %add3A_98 : i32
        "tpu.region"() ({
          %run_scoped3A = tpu.sem_alloc : memref<!tpu.dma_semaphore, #tpu.memory_space<semaphore_mem>>
          %dma_start3A_143 = arith.constant 0 : i32
          %dma_start3A_144 = arith.constant 0 : i32
          %dma_start3A_145 = tpu.memref_slice %arg6[%add3A_105, %dma_start3A_143, %dma_start3A_144] : memref<2560x2x640xi32, #tpu.memory_space<hbm>> -> memref<1x2x640xi32, #tpu.memory_space<hbm>>
          %dma_start3A_146 = tpu.memref_squeeze %dma_start3A_145 : memref<1x2x640xi32, #tpu.memory_space<hbm>> -> memref<2x640xi32, #tpu.memory_space<hbm>>
          %dma_start3A_147 = arith.constant 0 : i32
          %dma_start3A_148 = arith.constant 0 : i32
          %dma_start3A_149 = tpu.memref_slice %arg6[%add3A_105, %dma_start3A_147, %dma_start3A_148] : memref<2560x2x640xi32, #tpu.memory_space<hbm>> -> memref<1x2x640xi32, #tpu.memory_space<hbm>>
          %dma_start3A_150 = tpu.memref_squeeze %dma_start3A_149 : memref<1x2x640xi32, #tpu.memory_space<hbm>> -> memref<2x640xi32, #tpu.memory_space<hbm>>
          tpu.enqueue_dma source(%dma_start3A_150 : memref<2x640xi32, #tpu.memory_space<hbm>>) target(%arg11 : memref<2x640xi32, #tpu.memory_space<vmem>>) target_semaphore(%run_scoped3A : memref<!tpu.dma_semaphore, #tpu.memory_space<semaphore_mem>>)
          %dma_wait3A_151 = arith.constant 0 : i32
          %dma_wait3A_152 = arith.constant 0 : i32
          %dma_wait3A_153 = tpu.memref_slice %arg6[%add3A_105, %dma_wait3A_151, %dma_wait3A_152] : memref<2560x2x640xi32, #tpu.memory_space<hbm>> -> memref<1x2x640xi32, #tpu.memory_space<hbm>>
          %dma_wait3A_154 = tpu.memref_squeeze %dma_wait3A_153 : memref<1x2x640xi32, #tpu.memory_space<hbm>> -> memref<2x640xi32, #tpu.memory_space<hbm>>
          %dma_wait3A_155 = arith.constant 0 : i32
          %dma_wait3A_156 = arith.constant 0 : i32
          %dma_wait3A_157 = tpu.memref_slice %arg6[%add3A_105, %dma_wait3A_155, %dma_wait3A_156] : memref<2560x2x640xi32, #tpu.memory_space<hbm>> -> memref<1x2x640xi32, #tpu.memory_space<hbm>>
          %dma_wait3A_158 = tpu.memref_squeeze %dma_wait3A_157 : memref<1x2x640xi32, #tpu.memory_space<hbm>> -> memref<2x640xi32, #tpu.memory_space<hbm>>
          tpu.wait_dma2 semaphore(%run_scoped3A : memref<!tpu.dma_semaphore, #tpu.memory_space<semaphore_mem>>) src(%dma_wait3A_158 : memref<2x640xi32, #tpu.memory_space<hbm>>) dst(%arg11 : memref<2x640xi32, #tpu.memory_space<vmem>>)
          tpu.yield
        }) : () -> ()
        %dma_start3A_106 = arith.constant 0 : i32
        %dma_start3A_107 = arith.constant 0 : i32
        %dma_start3A_108 = tpu.memref_slice %arg11[%dma_start3A_106, %dma_start3A_107] : memref<2x640xi32, #tpu.memory_space<vmem>> -> memref<1x640xi32, #tpu.memory_space<vmem>>
        %dma_start3A_109 = tpu.memref_squeeze %dma_start3A_108 : memref<1x640xi32, #tpu.memory_space<vmem>> -> memref<640xi32, #tpu.memory_space<vmem>>
        %dma_start3A_110 = arith.constant 0 : i32
        %dma_start3A_111 = arith.constant 0 : i32
        %dma_start3A_112 = tpu.memref_slice %arg4[%dma_start3A_110, %dma_start3A_111] : memref<102400x16xf32, #tpu.memory_space<hbm>> -> memref<102400x16xf32, #tpu.memory_space<hbm>>
        tpu.enqueue_indirect_dma source(%dma_start3A_112 : memref<102400x16xf32, #tpu.memory_space<hbm>>) target(%arg13 : memref<640x16xf32, #tpu.memory_space<vmem>>) offsets(%dma_start3A_109 : memref<640xi32, #tpu.memory_space<vmem>>) semaphore(%arg16 : memref<!tpu.dma_semaphore, #tpu.memory_space<semaphore_mem>>)
        %ge3A_113 = arith.constant 1 : i32
        %ge3A_114 = arith.cmpi sge, %add3A_98, %ge3A_113 : i32
        %convert_element_type3A_115 = arith.extui %ge3A_114 : i1 to i32
        %cond3A_116 = arith.constant 0 : i32
        %cond3A_117 = arith.cmpi ne, %convert_element_type3A_115, %cond3A_116 : i32
        scf.if %cond3A_117 {
          %dma_wait3A_143 = arith.constant 0 : i32
          %dma_wait3A_144 = arith.constant 0 : i32
          %dma_wait3A_145 = tpu.memref_slice %arg12[%dma_wait3A_143, %dma_wait3A_144] : memref<2x640xi32, #tpu.memory_space<vmem>> -> memref<1x640xi32, #tpu.memory_space<vmem>>
          %dma_wait3A_146 = tpu.memref_squeeze %dma_wait3A_145 : memref<1x640xi32, #tpu.memory_space<vmem>> -> memref<640xi32, #tpu.memory_space<vmem>>
          %dma_wait3A_147 = arith.constant 0 : i32
          %dma_wait3A_148 = arith.constant 0 : i32
          %dma_wait3A_149 = tpu.memref_slice %arg4[%dma_wait3A_147, %dma_wait3A_148] : memref<102400x16xf32, #tpu.memory_space<hbm>> -> memref<102400x16xf32, #tpu.memory_space<hbm>>
          tpu.wait_indirect_dma semaphore(%arg17 : memref<!tpu.dma_semaphore, #tpu.memory_space<semaphore_mem>>) src(%dma_wait3A_149 : memref<102400x16xf32, #tpu.memory_space<hbm>>) dst(%arg14 : memref<640x16xf32, #tpu.memory_space<vmem>>)
          %dma_start3A_150 = arith.constant 1 : i32
          %dma_start3A_151 = arith.constant 0 : i32
          %dma_start3A_152 = tpu.memref_slice %arg12[%dma_start3A_150, %dma_start3A_151] : memref<2x640xi32, #tpu.memory_space<vmem>> -> memref<1x640xi32, #tpu.memory_space<vmem>>
          %dma_start3A_153 = tpu.memref_squeeze %dma_start3A_152 : memref<1x640xi32, #tpu.memory_space<vmem>> -> memref<640xi32, #tpu.memory_space<vmem>>
          %dma_start3A_154 = arith.constant 0 : i32
          %dma_start3A_155 = arith.constant 0 : i32
          %dma_start3A_156 = tpu.memref_slice %arg15[%dma_start3A_154, %dma_start3A_155] : memref<102400x16xf32, #tpu.memory_space<vmem_shared>> -> memref<102400x16xf32, #tpu.memory_space<vmem_shared>>
          tpu.enqueue_indirect_dma source(%arg14 : memref<640x16xf32, #tpu.memory_space<vmem>>) target(%dma_start3A_156 : memref<102400x16xf32, #tpu.memory_space<vmem_shared>>) offsets(%dma_start3A_153 : memref<640xi32, #tpu.memory_space<vmem>>) semaphore(%arg19 : memref<!tpu.dma_semaphore, #tpu.memory_space<semaphore_mem>>) {add = true}
        } else {
        }
        %mul3A_118 = arith.constant 2 : i32
        %mul3A_119 = arith.muli %mul3A_118, %scan3A_94 : i32
        %add3A_120 = arith.constant 1 : i32
        %add3A_121 = arith.addi %mul3A_119, %add3A_120 : i32
        %ge3A_122 = arith.constant 2 : i32
        %ge3A_123 = arith.cmpi sge, %add3A_121, %ge3A_122 : i32
        %convert_element_type3A_124 = arith.extui %ge3A_123 : i1 to i32
        %cond3A_125 = arith.constant 0 : i32
        %cond3A_126 = arith.cmpi ne, %convert_element_type3A_124, %cond3A_125 : i32
        scf.if %cond3A_126 {
          %dma_wait3A_143 = arith.constant 1 : i32
          %dma_wait3A_144 = arith.constant 0 : i32
          %dma_wait3A_145 = tpu.memref_slice %arg12[%dma_wait3A_143, %dma_wait3A_144] : memref<2x640xi32, #tpu.memory_space<vmem>> -> memref<1x640xi32, #tpu.memory_space<vmem>>
          %dma_wait3A_146 = tpu.memref_squeeze %dma_wait3A_145 : memref<1x640xi32, #tpu.memory_space<vmem>> -> memref<640xi32, #tpu.memory_space<vmem>>
          %dma_wait3A_147 = arith.constant 0 : i32
          %dma_wait3A_148 = arith.constant 0 : i32
          %dma_wait3A_149 = tpu.memref_slice %arg15[%dma_wait3A_147, %dma_wait3A_148] : memref<102400x16xf32, #tpu.memory_space<vmem_shared>> -> memref<102400x16xf32, #tpu.memory_space<vmem_shared>>
          tpu.wait_indirect_dma semaphore(%arg19 : memref<!tpu.dma_semaphore, #tpu.memory_space<semaphore_mem>>) src(%arg14 : memref<640x16xf32, #tpu.memory_space<vmem>>) dst(%dma_wait3A_149 : memref<102400x16xf32, #tpu.memory_space<vmem_shared>>)
        } else {
        }
        %mul3A_127 = arith.constant 160 : i32
        %mul3A_128 = arith.muli %arg1, %mul3A_127 : i32
        %add3A_129 = arith.addi %mul3A_128, %add3A_121 : i32
        "tpu.region"() ({
          %run_scoped3A = tpu.sem_alloc : memref<!tpu.dma_semaphore, #tpu.memory_space<semaphore_mem>>
          %dma_start3A_143 = arith.constant 0 : i32
          %dma_start3A_144 = arith.constant 0 : i32
          %dma_start3A_145 = tpu.memref_slice %arg6[%add3A_129, %dma_start3A_143, %dma_start3A_144] : memref<2560x2x640xi32, #tpu.memory_space<hbm>> -> memref<1x2x640xi32, #tpu.memory_space<hbm>>
          %dma_start3A_146 = tpu.memref_squeeze %dma_start3A_145 : memref<1x2x640xi32, #tpu.memory_space<hbm>> -> memref<2x640xi32, #tpu.memory_space<hbm>>
          %dma_start3A_147 = arith.constant 0 : i32
          %dma_start3A_148 = arith.constant 0 : i32
          %dma_start3A_149 = tpu.memref_slice %arg6[%add3A_129, %dma_start3A_147, %dma_start3A_148] : memref<2560x2x640xi32, #tpu.memory_space<hbm>> -> memref<1x2x640xi32, #tpu.memory_space<hbm>>
          %dma_start3A_150 = tpu.memref_squeeze %dma_start3A_149 : memref<1x2x640xi32, #tpu.memory_space<hbm>> -> memref<2x640xi32, #tpu.memory_space<hbm>>
          tpu.enqueue_dma source(%dma_start3A_150 : memref<2x640xi32, #tpu.memory_space<hbm>>) target(%arg12 : memref<2x640xi32, #tpu.memory_space<vmem>>) target_semaphore(%run_scoped3A : memref<!tpu.dma_semaphore, #tpu.memory_space<semaphore_mem>>)
          %dma_wait3A_151 = arith.constant 0 : i32
          %dma_wait3A_152 = arith.constant 0 : i32
          %dma_wait3A_153 = tpu.memref_slice %arg6[%add3A_129, %dma_wait3A_151, %dma_wait3A_152] : memref<2560x2x640xi32, #tpu.memory_space<hbm>> -> memref<1x2x640xi32, #tpu.memory_space<hbm>>
          %dma_wait3A_154 = tpu.memref_squeeze %dma_wait3A_153 : memref<1x2x640xi32, #tpu.memory_space<hbm>> -> memref<2x640xi32, #tpu.memory_space<hbm>>
          %dma_wait3A_155 = arith.constant 0 : i32
          %dma_wait3A_156 = arith.constant 0 : i32
          %dma_wait3A_157 = tpu.memref_slice %arg6[%add3A_129, %dma_wait3A_155, %dma_wait3A_156] : memref<2560x2x640xi32, #tpu.memory_space<hbm>> -> memref<1x2x640xi32, #tpu.memory_space<hbm>>
          %dma_wait3A_158 = tpu.memref_squeeze %dma_wait3A_157 : memref<1x2x640xi32, #tpu.memory_space<hbm>> -> memref<2x640xi32, #tpu.memory_space<hbm>>
          tpu.wait_dma2 semaphore(%run_scoped3A : memref<!tpu.dma_semaphore, #tpu.memory_space<semaphore_mem>>) src(%dma_wait3A_158 : memref<2x640xi32, #tpu.memory_space<hbm>>) dst(%arg12 : memref<2x640xi32, #tpu.memory_space<vmem>>)
          tpu.yield
        }) : () -> ()
        %dma_start3A_130 = arith.constant 0 : i32
        %dma_start3A_131 = arith.constant 0 : i32
        %dma_start3A_132 = tpu.memref_slice %arg12[%dma_start3A_130, %dma_start3A_131] : memref<2x640xi32, #tpu.memory_space<vmem>> -> memref<1x640xi32, #tpu.memory_space<vmem>>
        %dma_start3A_133 = tpu.memref_squeeze %dma_start3A_132 : memref<1x640xi32, #tpu.memory_space<vmem>> -> memref<640xi32, #tpu.memory_space<vmem>>
        %dma_start3A_134 = arith.constant 0 : i32
        %dma_start3A_135 = arith.constant 0 : i32
        %dma_start3A_136 = tpu.memref_slice %arg4[%dma_start3A_134, %dma_start3A_135] : memref<102400x16xf32, #tpu.memory_space<hbm>> -> memref<102400x16xf32, #tpu.memory_space<hbm>>
        tpu.enqueue_indirect_dma source(%dma_start3A_136 : memref<102400x16xf32, #tpu.memory_space<hbm>>) target(%arg14 : memref<640x16xf32, #tpu.memory_space<vmem>>) offsets(%dma_start3A_133 : memref<640xi32, #tpu.memory_space<vmem>>) semaphore(%arg17 : memref<!tpu.dma_semaphore, #tpu.memory_space<semaphore_mem>>)
        %ge3A_137 = arith.constant 1 : i32
        %ge3A_138 = arith.cmpi sge, %add3A_121, %ge3A_137 : i32
        %convert_element_type3A_139 = arith.extui %ge3A_138 : i1 to i32
        %cond3A_140 = arith.constant 0 : i32
        %cond3A_141 = arith.cmpi ne, %convert_element_type3A_139, %cond3A_140 : i32
        scf.if %cond3A_141 {
          %dma_wait3A_143 = arith.constant 0 : i32
          %dma_wait3A_144 = arith.constant 0 : i32
          %dma_wait3A_145 = tpu.memref_slice %arg11[%dma_wait3A_143, %dma_wait3A_144] : memref<2x640xi32, #tpu.memory_space<vmem>> -> memref<1x640xi32, #tpu.memory_space<vmem>>
          %dma_wait3A_146 = tpu.memref_squeeze %dma_wait3A_145 : memref<1x640xi32, #tpu.memory_space<vmem>> -> memref<640xi32, #tpu.memory_space<vmem>>
          %dma_wait3A_147 = arith.constant 0 : i32
          %dma_wait3A_148 = arith.constant 0 : i32
          %dma_wait3A_149 = tpu.memref_slice %arg4[%dma_wait3A_147, %dma_wait3A_148] : memref<102400x16xf32, #tpu.memory_space<hbm>> -> memref<102400x16xf32, #tpu.memory_space<hbm>>
          tpu.wait_indirect_dma semaphore(%arg16 : memref<!tpu.dma_semaphore, #tpu.memory_space<semaphore_mem>>) src(%dma_wait3A_149 : memref<102400x16xf32, #tpu.memory_space<hbm>>) dst(%arg13 : memref<640x16xf32, #tpu.memory_space<vmem>>)
          %dma_start3A_150 = arith.constant 1 : i32
          %dma_start3A_151 = arith.constant 0 : i32
          %dma_start3A_152 = tpu.memref_slice %arg11[%dma_start3A_150, %dma_start3A_151] : memref<2x640xi32, #tpu.memory_space<vmem>> -> memref<1x640xi32, #tpu.memory_space<vmem>>
          %dma_start3A_153 = tpu.memref_squeeze %dma_start3A_152 : memref<1x640xi32, #tpu.memory_space<vmem>> -> memref<640xi32, #tpu.memory_space<vmem>>
          %dma_start3A_154 = arith.constant 0 : i32
          %dma_start3A_155 = arith.constant 0 : i32
          %dma_start3A_156 = tpu.memref_slice %arg15[%dma_start3A_154, %dma_start3A_155] : memref<102400x16xf32, #tpu.memory_space<vmem_shared>> -> memref<102400x16xf32, #tpu.memory_space<vmem_shared>>
          tpu.enqueue_indirect_dma source(%arg13 : memref<640x16xf32, #tpu.memory_space<vmem>>) target(%dma_start3A_156 : memref<102400x16xf32, #tpu.memory_space<vmem_shared>>) offsets(%dma_start3A_153 : memref<640xi32, #tpu.memory_space<vmem>>) semaphore(%arg18 : memref<!tpu.dma_semaphore, #tpu.memory_space<semaphore_mem>>) {add = true}
        } else {
        }
        %scan3A_142 = arith.constant 0 : i32
        scf.yield %scan3A_142 : i32
      }
      %scan3A_15 = arith.constant 80 : i32
      %dma_wait3A = arith.constant 0 : i32
      %dma_wait3A_16 = arith.constant 0 : i32
      %dma_wait3A_17 = tpu.memref_slice %arg12[%dma_wait3A, %dma_wait3A_16] : memref<2x640xi32, #tpu.memory_space<vmem>> -> memref<1x640xi32, #tpu.memory_space<vmem>>
      %dma_wait3A_18 = tpu.memref_squeeze %dma_wait3A_17 : memref<1x640xi32, #tpu.memory_space<vmem>> -> memref<640xi32, #tpu.memory_space<vmem>>
      %dma_wait3A_19 = arith.constant 0 : i32
      %dma_wait3A_20 = arith.constant 0 : i32
      %dma_wait3A_21 = tpu.memref_slice %arg4[%dma_wait3A_19, %dma_wait3A_20] : memref<102400x16xf32, #tpu.memory_space<hbm>> -> memref<102400x16xf32, #tpu.memory_space<hbm>>
      tpu.wait_indirect_dma semaphore(%arg17 : memref<!tpu.dma_semaphore, #tpu.memory_space<semaphore_mem>>) src(%dma_wait3A_21 : memref<102400x16xf32, #tpu.memory_space<hbm>>) dst(%arg14 : memref<640x16xf32, #tpu.memory_space<vmem>>)
      %dma_start3A = arith.constant 1 : i32
      %dma_start3A_22 = arith.constant 0 : i32
      %dma_start3A_23 = tpu.memref_slice %arg12[%dma_start3A, %dma_start3A_22] : memref<2x640xi32, #tpu.memory_space<vmem>> -> memref<1x640xi32, #tpu.memory_space<vmem>>
      %dma_start3A_24 = tpu.memref_squeeze %dma_start3A_23 : memref<1x640xi32, #tpu.memory_space<vmem>> -> memref<640xi32, #tpu.memory_space<vmem>>
      %dma_start3A_25 = arith.constant 0 : i32
      %dma_start3A_26 = arith.constant 0 : i32
      %dma_start3A_27 = tpu.memref_slice %arg15[%dma_start3A_25, %dma_start3A_26] : memref<102400x16xf32, #tpu.memory_space<vmem_shared>> -> memref<102400x16xf32, #tpu.memory_space<vmem_shared>>
      tpu.enqueue_indirect_dma source(%arg14 : memref<640x16xf32, #tpu.memory_space<vmem>>) target(%dma_start3A_27 : memref<102400x16xf32, #tpu.memory_space<vmem_shared>>) offsets(%dma_start3A_24 : memref<640xi32, #tpu.memory_space<vmem>>) semaphore(%arg19 : memref<!tpu.dma_semaphore, #tpu.memory_space<semaphore_mem>>) {add = true}
      %dma_wait3A_28 = arith.constant 1 : i32
      %dma_wait3A_29 = arith.constant 0 : i32
      %dma_wait3A_30 = tpu.memref_slice %arg11[%dma_wait3A_28, %dma_wait3A_29] : memref<2x640xi32, #tpu.memory_space<vmem>> -> memref<1x640xi32, #tpu.memory_space<vmem>>
      %dma_wait3A_31 = tpu.memref_squeeze %dma_wait3A_30 : memref<1x640xi32, #tpu.memory_space<vmem>> -> memref<640xi32, #tpu.memory_space<vmem>>
      %dma_wait3A_32 = arith.constant 0 : i32
      %dma_wait3A_33 = arith.constant 0 : i32
      %dma_wait3A_34 = tpu.memref_slice %arg15[%dma_wait3A_32, %dma_wait3A_33] : memref<102400x16xf32, #tpu.memory_space<vmem_shared>> -> memref<102400x16xf32, #tpu.memory_space<vmem_shared>>
      tpu.wait_indirect_dma semaphore(%arg18 : memref<!tpu.dma_semaphore, #tpu.memory_space<semaphore_mem>>) src(%arg13 : memref<640x16xf32, #tpu.memory_space<vmem>>) dst(%dma_wait3A_34 : memref<102400x16xf32, #tpu.memory_space<vmem_shared>>)
      %dma_wait3A_35 = arith.constant 1 : i32
      %dma_wait3A_36 = arith.constant 0 : i32
      %dma_wait3A_37 = tpu.memref_slice %arg12[%dma_wait3A_35, %dma_wait3A_36] : memref<2x640xi32, #tpu.memory_space<vmem>> -> memref<1x640xi32, #tpu.memory_space<vmem>>
      %dma_wait3A_38 = tpu.memref_squeeze %dma_wait3A_37 : memref<1x640xi32, #tpu.memory_space<vmem>> -> memref<640xi32, #tpu.memory_space<vmem>>
      %dma_wait3A_39 = arith.constant 0 : i32
      %dma_wait3A_40 = arith.constant 0 : i32
      %dma_wait3A_41 = tpu.memref_slice %arg15[%dma_wait3A_39, %dma_wait3A_40] : memref<102400x16xf32, #tpu.memory_space<vmem_shared>> -> memref<102400x16xf32, #tpu.memory_space<vmem_shared>>
      tpu.wait_indirect_dma semaphore(%arg19 : memref<!tpu.dma_semaphore, #tpu.memory_space<semaphore_mem>>) src(%arg14 : memref<640x16xf32, #tpu.memory_space<vmem>>) dst(%dma_wait3A_41 : memref<102400x16xf32, #tpu.memory_space<vmem_shared>>)
      %barrier3A_42 = arith.constant 0 : index
      tpu.barrier barrier_id(%barrier3A_42)
      %mul3A_43 = arith.constant 6400 : i32
      %mul3A_44 = arith.muli %arg1, %mul3A_43 : i32
      %mul3A_45 = arith.constant 6400 : i32
      %mul3A_46 = arith.muli %arg1, %mul3A_45 : i32
      "tpu.region"() ({
        %run_scoped3A = tpu.sem_alloc : memref<!tpu.dma_semaphore, #tpu.memory_space<semaphore_mem>>
        %dma_start3A_94 = arith.constant 0 : i32
        %dma_start3A_95 = tpu.memref_slice %arg9[%mul3A_46, %dma_start3A_94] : memref<102400x16xf32, #tpu.memory_space<hbm>> -> memref<6400x16xf32, #tpu.memory_space<hbm>>
        %dma_start3A_96 = arith.constant 0 : i32
        %dma_start3A_97 = tpu.memref_slice %arg15[%mul3A_44, %dma_start3A_96] : memref<102400x16xf32, #tpu.memory_space<vmem_shared>> -> memref<6400x16xf32, #tpu.memory_space<vmem_shared>>
        tpu.enqueue_dma source(%dma_start3A_97 : memref<6400x16xf32, #tpu.memory_space<vmem_shared>>) target(%dma_start3A_95 : memref<6400x16xf32, #tpu.memory_space<hbm>>) target_semaphore(%run_scoped3A : memref<!tpu.dma_semaphore, #tpu.memory_space<semaphore_mem>>)
        %dma_wait3A_98 = arith.constant 0 : i32
        %dma_wait3A_99 = tpu.memref_slice %arg9[%mul3A_46, %dma_wait3A_98] : memref<102400x16xf32, #tpu.memory_space<hbm>> -> memref<6400x16xf32, #tpu.memory_space<hbm>>
        %dma_wait3A_100 = arith.constant 0 : i32
        %dma_wait3A_101 = tpu.memref_slice %arg15[%mul3A_44, %dma_wait3A_100] : memref<102400x16xf32, #tpu.memory_space<vmem_shared>> -> memref<6400x16xf32, #tpu.memory_space<vmem_shared>>
        tpu.wait_dma2 semaphore(%run_scoped3A : memref<!tpu.dma_semaphore, #tpu.memory_space<semaphore_mem>>) src(%dma_wait3A_101 : memref<6400x16xf32, #tpu.memory_space<vmem_shared>>) dst(%dma_wait3A_99 : memref<6400x16xf32, #tpu.memory_space<hbm>>)
        tpu.yield
      }) : () -> ()
      %barrier3A_47 = arith.constant 0 : index
      tpu.barrier barrier_id(%barrier3A_47)
      %mul3A_48 = arith.constant 6400 : i32
      %mul3A_49 = arith.muli %arg1, %mul3A_48 : i32
      %mul3A_50 = arith.constant 6400 : i32
      %mul3A_51 = arith.muli %arg1, %mul3A_50 : i32
      "tpu.region"() ({
        %run_scoped3A = tpu.sem_alloc : memref<!tpu.dma_semaphore, #tpu.memory_space<semaphore_mem>>
        %dma_start3A_94 = arith.constant 0 : i32
        %dma_start3A_95 = tpu.memref_slice %arg15[%mul3A_51, %dma_start3A_94] : memref<102400x16xf32, #tpu.memory_space<vmem_shared>> -> memref<6400x16xf32, #tpu.memory_space<vmem_shared>>
        %dma_start3A_96 = arith.constant 0 : i32
        %dma_start3A_97 = tpu.memref_slice %arg5[%mul3A_49, %dma_start3A_96] : memref<102400x16xf32, #tpu.memory_space<hbm>> -> memref<6400x16xf32, #tpu.memory_space<hbm>>
        tpu.enqueue_dma source(%dma_start3A_97 : memref<6400x16xf32, #tpu.memory_space<hbm>>) target(%dma_start3A_95 : memref<6400x16xf32, #tpu.memory_space<vmem_shared>>) target_semaphore(%run_scoped3A : memref<!tpu.dma_semaphore, #tpu.memory_space<semaphore_mem>>)
        %dma_wait3A_98 = arith.constant 0 : i32
        %dma_wait3A_99 = tpu.memref_slice %arg15[%mul3A_51, %dma_wait3A_98] : memref<102400x16xf32, #tpu.memory_space<vmem_shared>> -> memref<6400x16xf32, #tpu.memory_space<vmem_shared>>
        %dma_wait3A_100 = arith.constant 0 : i32
        %dma_wait3A_101 = tpu.memref_slice %arg5[%mul3A_49, %dma_wait3A_100] : memref<102400x16xf32, #tpu.memory_space<hbm>> -> memref<6400x16xf32, #tpu.memory_space<hbm>>
        tpu.wait_dma2 semaphore(%run_scoped3A : memref<!tpu.dma_semaphore, #tpu.memory_space<semaphore_mem>>) src(%dma_wait3A_101 : memref<6400x16xf32, #tpu.memory_space<hbm>>) dst(%dma_wait3A_99 : memref<6400x16xf32, #tpu.memory_space<vmem_shared>>)
        tpu.yield
      }) : () -> ()
      %barrier3A_52 = arith.constant 0 : index
      tpu.barrier barrier_id(%barrier3A_52)
      %scan3A_53 = arith.constant 0 : i32
      %scan3A_54 = arith.constant 0 : i32
      %scan3A_55 = arith.constant 80 : i32
      %scan3A_56 = arith.addi %scan3A_54, %scan3A_55 : i32
      %scan3A_57 = arith.constant 1 : i32
      %scan3A_58 = scf.for %scan3A_94 = %scan3A_54 to %scan3A_56 step %scan3A_57 iter_args(%scan3A_95 = %scan3A_53) -> (i32)  : i32 {
        %mul3A_96 = arith.constant 2 : i32
        %mul3A_97 = arith.muli %mul3A_96, %scan3A_94 : i32
        %add3A = arith.constant 0 : i32
        %add3A_98 = arith.addi %mul3A_97, %add3A : i32
        %ge3A = arith.constant 2 : i32
        %ge3A_99 = arith.cmpi sge, %add3A_98, %ge3A : i32
        %convert_element_type3A_100 = arith.extui %ge3A_99 : i1 to i32
        %cond3A_101 = arith.constant 0 : i32
        %cond3A_102 = arith.cmpi ne, %convert_element_type3A_100, %cond3A_101 : i32
        scf.if %cond3A_102 {
          %dma_wait3A_143 = arith.constant 1 : i32
          %dma_wait3A_144 = arith.constant 0 : i32
          %dma_wait3A_145 = tpu.memref_slice %arg11[%dma_wait3A_143, %dma_wait3A_144] : memref<2x640xi32, #tpu.memory_space<vmem>> -> memref<1x640xi32, #tpu.memory_space<vmem>>
          %dma_wait3A_146 = tpu.memref_squeeze %dma_wait3A_145 : memref<1x640xi32, #tpu.memory_space<vmem>> -> memref<640xi32, #tpu.memory_space<vmem>>
          %dma_wait3A_147 = arith.constant 0 : i32
          %dma_wait3A_148 = arith.constant 0 : i32
          %dma_wait3A_149 = tpu.memref_slice %arg15[%dma_wait3A_147, %dma_wait3A_148] : memref<102400x16xf32, #tpu.memory_space<vmem_shared>> -> memref<102400x16xf32, #tpu.memory_space<vmem_shared>>
          tpu.wait_indirect_dma semaphore(%arg18 : memref<!tpu.dma_semaphore, #tpu.memory_space<semaphore_mem>>) src(%arg13 : memref<640x16xf32, #tpu.memory_space<vmem>>) dst(%dma_wait3A_149 : memref<102400x16xf32, #tpu.memory_space<vmem_shared>>)
        } else {
        }
        %mul3A_103 = arith.constant 160 : i32
        %mul3A_104 = arith.muli %arg1, %mul3A_103 : i32
        %add3A_105 = arith.addi %mul3A_104, %add3A_98 : i32
        "tpu.region"() ({
          %run_scoped3A = tpu.sem_alloc : memref<!tpu.dma_semaphore, #tpu.memory_space<semaphore_mem>>
          %dma_start3A_143 = arith.constant 0 : i32
          %dma_start3A_144 = arith.constant 0 : i32
          %dma_start3A_145 = tpu.memref_slice %arg6[%add3A_105, %dma_start3A_143, %dma_start3A_144] : memref<2560x2x640xi32, #tpu.memory_space<hbm>> -> memref<1x2x640xi32, #tpu.memory_space<hbm>>
          %dma_start3A_146 = tpu.memref_squeeze %dma_start3A_145 : memref<1x2x640xi32, #tpu.memory_space<hbm>> -> memref<2x640xi32, #tpu.memory_space<hbm>>
          %dma_start3A_147 = arith.constant 0 : i32
          %dma_start3A_148 = arith.constant 0 : i32
          %dma_start3A_149 = tpu.memref_slice %arg6[%add3A_105, %dma_start3A_147, %dma_start3A_148] : memref<2560x2x640xi32, #tpu.memory_space<hbm>> -> memref<1x2x640xi32, #tpu.memory_space<hbm>>
          %dma_start3A_150 = tpu.memref_squeeze %dma_start3A_149 : memref<1x2x640xi32, #tpu.memory_space<hbm>> -> memref<2x640xi32, #tpu.memory_space<hbm>>
          tpu.enqueue_dma source(%dma_start3A_150 : memref<2x640xi32, #tpu.memory_space<hbm>>) target(%arg11 : memref<2x640xi32, #tpu.memory_space<vmem>>) target_semaphore(%run_scoped3A : memref<!tpu.dma_semaphore, #tpu.memory_space<semaphore_mem>>)
          %dma_wait3A_151 = arith.constant 0 : i32
          %dma_wait3A_152 = arith.constant 0 : i32
          %dma_wait3A_153 = tpu.memref_slice %arg6[%add3A_105, %dma_wait3A_151, %dma_wait3A_152] : memref<2560x2x640xi32, #tpu.memory_space<hbm>> -> memref<1x2x640xi32, #tpu.memory_space<hbm>>
          %dma_wait3A_154 = tpu.memref_squeeze %dma_wait3A_153 : memref<1x2x640xi32, #tpu.memory_space<hbm>> -> memref<2x640xi32, #tpu.memory_space<hbm>>
          %dma_wait3A_155 = arith.constant 0 : i32
          %dma_wait3A_156 = arith.constant 0 : i32
          %dma_wait3A_157 = tpu.memref_slice %arg6[%add3A_105, %dma_wait3A_155, %dma_wait3A_156] : memref<2560x2x640xi32, #tpu.memory_space<hbm>> -> memref<1x2x640xi32, #tpu.memory_space<hbm>>
          %dma_wait3A_158 = tpu.memref_squeeze %dma_wait3A_157 : memref<1x2x640xi32, #tpu.memory_space<hbm>> -> memref<2x640xi32, #tpu.memory_space<hbm>>
          tpu.wait_dma2 semaphore(%run_scoped3A : memref<!tpu.dma_semaphore, #tpu.memory_space<semaphore_mem>>) src(%dma_wait3A_158 : memref<2x640xi32, #tpu.memory_space<hbm>>) dst(%arg11 : memref<2x640xi32, #tpu.memory_space<vmem>>)
          tpu.yield
        }) : () -> ()
        %dma_start3A_106 = arith.constant 0 : i32
        %dma_start3A_107 = arith.constant 0 : i32
        %dma_start3A_108 = tpu.memref_slice %arg11[%dma_start3A_106, %dma_start3A_107] : memref<2x640xi32, #tpu.memory_space<vmem>> -> memref<1x640xi32, #tpu.memory_space<vmem>>
        %dma_start3A_109 = tpu.memref_squeeze %dma_start3A_108 : memref<1x640xi32, #tpu.memory_space<vmem>> -> memref<640xi32, #tpu.memory_space<vmem>>
        %dma_start3A_110 = arith.constant 0 : i32
        %dma_start3A_111 = arith.constant 0 : i32
        %dma_start3A_112 = tpu.memref_slice %arg5[%dma_start3A_110, %dma_start3A_111] : memref<102400x16xf32, #tpu.memory_space<hbm>> -> memref<102400x16xf32, #tpu.memory_space<hbm>>
        tpu.enqueue_indirect_dma source(%dma_start3A_112 : memref<102400x16xf32, #tpu.memory_space<hbm>>) target(%arg13 : memref<640x16xf32, #tpu.memory_space<vmem>>) offsets(%dma_start3A_109 : memref<640xi32, #tpu.memory_space<vmem>>) semaphore(%arg16 : memref<!tpu.dma_semaphore, #tpu.memory_space<semaphore_mem>>)
        %ge3A_113 = arith.constant 1 : i32
        %ge3A_114 = arith.cmpi sge, %add3A_98, %ge3A_113 : i32
        %convert_element_type3A_115 = arith.extui %ge3A_114 : i1 to i32
        %cond3A_116 = arith.constant 0 : i32
        %cond3A_117 = arith.cmpi ne, %convert_element_type3A_115, %cond3A_116 : i32
        scf.if %cond3A_117 {
          %dma_wait3A_143 = arith.constant 0 : i32
          %dma_wait3A_144 = arith.constant 0 : i32
          %dma_wait3A_145 = tpu.memref_slice %arg12[%dma_wait3A_143, %dma_wait3A_144] : memref<2x640xi32, #tpu.memory_space<vmem>> -> memref<1x640xi32, #tpu.memory_space<vmem>>
          %dma_wait3A_146 = tpu.memref_squeeze %dma_wait3A_145 : memref<1x640xi32, #tpu.memory_space<vmem>> -> memref<640xi32, #tpu.memory_space<vmem>>
          %dma_wait3A_147 = arith.constant 0 : i32
          %dma_wait3A_148 = arith.constant 0 : i32
          %dma_wait3A_149 = tpu.memref_slice %arg5[%dma_wait3A_147, %dma_wait3A_148] : memref<102400x16xf32, #tpu.memory_space<hbm>> -> memref<102400x16xf32, #tpu.memory_space<hbm>>
          tpu.wait_indirect_dma semaphore(%arg17 : memref<!tpu.dma_semaphore, #tpu.memory_space<semaphore_mem>>) src(%dma_wait3A_149 : memref<102400x16xf32, #tpu.memory_space<hbm>>) dst(%arg14 : memref<640x16xf32, #tpu.memory_space<vmem>>)
          %dma_start3A_150 = arith.constant 1 : i32
          %dma_start3A_151 = arith.constant 0 : i32
          %dma_start3A_152 = tpu.memref_slice %arg12[%dma_start3A_150, %dma_start3A_151] : memref<2x640xi32, #tpu.memory_space<vmem>> -> memref<1x640xi32, #tpu.memory_space<vmem>>
          %dma_start3A_153 = tpu.memref_squeeze %dma_start3A_152 : memref<1x640xi32, #tpu.memory_space<vmem>> -> memref<640xi32, #tpu.memory_space<vmem>>
          %dma_start3A_154 = arith.constant 0 : i32
          %dma_start3A_155 = arith.constant 0 : i32
          %dma_start3A_156 = tpu.memref_slice %arg15[%dma_start3A_154, %dma_start3A_155] : memref<102400x16xf32, #tpu.memory_space<vmem_shared>> -> memref<102400x16xf32, #tpu.memory_space<vmem_shared>>
          tpu.enqueue_indirect_dma source(%arg14 : memref<640x16xf32, #tpu.memory_space<vmem>>) target(%dma_start3A_156 : memref<102400x16xf32, #tpu.memory_space<vmem_shared>>) offsets(%dma_start3A_153 : memref<640xi32, #tpu.memory_space<vmem>>) semaphore(%arg19 : memref<!tpu.dma_semaphore, #tpu.memory_space<semaphore_mem>>) {add = true}
        } else {
        }
        %mul3A_118 = arith.constant 2 : i32
        %mul3A_119 = arith.muli %mul3A_118, %scan3A_94 : i32
        %add3A_120 = arith.constant 1 : i32
        %add3A_121 = arith.addi %mul3A_119, %add3A_120 : i32
        %ge3A_122 = arith.constant 2 : i32
        %ge3A_123 = arith.cmpi sge, %add3A_121, %ge3A_122 : i32
        %convert_element_type3A_124 = arith.extui %ge3A_123 : i1 to i32
        %cond3A_125 = arith.constant 0 : i32
        %cond3A_126 = arith.cmpi ne, %convert_element_type3A_124, %cond3A_125 : i32
        scf.if %cond3A_126 {
          %dma_wait3A_143 = arith.constant 1 : i32
          %dma_wait3A_144 = arith.constant 0 : i32
          %dma_wait3A_145 = tpu.memref_slice %arg12[%dma_wait3A_143, %dma_wait3A_144] : memref<2x640xi32, #tpu.memory_space<vmem>> -> memref<1x640xi32, #tpu.memory_space<vmem>>
          %dma_wait3A_146 = tpu.memref_squeeze %dma_wait3A_145 : memref<1x640xi32, #tpu.memory_space<vmem>> -> memref<640xi32, #tpu.memory_space<vmem>>
          %dma_wait3A_147 = arith.constant 0 : i32
          %dma_wait3A_148 = arith.constant 0 : i32
          %dma_wait3A_149 = tpu.memref_slice %arg15[%dma_wait3A_147, %dma_wait3A_148] : memref<102400x16xf32, #tpu.memory_space<vmem_shared>> -> memref<102400x16xf32, #tpu.memory_space<vmem_shared>>
          tpu.wait_indirect_dma semaphore(%arg19 : memref<!tpu.dma_semaphore, #tpu.memory_space<semaphore_mem>>) src(%arg14 : memref<640x16xf32, #tpu.memory_space<vmem>>) dst(%dma_wait3A_149 : memref<102400x16xf32, #tpu.memory_space<vmem_shared>>)
        } else {
        }
        %mul3A_127 = arith.constant 160 : i32
        %mul3A_128 = arith.muli %arg1, %mul3A_127 : i32
        %add3A_129 = arith.addi %mul3A_128, %add3A_121 : i32
        "tpu.region"() ({
          %run_scoped3A = tpu.sem_alloc : memref<!tpu.dma_semaphore, #tpu.memory_space<semaphore_mem>>
          %dma_start3A_143 = arith.constant 0 : i32
          %dma_start3A_144 = arith.constant 0 : i32
          %dma_start3A_145 = tpu.memref_slice %arg6[%add3A_129, %dma_start3A_143, %dma_start3A_144] : memref<2560x2x640xi32, #tpu.memory_space<hbm>> -> memref<1x2x640xi32, #tpu.memory_space<hbm>>
          %dma_start3A_146 = tpu.memref_squeeze %dma_start3A_145 : memref<1x2x640xi32, #tpu.memory_space<hbm>> -> memref<2x640xi32, #tpu.memory_space<hbm>>
          %dma_start3A_147 = arith.constant 0 : i32
          %dma_start3A_148 = arith.constant 0 : i32
          %dma_start3A_149 = tpu.memref_slice %arg6[%add3A_129, %dma_start3A_147, %dma_start3A_148] : memref<2560x2x640xi32, #tpu.memory_space<hbm>> -> memref<1x2x640xi32, #tpu.memory_space<hbm>>
          %dma_start3A_150 = tpu.memref_squeeze %dma_start3A_149 : memref<1x2x640xi32, #tpu.memory_space<hbm>> -> memref<2x640xi32, #tpu.memory_space<hbm>>
          tpu.enqueue_dma source(%dma_start3A_150 : memref<2x640xi32, #tpu.memory_space<hbm>>) target(%arg12 : memref<2x640xi32, #tpu.memory_space<vmem>>) target_semaphore(%run_scoped3A : memref<!tpu.dma_semaphore, #tpu.memory_space<semaphore_mem>>)
          %dma_wait3A_151 = arith.constant 0 : i32
          %dma_wait3A_152 = arith.constant 0 : i32
          %dma_wait3A_153 = tpu.memref_slice %arg6[%add3A_129, %dma_wait3A_151, %dma_wait3A_152] : memref<2560x2x640xi32, #tpu.memory_space<hbm>> -> memref<1x2x640xi32, #tpu.memory_space<hbm>>
          %dma_wait3A_154 = tpu.memref_squeeze %dma_wait3A_153 : memref<1x2x640xi32, #tpu.memory_space<hbm>> -> memref<2x640xi32, #tpu.memory_space<hbm>>
          %dma_wait3A_155 = arith.constant 0 : i32
          %dma_wait3A_156 = arith.constant 0 : i32
          %dma_wait3A_157 = tpu.memref_slice %arg6[%add3A_129, %dma_wait3A_155, %dma_wait3A_156] : memref<2560x2x640xi32, #tpu.memory_space<hbm>> -> memref<1x2x640xi32, #tpu.memory_space<hbm>>
          %dma_wait3A_158 = tpu.memref_squeeze %dma_wait3A_157 : memref<1x2x640xi32, #tpu.memory_space<hbm>> -> memref<2x640xi32, #tpu.memory_space<hbm>>
          tpu.wait_dma2 semaphore(%run_scoped3A : memref<!tpu.dma_semaphore, #tpu.memory_space<semaphore_mem>>) src(%dma_wait3A_158 : memref<2x640xi32, #tpu.memory_space<hbm>>) dst(%arg12 : memref<2x640xi32, #tpu.memory_space<vmem>>)
          tpu.yield
        }) : () -> ()
        %dma_start3A_130 = arith.constant 0 : i32
        %dma_start3A_131 = arith.constant 0 : i32
        %dma_start3A_132 = tpu.memref_slice %arg12[%dma_start3A_130, %dma_start3A_131] : memref<2x640xi32, #tpu.memory_space<vmem>> -> memref<1x640xi32, #tpu.memory_space<vmem>>
        %dma_start3A_133 = tpu.memref_squeeze %dma_start3A_132 : memref<1x640xi32, #tpu.memory_space<vmem>> -> memref<640xi32, #tpu.memory_space<vmem>>
        %dma_start3A_134 = arith.constant 0 : i32
        %dma_start3A_135 = arith.constant 0 : i32
        %dma_start3A_136 = tpu.memref_slice %arg5[%dma_start3A_134, %dma_start3A_135] : memref<102400x16xf32, #tpu.memory_space<hbm>> -> memref<102400x16xf32, #tpu.memory_space<hbm>>
        tpu.enqueue_indirect_dma source(%dma_start3A_136 : memref<102400x16xf32, #tpu.memory_space<hbm>>) target(%arg14 : memref<640x16xf32, #tpu.memory_space<vmem>>) offsets(%dma_start3A_133 : memref<640xi32, #tpu.memory_space<vmem>>) semaphore(%arg17 : memref<!tpu.dma_semaphore, #tpu.memory_space<semaphore_mem>>)
        %ge3A_137 = arith.constant 1 : i32
        %ge3A_138 = arith.cmpi sge, %add3A_121, %ge3A_137 : i32
        %convert_element_type3A_139 = arith.extui %ge3A_138 : i1 to i32
        %cond3A_140 = arith.constant 0 : i32
        %cond3A_141 = arith.cmpi ne, %convert_element_type3A_139, %cond3A_140 : i32
        scf.if %cond3A_141 {
          %dma_wait3A_143 = arith.constant 0 : i32
          %dma_wait3A_144 = arith.constant 0 : i32
          %dma_wait3A_145 = tpu.memref_slice %arg11[%dma_wait3A_143, %dma_wait3A_144] : memref<2x640xi32, #tpu.memory_space<vmem>> -> memref<1x640xi32, #tpu.memory_space<vmem>>
          %dma_wait3A_146 = tpu.memref_squeeze %dma_wait3A_145 : memref<1x640xi32, #tpu.memory_space<vmem>> -> memref<640xi32, #tpu.memory_space<vmem>>
          %dma_wait3A_147 = arith.constant 0 : i32
          %dma_wait3A_148 = arith.constant 0 : i32
          %dma_wait3A_149 = tpu.memref_slice %arg5[%dma_wait3A_147, %dma_wait3A_148] : memref<102400x16xf32, #tpu.memory_space<hbm>> -> memref<102400x16xf32, #tpu.memory_space<hbm>>
          tpu.wait_indirect_dma semaphore(%arg16 : memref<!tpu.dma_semaphore, #tpu.memory_space<semaphore_mem>>) src(%dma_wait3A_149 : memref<102400x16xf32, #tpu.memory_space<hbm>>) dst(%arg13 : memref<640x16xf32, #tpu.memory_space<vmem>>)
          %dma_start3A_150 = arith.constant 1 : i32
          %dma_start3A_151 = arith.constant 0 : i32
          %dma_start3A_152 = tpu.memref_slice %arg11[%dma_start3A_150, %dma_start3A_151] : memref<2x640xi32, #tpu.memory_space<vmem>> -> memref<1x640xi32, #tpu.memory_space<vmem>>
          %dma_start3A_153 = tpu.memref_squeeze %dma_start3A_152 : memref<1x640xi32, #tpu.memory_space<vmem>> -> memref<640xi32, #tpu.memory_space<vmem>>
          %dma_start3A_154 = arith.constant 0 : i32
          %dma_start3A_155 = arith.constant 0 : i32
          %dma_start3A_156 = tpu.memref_slice %arg15[%dma_start3A_154, %dma_start3A_155] : memref<102400x16xf32, #tpu.memory_space<vmem_shared>> -> memref<102400x16xf32, #tpu.memory_space<vmem_shared>>
          tpu.enqueue_indirect_dma source(%arg13 : memref<640x16xf32, #tpu.memory_space<vmem>>) target(%dma_start3A_156 : memref<102400x16xf32, #tpu.memory_space<vmem_shared>>) offsets(%dma_start3A_153 : memref<640xi32, #tpu.memory_space<vmem>>) semaphore(%arg18 : memref<!tpu.dma_semaphore, #tpu.memory_space<semaphore_mem>>) {add = true}
        } else {
        }
        %scan3A_142 = arith.constant 0 : i32
        scf.yield %scan3A_142 : i32
      }
      %scan3A_59 = arith.constant 80 : i32
      %dma_wait3A_60 = arith.constant 0 : i32
      %dma_wait3A_61 = arith.constant 0 : i32
      %dma_wait3A_62 = tpu.memref_slice %arg12[%dma_wait3A_60, %dma_wait3A_61] : memref<2x640xi32, #tpu.memory_space<vmem>> -> memref<1x640xi32, #tpu.memory_space<vmem>>
      %dma_wait3A_63 = tpu.memref_squeeze %dma_wait3A_62 : memref<1x640xi32, #tpu.memory_space<vmem>> -> memref<640xi32, #tpu.memory_space<vmem>>
      %dma_wait3A_64 = arith.constant 0 : i32
      %dma_wait3A_65 = arith.constant 0 : i32
      %dma_wait3A_66 = tpu.memref_slice %arg5[%dma_wait3A_64, %dma_wait3A_65] : memref<102400x16xf32, #tpu.memory_space<hbm>> -> memref<102400x16xf32, #tpu.memory_space<hbm>>
      tpu.wait_indirect_dma semaphore(%arg17 : memref<!tpu.dma_semaphore, #tpu.memory_space<semaphore_mem>>) src(%dma_wait3A_66 : memref<102400x16xf32, #tpu.memory_space<hbm>>) dst(%arg14 : memref<640x16xf32, #tpu.memory_space<vmem>>)
      %dma_start3A_67 = arith.constant 1 : i32
      %dma_start3A_68 = arith.constant 0 : i32
      %dma_start3A_69 = tpu.memref_slice %arg12[%dma_start3A_67, %dma_start3A_68] : memref<2x640xi32, #tpu.memory_space<vmem>> -> memref<1x640xi32, #tpu.memory_space<vmem>>
      %dma_start3A_70 = tpu.memref_squeeze %dma_start3A_69 : memref<1x640xi32, #tpu.memory_space<vmem>> -> memref<640xi32, #tpu.memory_space<vmem>>
      %dma_start3A_71 = arith.constant 0 : i32
      %dma_start3A_72 = arith.constant 0 : i32
      %dma_start3A_73 = tpu.memref_slice %arg15[%dma_start3A_71, %dma_start3A_72] : memref<102400x16xf32, #tpu.memory_space<vmem_shared>> -> memref<102400x16xf32, #tpu.memory_space<vmem_shared>>
      tpu.enqueue_indirect_dma source(%arg14 : memref<640x16xf32, #tpu.memory_space<vmem>>) target(%dma_start3A_73 : memref<102400x16xf32, #tpu.memory_space<vmem_shared>>) offsets(%dma_start3A_70 : memref<640xi32, #tpu.memory_space<vmem>>) semaphore(%arg19 : memref<!tpu.dma_semaphore, #tpu.memory_space<semaphore_mem>>) {add = true}
      %dma_wait3A_74 = arith.constant 1 : i32
      %dma_wait3A_75 = arith.constant 0 : i32
      %dma_wait3A_76 = tpu.memref_slice %arg11[%dma_wait3A_74, %dma_wait3A_75] : memref<2x640xi32, #tpu.memory_space<vmem>> -> memref<1x640xi32, #tpu.memory_space<vmem>>
      %dma_wait3A_77 = tpu.memref_squeeze %dma_wait3A_76 : memref<1x640xi32, #tpu.memory_space<vmem>> -> memref<640xi32, #tpu.memory_space<vmem>>
      %dma_wait3A_78 = arith.constant 0 : i32
      %dma_wait3A_79 = arith.constant 0 : i32
      %dma_wait3A_80 = tpu.memref_slice %arg15[%dma_wait3A_78, %dma_wait3A_79] : memref<102400x16xf32, #tpu.memory_space<vmem_shared>> -> memref<102400x16xf32, #tpu.memory_space<vmem_shared>>
      tpu.wait_indirect_dma semaphore(%arg18 : memref<!tpu.dma_semaphore, #tpu.memory_space<semaphore_mem>>) src(%arg13 : memref<640x16xf32, #tpu.memory_space<vmem>>) dst(%dma_wait3A_80 : memref<102400x16xf32, #tpu.memory_space<vmem_shared>>)
      %dma_wait3A_81 = arith.constant 1 : i32
      %dma_wait3A_82 = arith.constant 0 : i32
      %dma_wait3A_83 = tpu.memref_slice %arg12[%dma_wait3A_81, %dma_wait3A_82] : memref<2x640xi32, #tpu.memory_space<vmem>> -> memref<1x640xi32, #tpu.memory_space<vmem>>
      %dma_wait3A_84 = tpu.memref_squeeze %dma_wait3A_83 : memref<1x640xi32, #tpu.memory_space<vmem>> -> memref<640xi32, #tpu.memory_space<vmem>>
      %dma_wait3A_85 = arith.constant 0 : i32
      %dma_wait3A_86 = arith.constant 0 : i32
      %dma_wait3A_87 = tpu.memref_slice %arg15[%dma_wait3A_85, %dma_wait3A_86] : memref<102400x16xf32, #tpu.memory_space<vmem_shared>> -> memref<102400x16xf32, #tpu.memory_space<vmem_shared>>
      tpu.wait_indirect_dma semaphore(%arg19 : memref<!tpu.dma_semaphore, #tpu.memory_space<semaphore_mem>>) src(%arg14 : memref<640x16xf32, #tpu.memory_space<vmem>>) dst(%dma_wait3A_87 : memref<102400x16xf32, #tpu.memory_space<vmem_shared>>)
      %barrier3A_88 = arith.constant 0 : index
      tpu.barrier barrier_id(%barrier3A_88)
      %mul3A_89 = arith.constant 6400 : i32
      %mul3A_90 = arith.muli %arg1, %mul3A_89 : i32
      %mul3A_91 = arith.constant 6400 : i32
      %mul3A_92 = arith.muli %arg1, %mul3A_91 : i32
      "tpu.region"() ({
        %run_scoped3A = tpu.sem_alloc : memref<!tpu.dma_semaphore, #tpu.memory_space<semaphore_mem>>
        %dma_start3A_94 = arith.constant 0 : i32
        %dma_start3A_95 = tpu.memref_slice %arg10[%mul3A_92, %dma_start3A_94] : memref<102400x16xf32, #tpu.memory_space<hbm>> -> memref<6400x16xf32, #tpu.memory_space<hbm>>
        %dma_start3A_96 = arith.constant 0 : i32
        %dma_start3A_97 = tpu.memref_slice %arg15[%mul3A_90, %dma_start3A_96] : memref<102400x16xf32, #tpu.memory_space<vmem_shared>> -> memref<6400x16xf32, #tpu.memory_space<vmem_shared>>
        tpu.enqueue_dma source(%dma_start3A_97 : memref<6400x16xf32, #tpu.memory_space<vmem_shared>>) target(%dma_start3A_95 : memref<6400x16xf32, #tpu.memory_space<hbm>>) target_semaphore(%run_scoped3A : memref<!tpu.dma_semaphore, #tpu.memory_space<semaphore_mem>>)
        %dma_wait3A_98 = arith.constant 0 : i32
        %dma_wait3A_99 = tpu.memref_slice %arg10[%mul3A_92, %dma_wait3A_98] : memref<102400x16xf32, #tpu.memory_space<hbm>> -> memref<6400x16xf32, #tpu.memory_space<hbm>>
        %dma_wait3A_100 = arith.constant 0 : i32
        %dma_wait3A_101 = tpu.memref_slice %arg15[%mul3A_90, %dma_wait3A_100] : memref<102400x16xf32, #tpu.memory_space<vmem_shared>> -> memref<6400x16xf32, #tpu.memory_space<vmem_shared>>
        tpu.wait_dma2 semaphore(%run_scoped3A : memref<!tpu.dma_semaphore, #tpu.memory_space<semaphore_mem>>) src(%dma_wait3A_101 : memref<6400x16xf32, #tpu.memory_space<vmem_shared>>) dst(%dma_wait3A_99 : memref<6400x16xf32, #tpu.memory_space<hbm>>)
        tpu.yield
      }) : () -> ()
      %barrier3A_93 = arith.constant 0 : index
      tpu.barrier barrier_id(%barrier3A_93)
    } else {
    }
    return
  }
}

#map = affine_map<(d0, d1) -> (0)>
module attributes {stable_mosaic.version = 14 : i64} {
  func.func @_deg_kernel(%arg0: i32, %arg1: i32, %arg2: memref<1638400xi32, #tpu.memory_space<hbm>>, %arg3: memref<102400xf32, #tpu.memory_space<hbm>>, %arg4: memref<204800xf32, #tpu.memory_space<hbm>>, %arg5: memref<1280xi32, #tpu.memory_space<vmem>>, %arg6: memref<1280xf32, #tpu.memory_space<vmem>>, %arg7: memref<102400xf32, #tpu.memory_space<vmem_shared>>, %arg8: memref<!tpu.dma_semaphore, #tpu.memory_space<semaphore_mem>>) attributes {dimension_semantics = [#tpu.dimension_semantics<core_parallel>, #tpu.dimension_semantics<subcore_parallel>], iteration_bounds = array<i64: 2, 16>, scalar_prefetch = 0 : i64, scratch_operands = 4 : i64, tpu.core_type = #tpu.core_type<sc_vector_subcore>, window_params = [{transform_indices = #map}, {transform_indices = #map}, {transform_indices = #map}]} {
    %scan3A = arith.constant 0 : i32
    %scan3A_0 = arith.constant 0 : i32
    %scan3A_1 = arith.constant 80 : i32
    %scan3A_2 = arith.addi %scan3A_0, %scan3A_1 : i32
    %scan3A_3 = arith.constant 1 : i32
    %scan3A_4 = scf.for %scan3A_23 = %scan3A_0 to %scan3A_2 step %scan3A_3 iter_args(%scan3A_24 = %scan3A) -> (i32)  : i32 {
      %broadcast_in_dim3A = arith.constant 1.000000e+00 : f32
      %broadcast_in_dim3A_25 = vector.broadcast %broadcast_in_dim3A : f32 to vector<16xf32>
      %mul3A_26 = arith.constant 16 : i32
      %mul3A_27 = arith.muli %scan3A_23, %mul3A_26 : i32
      %swap3A = arith.index_cast %mul3A_27 : i32 to index
      %swap3A_28 = tpu.vector_load %arg6[%swap3A] {strides = array<i32>} : memref<1280xf32, #tpu.memory_space<vmem>>, vector<16xf32>,
      %swap3A_29 = vector.shape_cast %swap3A_28 : vector<16xf32> to vector<16xf32>
      %swap3A_30 = vector.shape_cast %broadcast_in_dim3A_25 : vector<16xf32> to vector<16xf32>
      tpu.vector_store %arg6[%swap3A], %swap3A_30 {strides = array<i32>} : memref<1280xf32, #tpu.memory_space<vmem>>, vector<16xf32>,
      %scan3A_31 = arith.constant 0 : i32
      scf.yield %scan3A_31 : i32
    }
    %scan3A_5 = arith.constant 80 : i32
    %mul3A = arith.constant 6400 : i32
    %mul3A_6 = arith.muli %arg1, %mul3A : i32
    %mul3A_7 = arith.constant 6400 : i32
    %mul3A_8 = arith.muli %arg1, %mul3A_7 : i32
    "tpu.region"() ({
      %run_scoped3A = tpu.sem_alloc : memref<!tpu.dma_semaphore, #tpu.memory_space<semaphore_mem>>
      %dma_start3A = tpu.memref_slice %arg7[%mul3A_8] : memref<102400xf32, #tpu.memory_space<vmem_shared>> -> memref<6400xf32, #tpu.memory_space<vmem_shared>>
      %dma_start3A_23 = tpu.memref_slice %arg3[%mul3A_6] : memref<102400xf32, #tpu.memory_space<hbm>> -> memref<6400xf32, #tpu.memory_space<hbm>>
      tpu.enqueue_dma source(%dma_start3A_23 : memref<6400xf32, #tpu.memory_space<hbm>>) target(%dma_start3A : memref<6400xf32, #tpu.memory_space<vmem_shared>>) target_semaphore(%run_scoped3A : memref<!tpu.dma_semaphore, #tpu.memory_space<semaphore_mem>>)
      %dma_wait3A = tpu.memref_slice %arg7[%mul3A_8] : memref<102400xf32, #tpu.memory_space<vmem_shared>> -> memref<6400xf32, #tpu.memory_space<vmem_shared>>
      %dma_wait3A_24 = tpu.memref_slice %arg3[%mul3A_6] : memref<102400xf32, #tpu.memory_space<hbm>> -> memref<6400xf32, #tpu.memory_space<hbm>>
      tpu.wait_dma2 semaphore(%run_scoped3A : memref<!tpu.dma_semaphore, #tpu.memory_space<semaphore_mem>>) src(%dma_wait3A_24 : memref<6400xf32, #tpu.memory_space<hbm>>) dst(%dma_wait3A : memref<6400xf32, #tpu.memory_space<vmem_shared>>)
      tpu.yield
    }) : () -> ()
    %barrier3A = arith.constant 0 : index
    tpu.barrier barrier_id(%barrier3A)
    %scan3A_9 = arith.constant 0 : i32
    %scan3A_10 = arith.constant 0 : i32
    %scan3A_11 = arith.constant 40 : i32
    %scan3A_12 = arith.addi %scan3A_10, %scan3A_11 : i32
    %scan3A_13 = arith.constant 1 : i32
    %scan3A_14 = scf.for %scan3A_23 = %scan3A_10 to %scan3A_12 step %scan3A_13 iter_args(%scan3A_24 = %scan3A_9) -> (i32)  : i32 {
      %mul3A_25 = arith.constant 819200 : i32
      %mul3A_26 = arith.muli %arg0, %mul3A_25 : i32
      %mul3A_27 = arith.constant 51200 : i32
      %mul3A_28 = arith.muli %arg1, %mul3A_27 : i32
      %add3A_29 = arith.addi %mul3A_26, %mul3A_28 : i32
      %mul3A_30 = arith.constant 1280 : i32
      %mul3A_31 = arith.muli %scan3A_23, %mul3A_30 : i32
      %add3A_32 = arith.addi %add3A_29, %mul3A_31 : i32
      "tpu.region"() ({
        %run_scoped3A = tpu.sem_alloc : memref<!tpu.dma_semaphore, #tpu.memory_space<semaphore_mem>>
        %dma_start3A_36 = tpu.memref_slice %arg2[%add3A_32] : memref<1638400xi32, #tpu.memory_space<hbm>> -> memref<1280xi32, #tpu.memory_space<hbm>>
        %dma_start3A_37 = tpu.memref_slice %arg2[%add3A_32] : memref<1638400xi32, #tpu.memory_space<hbm>> -> memref<1280xi32, #tpu.memory_space<hbm>>
        tpu.enqueue_dma source(%dma_start3A_37 : memref<1280xi32, #tpu.memory_space<hbm>>) target(%arg5 : memref<1280xi32, #tpu.memory_space<vmem>>) target_semaphore(%run_scoped3A : memref<!tpu.dma_semaphore, #tpu.memory_space<semaphore_mem>>)
        %dma_wait3A_38 = tpu.memref_slice %arg2[%add3A_32] : memref<1638400xi32, #tpu.memory_space<hbm>> -> memref<1280xi32, #tpu.memory_space<hbm>>
        %dma_wait3A_39 = tpu.memref_slice %arg2[%add3A_32] : memref<1638400xi32, #tpu.memory_space<hbm>> -> memref<1280xi32, #tpu.memory_space<hbm>>
        tpu.wait_dma2 semaphore(%run_scoped3A : memref<!tpu.dma_semaphore, #tpu.memory_space<semaphore_mem>>) src(%dma_wait3A_39 : memref<1280xi32, #tpu.memory_space<hbm>>) dst(%arg5 : memref<1280xi32, #tpu.memory_space<vmem>>)
        tpu.yield
      }) : () -> ()
      %dma_start3A = arith.constant 0 : i32
      %dma_start3A_33 = tpu.memref_slice %arg7[%dma_start3A] : memref<102400xf32, #tpu.memory_space<vmem_shared>> -> memref<102400xf32, #tpu.memory_space<vmem_shared>>
      tpu.enqueue_indirect_dma source(%arg6 : memref<1280xf32, #tpu.memory_space<vmem>>) target(%dma_start3A_33 : memref<102400xf32, #tpu.memory_space<vmem_shared>>) offsets(%arg5 : memref<1280xi32, #tpu.memory_space<vmem>>) semaphore(%arg8 : memref<!tpu.dma_semaphore, #tpu.memory_space<semaphore_mem>>) {add = true}
      %dma_wait3A = arith.constant 0 : i32
      %dma_wait3A_34 = tpu.memref_slice %arg7[%dma_wait3A] : memref<102400xf32, #tpu.memory_space<vmem_shared>> -> memref<102400xf32, #tpu.memory_space<vmem_shared>>
      tpu.wait_indirect_dma semaphore(%arg8 : memref<!tpu.dma_semaphore, #tpu.memory_space<semaphore_mem>>) src(%arg6 : memref<1280xf32, #tpu.memory_space<vmem>>) dst(%dma_wait3A_34 : memref<102400xf32, #tpu.memory_space<vmem_shared>>)
      %scan3A_35 = arith.constant 0 : i32
      scf.yield %scan3A_35 : i32
    }
    %scan3A_15 = arith.constant 40 : i32
    %barrier3A_16 = arith.constant 0 : index
    tpu.barrier barrier_id(%barrier3A_16)
    %mul3A_17 = arith.constant 6400 : i32
    %mul3A_18 = arith.muli %arg1, %mul3A_17 : i32
    %mul3A_19 = arith.constant 102400 : i32
    %mul3A_20 = arith.muli %arg0, %mul3A_19 : i32
    %mul3A_21 = arith.constant 6400 : i32
    %mul3A_22 = arith.muli %arg1, %mul3A_21 : i32
    %add3A = arith.addi %mul3A_20, %mul3A_22 : i32
    "tpu.region"() ({
      %run_scoped3A = tpu.sem_alloc : memref<!tpu.dma_semaphore, #tpu.memory_space<semaphore_mem>>
      %dma_start3A = tpu.memref_slice %arg4[%add3A] : memref<204800xf32, #tpu.memory_space<hbm>> -> memref<6400xf32, #tpu.memory_space<hbm>>
      %dma_start3A_23 = tpu.memref_slice %arg7[%mul3A_18] : memref<102400xf32, #tpu.memory_space<vmem_shared>> -> memref<6400xf32, #tpu.memory_space<vmem_shared>>
      tpu.enqueue_dma source(%dma_start3A_23 : memref<6400xf32, #tpu.memory_space<vmem_shared>>) target(%dma_start3A : memref<6400xf32, #tpu.memory_space<hbm>>) target_semaphore(%run_scoped3A : memref<!tpu.dma_semaphore, #tpu.memory_space<semaphore_mem>>)
      %dma_wait3A = tpu.memref_slice %arg4[%add3A] : memref<204800xf32, #tpu.memory_space<hbm>> -> memref<6400xf32, #tpu.memory_space<hbm>>
      %dma_wait3A_24 = tpu.memref_slice %arg7[%mul3A_18] : memref<102400xf32, #tpu.memory_space<vmem_shared>> -> memref<6400xf32, #tpu.memory_space<vmem_shared>>
      tpu.wait_dma2 semaphore(%run_scoped3A : memref<!tpu.dma_semaphore, #tpu.memory_space<semaphore_mem>>) src(%dma_wait3A_24 : memref<6400xf32, #tpu.memory_space<vmem_shared>>) dst(%dma_wait3A : memref<6400xf32, #tpu.memory_space<hbm>>)
      tpu.yield
    }) : () -> ()
    return
  }
}

#map = affine_map<(d0, d1) -> (0, 0)>
#map1 = affine_map<(d0, d1) -> (0, 0, 0)>
module attributes {stable_mosaic.version = 14 : i64} {
  func.func @agg(%arg0: i32, %arg1: i32, %arg2: memref<102400x16xf32, #tpu.memory_space<hbm>>, %arg3: memref<102400x16xf32, #tpu.memory_space<hbm>>, %arg4: memref<2560x2x640xi32, #tpu.memory_space<hbm>>, %arg5: memref<102400x16xf32, #tpu.memory_space<hbm>>, %arg6: memref<102400x16xf32, #tpu.memory_space<hbm>>, %arg7: memref<2x640xi32, #tpu.memory_space<vmem>>, %arg8: memref<2x640xi32, #tpu.memory_space<vmem>>, %arg9: memref<640x16xf32, #tpu.memory_space<vmem>>, %arg10: memref<640x16xf32, #tpu.memory_space<vmem>>, %arg11: memref<102400x16xf32, #tpu.memory_space<vmem_shared>>, %arg12: memref<!tpu.dma_semaphore, #tpu.memory_space<semaphore_mem>>, %arg13: memref<!tpu.dma_semaphore, #tpu.memory_space<semaphore_mem>>, %arg14: memref<!tpu.dma_semaphore, #tpu.memory_space<semaphore_mem>>, %arg15: memref<!tpu.dma_semaphore, #tpu.memory_space<semaphore_mem>>) attributes {dimension_semantics = [#tpu.dimension_semantics<core_parallel>, #tpu.dimension_semantics<subcore_parallel>], iteration_bounds = array<i64: 2, 16>, scalar_prefetch = 0 : i64, scratch_operands = 9 : i64, tpu.core_type = #tpu.core_type<sc_vector_subcore>, window_params = [{transform_indices = #map}, {transform_indices = #map}, {transform_indices = #map1}, {transform_indices = #map}, {transform_indices = #map}]} {
    %eq3A = arith.constant 0 : i32
    %eq3A_0 = arith.cmpi eq, %arg0, %eq3A : i32
    %convert_element_type3A = arith.extui %eq3A_0 : i1 to i32
    %cond3A = arith.constant 0 : i32
    %cond3A_1 = arith.cmpi ne, %convert_element_type3A, %cond3A : i32
    scf.if %cond3A_1 {
      %mul3A = arith.constant 6400 : i32
      %mul3A_7 = arith.muli %arg1, %mul3A : i32
      %mul3A_8 = arith.constant 6400 : i32
      %mul3A_9 = arith.muli %arg1, %mul3A_8 : i32
      "tpu.region"() ({
        %run_scoped3A = tpu.sem_alloc : memref<!tpu.dma_semaphore, #tpu.memory_space<semaphore_mem>>
        %dma_start3A_48 = arith.constant 0 : i32
        %dma_start3A_49 = tpu.memref_slice %arg11[%mul3A_9, %dma_start3A_48] : memref<102400x16xf32, #tpu.memory_space<vmem_shared>> -> memref<6400x16xf32, #tpu.memory_space<vmem_shared>>
        %dma_start3A_50 = arith.constant 0 : i32
        %dma_start3A_51 = tpu.memref_slice %arg2[%mul3A_7, %dma_start3A_50] : memref<102400x16xf32, #tpu.memory_space<hbm>> -> memref<6400x16xf32, #tpu.memory_space<hbm>>
        tpu.enqueue_dma source(%dma_start3A_51 : memref<6400x16xf32, #tpu.memory_space<hbm>>) target(%dma_start3A_49 : memref<6400x16xf32, #tpu.memory_space<vmem_shared>>) target_semaphore(%run_scoped3A : memref<!tpu.dma_semaphore, #tpu.memory_space<semaphore_mem>>)
        %dma_wait3A_52 = arith.constant 0 : i32
        %dma_wait3A_53 = tpu.memref_slice %arg11[%mul3A_9, %dma_wait3A_52] : memref<102400x16xf32, #tpu.memory_space<vmem_shared>> -> memref<6400x16xf32, #tpu.memory_space<vmem_shared>>
        %dma_wait3A_54 = arith.constant 0 : i32
        %dma_wait3A_55 = tpu.memref_slice %arg2[%mul3A_7, %dma_wait3A_54] : memref<102400x16xf32, #tpu.memory_space<hbm>> -> memref<6400x16xf32, #tpu.memory_space<hbm>>
        tpu.wait_dma2 semaphore(%run_scoped3A : memref<!tpu.dma_semaphore, #tpu.memory_space<semaphore_mem>>) src(%dma_wait3A_55 : memref<6400x16xf32, #tpu.memory_space<hbm>>) dst(%dma_wait3A_53 : memref<6400x16xf32, #tpu.memory_space<vmem_shared>>)
        tpu.yield
      }) : () -> ()
      %barrier3A = arith.constant 0 : index
      tpu.barrier barrier_id(%barrier3A)
      %scan3A = arith.constant 0 : i32
      %scan3A_10 = arith.constant 0 : i32
      %scan3A_11 = arith.constant 80 : i32
      %scan3A_12 = arith.addi %scan3A_10, %scan3A_11 : i32
      %scan3A_13 = arith.constant 1 : i32
      %scan3A_14 = scf.for %scan3A_48 = %scan3A_10 to %scan3A_12 step %scan3A_13 iter_args(%scan3A_49 = %scan3A) -> (i32)  : i32 {
        %mul3A_50 = arith.constant 2 : i32
        %mul3A_51 = arith.muli %mul3A_50, %scan3A_48 : i32
        %add3A = arith.constant 0 : i32
        %add3A_52 = arith.addi %mul3A_51, %add3A : i32
        %ge3A = arith.constant 2 : i32
        %ge3A_53 = arith.cmpi sge, %add3A_52, %ge3A : i32
        %convert_element_type3A_54 = arith.extui %ge3A_53 : i1 to i32
        %cond3A_55 = arith.constant 0 : i32
        %cond3A_56 = arith.cmpi ne, %convert_element_type3A_54, %cond3A_55 : i32
        scf.if %cond3A_56 {
          %dma_wait3A_97 = arith.constant 1 : i32
          %dma_wait3A_98 = arith.constant 0 : i32
          %dma_wait3A_99 = tpu.memref_slice %arg7[%dma_wait3A_97, %dma_wait3A_98] : memref<2x640xi32, #tpu.memory_space<vmem>> -> memref<1x640xi32, #tpu.memory_space<vmem>>
          %dma_wait3A_100 = tpu.memref_squeeze %dma_wait3A_99 : memref<1x640xi32, #tpu.memory_space<vmem>> -> memref<640xi32, #tpu.memory_space<vmem>>
          %dma_wait3A_101 = arith.constant 0 : i32
          %dma_wait3A_102 = arith.constant 0 : i32
          %dma_wait3A_103 = tpu.memref_slice %arg11[%dma_wait3A_101, %dma_wait3A_102] : memref<102400x16xf32, #tpu.memory_space<vmem_shared>> -> memref<102400x16xf32, #tpu.memory_space<vmem_shared>>
          tpu.wait_indirect_dma semaphore(%arg14 : memref<!tpu.dma_semaphore, #tpu.memory_space<semaphore_mem>>) src(%arg9 : memref<640x16xf32, #tpu.memory_space<vmem>>) dst(%dma_wait3A_103 : memref<102400x16xf32, #tpu.memory_space<vmem_shared>>)
        } else {
        }
        %mul3A_57 = arith.constant 160 : i32
        %mul3A_58 = arith.muli %arg1, %mul3A_57 : i32
        %add3A_59 = arith.addi %mul3A_58, %add3A_52 : i32
        "tpu.region"() ({
          %run_scoped3A = tpu.sem_alloc : memref<!tpu.dma_semaphore, #tpu.memory_space<semaphore_mem>>
          %dma_start3A_97 = arith.constant 0 : i32
          %dma_start3A_98 = arith.constant 0 : i32
          %dma_start3A_99 = tpu.memref_slice %arg4[%add3A_59, %dma_start3A_97, %dma_start3A_98] : memref<2560x2x640xi32, #tpu.memory_space<hbm>> -> memref<1x2x640xi32, #tpu.memory_space<hbm>>
          %dma_start3A_100 = tpu.memref_squeeze %dma_start3A_99 : memref<1x2x640xi32, #tpu.memory_space<hbm>> -> memref<2x640xi32, #tpu.memory_space<hbm>>
          %dma_start3A_101 = arith.constant 0 : i32
          %dma_start3A_102 = arith.constant 0 : i32
          %dma_start3A_103 = tpu.memref_slice %arg4[%add3A_59, %dma_start3A_101, %dma_start3A_102] : memref<2560x2x640xi32, #tpu.memory_space<hbm>> -> memref<1x2x640xi32, #tpu.memory_space<hbm>>
          %dma_start3A_104 = tpu.memref_squeeze %dma_start3A_103 : memref<1x2x640xi32, #tpu.memory_space<hbm>> -> memref<2x640xi32, #tpu.memory_space<hbm>>
          tpu.enqueue_dma source(%dma_start3A_104 : memref<2x640xi32, #tpu.memory_space<hbm>>) target(%arg7 : memref<2x640xi32, #tpu.memory_space<vmem>>) target_semaphore(%run_scoped3A : memref<!tpu.dma_semaphore, #tpu.memory_space<semaphore_mem>>)
          %dma_wait3A_105 = arith.constant 0 : i32
          %dma_wait3A_106 = arith.constant 0 : i32
          %dma_wait3A_107 = tpu.memref_slice %arg4[%add3A_59, %dma_wait3A_105, %dma_wait3A_106] : memref<2560x2x640xi32, #tpu.memory_space<hbm>> -> memref<1x2x640xi32, #tpu.memory_space<hbm>>
          %dma_wait3A_108 = tpu.memref_squeeze %dma_wait3A_107 : memref<1x2x640xi32, #tpu.memory_space<hbm>> -> memref<2x640xi32, #tpu.memory_space<hbm>>
          %dma_wait3A_109 = arith.constant 0 : i32
          %dma_wait3A_110 = arith.constant 0 : i32
          %dma_wait3A_111 = tpu.memref_slice %arg4[%add3A_59, %dma_wait3A_109, %dma_wait3A_110] : memref<2560x2x640xi32, #tpu.memory_space<hbm>> -> memref<1x2x640xi32, #tpu.memory_space<hbm>>
          %dma_wait3A_112 = tpu.memref_squeeze %dma_wait3A_111 : memref<1x2x640xi32, #tpu.memory_space<hbm>> -> memref<2x640xi32, #tpu.memory_space<hbm>>
          tpu.wait_dma2 semaphore(%run_scoped3A : memref<!tpu.dma_semaphore, #tpu.memory_space<semaphore_mem>>) src(%dma_wait3A_112 : memref<2x640xi32, #tpu.memory_space<hbm>>) dst(%arg7 : memref<2x640xi32, #tpu.memory_space<vmem>>)
          tpu.yield
        }) : () -> ()
        %dma_start3A_60 = arith.constant 0 : i32
        %dma_start3A_61 = arith.constant 0 : i32
        %dma_start3A_62 = tpu.memref_slice %arg7[%dma_start3A_60, %dma_start3A_61] : memref<2x640xi32, #tpu.memory_space<vmem>> -> memref<1x640xi32, #tpu.memory_space<vmem>>
        %dma_start3A_63 = tpu.memref_squeeze %dma_start3A_62 : memref<1x640xi32, #tpu.memory_space<vmem>> -> memref<640xi32, #tpu.memory_space<vmem>>
        %dma_start3A_64 = arith.constant 0 : i32
        %dma_start3A_65 = arith.constant 0 : i32
        %dma_start3A_66 = tpu.memref_slice %arg2[%dma_start3A_64, %dma_start3A_65] : memref<102400x16xf32, #tpu.memory_space<hbm>> -> memref<102400x16xf32, #tpu.memory_space<hbm>>
        tpu.enqueue_indirect_dma source(%dma_start3A_66 : memref<102400x16xf32, #tpu.memory_space<hbm>>) target(%arg9 : memref<640x16xf32, #tpu.memory_space<vmem>>) offsets(%dma_start3A_63 : memref<640xi32, #tpu.memory_space<vmem>>) semaphore(%arg12 : memref<!tpu.dma_semaphore, #tpu.memory_space<semaphore_mem>>)
        %ge3A_67 = arith.constant 1 : i32
        %ge3A_68 = arith.cmpi sge, %add3A_52, %ge3A_67 : i32
        %convert_element_type3A_69 = arith.extui %ge3A_68 : i1 to i32
        %cond3A_70 = arith.constant 0 : i32
        %cond3A_71 = arith.cmpi ne, %convert_element_type3A_69, %cond3A_70 : i32
        scf.if %cond3A_71 {
          %dma_wait3A_97 = arith.constant 0 : i32
          %dma_wait3A_98 = arith.constant 0 : i32
          %dma_wait3A_99 = tpu.memref_slice %arg8[%dma_wait3A_97, %dma_wait3A_98] : memref<2x640xi32, #tpu.memory_space<vmem>> -> memref<1x640xi32, #tpu.memory_space<vmem>>
          %dma_wait3A_100 = tpu.memref_squeeze %dma_wait3A_99 : memref<1x640xi32, #tpu.memory_space<vmem>> -> memref<640xi32, #tpu.memory_space<vmem>>
          %dma_wait3A_101 = arith.constant 0 : i32
          %dma_wait3A_102 = arith.constant 0 : i32
          %dma_wait3A_103 = tpu.memref_slice %arg2[%dma_wait3A_101, %dma_wait3A_102] : memref<102400x16xf32, #tpu.memory_space<hbm>> -> memref<102400x16xf32, #tpu.memory_space<hbm>>
          tpu.wait_indirect_dma semaphore(%arg13 : memref<!tpu.dma_semaphore, #tpu.memory_space<semaphore_mem>>) src(%dma_wait3A_103 : memref<102400x16xf32, #tpu.memory_space<hbm>>) dst(%arg10 : memref<640x16xf32, #tpu.memory_space<vmem>>)
          %dma_start3A_104 = arith.constant 1 : i32
          %dma_start3A_105 = arith.constant 0 : i32
          %dma_start3A_106 = tpu.memref_slice %arg8[%dma_start3A_104, %dma_start3A_105] : memref<2x640xi32, #tpu.memory_space<vmem>> -> memref<1x640xi32, #tpu.memory_space<vmem>>
          %dma_start3A_107 = tpu.memref_squeeze %dma_start3A_106 : memref<1x640xi32, #tpu.memory_space<vmem>> -> memref<640xi32, #tpu.memory_space<vmem>>
          %dma_start3A_108 = arith.constant 0 : i32
          %dma_start3A_109 = arith.constant 0 : i32
          %dma_start3A_110 = tpu.memref_slice %arg11[%dma_start3A_108, %dma_start3A_109] : memref<102400x16xf32, #tpu.memory_space<vmem_shared>> -> memref<102400x16xf32, #tpu.memory_space<vmem_shared>>
          tpu.enqueue_indirect_dma source(%arg10 : memref<640x16xf32, #tpu.memory_space<vmem>>) target(%dma_start3A_110 : memref<102400x16xf32, #tpu.memory_space<vmem_shared>>) offsets(%dma_start3A_107 : memref<640xi32, #tpu.memory_space<vmem>>) semaphore(%arg15 : memref<!tpu.dma_semaphore, #tpu.memory_space<semaphore_mem>>) {add = true}
        } else {
        }
        %mul3A_72 = arith.constant 2 : i32
        %mul3A_73 = arith.muli %mul3A_72, %scan3A_48 : i32
        %add3A_74 = arith.constant 1 : i32
        %add3A_75 = arith.addi %mul3A_73, %add3A_74 : i32
        %ge3A_76 = arith.constant 2 : i32
        %ge3A_77 = arith.cmpi sge, %add3A_75, %ge3A_76 : i32
        %convert_element_type3A_78 = arith.extui %ge3A_77 : i1 to i32
        %cond3A_79 = arith.constant 0 : i32
        %cond3A_80 = arith.cmpi ne, %convert_element_type3A_78, %cond3A_79 : i32
        scf.if %cond3A_80 {
          %dma_wait3A_97 = arith.constant 1 : i32
          %dma_wait3A_98 = arith.constant 0 : i32
          %dma_wait3A_99 = tpu.memref_slice %arg8[%dma_wait3A_97, %dma_wait3A_98] : memref<2x640xi32, #tpu.memory_space<vmem>> -> memref<1x640xi32, #tpu.memory_space<vmem>>
          %dma_wait3A_100 = tpu.memref_squeeze %dma_wait3A_99 : memref<1x640xi32, #tpu.memory_space<vmem>> -> memref<640xi32, #tpu.memory_space<vmem>>
          %dma_wait3A_101 = arith.constant 0 : i32
          %dma_wait3A_102 = arith.constant 0 : i32
          %dma_wait3A_103 = tpu.memref_slice %arg11[%dma_wait3A_101, %dma_wait3A_102] : memref<102400x16xf32, #tpu.memory_space<vmem_shared>> -> memref<102400x16xf32, #tpu.memory_space<vmem_shared>>
          tpu.wait_indirect_dma semaphore(%arg15 : memref<!tpu.dma_semaphore, #tpu.memory_space<semaphore_mem>>) src(%arg10 : memref<640x16xf32, #tpu.memory_space<vmem>>) dst(%dma_wait3A_103 : memref<102400x16xf32, #tpu.memory_space<vmem_shared>>)
        } else {
        }
        %mul3A_81 = arith.constant 160 : i32
        %mul3A_82 = arith.muli %arg1, %mul3A_81 : i32
        %add3A_83 = arith.addi %mul3A_82, %add3A_75 : i32
        "tpu.region"() ({
          %run_scoped3A = tpu.sem_alloc : memref<!tpu.dma_semaphore, #tpu.memory_space<semaphore_mem>>
          %dma_start3A_97 = arith.constant 0 : i32
          %dma_start3A_98 = arith.constant 0 : i32
          %dma_start3A_99 = tpu.memref_slice %arg4[%add3A_83, %dma_start3A_97, %dma_start3A_98] : memref<2560x2x640xi32, #tpu.memory_space<hbm>> -> memref<1x2x640xi32, #tpu.memory_space<hbm>>
          %dma_start3A_100 = tpu.memref_squeeze %dma_start3A_99 : memref<1x2x640xi32, #tpu.memory_space<hbm>> -> memref<2x640xi32, #tpu.memory_space<hbm>>
          %dma_start3A_101 = arith.constant 0 : i32
          %dma_start3A_102 = arith.constant 0 : i32
          %dma_start3A_103 = tpu.memref_slice %arg4[%add3A_83, %dma_start3A_101, %dma_start3A_102] : memref<2560x2x640xi32, #tpu.memory_space<hbm>> -> memref<1x2x640xi32, #tpu.memory_space<hbm>>
          %dma_start3A_104 = tpu.memref_squeeze %dma_start3A_103 : memref<1x2x640xi32, #tpu.memory_space<hbm>> -> memref<2x640xi32, #tpu.memory_space<hbm>>
          tpu.enqueue_dma source(%dma_start3A_104 : memref<2x640xi32, #tpu.memory_space<hbm>>) target(%arg8 : memref<2x640xi32, #tpu.memory_space<vmem>>) target_semaphore(%run_scoped3A : memref<!tpu.dma_semaphore, #tpu.memory_space<semaphore_mem>>)
          %dma_wait3A_105 = arith.constant 0 : i32
          %dma_wait3A_106 = arith.constant 0 : i32
          %dma_wait3A_107 = tpu.memref_slice %arg4[%add3A_83, %dma_wait3A_105, %dma_wait3A_106] : memref<2560x2x640xi32, #tpu.memory_space<hbm>> -> memref<1x2x640xi32, #tpu.memory_space<hbm>>
          %dma_wait3A_108 = tpu.memref_squeeze %dma_wait3A_107 : memref<1x2x640xi32, #tpu.memory_space<hbm>> -> memref<2x640xi32, #tpu.memory_space<hbm>>
          %dma_wait3A_109 = arith.constant 0 : i32
          %dma_wait3A_110 = arith.constant 0 : i32
          %dma_wait3A_111 = tpu.memref_slice %arg4[%add3A_83, %dma_wait3A_109, %dma_wait3A_110] : memref<2560x2x640xi32, #tpu.memory_space<hbm>> -> memref<1x2x640xi32, #tpu.memory_space<hbm>>
          %dma_wait3A_112 = tpu.memref_squeeze %dma_wait3A_111 : memref<1x2x640xi32, #tpu.memory_space<hbm>> -> memref<2x640xi32, #tpu.memory_space<hbm>>
          tpu.wait_dma2 semaphore(%run_scoped3A : memref<!tpu.dma_semaphore, #tpu.memory_space<semaphore_mem>>) src(%dma_wait3A_112 : memref<2x640xi32, #tpu.memory_space<hbm>>) dst(%arg8 : memref<2x640xi32, #tpu.memory_space<vmem>>)
          tpu.yield
        }) : () -> ()
        %dma_start3A_84 = arith.constant 0 : i32
        %dma_start3A_85 = arith.constant 0 : i32
        %dma_start3A_86 = tpu.memref_slice %arg8[%dma_start3A_84, %dma_start3A_85] : memref<2x640xi32, #tpu.memory_space<vmem>> -> memref<1x640xi32, #tpu.memory_space<vmem>>
        %dma_start3A_87 = tpu.memref_squeeze %dma_start3A_86 : memref<1x640xi32, #tpu.memory_space<vmem>> -> memref<640xi32, #tpu.memory_space<vmem>>
        %dma_start3A_88 = arith.constant 0 : i32
        %dma_start3A_89 = arith.constant 0 : i32
        %dma_start3A_90 = tpu.memref_slice %arg2[%dma_start3A_88, %dma_start3A_89] : memref<102400x16xf32, #tpu.memory_space<hbm>> -> memref<102400x16xf32, #tpu.memory_space<hbm>>
        tpu.enqueue_indirect_dma source(%dma_start3A_90 : memref<102400x16xf32, #tpu.memory_space<hbm>>) target(%arg10 : memref<640x16xf32, #tpu.memory_space<vmem>>) offsets(%dma_start3A_87 : memref<640xi32, #tpu.memory_space<vmem>>) semaphore(%arg13 : memref<!tpu.dma_semaphore, #tpu.memory_space<semaphore_mem>>)
        %ge3A_91 = arith.constant 1 : i32
        %ge3A_92 = arith.cmpi sge, %add3A_75, %ge3A_91 : i32
        %convert_element_type3A_93 = arith.extui %ge3A_92 : i1 to i32
        %cond3A_94 = arith.constant 0 : i32
        %cond3A_95 = arith.cmpi ne, %convert_element_type3A_93, %cond3A_94 : i32
        scf.if %cond3A_95 {
          %dma_wait3A_97 = arith.constant 0 : i32
          %dma_wait3A_98 = arith.constant 0 : i32
          %dma_wait3A_99 = tpu.memref_slice %arg7[%dma_wait3A_97, %dma_wait3A_98] : memref<2x640xi32, #tpu.memory_space<vmem>> -> memref<1x640xi32, #tpu.memory_space<vmem>>
          %dma_wait3A_100 = tpu.memref_squeeze %dma_wait3A_99 : memref<1x640xi32, #tpu.memory_space<vmem>> -> memref<640xi32, #tpu.memory_space<vmem>>
          %dma_wait3A_101 = arith.constant 0 : i32
          %dma_wait3A_102 = arith.constant 0 : i32
          %dma_wait3A_103 = tpu.memref_slice %arg2[%dma_wait3A_101, %dma_wait3A_102] : memref<102400x16xf32, #tpu.memory_space<hbm>> -> memref<102400x16xf32, #tpu.memory_space<hbm>>
          tpu.wait_indirect_dma semaphore(%arg12 : memref<!tpu.dma_semaphore, #tpu.memory_space<semaphore_mem>>) src(%dma_wait3A_103 : memref<102400x16xf32, #tpu.memory_space<hbm>>) dst(%arg9 : memref<640x16xf32, #tpu.memory_space<vmem>>)
          %dma_start3A_104 = arith.constant 1 : i32
          %dma_start3A_105 = arith.constant 0 : i32
          %dma_start3A_106 = tpu.memref_slice %arg7[%dma_start3A_104, %dma_start3A_105] : memref<2x640xi32, #tpu.memory_space<vmem>> -> memref<1x640xi32, #tpu.memory_space<vmem>>
          %dma_start3A_107 = tpu.memref_squeeze %dma_start3A_106 : memref<1x640xi32, #tpu.memory_space<vmem>> -> memref<640xi32, #tpu.memory_space<vmem>>
          %dma_start3A_108 = arith.constant 0 : i32
          %dma_start3A_109 = arith.constant 0 : i32
          %dma_start3A_110 = tpu.memref_slice %arg11[%dma_start3A_108, %dma_start3A_109] : memref<102400x16xf32, #tpu.memory_space<vmem_shared>> -> memref<102400x16xf32, #tpu.memory_space<vmem_shared>>
          tpu.enqueue_indirect_dma source(%arg9 : memref<640x16xf32, #tpu.memory_space<vmem>>) target(%dma_start3A_110 : memref<102400x16xf32, #tpu.memory_space<vmem_shared>>) offsets(%dma_start3A_107 : memref<640xi32, #tpu.memory_space<vmem>>) semaphore(%arg14 : memref<!tpu.dma_semaphore, #tpu.memory_space<semaphore_mem>>) {add = true}
        } else {
        }
        %scan3A_96 = arith.constant 0 : i32
        scf.yield %scan3A_96 : i32
      }
      %scan3A_15 = arith.constant 80 : i32
      %dma_wait3A = arith.constant 0 : i32
      %dma_wait3A_16 = arith.constant 0 : i32
      %dma_wait3A_17 = tpu.memref_slice %arg8[%dma_wait3A, %dma_wait3A_16] : memref<2x640xi32, #tpu.memory_space<vmem>> -> memref<1x640xi32, #tpu.memory_space<vmem>>
      %dma_wait3A_18 = tpu.memref_squeeze %dma_wait3A_17 : memref<1x640xi32, #tpu.memory_space<vmem>> -> memref<640xi32, #tpu.memory_space<vmem>>
      %dma_wait3A_19 = arith.constant 0 : i32
      %dma_wait3A_20 = arith.constant 0 : i32
      %dma_wait3A_21 = tpu.memref_slice %arg2[%dma_wait3A_19, %dma_wait3A_20] : memref<102400x16xf32, #tpu.memory_space<hbm>> -> memref<102400x16xf32, #tpu.memory_space<hbm>>
      tpu.wait_indirect_dma semaphore(%arg13 : memref<!tpu.dma_semaphore, #tpu.memory_space<semaphore_mem>>) src(%dma_wait3A_21 : memref<102400x16xf32, #tpu.memory_space<hbm>>) dst(%arg10 : memref<640x16xf32, #tpu.memory_space<vmem>>)
      %dma_start3A = arith.constant 1 : i32
      %dma_start3A_22 = arith.constant 0 : i32
      %dma_start3A_23 = tpu.memref_slice %arg8[%dma_start3A, %dma_start3A_22] : memref<2x640xi32, #tpu.memory_space<vmem>> -> memref<1x640xi32, #tpu.memory_space<vmem>>
      %dma_start3A_24 = tpu.memref_squeeze %dma_start3A_23 : memref<1x640xi32, #tpu.memory_space<vmem>> -> memref<640xi32, #tpu.memory_space<vmem>>
      %dma_start3A_25 = arith.constant 0 : i32
      %dma_start3A_26 = arith.constant 0 : i32
      %dma_start3A_27 = tpu.memref_slice %arg11[%dma_start3A_25, %dma_start3A_26] : memref<102400x16xf32, #tpu.memory_space<vmem_shared>> -> memref<102400x16xf32, #tpu.memory_space<vmem_shared>>
      tpu.enqueue_indirect_dma source(%arg10 : memref<640x16xf32, #tpu.memory_space<vmem>>) target(%dma_start3A_27 : memref<102400x16xf32, #tpu.memory_space<vmem_shared>>) offsets(%dma_start3A_24 : memref<640xi32, #tpu.memory_space<vmem>>) semaphore(%arg15 : memref<!tpu.dma_semaphore, #tpu.memory_space<semaphore_mem>>) {add = true}
      %dma_wait3A_28 = arith.constant 1 : i32
      %dma_wait3A_29 = arith.constant 0 : i32
      %dma_wait3A_30 = tpu.memref_slice %arg7[%dma_wait3A_28, %dma_wait3A_29] : memref<2x640xi32, #tpu.memory_space<vmem>> -> memref<1x640xi32, #tpu.memory_space<vmem>>
      %dma_wait3A_31 = tpu.memref_squeeze %dma_wait3A_30 : memref<1x640xi32, #tpu.memory_space<vmem>> -> memref<640xi32, #tpu.memory_space<vmem>>
      %dma_wait3A_32 = arith.constant 0 : i32
      %dma_wait3A_33 = arith.constant 0 : i32
      %dma_wait3A_34 = tpu.memref_slice %arg11[%dma_wait3A_32, %dma_wait3A_33] : memref<102400x16xf32, #tpu.memory_space<vmem_shared>> -> memref<102400x16xf32, #tpu.memory_space<vmem_shared>>
      tpu.wait_indirect_dma semaphore(%arg14 : memref<!tpu.dma_semaphore, #tpu.memory_space<semaphore_mem>>) src(%arg9 : memref<640x16xf32, #tpu.memory_space<vmem>>) dst(%dma_wait3A_34 : memref<102400x16xf32, #tpu.memory_space<vmem_shared>>)
      %dma_wait3A_35 = arith.constant 1 : i32
      %dma_wait3A_36 = arith.constant 0 : i32
      %dma_wait3A_37 = tpu.memref_slice %arg8[%dma_wait3A_35, %dma_wait3A_36] : memref<2x640xi32, #tpu.memory_space<vmem>> -> memref<1x640xi32, #tpu.memory_space<vmem>>
      %dma_wait3A_38 = tpu.memref_squeeze %dma_wait3A_37 : memref<1x640xi32, #tpu.memory_space<vmem>> -> memref<640xi32, #tpu.memory_space<vmem>>
      %dma_wait3A_39 = arith.constant 0 : i32
      %dma_wait3A_40 = arith.constant 0 : i32
      %dma_wait3A_41 = tpu.memref_slice %arg11[%dma_wait3A_39, %dma_wait3A_40] : memref<102400x16xf32, #tpu.memory_space<vmem_shared>> -> memref<102400x16xf32, #tpu.memory_space<vmem_shared>>
      tpu.wait_indirect_dma semaphore(%arg15 : memref<!tpu.dma_semaphore, #tpu.memory_space<semaphore_mem>>) src(%arg10 : memref<640x16xf32, #tpu.memory_space<vmem>>) dst(%dma_wait3A_41 : memref<102400x16xf32, #tpu.memory_space<vmem_shared>>)
      %barrier3A_42 = arith.constant 0 : index
      tpu.barrier barrier_id(%barrier3A_42)
      %mul3A_43 = arith.constant 6400 : i32
      %mul3A_44 = arith.muli %arg1, %mul3A_43 : i32
      %mul3A_45 = arith.constant 6400 : i32
      %mul3A_46 = arith.muli %arg1, %mul3A_45 : i32
      "tpu.region"() ({
        %run_scoped3A = tpu.sem_alloc : memref<!tpu.dma_semaphore, #tpu.memory_space<semaphore_mem>>
        %dma_start3A_48 = arith.constant 0 : i32
        %dma_start3A_49 = tpu.memref_slice %arg5[%mul3A_46, %dma_start3A_48] : memref<102400x16xf32, #tpu.memory_space<hbm>> -> memref<6400x16xf32, #tpu.memory_space<hbm>>
        %dma_start3A_50 = arith.constant 0 : i32
        %dma_start3A_51 = tpu.memref_slice %arg11[%mul3A_44, %dma_start3A_50] : memref<102400x16xf32, #tpu.memory_space<vmem_shared>> -> memref<6400x16xf32, #tpu.memory_space<vmem_shared>>
        tpu.enqueue_dma source(%dma_start3A_51 : memref<6400x16xf32, #tpu.memory_space<vmem_shared>>) target(%dma_start3A_49 : memref<6400x16xf32, #tpu.memory_space<hbm>>) target_semaphore(%run_scoped3A : memref<!tpu.dma_semaphore, #tpu.memory_space<semaphore_mem>>)
        %dma_wait3A_52 = arith.constant 0 : i32
        %dma_wait3A_53 = tpu.memref_slice %arg5[%mul3A_46, %dma_wait3A_52] : memref<102400x16xf32, #tpu.memory_space<hbm>> -> memref<6400x16xf32, #tpu.memory_space<hbm>>
        %dma_wait3A_54 = arith.constant 0 : i32
        %dma_wait3A_55 = tpu.memref_slice %arg11[%mul3A_44, %dma_wait3A_54] : memref<102400x16xf32, #tpu.memory_space<vmem_shared>> -> memref<6400x16xf32, #tpu.memory_space<vmem_shared>>
        tpu.wait_dma2 semaphore(%run_scoped3A : memref<!tpu.dma_semaphore, #tpu.memory_space<semaphore_mem>>) src(%dma_wait3A_55 : memref<6400x16xf32, #tpu.memory_space<vmem_shared>>) dst(%dma_wait3A_53 : memref<6400x16xf32, #tpu.memory_space<hbm>>)
        tpu.yield
      }) : () -> ()
      %barrier3A_47 = arith.constant 0 : index
      tpu.barrier barrier_id(%barrier3A_47)
    } else {
    }
    %eq3A_2 = arith.constant 1 : i32
    %eq3A_3 = arith.cmpi eq, %arg0, %eq3A_2 : i32
    %convert_element_type3A_4 = arith.extui %eq3A_3 : i1 to i32
    %cond3A_5 = arith.constant 0 : i32
    %cond3A_6 = arith.cmpi ne, %convert_element_type3A_4, %cond3A_5 : i32
    scf.if %cond3A_6 {
      %mul3A = arith.constant 6400 : i32
      %mul3A_7 = arith.muli %arg1, %mul3A : i32
      %mul3A_8 = arith.constant 6400 : i32
      %mul3A_9 = arith.muli %arg1, %mul3A_8 : i32
      "tpu.region"() ({
        %run_scoped3A = tpu.sem_alloc : memref<!tpu.dma_semaphore, #tpu.memory_space<semaphore_mem>>
        %dma_start3A_48 = arith.constant 0 : i32
        %dma_start3A_49 = tpu.memref_slice %arg11[%mul3A_9, %dma_start3A_48] : memref<102400x16xf32, #tpu.memory_space<vmem_shared>> -> memref<6400x16xf32, #tpu.memory_space<vmem_shared>>
        %dma_start3A_50 = arith.constant 0 : i32
        %dma_start3A_51 = tpu.memref_slice %arg3[%mul3A_7, %dma_start3A_50] : memref<102400x16xf32, #tpu.memory_space<hbm>> -> memref<6400x16xf32, #tpu.memory_space<hbm>>
        tpu.enqueue_dma source(%dma_start3A_51 : memref<6400x16xf32, #tpu.memory_space<hbm>>) target(%dma_start3A_49 : memref<6400x16xf32, #tpu.memory_space<vmem_shared>>) target_semaphore(%run_scoped3A : memref<!tpu.dma_semaphore, #tpu.memory_space<semaphore_mem>>)
        %dma_wait3A_52 = arith.constant 0 : i32
        %dma_wait3A_53 = tpu.memref_slice %arg11[%mul3A_9, %dma_wait3A_52] : memref<102400x16xf32, #tpu.memory_space<vmem_shared>> -> memref<6400x16xf32, #tpu.memory_space<vmem_shared>>
        %dma_wait3A_54 = arith.constant 0 : i32
        %dma_wait3A_55 = tpu.memref_slice %arg3[%mul3A_7, %dma_wait3A_54] : memref<102400x16xf32, #tpu.memory_space<hbm>> -> memref<6400x16xf32, #tpu.memory_space<hbm>>
        tpu.wait_dma2 semaphore(%run_scoped3A : memref<!tpu.dma_semaphore, #tpu.memory_space<semaphore_mem>>) src(%dma_wait3A_55 : memref<6400x16xf32, #tpu.memory_space<hbm>>) dst(%dma_wait3A_53 : memref<6400x16xf32, #tpu.memory_space<vmem_shared>>)
        tpu.yield
      }) : () -> ()
      %barrier3A = arith.constant 0 : index
      tpu.barrier barrier_id(%barrier3A)
      %scan3A = arith.constant 0 : i32
      %scan3A_10 = arith.constant 0 : i32
      %scan3A_11 = arith.constant 80 : i32
      %scan3A_12 = arith.addi %scan3A_10, %scan3A_11 : i32
      %scan3A_13 = arith.constant 1 : i32
      %scan3A_14 = scf.for %scan3A_48 = %scan3A_10 to %scan3A_12 step %scan3A_13 iter_args(%scan3A_49 = %scan3A) -> (i32)  : i32 {
        %mul3A_50 = arith.constant 2 : i32
        %mul3A_51 = arith.muli %mul3A_50, %scan3A_48 : i32
        %add3A = arith.constant 0 : i32
        %add3A_52 = arith.addi %mul3A_51, %add3A : i32
        %ge3A = arith.constant 2 : i32
        %ge3A_53 = arith.cmpi sge, %add3A_52, %ge3A : i32
        %convert_element_type3A_54 = arith.extui %ge3A_53 : i1 to i32
        %cond3A_55 = arith.constant 0 : i32
        %cond3A_56 = arith.cmpi ne, %convert_element_type3A_54, %cond3A_55 : i32
        scf.if %cond3A_56 {
          %dma_wait3A_97 = arith.constant 1 : i32
          %dma_wait3A_98 = arith.constant 0 : i32
          %dma_wait3A_99 = tpu.memref_slice %arg7[%dma_wait3A_97, %dma_wait3A_98] : memref<2x640xi32, #tpu.memory_space<vmem>> -> memref<1x640xi32, #tpu.memory_space<vmem>>
          %dma_wait3A_100 = tpu.memref_squeeze %dma_wait3A_99 : memref<1x640xi32, #tpu.memory_space<vmem>> -> memref<640xi32, #tpu.memory_space<vmem>>
          %dma_wait3A_101 = arith.constant 0 : i32
          %dma_wait3A_102 = arith.constant 0 : i32
          %dma_wait3A_103 = tpu.memref_slice %arg11[%dma_wait3A_101, %dma_wait3A_102] : memref<102400x16xf32, #tpu.memory_space<vmem_shared>> -> memref<102400x16xf32, #tpu.memory_space<vmem_shared>>
          tpu.wait_indirect_dma semaphore(%arg14 : memref<!tpu.dma_semaphore, #tpu.memory_space<semaphore_mem>>) src(%arg9 : memref<640x16xf32, #tpu.memory_space<vmem>>) dst(%dma_wait3A_103 : memref<102400x16xf32, #tpu.memory_space<vmem_shared>>)
        } else {
        }
        %mul3A_57 = arith.constant 160 : i32
        %mul3A_58 = arith.muli %arg1, %mul3A_57 : i32
        %add3A_59 = arith.addi %mul3A_58, %add3A_52 : i32
        "tpu.region"() ({
          %run_scoped3A = tpu.sem_alloc : memref<!tpu.dma_semaphore, #tpu.memory_space<semaphore_mem>>
          %dma_start3A_97 = arith.constant 0 : i32
          %dma_start3A_98 = arith.constant 0 : i32
          %dma_start3A_99 = tpu.memref_slice %arg4[%add3A_59, %dma_start3A_97, %dma_start3A_98] : memref<2560x2x640xi32, #tpu.memory_space<hbm>> -> memref<1x2x640xi32, #tpu.memory_space<hbm>>
          %dma_start3A_100 = tpu.memref_squeeze %dma_start3A_99 : memref<1x2x640xi32, #tpu.memory_space<hbm>> -> memref<2x640xi32, #tpu.memory_space<hbm>>
          %dma_start3A_101 = arith.constant 0 : i32
          %dma_start3A_102 = arith.constant 0 : i32
          %dma_start3A_103 = tpu.memref_slice %arg4[%add3A_59, %dma_start3A_101, %dma_start3A_102] : memref<2560x2x640xi32, #tpu.memory_space<hbm>> -> memref<1x2x640xi32, #tpu.memory_space<hbm>>
          %dma_start3A_104 = tpu.memref_squeeze %dma_start3A_103 : memref<1x2x640xi32, #tpu.memory_space<hbm>> -> memref<2x640xi32, #tpu.memory_space<hbm>>
          tpu.enqueue_dma source(%dma_start3A_104 : memref<2x640xi32, #tpu.memory_space<hbm>>) target(%arg7 : memref<2x640xi32, #tpu.memory_space<vmem>>) target_semaphore(%run_scoped3A : memref<!tpu.dma_semaphore, #tpu.memory_space<semaphore_mem>>)
          %dma_wait3A_105 = arith.constant 0 : i32
          %dma_wait3A_106 = arith.constant 0 : i32
          %dma_wait3A_107 = tpu.memref_slice %arg4[%add3A_59, %dma_wait3A_105, %dma_wait3A_106] : memref<2560x2x640xi32, #tpu.memory_space<hbm>> -> memref<1x2x640xi32, #tpu.memory_space<hbm>>
          %dma_wait3A_108 = tpu.memref_squeeze %dma_wait3A_107 : memref<1x2x640xi32, #tpu.memory_space<hbm>> -> memref<2x640xi32, #tpu.memory_space<hbm>>
          %dma_wait3A_109 = arith.constant 0 : i32
          %dma_wait3A_110 = arith.constant 0 : i32
          %dma_wait3A_111 = tpu.memref_slice %arg4[%add3A_59, %dma_wait3A_109, %dma_wait3A_110] : memref<2560x2x640xi32, #tpu.memory_space<hbm>> -> memref<1x2x640xi32, #tpu.memory_space<hbm>>
          %dma_wait3A_112 = tpu.memref_squeeze %dma_wait3A_111 : memref<1x2x640xi32, #tpu.memory_space<hbm>> -> memref<2x640xi32, #tpu.memory_space<hbm>>
          tpu.wait_dma2 semaphore(%run_scoped3A : memref<!tpu.dma_semaphore, #tpu.memory_space<semaphore_mem>>) src(%dma_wait3A_112 : memref<2x640xi32, #tpu.memory_space<hbm>>) dst(%arg7 : memref<2x640xi32, #tpu.memory_space<vmem>>)
          tpu.yield
        }) : () -> ()
        %dma_start3A_60 = arith.constant 0 : i32
        %dma_start3A_61 = arith.constant 0 : i32
        %dma_start3A_62 = tpu.memref_slice %arg7[%dma_start3A_60, %dma_start3A_61] : memref<2x640xi32, #tpu.memory_space<vmem>> -> memref<1x640xi32, #tpu.memory_space<vmem>>
        %dma_start3A_63 = tpu.memref_squeeze %dma_start3A_62 : memref<1x640xi32, #tpu.memory_space<vmem>> -> memref<640xi32, #tpu.memory_space<vmem>>
        %dma_start3A_64 = arith.constant 0 : i32
        %dma_start3A_65 = arith.constant 0 : i32
        %dma_start3A_66 = tpu.memref_slice %arg3[%dma_start3A_64, %dma_start3A_65] : memref<102400x16xf32, #tpu.memory_space<hbm>> -> memref<102400x16xf32, #tpu.memory_space<hbm>>
        tpu.enqueue_indirect_dma source(%dma_start3A_66 : memref<102400x16xf32, #tpu.memory_space<hbm>>) target(%arg9 : memref<640x16xf32, #tpu.memory_space<vmem>>) offsets(%dma_start3A_63 : memref<640xi32, #tpu.memory_space<vmem>>) semaphore(%arg12 : memref<!tpu.dma_semaphore, #tpu.memory_space<semaphore_mem>>)
        %ge3A_67 = arith.constant 1 : i32
        %ge3A_68 = arith.cmpi sge, %add3A_52, %ge3A_67 : i32
        %convert_element_type3A_69 = arith.extui %ge3A_68 : i1 to i32
        %cond3A_70 = arith.constant 0 : i32
        %cond3A_71 = arith.cmpi ne, %convert_element_type3A_69, %cond3A_70 : i32
        scf.if %cond3A_71 {
          %dma_wait3A_97 = arith.constant 0 : i32
          %dma_wait3A_98 = arith.constant 0 : i32
          %dma_wait3A_99 = tpu.memref_slice %arg8[%dma_wait3A_97, %dma_wait3A_98] : memref<2x640xi32, #tpu.memory_space<vmem>> -> memref<1x640xi32, #tpu.memory_space<vmem>>
          %dma_wait3A_100 = tpu.memref_squeeze %dma_wait3A_99 : memref<1x640xi32, #tpu.memory_space<vmem>> -> memref<640xi32, #tpu.memory_space<vmem>>
          %dma_wait3A_101 = arith.constant 0 : i32
          %dma_wait3A_102 = arith.constant 0 : i32
          %dma_wait3A_103 = tpu.memref_slice %arg3[%dma_wait3A_101, %dma_wait3A_102] : memref<102400x16xf32, #tpu.memory_space<hbm>> -> memref<102400x16xf32, #tpu.memory_space<hbm>>
          tpu.wait_indirect_dma semaphore(%arg13 : memref<!tpu.dma_semaphore, #tpu.memory_space<semaphore_mem>>) src(%dma_wait3A_103 : memref<102400x16xf32, #tpu.memory_space<hbm>>) dst(%arg10 : memref<640x16xf32, #tpu.memory_space<vmem>>)
          %dma_start3A_104 = arith.constant 1 : i32
          %dma_start3A_105 = arith.constant 0 : i32
          %dma_start3A_106 = tpu.memref_slice %arg8[%dma_start3A_104, %dma_start3A_105] : memref<2x640xi32, #tpu.memory_space<vmem>> -> memref<1x640xi32, #tpu.memory_space<vmem>>
          %dma_start3A_107 = tpu.memref_squeeze %dma_start3A_106 : memref<1x640xi32, #tpu.memory_space<vmem>> -> memref<640xi32, #tpu.memory_space<vmem>>
          %dma_start3A_108 = arith.constant 0 : i32
          %dma_start3A_109 = arith.constant 0 : i32
          %dma_start3A_110 = tpu.memref_slice %arg11[%dma_start3A_108, %dma_start3A_109] : memref<102400x16xf32, #tpu.memory_space<vmem_shared>> -> memref<102400x16xf32, #tpu.memory_space<vmem_shared>>
          tpu.enqueue_indirect_dma source(%arg10 : memref<640x16xf32, #tpu.memory_space<vmem>>) target(%dma_start3A_110 : memref<102400x16xf32, #tpu.memory_space<vmem_shared>>) offsets(%dma_start3A_107 : memref<640xi32, #tpu.memory_space<vmem>>) semaphore(%arg15 : memref<!tpu.dma_semaphore, #tpu.memory_space<semaphore_mem>>) {add = true}
        } else {
        }
        %mul3A_72 = arith.constant 2 : i32
        %mul3A_73 = arith.muli %mul3A_72, %scan3A_48 : i32
        %add3A_74 = arith.constant 1 : i32
        %add3A_75 = arith.addi %mul3A_73, %add3A_74 : i32
        %ge3A_76 = arith.constant 2 : i32
        %ge3A_77 = arith.cmpi sge, %add3A_75, %ge3A_76 : i32
        %convert_element_type3A_78 = arith.extui %ge3A_77 : i1 to i32
        %cond3A_79 = arith.constant 0 : i32
        %cond3A_80 = arith.cmpi ne, %convert_element_type3A_78, %cond3A_79 : i32
        scf.if %cond3A_80 {
          %dma_wait3A_97 = arith.constant 1 : i32
          %dma_wait3A_98 = arith.constant 0 : i32
          %dma_wait3A_99 = tpu.memref_slice %arg8[%dma_wait3A_97, %dma_wait3A_98] : memref<2x640xi32, #tpu.memory_space<vmem>> -> memref<1x640xi32, #tpu.memory_space<vmem>>
          %dma_wait3A_100 = tpu.memref_squeeze %dma_wait3A_99 : memref<1x640xi32, #tpu.memory_space<vmem>> -> memref<640xi32, #tpu.memory_space<vmem>>
          %dma_wait3A_101 = arith.constant 0 : i32
          %dma_wait3A_102 = arith.constant 0 : i32
          %dma_wait3A_103 = tpu.memref_slice %arg11[%dma_wait3A_101, %dma_wait3A_102] : memref<102400x16xf32, #tpu.memory_space<vmem_shared>> -> memref<102400x16xf32, #tpu.memory_space<vmem_shared>>
          tpu.wait_indirect_dma semaphore(%arg15 : memref<!tpu.dma_semaphore, #tpu.memory_space<semaphore_mem>>) src(%arg10 : memref<640x16xf32, #tpu.memory_space<vmem>>) dst(%dma_wait3A_103 : memref<102400x16xf32, #tpu.memory_space<vmem_shared>>)
        } else {
        }
        %mul3A_81 = arith.constant 160 : i32
        %mul3A_82 = arith.muli %arg1, %mul3A_81 : i32
        %add3A_83 = arith.addi %mul3A_82, %add3A_75 : i32
        "tpu.region"() ({
          %run_scoped3A = tpu.sem_alloc : memref<!tpu.dma_semaphore, #tpu.memory_space<semaphore_mem>>
          %dma_start3A_97 = arith.constant 0 : i32
          %dma_start3A_98 = arith.constant 0 : i32
          %dma_start3A_99 = tpu.memref_slice %arg4[%add3A_83, %dma_start3A_97, %dma_start3A_98] : memref<2560x2x640xi32, #tpu.memory_space<hbm>> -> memref<1x2x640xi32, #tpu.memory_space<hbm>>
          %dma_start3A_100 = tpu.memref_squeeze %dma_start3A_99 : memref<1x2x640xi32, #tpu.memory_space<hbm>> -> memref<2x640xi32, #tpu.memory_space<hbm>>
          %dma_start3A_101 = arith.constant 0 : i32
          %dma_start3A_102 = arith.constant 0 : i32
          %dma_start3A_103 = tpu.memref_slice %arg4[%add3A_83, %dma_start3A_101, %dma_start3A_102] : memref<2560x2x640xi32, #tpu.memory_space<hbm>> -> memref<1x2x640xi32, #tpu.memory_space<hbm>>
          %dma_start3A_104 = tpu.memref_squeeze %dma_start3A_103 : memref<1x2x640xi32, #tpu.memory_space<hbm>> -> memref<2x640xi32, #tpu.memory_space<hbm>>
          tpu.enqueue_dma source(%dma_start3A_104 : memref<2x640xi32, #tpu.memory_space<hbm>>) target(%arg8 : memref<2x640xi32, #tpu.memory_space<vmem>>) target_semaphore(%run_scoped3A : memref<!tpu.dma_semaphore, #tpu.memory_space<semaphore_mem>>)
          %dma_wait3A_105 = arith.constant 0 : i32
          %dma_wait3A_106 = arith.constant 0 : i32
          %dma_wait3A_107 = tpu.memref_slice %arg4[%add3A_83, %dma_wait3A_105, %dma_wait3A_106] : memref<2560x2x640xi32, #tpu.memory_space<hbm>> -> memref<1x2x640xi32, #tpu.memory_space<hbm>>
          %dma_wait3A_108 = tpu.memref_squeeze %dma_wait3A_107 : memref<1x2x640xi32, #tpu.memory_space<hbm>> -> memref<2x640xi32, #tpu.memory_space<hbm>>
          %dma_wait3A_109 = arith.constant 0 : i32
          %dma_wait3A_110 = arith.constant 0 : i32
          %dma_wait3A_111 = tpu.memref_slice %arg4[%add3A_83, %dma_wait3A_109, %dma_wait3A_110] : memref<2560x2x640xi32, #tpu.memory_space<hbm>> -> memref<1x2x640xi32, #tpu.memory_space<hbm>>
          %dma_wait3A_112 = tpu.memref_squeeze %dma_wait3A_111 : memref<1x2x640xi32, #tpu.memory_space<hbm>> -> memref<2x640xi32, #tpu.memory_space<hbm>>
          tpu.wait_dma2 semaphore(%run_scoped3A : memref<!tpu.dma_semaphore, #tpu.memory_space<semaphore_mem>>) src(%dma_wait3A_112 : memref<2x640xi32, #tpu.memory_space<hbm>>) dst(%arg8 : memref<2x640xi32, #tpu.memory_space<vmem>>)
          tpu.yield
        }) : () -> ()
        %dma_start3A_84 = arith.constant 0 : i32
        %dma_start3A_85 = arith.constant 0 : i32
        %dma_start3A_86 = tpu.memref_slice %arg8[%dma_start3A_84, %dma_start3A_85] : memref<2x640xi32, #tpu.memory_space<vmem>> -> memref<1x640xi32, #tpu.memory_space<vmem>>
        %dma_start3A_87 = tpu.memref_squeeze %dma_start3A_86 : memref<1x640xi32, #tpu.memory_space<vmem>> -> memref<640xi32, #tpu.memory_space<vmem>>
        %dma_start3A_88 = arith.constant 0 : i32
        %dma_start3A_89 = arith.constant 0 : i32
        %dma_start3A_90 = tpu.memref_slice %arg3[%dma_start3A_88, %dma_start3A_89] : memref<102400x16xf32, #tpu.memory_space<hbm>> -> memref<102400x16xf32, #tpu.memory_space<hbm>>
        tpu.enqueue_indirect_dma source(%dma_start3A_90 : memref<102400x16xf32, #tpu.memory_space<hbm>>) target(%arg10 : memref<640x16xf32, #tpu.memory_space<vmem>>) offsets(%dma_start3A_87 : memref<640xi32, #tpu.memory_space<vmem>>) semaphore(%arg13 : memref<!tpu.dma_semaphore, #tpu.memory_space<semaphore_mem>>)
        %ge3A_91 = arith.constant 1 : i32
        %ge3A_92 = arith.cmpi sge, %add3A_75, %ge3A_91 : i32
        %convert_element_type3A_93 = arith.extui %ge3A_92 : i1 to i32
        %cond3A_94 = arith.constant 0 : i32
        %cond3A_95 = arith.cmpi ne, %convert_element_type3A_93, %cond3A_94 : i32
        scf.if %cond3A_95 {
          %dma_wait3A_97 = arith.constant 0 : i32
          %dma_wait3A_98 = arith.constant 0 : i32
          %dma_wait3A_99 = tpu.memref_slice %arg7[%dma_wait3A_97, %dma_wait3A_98] : memref<2x640xi32, #tpu.memory_space<vmem>> -> memref<1x640xi32, #tpu.memory_space<vmem>>
          %dma_wait3A_100 = tpu.memref_squeeze %dma_wait3A_99 : memref<1x640xi32, #tpu.memory_space<vmem>> -> memref<640xi32, #tpu.memory_space<vmem>>
          %dma_wait3A_101 = arith.constant 0 : i32
          %dma_wait3A_102 = arith.constant 0 : i32
          %dma_wait3A_103 = tpu.memref_slice %arg3[%dma_wait3A_101, %dma_wait3A_102] : memref<102400x16xf32, #tpu.memory_space<hbm>> -> memref<102400x16xf32, #tpu.memory_space<hbm>>
          tpu.wait_indirect_dma semaphore(%arg12 : memref<!tpu.dma_semaphore, #tpu.memory_space<semaphore_mem>>) src(%dma_wait3A_103 : memref<102400x16xf32, #tpu.memory_space<hbm>>) dst(%arg9 : memref<640x16xf32, #tpu.memory_space<vmem>>)
          %dma_start3A_104 = arith.constant 1 : i32
          %dma_start3A_105 = arith.constant 0 : i32
          %dma_start3A_106 = tpu.memref_slice %arg7[%dma_start3A_104, %dma_start3A_105] : memref<2x640xi32, #tpu.memory_space<vmem>> -> memref<1x640xi32, #tpu.memory_space<vmem>>
          %dma_start3A_107 = tpu.memref_squeeze %dma_start3A_106 : memref<1x640xi32, #tpu.memory_space<vmem>> -> memref<640xi32, #tpu.memory_space<vmem>>
          %dma_start3A_108 = arith.constant 0 : i32
          %dma_start3A_109 = arith.constant 0 : i32
          %dma_start3A_110 = tpu.memref_slice %arg11[%dma_start3A_108, %dma_start3A_109] : memref<102400x16xf32, #tpu.memory_space<vmem_shared>> -> memref<102400x16xf32, #tpu.memory_space<vmem_shared>>
          tpu.enqueue_indirect_dma source(%arg9 : memref<640x16xf32, #tpu.memory_space<vmem>>) target(%dma_start3A_110 : memref<102400x16xf32, #tpu.memory_space<vmem_shared>>) offsets(%dma_start3A_107 : memref<640xi32, #tpu.memory_space<vmem>>) semaphore(%arg14 : memref<!tpu.dma_semaphore, #tpu.memory_space<semaphore_mem>>) {add = true}
        } else {
        }
        %scan3A_96 = arith.constant 0 : i32
        scf.yield %scan3A_96 : i32
      }
      %scan3A_15 = arith.constant 80 : i32
      %dma_wait3A = arith.constant 0 : i32
      %dma_wait3A_16 = arith.constant 0 : i32
      %dma_wait3A_17 = tpu.memref_slice %arg8[%dma_wait3A, %dma_wait3A_16] : memref<2x640xi32, #tpu.memory_space<vmem>> -> memref<1x640xi32, #tpu.memory_space<vmem>>
      %dma_wait3A_18 = tpu.memref_squeeze %dma_wait3A_17 : memref<1x640xi32, #tpu.memory_space<vmem>> -> memref<640xi32, #tpu.memory_space<vmem>>
      %dma_wait3A_19 = arith.constant 0 : i32
      %dma_wait3A_20 = arith.constant 0 : i32
      %dma_wait3A_21 = tpu.memref_slice %arg3[%dma_wait3A_19, %dma_wait3A_20] : memref<102400x16xf32, #tpu.memory_space<hbm>> -> memref<102400x16xf32, #tpu.memory_space<hbm>>
      tpu.wait_indirect_dma semaphore(%arg13 : memref<!tpu.dma_semaphore, #tpu.memory_space<semaphore_mem>>) src(%dma_wait3A_21 : memref<102400x16xf32, #tpu.memory_space<hbm>>) dst(%arg10 : memref<640x16xf32, #tpu.memory_space<vmem>>)
      %dma_start3A = arith.constant 1 : i32
      %dma_start3A_22 = arith.constant 0 : i32
      %dma_start3A_23 = tpu.memref_slice %arg8[%dma_start3A, %dma_start3A_22] : memref<2x640xi32, #tpu.memory_space<vmem>> -> memref<1x640xi32, #tpu.memory_space<vmem>>
      %dma_start3A_24 = tpu.memref_squeeze %dma_start3A_23 : memref<1x640xi32, #tpu.memory_space<vmem>> -> memref<640xi32, #tpu.memory_space<vmem>>
      %dma_start3A_25 = arith.constant 0 : i32
      %dma_start3A_26 = arith.constant 0 : i32
      %dma_start3A_27 = tpu.memref_slice %arg11[%dma_start3A_25, %dma_start3A_26] : memref<102400x16xf32, #tpu.memory_space<vmem_shared>> -> memref<102400x16xf32, #tpu.memory_space<vmem_shared>>
      tpu.enqueue_indirect_dma source(%arg10 : memref<640x16xf32, #tpu.memory_space<vmem>>) target(%dma_start3A_27 : memref<102400x16xf32, #tpu.memory_space<vmem_shared>>) offsets(%dma_start3A_24 : memref<640xi32, #tpu.memory_space<vmem>>) semaphore(%arg15 : memref<!tpu.dma_semaphore, #tpu.memory_space<semaphore_mem>>) {add = true}
      %dma_wait3A_28 = arith.constant 1 : i32
      %dma_wait3A_29 = arith.constant 0 : i32
      %dma_wait3A_30 = tpu.memref_slice %arg7[%dma_wait3A_28, %dma_wait3A_29] : memref<2x640xi32, #tpu.memory_space<vmem>> -> memref<1x640xi32, #tpu.memory_space<vmem>>
      %dma_wait3A_31 = tpu.memref_squeeze %dma_wait3A_30 : memref<1x640xi32, #tpu.memory_space<vmem>> -> memref<640xi32, #tpu.memory_space<vmem>>
      %dma_wait3A_32 = arith.constant 0 : i32
      %dma_wait3A_33 = arith.constant 0 : i32
      %dma_wait3A_34 = tpu.memref_slice %arg11[%dma_wait3A_32, %dma_wait3A_33] : memref<102400x16xf32, #tpu.memory_space<vmem_shared>> -> memref<102400x16xf32, #tpu.memory_space<vmem_shared>>
      tpu.wait_indirect_dma semaphore(%arg14 : memref<!tpu.dma_semaphore, #tpu.memory_space<semaphore_mem>>) src(%arg9 : memref<640x16xf32, #tpu.memory_space<vmem>>) dst(%dma_wait3A_34 : memref<102400x16xf32, #tpu.memory_space<vmem_shared>>)
      %dma_wait3A_35 = arith.constant 1 : i32
      %dma_wait3A_36 = arith.constant 0 : i32
      %dma_wait3A_37 = tpu.memref_slice %arg8[%dma_wait3A_35, %dma_wait3A_36] : memref<2x640xi32, #tpu.memory_space<vmem>> -> memref<1x640xi32, #tpu.memory_space<vmem>>
      %dma_wait3A_38 = tpu.memref_squeeze %dma_wait3A_37 : memref<1x640xi32, #tpu.memory_space<vmem>> -> memref<640xi32, #tpu.memory_space<vmem>>
      %dma_wait3A_39 = arith.constant 0 : i32
      %dma_wait3A_40 = arith.constant 0 : i32
      %dma_wait3A_41 = tpu.memref_slice %arg11[%dma_wait3A_39, %dma_wait3A_40] : memref<102400x16xf32, #tpu.memory_space<vmem_shared>> -> memref<102400x16xf32, #tpu.memory_space<vmem_shared>>
      tpu.wait_indirect_dma semaphore(%arg15 : memref<!tpu.dma_semaphore, #tpu.memory_space<semaphore_mem>>) src(%arg10 : memref<640x16xf32, #tpu.memory_space<vmem>>) dst(%dma_wait3A_41 : memref<102400x16xf32, #tpu.memory_space<vmem_shared>>)
      %barrier3A_42 = arith.constant 0 : index
      tpu.barrier barrier_id(%barrier3A_42)
      %mul3A_43 = arith.constant 6400 : i32
      %mul3A_44 = arith.muli %arg1, %mul3A_43 : i32
      %mul3A_45 = arith.constant 6400 : i32
      %mul3A_46 = arith.muli %arg1, %mul3A_45 : i32
      "tpu.region"() ({
        %run_scoped3A = tpu.sem_alloc : memref<!tpu.dma_semaphore, #tpu.memory_space<semaphore_mem>>
        %dma_start3A_48 = arith.constant 0 : i32
        %dma_start3A_49 = tpu.memref_slice %arg6[%mul3A_46, %dma_start3A_48] : memref<102400x16xf32, #tpu.memory_space<hbm>> -> memref<6400x16xf32, #tpu.memory_space<hbm>>
        %dma_start3A_50 = arith.constant 0 : i32
        %dma_start3A_51 = tpu.memref_slice %arg11[%mul3A_44, %dma_start3A_50] : memref<102400x16xf32, #tpu.memory_space<vmem_shared>> -> memref<6400x16xf32, #tpu.memory_space<vmem_shared>>
        tpu.enqueue_dma source(%dma_start3A_51 : memref<6400x16xf32, #tpu.memory_space<vmem_shared>>) target(%dma_start3A_49 : memref<6400x16xf32, #tpu.memory_space<hbm>>) target_semaphore(%run_scoped3A : memref<!tpu.dma_semaphore, #tpu.memory_space<semaphore_mem>>)
        %dma_wait3A_52 = arith.constant 0 : i32
        %dma_wait3A_53 = tpu.memref_slice %arg6[%mul3A_46, %dma_wait3A_52] : memref<102400x16xf32, #tpu.memory_space<hbm>> -> memref<6400x16xf32, #tpu.memory_space<hbm>>
        %dma_wait3A_54 = arith.constant 0 : i32
        %dma_wait3A_55 = tpu.memref_slice %arg11[%mul3A_44, %dma_wait3A_54] : memref<102400x16xf32, #tpu.memory_space<vmem_shared>> -> memref<6400x16xf32, #tpu.memory_space<vmem_shared>>
        tpu.wait_dma2 semaphore(%run_scoped3A : memref<!tpu.dma_semaphore, #tpu.memory_space<semaphore_mem>>) src(%dma_wait3A_55 : memref<6400x16xf32, #tpu.memory_space<vmem_shared>>) dst(%dma_wait3A_53 : memref<6400x16xf32, #tpu.memory_space<hbm>>)
        tpu.yield
      }) : () -> ()
      %barrier3A_47 = arith.constant 0 : index
      tpu.barrier barrier_id(%barrier3A_47)
    } else {
    }
    return
  }
}

module attributes {stable_mosaic.version = 14 : i64} {
  func.func @_l1_body(%arg0: i32, %arg1: memref<128x40xf32, #tpu.memory_space<vmem>>, %arg2: memref<128x8xf32, #tpu.memory_space<vmem>>, %arg3: memref<128x8xf32, #tpu.memory_space<vmem>>, %arg4: memref<8x128xf32, #tpu.memory_space<vmem>>, %arg5: memref<40x512xf32, #tpu.memory_space<vmem>>, %arg6: memref<128x128xf32, #tpu.memory_space<vmem>>, %arg7: memref<128x128xf32, #tpu.memory_space<vmem>>, %arg8: memref<128x128xf32, #tpu.memory_space<vmem>>, %arg9: memref<128x128xf32, #tpu.memory_space<vmem>>, %arg10: memref<128x128xf32, #tpu.memory_space<vmem>>) attributes {dimension_semantics = [#tpu.dimension_semantics<arbitrary>], iteration_bounds = array<i64: 100>, scalar_prefetch = 0 : i64, scratch_operands = 0 : i64, tpu.core_type = #tpu.core_type<tc>, window_params = [{transform_indices = @transform_0, window_bounds = array<i64: 128, 40>}, {transform_indices = @transform_1, window_bounds = array<i64: 128, 8>}, {transform_indices = @transform_2, window_bounds = array<i64: 128, 8>}, {pipeline_mode = #tpu.pipeline_mode<synchronous>, transform_indices = @transform_3, window_bounds = array<i64: 8, 128>}, {pipeline_mode = #tpu.pipeline_mode<synchronous>, transform_indices = @transform_4, window_bounds = array<i64: 40, 512>}, {transform_indices = @transform_5, window_bounds = array<i64: 128, 128>}, {transform_indices = @transform_6, window_bounds = array<i64: 128, 128>}, {transform_indices = @transform_7, window_bounds = array<i64: 128, 128>}, {transform_indices = @transform_8, window_bounds = array<i64: 128, 128>}, {transform_indices = @transform_9, window_bounds = array<i64: 128, 128>}]} {
    %get3A = arith.constant 0 : index
    %get3A_0 = arith.constant 0 : index
    %get3A_1 = vector.load %arg2[%get3A, %get3A_0] : memref<128x8xf32, #tpu.memory_space<vmem>>, vector<128x8xf32>
    %get3A_2 = arith.constant 0 : index
    %get3A_3 = arith.constant 0 : index
    %get3A_4 = vector.load %arg3[%get3A_2, %get3A_3] : memref<128x8xf32, #tpu.memory_space<vmem>>, vector<128x8xf32>
    %add3A = arith.addf %get3A_1, %get3A_4 : vector<128x8xf32>
    %add3A_5 = arith.constant 1.000000e+00 : f32
    %add3A_6 = vector.broadcast %add3A_5 : f32 to vector<128x8xf32>
    %add3A_7 = arith.addf %add3A, %add3A_6 : vector<128x8xf32>
    %rsqrt3A = math.rsqrt %add3A_7 : vector<128x8xf32>
    %get3A_8 = arith.constant 0 : index
    %get3A_9 = arith.constant 0 : index
    %get3A_10 = vector.load %arg4[%get3A_8, %get3A_9] : memref<8x128xf32, #tpu.memory_space<vmem>>, vector<8x128xf32>
    %dot_general3A = arith.constant dense<0.000000e+00> : vector<128x128xf32>
    %dot_general3A_11 = tpu.matmul %rsqrt3A, %get3A_10, %dot_general3A {dimension_numbers = #tpu.dot_dimension_numbers<[1], [0], [0], [1], [0, 0, 1, 1], [], []>, precision = #tpu.contract_precision<fp32>, transpose_lhs_hint = false} : vector<128x8xf32>, vector<8x128xf32>, vector<128x128xf32> -> vector<128x128xf32>
    %swap3A = arith.constant 0 : index
    %swap3A_12 = arith.constant 0 : index
    %swap3A_13 = vector.load %arg10[%swap3A, %swap3A_12] : memref<128x128xf32, #tpu.memory_space<vmem>>, vector<128x128xf32>
    tpu.vector_store %arg10[%swap3A, %swap3A_12], %dot_general3A_11 {strides = array<i32>} : memref<128x128xf32, #tpu.memory_space<vmem>>, vector<128x128xf32>,
    %get3A_14 = arith.constant 0 : index
    %get3A_15 = arith.constant 0 : index
    %get3A_16 = vector.load %arg1[%get3A_14, %get3A_15] : memref<128x40xf32, #tpu.memory_space<vmem>>, vector<128x40xf32>
    %get3A_17 = arith.constant 0 : index
    %get3A_18 = arith.constant 0 : index
    %get3A_19 = vector.load %arg5[%get3A_17, %get3A_18] : memref<40x512xf32, #tpu.memory_space<vmem>>, vector<40x512xf32>
    %dot_general3A_20 = arith.constant dense<0.000000e+00> : vector<128x512xf32>
    %dot_general3A_21 = tpu.matmul %get3A_16, %get3A_19, %dot_general3A_20 {dimension_numbers = #tpu.dot_dimension_numbers<[1], [0], [0], [1], [0, 0, 1, 1], [], []>, transpose_lhs_hint = false} : vector<128x40xf32>, vector<40x512xf32>, vector<128x512xf32> -> vector<128x512xf32>
    %slice3A = vector.extract_strided_slice %dot_general3A_21 {offsets = [0, 0], sizes = [128, 128], strides = [1, 1]} : vector<128x512xf32> to vector<128x128xf32>
    %mul3A = arith.mulf %slice3A, %dot_general3A_11 : vector<128x128xf32>
    %swap3A_22 = arith.constant 0 : index
    %swap3A_23 = arith.constant 0 : index
    %swap3A_24 = vector.load %arg6[%swap3A_22, %swap3A_23] : memref<128x128xf32, #tpu.memory_space<vmem>>, vector<128x128xf32>
    tpu.vector_store %arg6[%swap3A_22, %swap3A_23], %mul3A {strides = array<i32>} : memref<128x128xf32, #tpu.memory_space<vmem>>, vector<128x128xf32>,
    %slice3A_25 = vector.extract_strided_slice %dot_general3A_21 {offsets = [0, 128], sizes = [128, 128], strides = [1, 1]} : vector<128x512xf32> to vector<128x128xf32>
    %mul3A_26 = arith.mulf %slice3A_25, %dot_general3A_11 : vector<128x128xf32>
    %swap3A_27 = arith.constant 0 : index
    %swap3A_28 = arith.constant 0 : index
    %swap3A_29 = vector.load %arg7[%swap3A_27, %swap3A_28] : memref<128x128xf32, #tpu.memory_space<vmem>>, vector<128x128xf32>
    tpu.vector_store %arg7[%swap3A_27, %swap3A_28], %mul3A_26 {strides = array<i32>} : memref<128x128xf32, #tpu.memory_space<vmem>>, vector<128x128xf32>,
    %slice3A_30 = vector.extract_strided_slice %dot_general3A_21 {offsets = [0, 256], sizes = [128, 128], strides = [1, 1]} : vector<128x512xf32> to vector<128x128xf32>
    %mul3A_31 = arith.mulf %slice3A_30, %dot_general3A_11 : vector<128x128xf32>
    %swap3A_32 = arith.constant 0 : index
    %swap3A_33 = arith.constant 0 : index
    %swap3A_34 = vector.load %arg8[%swap3A_32, %swap3A_33] : memref<128x128xf32, #tpu.memory_space<vmem>>, vector<128x128xf32>
    tpu.vector_store %arg8[%swap3A_32, %swap3A_33], %mul3A_31 {strides = array<i32>} : memref<128x128xf32, #tpu.memory_space<vmem>>, vector<128x128xf32>,
    %slice3A_35 = vector.extract_strided_slice %dot_general3A_21 {offsets = [0, 384], sizes = [128, 128], strides = [1, 1]} : vector<128x512xf32> to vector<128x128xf32>
    %mul3A_36 = arith.mulf %slice3A_35, %dot_general3A_11 : vector<128x128xf32>
    %swap3A_37 = arith.constant 0 : index
    %swap3A_38 = arith.constant 0 : index
    %swap3A_39 = vector.load %arg9[%swap3A_37, %swap3A_38] : memref<128x128xf32, #tpu.memory_space<vmem>>, vector<128x128xf32>
    tpu.vector_store %arg9[%swap3A_37, %swap3A_38], %mul3A_36 {strides = array<i32>} : memref<128x128xf32, #tpu.memory_space<vmem>>, vector<128x128xf32>,
    return
  }
  func.func @transform_0(%arg0: i32) -> (i32, i32) {
    %c0_i32 = arith.constant 0 : i32
    %c0_i32_0 = arith.constant 0 : i32
    return %arg0, %c0_i32 : i32, i32
  }
  func.func @transform_1(%arg0: i32) -> (i32, i32) {
    %c0_i32 = arith.constant 0 : i32
    %c0_i32_0 = arith.constant 0 : i32
    return %arg0, %c0_i32 : i32, i32
  }
  func.func @transform_2(%arg0: i32) -> (i32, i32) {
    %c0_i32 = arith.constant 0 : i32
    %c0_i32_0 = arith.constant 0 : i32
    return %arg0, %c0_i32 : i32, i32
  }
  func.func @transform_3(%arg0: i32) -> (i32, i32) {
    %c0_i32 = arith.constant 0 : i32
    %c0_i32_0 = arith.constant 0 : i32
    %c0_i32_1 = arith.constant 0 : i32
    return %c0_i32, %c0_i32_0 : i32, i32
  }
  func.func @transform_4(%arg0: i32) -> (i32, i32) {
    %c0_i32 = arith.constant 0 : i32
    %c0_i32_0 = arith.constant 0 : i32
    %c0_i32_1 = arith.constant 0 : i32
    return %c0_i32, %c0_i32_0 : i32, i32
  }
  func.func @transform_5(%arg0: i32) -> (i32, i32) {
    %c0_i32 = arith.constant 0 : i32
    %c0_i32_0 = arith.constant 0 : i32
    return %arg0, %c0_i32 : i32, i32
  }
  func.func @transform_6(%arg0: i32) -> (i32, i32) {
    %c0_i32 = arith.constant 0 : i32
    %c0_i32_0 = arith.constant 0 : i32
    return %arg0, %c0_i32 : i32, i32
  }
  func.func @transform_7(%arg0: i32) -> (i32, i32) {
    %c0_i32 = arith.constant 0 : i32
    %c0_i32_0 = arith.constant 0 : i32
    return %arg0, %c0_i32 : i32, i32
  }
  func.func @transform_8(%arg0: i32) -> (i32, i32) {
    %c0_i32 = arith.constant 0 : i32
    %c0_i32_0 = arith.constant 0 : i32
    return %arg0, %c0_i32 : i32, i32
  }
  func.func @transform_9(%arg0: i32) -> (i32, i32) {
    %c0_i32 = arith.constant 0 : i32
    %c0_i32_0 = arith.constant 0 : i32
    return %arg0, %c0_i32 : i32, i32
  }
}

module attributes {stable_mosaic.version = 14 : i64} {
  func.func @body(%arg0: i32, %arg1: memref<128x128xf32, #tpu.memory_space<vmem>>, %arg2: memref<128x128xf32, #tpu.memory_space<vmem>>, %arg3: memref<128x128xf32, #tpu.memory_space<vmem>>, %arg4: memref<128x128xf32, #tpu.memory_space<vmem>>, %arg5: memref<128x128xf32, #tpu.memory_space<vmem>>, %arg6: memref<1x512xf32, #tpu.memory_space<vmem>>, %arg7: memref<512x512xf32, #tpu.memory_space<vmem>>, %arg8: memref<128x128xf32, #tpu.memory_space<vmem>>, %arg9: memref<128x128xf32, #tpu.memory_space<vmem>>, %arg10: memref<128x128xf32, #tpu.memory_space<vmem>>, %arg11: memref<128x128xf32, #tpu.memory_space<vmem>>) attributes {dimension_semantics = [#tpu.dimension_semantics<arbitrary>], iteration_bounds = array<i64: 100>, scalar_prefetch = 0 : i64, scratch_operands = 0 : i64, tpu.core_type = #tpu.core_type<tc>, window_params = [{transform_indices = @transform_0, window_bounds = array<i64: 128, 128>}, {transform_indices = @transform_1, window_bounds = array<i64: 128, 128>}, {transform_indices = @transform_2, window_bounds = array<i64: 128, 128>}, {transform_indices = @transform_3, window_bounds = array<i64: 128, 128>}, {transform_indices = @transform_4, window_bounds = array<i64: 128, 128>}, {pipeline_mode = #tpu.pipeline_mode<synchronous>, transform_indices = @transform_5, window_bounds = array<i64: 1, 512>}, {pipeline_mode = #tpu.pipeline_mode<synchronous>, transform_indices = @transform_6, window_bounds = array<i64: 512, 512>}, {transform_indices = @transform_7, window_bounds = array<i64: 128, 128>}, {transform_indices = @transform_8, window_bounds = array<i64: 128, 128>}, {transform_indices = @transform_9, window_bounds = array<i64: 128, 128>}, {transform_indices = @transform_10, window_bounds = array<i64: 128, 128>}]} {
    %get3A = arith.constant 0 : index
    %get3A_0 = arith.constant 0 : index
    %get3A_1 = vector.load %arg5[%get3A, %get3A_0] : memref<128x128xf32, #tpu.memory_space<vmem>>, vector<128x128xf32>
    %get3A_2 = arith.constant 0 : index
    %get3A_3 = arith.constant 0 : index
    %get3A_4 = vector.load %arg6[%get3A_2, %get3A_3] : memref<1x512xf32, #tpu.memory_space<vmem>>, vector<1x512xf32>
    %get3A_5 = arith.constant 0 : index
    %get3A_6 = arith.constant 0 : index
    %get3A_7 = vector.load %arg1[%get3A_5, %get3A_6] : memref<128x128xf32, #tpu.memory_space<vmem>>, vector<128x128xf32>
    %mul3A = arith.mulf %get3A_1, %get3A_7 : vector<128x128xf32>
    %slice3A = vector.extract_strided_slice %get3A_4 {offsets = [0, 0], sizes = [1, 128], strides = [1, 1]} : vector<1x512xf32> to vector<1x128xf32>
    %add3A = vector.broadcast %slice3A : vector<1x128xf32> to vector<128x128xf32>
    %add3A_8 = arith.addf %mul3A, %add3A : vector<128x128xf32>
    %max3A = arith.constant 0.000000e+00 : f32
    %max3A_9 = vector.broadcast %max3A : f32 to vector<128x128xf32>
    %max3A_10 = arith.maximumf %add3A_8, %max3A_9 : vector<128x128xf32>
    %get3A_11 = arith.constant 0 : index
    %get3A_12 = arith.constant 0 : index
    %get3A_13 = vector.load %arg2[%get3A_11, %get3A_12] : memref<128x128xf32, #tpu.memory_space<vmem>>, vector<128x128xf32>
    %mul3A_14 = arith.mulf %get3A_1, %get3A_13 : vector<128x128xf32>
    %slice3A_15 = vector.extract_strided_slice %get3A_4 {offsets = [0, 128], sizes = [1, 128], strides = [1, 1]} : vector<1x512xf32> to vector<1x128xf32>
    %add3A_16 = vector.broadcast %slice3A_15 : vector<1x128xf32> to vector<128x128xf32>
    %add3A_17 = arith.addf %mul3A_14, %add3A_16 : vector<128x128xf32>
    %max3A_18 = arith.constant 0.000000e+00 : f32
    %max3A_19 = vector.broadcast %max3A_18 : f32 to vector<128x128xf32>
    %max3A_20 = arith.maximumf %add3A_17, %max3A_19 : vector<128x128xf32>
    %get3A_21 = arith.constant 0 : index
    %get3A_22 = arith.constant 0 : index
    %get3A_23 = vector.load %arg3[%get3A_21, %get3A_22] : memref<128x128xf32, #tpu.memory_space<vmem>>, vector<128x128xf32>
    %mul3A_24 = arith.mulf %get3A_1, %get3A_23 : vector<128x128xf32>
    %slice3A_25 = vector.extract_strided_slice %get3A_4 {offsets = [0, 256], sizes = [1, 128], strides = [1, 1]} : vector<1x512xf32> to vector<1x128xf32>
    %add3A_26 = vector.broadcast %slice3A_25 : vector<1x128xf32> to vector<128x128xf32>
    %add3A_27 = arith.addf %mul3A_24, %add3A_26 : vector<128x128xf32>
    %max3A_28 = arith.constant 0.000000e+00 : f32
    %max3A_29 = vector.broadcast %max3A_28 : f32 to vector<128x128xf32>
    %max3A_30 = arith.maximumf %add3A_27, %max3A_29 : vector<128x128xf32>
    %get3A_31 = arith.constant 0 : index
    %get3A_32 = arith.constant 0 : index
    %get3A_33 = vector.load %arg4[%get3A_31, %get3A_32] : memref<128x128xf32, #tpu.memory_space<vmem>>, vector<128x128xf32>
    %mul3A_34 = arith.mulf %get3A_1, %get3A_33 : vector<128x128xf32>
    %slice3A_35 = vector.extract_strided_slice %get3A_4 {offsets = [0, 384], sizes = [1, 128], strides = [1, 1]} : vector<1x512xf32> to vector<1x128xf32>
    %add3A_36 = vector.broadcast %slice3A_35 : vector<1x128xf32> to vector<128x128xf32>
    %add3A_37 = arith.addf %mul3A_34, %add3A_36 : vector<128x128xf32>
    %max3A_38 = arith.constant 0.000000e+00 : f32
    %max3A_39 = vector.broadcast %max3A_38 : f32 to vector<128x128xf32>
    %max3A_40 = arith.maximumf %add3A_37, %max3A_39 : vector<128x128xf32>
    %concatenate3A = tpu.concatenate %max3A_10, %max3A_20, %max3A_30, %max3A_40 in 1 : vector<128x128xf32>, vector<128x128xf32>, vector<128x128xf32>, vector<128x128xf32> -> vector<128x512xf32>
    %get3A_41 = arith.constant 0 : index
    %get3A_42 = arith.constant 0 : index
    %get3A_43 = vector.load %arg7[%get3A_41, %get3A_42] : memref<512x512xf32, #tpu.memory_space<vmem>>, vector<512x512xf32>
    %dot_general3A = arith.constant dense<0.000000e+00> : vector<128x512xf32>
    %dot_general3A_44 = tpu.matmul %concatenate3A, %get3A_43, %dot_general3A {dimension_numbers = #tpu.dot_dimension_numbers<[1], [0], [0], [1], [0, 0, 1, 1], [], []>, transpose_lhs_hint = false} : vector<128x512xf32>, vector<512x512xf32>, vector<128x512xf32> -> vector<128x512xf32>
    %slice3A_45 = vector.extract_strided_slice %dot_general3A_44 {offsets = [0, 0], sizes = [128, 128], strides = [1, 1]} : vector<128x512xf32> to vector<128x128xf32>
    %mul3A_46 = arith.mulf %slice3A_45, %get3A_1 : vector<128x128xf32>
    %swap3A = arith.constant 0 : index
    %swap3A_47 = arith.constant 0 : index
    %swap3A_48 = vector.load %arg8[%swap3A, %swap3A_47] : memref<128x128xf32, #tpu.memory_space<vmem>>, vector<128x128xf32>
    tpu.vector_store %arg8[%swap3A, %swap3A_47], %mul3A_46 {strides = array<i32>} : memref<128x128xf32, #tpu.memory_space<vmem>>, vector<128x128xf32>,
    %slice3A_49 = vector.extract_strided_slice %dot_general3A_44 {offsets = [0, 128], sizes = [128, 128], strides = [1, 1]} : vector<128x512xf32> to vector<128x128xf32>
    %mul3A_50 = arith.mulf %slice3A_49, %get3A_1 : vector<128x128xf32>
    %swap3A_51 = arith.constant 0 : index
    %swap3A_52 = arith.constant 0 : index
    %swap3A_53 = vector.load %arg9[%swap3A_51, %swap3A_52] : memref<128x128xf32, #tpu.memory_space<vmem>>, vector<128x128xf32>
    tpu.vector_store %arg9[%swap3A_51, %swap3A_52], %mul3A_50 {strides = array<i32>} : memref<128x128xf32, #tpu.memory_space<vmem>>, vector<128x128xf32>,
    %slice3A_54 = vector.extract_strided_slice %dot_general3A_44 {offsets = [0, 256], sizes = [128, 128], strides = [1, 1]} : vector<128x512xf32> to vector<128x128xf32>
    %mul3A_55 = arith.mulf %slice3A_54, %get3A_1 : vector<128x128xf32>
    %swap3A_56 = arith.constant 0 : index
    %swap3A_57 = arith.constant 0 : index
    %swap3A_58 = vector.load %arg10[%swap3A_56, %swap3A_57] : memref<128x128xf32, #tpu.memory_space<vmem>>, vector<128x128xf32>
    tpu.vector_store %arg10[%swap3A_56, %swap3A_57], %mul3A_55 {strides = array<i32>} : memref<128x128xf32, #tpu.memory_space<vmem>>, vector<128x128xf32>,
    %slice3A_59 = vector.extract_strided_slice %dot_general3A_44 {offsets = [0, 384], sizes = [128, 128], strides = [1, 1]} : vector<128x512xf32> to vector<128x128xf32>
    %mul3A_60 = arith.mulf %slice3A_59, %get3A_1 : vector<128x128xf32>
    %swap3A_61 = arith.constant 0 : index
    %swap3A_62 = arith.constant 0 : index
    %swap3A_63 = vector.load %arg11[%swap3A_61, %swap3A_62] : memref<128x128xf32, #tpu.memory_space<vmem>>, vector<128x128xf32>
    tpu.vector_store %arg11[%swap3A_61, %swap3A_62], %mul3A_60 {strides = array<i32>} : memref<128x128xf32, #tpu.memory_space<vmem>>, vector<128x128xf32>,
    return
  }
  func.func @transform_0(%arg0: i32) -> (i32, i32) {
    %c0_i32 = arith.constant 0 : i32
    %c0_i32_0 = arith.constant 0 : i32
    return %arg0, %c0_i32 : i32, i32
  }
  func.func @transform_1(%arg0: i32) -> (i32, i32) {
    %c0_i32 = arith.constant 0 : i32
    %c0_i32_0 = arith.constant 0 : i32
    return %arg0, %c0_i32 : i32, i32
  }
  func.func @transform_2(%arg0: i32) -> (i32, i32) {
    %c0_i32 = arith.constant 0 : i32
    %c0_i32_0 = arith.constant 0 : i32
    return %arg0, %c0_i32 : i32, i32
  }
  func.func @transform_3(%arg0: i32) -> (i32, i32) {
    %c0_i32 = arith.constant 0 : i32
    %c0_i32_0 = arith.constant 0 : i32
    return %arg0, %c0_i32 : i32, i32
  }
  func.func @transform_4(%arg0: i32) -> (i32, i32) {
    %c0_i32 = arith.constant 0 : i32
    %c0_i32_0 = arith.constant 0 : i32
    return %arg0, %c0_i32 : i32, i32
  }
  func.func @transform_5(%arg0: i32) -> (i32, i32) {
    %c0_i32 = arith.constant 0 : i32
    %c0_i32_0 = arith.constant 0 : i32
    %c0_i32_1 = arith.constant 0 : i32
    return %c0_i32, %c0_i32_0 : i32, i32
  }
  func.func @transform_6(%arg0: i32) -> (i32, i32) {
    %c0_i32 = arith.constant 0 : i32
    %c0_i32_0 = arith.constant 0 : i32
    %c0_i32_1 = arith.constant 0 : i32
    return %c0_i32, %c0_i32_0 : i32, i32
  }
  func.func @transform_7(%arg0: i32) -> (i32, i32) {
    %c0_i32 = arith.constant 0 : i32
    %c0_i32_0 = arith.constant 0 : i32
    return %arg0, %c0_i32 : i32, i32
  }
  func.func @transform_8(%arg0: i32) -> (i32, i32) {
    %c0_i32 = arith.constant 0 : i32
    %c0_i32_0 = arith.constant 0 : i32
    return %arg0, %c0_i32 : i32, i32
  }
  func.func @transform_9(%arg0: i32) -> (i32, i32) {
    %c0_i32 = arith.constant 0 : i32
    %c0_i32_0 = arith.constant 0 : i32
    return %arg0, %c0_i32 : i32, i32
  }
  func.func @transform_10(%arg0: i32) -> (i32, i32) {
    %c0_i32 = arith.constant 0 : i32
    %c0_i32_0 = arith.constant 0 : i32
    return %arg0, %c0_i32 : i32, i32
  }
}

module attributes {stable_mosaic.version = 14 : i64} {
  func.func @body(%arg0: i32, %arg1: memref<128x128xf32, #tpu.memory_space<vmem>>, %arg2: memref<128x128xf32, #tpu.memory_space<vmem>>, %arg3: memref<128x128xf32, #tpu.memory_space<vmem>>, %arg4: memref<128x128xf32, #tpu.memory_space<vmem>>, %arg5: memref<128x128xf32, #tpu.memory_space<vmem>>, %arg6: memref<1x512xf32, #tpu.memory_space<vmem>>, %arg7: memref<512x256xf32, #tpu.memory_space<vmem>>, %arg8: memref<128x128xf32, #tpu.memory_space<vmem>>, %arg9: memref<128x128xf32, #tpu.memory_space<vmem>>) attributes {dimension_semantics = [#tpu.dimension_semantics<arbitrary>], iteration_bounds = array<i64: 100>, scalar_prefetch = 0 : i64, scratch_operands = 0 : i64, tpu.core_type = #tpu.core_type<tc>, window_params = [{transform_indices = @transform_0, window_bounds = array<i64: 128, 128>}, {transform_indices = @transform_1, window_bounds = array<i64: 128, 128>}, {transform_indices = @transform_2, window_bounds = array<i64: 128, 128>}, {transform_indices = @transform_3, window_bounds = array<i64: 128, 128>}, {transform_indices = @transform_4, window_bounds = array<i64: 128, 128>}, {pipeline_mode = #tpu.pipeline_mode<synchronous>, transform_indices = @transform_5, window_bounds = array<i64: 1, 512>}, {pipeline_mode = #tpu.pipeline_mode<synchronous>, transform_indices = @transform_6, window_bounds = array<i64: 512, 256>}, {transform_indices = @transform_7, window_bounds = array<i64: 128, 128>}, {transform_indices = @transform_8, window_bounds = array<i64: 128, 128>}]} {
    %get3A = arith.constant 0 : index
    %get3A_0 = arith.constant 0 : index
    %get3A_1 = vector.load %arg5[%get3A, %get3A_0] : memref<128x128xf32, #tpu.memory_space<vmem>>, vector<128x128xf32>
    %get3A_2 = arith.constant 0 : index
    %get3A_3 = arith.constant 0 : index
    %get3A_4 = vector.load %arg6[%get3A_2, %get3A_3] : memref<1x512xf32, #tpu.memory_space<vmem>>, vector<1x512xf32>
    %get3A_5 = arith.constant 0 : index
    %get3A_6 = arith.constant 0 : index
    %get3A_7 = vector.load %arg1[%get3A_5, %get3A_6] : memref<128x128xf32, #tpu.memory_space<vmem>>, vector<128x128xf32>
    %mul3A = arith.mulf %get3A_1, %get3A_7 : vector<128x128xf32>
    %slice3A = vector.extract_strided_slice %get3A_4 {offsets = [0, 0], sizes = [1, 128], strides = [1, 1]} : vector<1x512xf32> to vector<1x128xf32>
    %add3A = vector.broadcast %slice3A : vector<1x128xf32> to vector<128x128xf32>
    %add3A_8 = arith.addf %mul3A, %add3A : vector<128x128xf32>
    %max3A = arith.constant 0.000000e+00 : f32
    %max3A_9 = vector.broadcast %max3A : f32 to vector<128x128xf32>
    %max3A_10 = arith.maximumf %add3A_8, %max3A_9 : vector<128x128xf32>
    %get3A_11 = arith.constant 0 : index
    %get3A_12 = arith.constant 0 : index
    %get3A_13 = vector.load %arg2[%get3A_11, %get3A_12] : memref<128x128xf32, #tpu.memory_space<vmem>>, vector<128x128xf32>
    %mul3A_14 = arith.mulf %get3A_1, %get3A_13 : vector<128x128xf32>
    %slice3A_15 = vector.extract_strided_slice %get3A_4 {offsets = [0, 128], sizes = [1, 128], strides = [1, 1]} : vector<1x512xf32> to vector<1x128xf32>
    %add3A_16 = vector.broadcast %slice3A_15 : vector<1x128xf32> to vector<128x128xf32>
    %add3A_17 = arith.addf %mul3A_14, %add3A_16 : vector<128x128xf32>
    %max3A_18 = arith.constant 0.000000e+00 : f32
    %max3A_19 = vector.broadcast %max3A_18 : f32 to vector<128x128xf32>
    %max3A_20 = arith.maximumf %add3A_17, %max3A_19 : vector<128x128xf32>
    %get3A_21 = arith.constant 0 : index
    %get3A_22 = arith.constant 0 : index
    %get3A_23 = vector.load %arg3[%get3A_21, %get3A_22] : memref<128x128xf32, #tpu.memory_space<vmem>>, vector<128x128xf32>
    %mul3A_24 = arith.mulf %get3A_1, %get3A_23 : vector<128x128xf32>
    %slice3A_25 = vector.extract_strided_slice %get3A_4 {offsets = [0, 256], sizes = [1, 128], strides = [1, 1]} : vector<1x512xf32> to vector<1x128xf32>
    %add3A_26 = vector.broadcast %slice3A_25 : vector<1x128xf32> to vector<128x128xf32>
    %add3A_27 = arith.addf %mul3A_24, %add3A_26 : vector<128x128xf32>
    %max3A_28 = arith.constant 0.000000e+00 : f32
    %max3A_29 = vector.broadcast %max3A_28 : f32 to vector<128x128xf32>
    %max3A_30 = arith.maximumf %add3A_27, %max3A_29 : vector<128x128xf32>
    %get3A_31 = arith.constant 0 : index
    %get3A_32 = arith.constant 0 : index
    %get3A_33 = vector.load %arg4[%get3A_31, %get3A_32] : memref<128x128xf32, #tpu.memory_space<vmem>>, vector<128x128xf32>
    %mul3A_34 = arith.mulf %get3A_1, %get3A_33 : vector<128x128xf32>
    %slice3A_35 = vector.extract_strided_slice %get3A_4 {offsets = [0, 384], sizes = [1, 128], strides = [1, 1]} : vector<1x512xf32> to vector<1x128xf32>
    %add3A_36 = vector.broadcast %slice3A_35 : vector<1x128xf32> to vector<128x128xf32>
    %add3A_37 = arith.addf %mul3A_34, %add3A_36 : vector<128x128xf32>
    %max3A_38 = arith.constant 0.000000e+00 : f32
    %max3A_39 = vector.broadcast %max3A_38 : f32 to vector<128x128xf32>
    %max3A_40 = arith.maximumf %add3A_37, %max3A_39 : vector<128x128xf32>
    %concatenate3A = tpu.concatenate %max3A_10, %max3A_20, %max3A_30, %max3A_40 in 1 : vector<128x128xf32>, vector<128x128xf32>, vector<128x128xf32>, vector<128x128xf32> -> vector<128x512xf32>
    %get3A_41 = arith.constant 0 : index
    %get3A_42 = arith.constant 0 : index
    %get3A_43 = vector.load %arg7[%get3A_41, %get3A_42] : memref<512x256xf32, #tpu.memory_space<vmem>>, vector<512x256xf32>
    %dot_general3A = arith.constant dense<0.000000e+00> : vector<128x256xf32>
    %dot_general3A_44 = tpu.matmul %concatenate3A, %get3A_43, %dot_general3A {dimension_numbers = #tpu.dot_dimension_numbers<[1], [0], [0], [1], [0, 0, 1, 1], [], []>, transpose_lhs_hint = false} : vector<128x512xf32>, vector<512x256xf32>, vector<128x256xf32> -> vector<128x256xf32>
    %slice3A_45 = vector.extract_strided_slice %dot_general3A_44 {offsets = [0, 0], sizes = [128, 128], strides = [1, 1]} : vector<128x256xf32> to vector<128x128xf32>
    %mul3A_46 = arith.mulf %slice3A_45, %get3A_1 : vector<128x128xf32>
    %swap3A = arith.constant 0 : index
    %swap3A_47 = arith.constant 0 : index
    %swap3A_48 = vector.load %arg8[%swap3A, %swap3A_47] : memref<128x128xf32, #tpu.memory_space<vmem>>, vector<128x128xf32>
    tpu.vector_store %arg8[%swap3A, %swap3A_47], %mul3A_46 {strides = array<i32>} : memref<128x128xf32, #tpu.memory_space<vmem>>, vector<128x128xf32>,
    %slice3A_49 = vector.extract_strided_slice %dot_general3A_44 {offsets = [0, 128], sizes = [128, 128], strides = [1, 1]} : vector<128x256xf32> to vector<128x128xf32>
    %mul3A_50 = arith.mulf %slice3A_49, %get3A_1 : vector<128x128xf32>
    %swap3A_51 = arith.constant 0 : index
    %swap3A_52 = arith.constant 0 : index
    %swap3A_53 = vector.load %arg9[%swap3A_51, %swap3A_52] : memref<128x128xf32, #tpu.memory_space<vmem>>, vector<128x128xf32>
    tpu.vector_store %arg9[%swap3A_51, %swap3A_52], %mul3A_50 {strides = array<i32>} : memref<128x128xf32, #tpu.memory_space<vmem>>, vector<128x128xf32>,
    return
  }
  func.func @transform_0(%arg0: i32) -> (i32, i32) {
    %c0_i32 = arith.constant 0 : i32
    %c0_i32_0 = arith.constant 0 : i32
    return %arg0, %c0_i32 : i32, i32
  }
  func.func @transform_1(%arg0: i32) -> (i32, i32) {
    %c0_i32 = arith.constant 0 : i32
    %c0_i32_0 = arith.constant 0 : i32
    return %arg0, %c0_i32 : i32, i32
  }
  func.func @transform_2(%arg0: i32) -> (i32, i32) {
    %c0_i32 = arith.constant 0 : i32
    %c0_i32_0 = arith.constant 0 : i32
    return %arg0, %c0_i32 : i32, i32
  }
  func.func @transform_3(%arg0: i32) -> (i32, i32) {
    %c0_i32 = arith.constant 0 : i32
    %c0_i32_0 = arith.constant 0 : i32
    return %arg0, %c0_i32 : i32, i32
  }
  func.func @transform_4(%arg0: i32) -> (i32, i32) {
    %c0_i32 = arith.constant 0 : i32
    %c0_i32_0 = arith.constant 0 : i32
    return %arg0, %c0_i32 : i32, i32
  }
  func.func @transform_5(%arg0: i32) -> (i32, i32) {
    %c0_i32 = arith.constant 0 : i32
    %c0_i32_0 = arith.constant 0 : i32
    %c0_i32_1 = arith.constant 0 : i32
    return %c0_i32, %c0_i32_0 : i32, i32
  }
  func.func @transform_6(%arg0: i32) -> (i32, i32) {
    %c0_i32 = arith.constant 0 : i32
    %c0_i32_0 = arith.constant 0 : i32
    %c0_i32_1 = arith.constant 0 : i32
    return %c0_i32, %c0_i32_0 : i32, i32
  }
  func.func @transform_7(%arg0: i32) -> (i32, i32) {
    %c0_i32 = arith.constant 0 : i32
    %c0_i32_0 = arith.constant 0 : i32
    return %arg0, %c0_i32 : i32, i32
  }
  func.func @transform_8(%arg0: i32) -> (i32, i32) {
    %c0_i32 = arith.constant 0 : i32
    %c0_i32_0 = arith.constant 0 : i32
    return %arg0, %c0_i32 : i32, i32
  }
}

module attributes {stable_mosaic.version = 14 : i64} {
  func.func @_pool_body(%arg0: i32, %arg1: memref<128x128xf32, #tpu.memory_space<vmem>>, %arg2: memref<128x128xf32, #tpu.memory_space<vmem>>, %arg3: memref<128x128xf32, #tpu.memory_space<vmem>>, %arg4: memref<1x256xf32, #tpu.memory_space<vmem>>, %arg5: memref<128x8xi32, #tpu.memory_space<vmem>>, %arg6: memref<32x32xf32, #tpu.memory_space<vmem>>, %arg7: memref<1x32xf32, #tpu.memory_space<vmem>>, %arg8: memref<32x4xf32, #tpu.memory_space<vmem>>, %arg9: memref<1x4xf32, #tpu.memory_space<vmem>>, %arg10: memref<64x4xf32, #tpu.memory_space<vmem>>, %arg11: memref<64x32xf32, #tpu.memory_space<vmem>>, %arg12: memref<64x40xf32, #tpu.memory_space<vmem>>) attributes {dimension_semantics = [#tpu.dimension_semantics<arbitrary>], iteration_bounds = array<i64: 100>, scalar_prefetch = 0 : i64, scratch_operands = 1 : i64, tpu.core_type = #tpu.core_type<tc>, window_params = [{transform_indices = @transform_0, window_bounds = array<i64: 128, 128>}, {transform_indices = @transform_1, window_bounds = array<i64: 128, 128>}, {transform_indices = @transform_2, window_bounds = array<i64: 128, 128>}, {pipeline_mode = #tpu.pipeline_mode<synchronous>, transform_indices = @transform_3, window_bounds = array<i64: 1, 256>}, {transform_indices = @transform_4, window_bounds = array<i64: 128, 8>}, {pipeline_mode = #tpu.pipeline_mode<synchronous>, transform_indices = @transform_5, window_bounds = array<i64: 32, 32>}, {pipeline_mode = #tpu.pipeline_mode<synchronous>, transform_indices = @transform_6, window_bounds = array<i64: 1, 32>}, {pipeline_mode = #tpu.pipeline_mode<synchronous>, transform_indices = @transform_7, window_bounds = array<i64: 32, 4>}, {pipeline_mode = #tpu.pipeline_mode<synchronous>, transform_indices = @transform_8, window_bounds = array<i64: 1, 4>}, {pipeline_mode = #tpu.pipeline_mode<synchronous>, transform_indices = @transform_9, window_bounds = array<i64: 64, 4>}, {pipeline_mode = #tpu.pipeline_mode<synchronous>, transform_indices = @transform_10, window_bounds = array<i64: 64, 32>}]} {
    %eq3A = arith.constant 0 : i32
    %eq3A_0 = arith.cmpi eq, %arg0, %eq3A : i32
    %convert_element_type3A = arith.extui %eq3A_0 : i1 to i32
    %cond3A = arith.constant 0 : i32
    %cond3A_1 = arith.cmpi ne, %convert_element_type3A, %cond3A : i32
    scf.if %cond3A_1 {
      %broadcast_in_dim3A_142 = arith.constant 0.000000e+00 : f32
      %broadcast_in_dim3A_143 = vector.broadcast %broadcast_in_dim3A_142 : f32 to vector<64x40xf32>
      %swap3A_144 = arith.constant 0 : index
      %swap3A_145 = arith.constant 0 : index
      %swap3A_146 = vector.load %arg12[%swap3A_144, %swap3A_145] : memref<64x40xf32, #tpu.memory_space<vmem>>, vector<64x40xf32>
      tpu.vector_store %arg12[%swap3A_144, %swap3A_145], %broadcast_in_dim3A_143 {strides = array<i32>} : memref<64x40xf32, #tpu.memory_space<vmem>>, vector<64x40xf32>,
    } else {
    }
    %get3A = arith.constant 0 : index
    %get3A_2 = arith.constant 0 : index
    %get3A_3 = vector.load %arg3[%get3A, %get3A_2] : memref<128x128xf32, #tpu.memory_space<vmem>>, vector<128x128xf32>
    %get3A_4 = arith.constant 0 : index
    %get3A_5 = arith.constant 0 : index
    %get3A_6 = vector.load %arg4[%get3A_4, %get3A_5] : memref<1x256xf32, #tpu.memory_space<vmem>>, vector<1x256xf32>
    %get3A_7 = arith.constant 0 : index
    %get3A_8 = arith.constant 0 : index
    %get3A_9 = vector.load %arg1[%get3A_7, %get3A_8] : memref<128x128xf32, #tpu.memory_space<vmem>>, vector<128x128xf32>
    %mul3A = arith.mulf %get3A_3, %get3A_9 : vector<128x128xf32>
    %slice3A = vector.extract_strided_slice %get3A_6 {offsets = [0, 0], sizes = [1, 128], strides = [1, 1]} : vector<1x256xf32> to vector<1x128xf32>
    %add3A = vector.broadcast %slice3A : vector<1x128xf32> to vector<128x128xf32>
    %add3A_10 = arith.addf %mul3A, %add3A : vector<128x128xf32>
    %get3A_11 = arith.constant 0 : index
    %get3A_12 = arith.constant 0 : index
    %get3A_13 = vector.load %arg2[%get3A_11, %get3A_12] : memref<128x128xf32, #tpu.memory_space<vmem>>, vector<128x128xf32>
    %mul3A_14 = arith.mulf %get3A_3, %get3A_13 : vector<128x128xf32>
    %slice3A_15 = vector.extract_strided_slice %get3A_6 {offsets = [0, 128], sizes = [1, 128], strides = [1, 1]} : vector<1x256xf32> to vector<1x128xf32>
    %add3A_16 = vector.broadcast %slice3A_15 : vector<1x128xf32> to vector<128x128xf32>
    %add3A_17 = arith.addf %mul3A_14, %add3A_16 : vector<128x128xf32>
    %get3A_18 = arith.constant 0 : index
    %get3A_19 = arith.constant 0 : index
    %get3A_20 = vector.load %arg5[%get3A_18, %get3A_19] : memref<128x8xi32, #tpu.memory_space<vmem>>, vector<128x8xi32>
    %broadcast_in_dim3A = arith.constant 0.000000e+00 : f32
    %broadcast_in_dim3A_21 = vector.broadcast %broadcast_in_dim3A : f32 to vector<64x40xf32>
    %slice3A_22 = vector.extract_strided_slice %get3A_20 {offsets = [0, 0], sizes = [128, 1], strides = [1, 1]} : vector<128x8xi32> to vector<128x1xi32>
    %iota3A = tpu.iota {dimensions = array<i32: 1>} : vector<128x64xi32>
    %eq3A_23 = vector.broadcast %slice3A_22 : vector<128x1xi32> to vector<128x64xi32>
    %eq3A_24 = arith.cmpi eq, %eq3A_23, %iota3A : vector<128x64xi32>
    %convert_element_type3A_25 = arith.extui %eq3A_24 : vector<128x64xi1> to vector<128x64xi32>
    %convert_element_type3A_26 = arith.sitofp %convert_element_type3A_25 : vector<128x64xi32> to vector<128x64xf32>
    %slice3A_27 = vector.extract_strided_slice %add3A_10 {offsets = [0, 0], sizes = [128, 16], strides = [1, 1]} : vector<128x128xf32> to vector<128x16xf32>
    %slice3A_28 = vector.extract_strided_slice %add3A_17 {offsets = [0, 0], sizes = [128, 16], strides = [1, 1]} : vector<128x128xf32> to vector<128x16xf32>
    %broadcast_in_dim3A_29 = arith.constant 1.000000e+00 : f32
    %broadcast_in_dim3A_30 = vector.broadcast %broadcast_in_dim3A_29 : f32 to vector<128x8xf32>
    %concatenate3A = tpu.concatenate %slice3A_27, %slice3A_28, %broadcast_in_dim3A_30 in 1 : vector<128x16xf32>, vector<128x16xf32>, vector<128x8xf32> -> vector<128x40xf32>
    %dot_general3A = arith.constant dense<0.000000e+00> : vector<64x40xf32>
    %dot_general3A_31 = tpu.matmul %convert_element_type3A_26, %concatenate3A, %dot_general3A {dimension_numbers = #tpu.dot_dimension_numbers<[0], [0], [1], [1], [0, 1, 1, 1], [], []>, transpose_lhs_hint = false} : vector<128x64xf32>, vector<128x40xf32>, vector<64x40xf32> -> vector<64x40xf32>
    %add3A_32 = arith.addf %broadcast_in_dim3A_21, %dot_general3A_31 : vector<64x40xf32>
    %slice3A_33 = vector.extract_strided_slice %get3A_20 {offsets = [0, 1], sizes = [128, 1], strides = [1, 1]} : vector<128x8xi32> to vector<128x1xi32>
    %iota3A_34 = tpu.iota {dimensions = array<i32: 1>} : vector<128x64xi32>
    %eq3A_35 = vector.broadcast %slice3A_33 : vector<128x1xi32> to vector<128x64xi32>
    %eq3A_36 = arith.cmpi eq, %eq3A_35, %iota3A_34 : vector<128x64xi32>
    %convert_element_type3A_37 = arith.extui %eq3A_36 : vector<128x64xi1> to vector<128x64xi32>
    %convert_element_type3A_38 = arith.sitofp %convert_element_type3A_37 : vector<128x64xi32> to vector<128x64xf32>
    %slice3A_39 = vector.extract_strided_slice %add3A_10 {offsets = [0, 16], sizes = [128, 16], strides = [1, 1]} : vector<128x128xf32> to vector<128x16xf32>
    %slice3A_40 = vector.extract_strided_slice %add3A_17 {offsets = [0, 16], sizes = [128, 16], strides = [1, 1]} : vector<128x128xf32> to vector<128x16xf32>
    %broadcast_in_dim3A_41 = arith.constant 1.000000e+00 : f32
    %broadcast_in_dim3A_42 = vector.broadcast %broadcast_in_dim3A_41 : f32 to vector<128x8xf32>
    %concatenate3A_43 = tpu.concatenate %slice3A_39, %slice3A_40, %broadcast_in_dim3A_42 in 1 : vector<128x16xf32>, vector<128x16xf32>, vector<128x8xf32> -> vector<128x40xf32>
    %dot_general3A_44 = arith.constant dense<0.000000e+00> : vector<64x40xf32>
    %dot_general3A_45 = tpu.matmul %convert_element_type3A_38, %concatenate3A_43, %dot_general3A_44 {dimension_numbers = #tpu.dot_dimension_numbers<[0], [0], [1], [1], [0, 1, 1, 1], [], []>, transpose_lhs_hint = false} : vector<128x64xf32>, vector<128x40xf32>, vector<64x40xf32> -> vector<64x40xf32>
    %add3A_46 = arith.addf %add3A_32, %dot_general3A_45 : vector<64x40xf32>
    %slice3A_47 = vector.extract_strided_slice %get3A_20 {offsets = [0, 2], sizes = [128, 1], strides = [1, 1]} : vector<128x8xi32> to vector<128x1xi32>
    %iota3A_48 = tpu.iota {dimensions = array<i32: 1>} : vector<128x64xi32>
    %eq3A_49 = vector.broadcast %slice3A_47 : vector<128x1xi32> to vector<128x64xi32>
    %eq3A_50 = arith.cmpi eq, %eq3A_49, %iota3A_48 : vector<128x64xi32>
    %convert_element_type3A_51 = arith.extui %eq3A_50 : vector<128x64xi1> to vector<128x64xi32>
    %convert_element_type3A_52 = arith.sitofp %convert_element_type3A_51 : vector<128x64xi32> to vector<128x64xf32>
    %slice3A_53 = vector.extract_strided_slice %add3A_10 {offsets = [0, 32], sizes = [128, 16], strides = [1, 1]} : vector<128x128xf32> to vector<128x16xf32>
    %slice3A_54 = vector.extract_strided_slice %add3A_17 {offsets = [0, 32], sizes = [128, 16], strides = [1, 1]} : vector<128x128xf32> to vector<128x16xf32>
    %broadcast_in_dim3A_55 = arith.constant 1.000000e+00 : f32
    %broadcast_in_dim3A_56 = vector.broadcast %broadcast_in_dim3A_55 : f32 to vector<128x8xf32>
    %concatenate3A_57 = tpu.concatenate %slice3A_53, %slice3A_54, %broadcast_in_dim3A_56 in 1 : vector<128x16xf32>, vector<128x16xf32>, vector<128x8xf32> -> vector<128x40xf32>
    %dot_general3A_58 = arith.constant dense<0.000000e+00> : vector<64x40xf32>
    %dot_general3A_59 = tpu.matmul %convert_element_type3A_52, %concatenate3A_57, %dot_general3A_58 {dimension_numbers = #tpu.dot_dimension_numbers<[0], [0], [1], [1], [0, 1, 1, 1], [], []>, transpose_lhs_hint = false} : vector<128x64xf32>, vector<128x40xf32>, vector<64x40xf32> -> vector<64x40xf32>
    %add3A_60 = arith.addf %add3A_46, %dot_general3A_59 : vector<64x40xf32>
    %slice3A_61 = vector.extract_strided_slice %get3A_20 {offsets = [0, 3], sizes = [128, 1], strides = [1, 1]} : vector<128x8xi32> to vector<128x1xi32>
    %iota3A_62 = tpu.iota {dimensions = array<i32: 1>} : vector<128x64xi32>
    %eq3A_63 = vector.broadcast %slice3A_61 : vector<128x1xi32> to vector<128x64xi32>
    %eq3A_64 = arith.cmpi eq, %eq3A_63, %iota3A_62 : vector<128x64xi32>
    %convert_element_type3A_65 = arith.extui %eq3A_64 : vector<128x64xi1> to vector<128x64xi32>
    %convert_element_type3A_66 = arith.sitofp %convert_element_type3A_65 : vector<128x64xi32> to vector<128x64xf32>
    %slice3A_67 = vector.extract_strided_slice %add3A_10 {offsets = [0, 48], sizes = [128, 16], strides = [1, 1]} : vector<128x128xf32> to vector<128x16xf32>
    %slice3A_68 = vector.extract_strided_slice %add3A_17 {offsets = [0, 48], sizes = [128, 16], strides = [1, 1]} : vector<128x128xf32> to vector<128x16xf32>
    %broadcast_in_dim3A_69 = arith.constant 1.000000e+00 : f32
    %broadcast_in_dim3A_70 = vector.broadcast %broadcast_in_dim3A_69 : f32 to vector<128x8xf32>
    %concatenate3A_71 = tpu.concatenate %slice3A_67, %slice3A_68, %broadcast_in_dim3A_70 in 1 : vector<128x16xf32>, vector<128x16xf32>, vector<128x8xf32> -> vector<128x40xf32>
    %dot_general3A_72 = arith.constant dense<0.000000e+00> : vector<64x40xf32>
    %dot_general3A_73 = tpu.matmul %convert_element_type3A_66, %concatenate3A_71, %dot_general3A_72 {dimension_numbers = #tpu.dot_dimension_numbers<[0], [0], [1], [1], [0, 1, 1, 1], [], []>, transpose_lhs_hint = false} : vector<128x64xf32>, vector<128x40xf32>, vector<64x40xf32> -> vector<64x40xf32>
    %add3A_74 = arith.addf %add3A_60, %dot_general3A_73 : vector<64x40xf32>
    %slice3A_75 = vector.extract_strided_slice %get3A_20 {offsets = [0, 4], sizes = [128, 1], strides = [1, 1]} : vector<128x8xi32> to vector<128x1xi32>
    %iota3A_76 = tpu.iota {dimensions = array<i32: 1>} : vector<128x64xi32>
    %eq3A_77 = vector.broadcast %slice3A_75 : vector<128x1xi32> to vector<128x64xi32>
    %eq3A_78 = arith.cmpi eq, %eq3A_77, %iota3A_76 : vector<128x64xi32>
    %convert_element_type3A_79 = arith.extui %eq3A_78 : vector<128x64xi1> to vector<128x64xi32>
    %convert_element_type3A_80 = arith.sitofp %convert_element_type3A_79 : vector<128x64xi32> to vector<128x64xf32>
    %slice3A_81 = vector.extract_strided_slice %add3A_10 {offsets = [0, 64], sizes = [128, 16], strides = [1, 1]} : vector<128x128xf32> to vector<128x16xf32>
    %slice3A_82 = vector.extract_strided_slice %add3A_17 {offsets = [0, 64], sizes = [128, 16], strides = [1, 1]} : vector<128x128xf32> to vector<128x16xf32>
    %broadcast_in_dim3A_83 = arith.constant 1.000000e+00 : f32
    %broadcast_in_dim3A_84 = vector.broadcast %broadcast_in_dim3A_83 : f32 to vector<128x8xf32>
    %concatenate3A_85 = tpu.concatenate %slice3A_81, %slice3A_82, %broadcast_in_dim3A_84 in 1 : vector<128x16xf32>, vector<128x16xf32>, vector<128x8xf32> -> vector<128x40xf32>
    %dot_general3A_86 = arith.constant dense<0.000000e+00> : vector<64x40xf32>
    %dot_general3A_87 = tpu.matmul %convert_element_type3A_80, %concatenate3A_85, %dot_general3A_86 {dimension_numbers = #tpu.dot_dimension_numbers<[0], [0], [1], [1], [0, 1, 1, 1], [], []>, transpose_lhs_hint = false} : vector<128x64xf32>, vector<128x40xf32>, vector<64x40xf32> -> vector<64x40xf32>
    %add3A_88 = arith.addf %add3A_74, %dot_general3A_87 : vector<64x40xf32>
    %slice3A_89 = vector.extract_strided_slice %get3A_20 {offsets = [0, 5], sizes = [128, 1], strides = [1, 1]} : vector<128x8xi32> to vector<128x1xi32>
    %iota3A_90 = tpu.iota {dimensions = array<i32: 1>} : vector<128x64xi32>
    %eq3A_91 = vector.broadcast %slice3A_89 : vector<128x1xi32> to vector<128x64xi32>
    %eq3A_92 = arith.cmpi eq, %eq3A_91, %iota3A_90 : vector<128x64xi32>
    %convert_element_type3A_93 = arith.extui %eq3A_92 : vector<128x64xi1> to vector<128x64xi32>
    %convert_element_type3A_94 = arith.sitofp %convert_element_type3A_93 : vector<128x64xi32> to vector<128x64xf32>
    %slice3A_95 = vector.extract_strided_slice %add3A_10 {offsets = [0, 80], sizes = [128, 16], strides = [1, 1]} : vector<128x128xf32> to vector<128x16xf32>
    %slice3A_96 = vector.extract_strided_slice %add3A_17 {offsets = [0, 80], sizes = [128, 16], strides = [1, 1]} : vector<128x128xf32> to vector<128x16xf32>
    %broadcast_in_dim3A_97 = arith.constant 1.000000e+00 : f32
    %broadcast_in_dim3A_98 = vector.broadcast %broadcast_in_dim3A_97 : f32 to vector<128x8xf32>
    %concatenate3A_99 = tpu.concatenate %slice3A_95, %slice3A_96, %broadcast_in_dim3A_98 in 1 : vector<128x16xf32>, vector<128x16xf32>, vector<128x8xf32> -> vector<128x40xf32>
    %dot_general3A_100 = arith.constant dense<0.000000e+00> : vector<64x40xf32>
    %dot_general3A_101 = tpu.matmul %convert_element_type3A_94, %concatenate3A_99, %dot_general3A_100 {dimension_numbers = #tpu.dot_dimension_numbers<[0], [0], [1], [1], [0, 1, 1, 1], [], []>, transpose_lhs_hint = false} : vector<128x64xf32>, vector<128x40xf32>, vector<64x40xf32> -> vector<64x40xf32>
    %add3A_102 = arith.addf %add3A_88, %dot_general3A_101 : vector<64x40xf32>
    %slice3A_103 = vector.extract_strided_slice %get3A_20 {offsets = [0, 6], sizes = [128, 1], strides = [1, 1]} : vector<128x8xi32> to vector<128x1xi32>
    %iota3A_104 = tpu.iota {dimensions = array<i32: 1>} : vector<128x64xi32>
    %eq3A_105 = vector.broadcast %slice3A_103 : vector<128x1xi32> to vector<128x64xi32>
    %eq3A_106 = arith.cmpi eq, %eq3A_105, %iota3A_104 : vector<128x64xi32>
    %convert_element_type3A_107 = arith.extui %eq3A_106 : vector<128x64xi1> to vector<128x64xi32>
    %convert_element_type3A_108 = arith.sitofp %convert_element_type3A_107 : vector<128x64xi32> to vector<128x64xf32>
    %slice3A_109 = vector.extract_strided_slice %add3A_10 {offsets = [0, 96], sizes = [128, 16], strides = [1, 1]} : vector<128x128xf32> to vector<128x16xf32>
    %slice3A_110 = vector.extract_strided_slice %add3A_17 {offsets = [0, 96], sizes = [128, 16], strides = [1, 1]} : vector<128x128xf32> to vector<128x16xf32>
    %broadcast_in_dim3A_111 = arith.constant 1.000000e+00 : f32
    %broadcast_in_dim3A_112 = vector.broadcast %broadcast_in_dim3A_111 : f32 to vector<128x8xf32>
    %concatenate3A_113 = tpu.concatenate %slice3A_109, %slice3A_110, %broadcast_in_dim3A_112 in 1 : vector<128x16xf32>, vector<128x16xf32>, vector<128x8xf32> -> vector<128x40xf32>
    %dot_general3A_114 = arith.constant dense<0.000000e+00> : vector<64x40xf32>
    %dot_general3A_115 = tpu.matmul %convert_element_type3A_108, %concatenate3A_113, %dot_general3A_114 {dimension_numbers = #tpu.dot_dimension_numbers<[0], [0], [1], [1], [0, 1, 1, 1], [], []>, transpose_lhs_hint = false} : vector<128x64xf32>, vector<128x40xf32>, vector<64x40xf32> -> vector<64x40xf32>
    %add3A_116 = arith.addf %add3A_102, %dot_general3A_115 : vector<64x40xf32>
    %slice3A_117 = vector.extract_strided_slice %get3A_20 {offsets = [0, 7], sizes = [128, 1], strides = [1, 1]} : vector<128x8xi32> to vector<128x1xi32>
    %iota3A_118 = tpu.iota {dimensions = array<i32: 1>} : vector<128x64xi32>
    %eq3A_119 = vector.broadcast %slice3A_117 : vector<128x1xi32> to vector<128x64xi32>
    %eq3A_120 = arith.cmpi eq, %eq3A_119, %iota3A_118 : vector<128x64xi32>
    %convert_element_type3A_121 = arith.extui %eq3A_120 : vector<128x64xi1> to vector<128x64xi32>
    %convert_element_type3A_122 = arith.sitofp %convert_element_type3A_121 : vector<128x64xi32> to vector<128x64xf32>
    %slice3A_123 = vector.extract_strided_slice %add3A_10 {offsets = [0, 112], sizes = [128, 16], strides = [1, 1]} : vector<128x128xf32> to vector<128x16xf32>
    %slice3A_124 = vector.extract_strided_slice %add3A_17 {offsets = [0, 112], sizes = [128, 16], strides = [1, 1]} : vector<128x128xf32> to vector<128x16xf32>
    %broadcast_in_dim3A_125 = arith.constant 1.000000e+00 : f32
    %broadcast_in_dim3A_126 = vector.broadcast %broadcast_in_dim3A_125 : f32 to vector<128x8xf32>
    %concatenate3A_127 = tpu.concatenate %slice3A_123, %slice3A_124, %broadcast_in_dim3A_126 in 1 : vector<128x16xf32>, vector<128x16xf32>, vector<128x8xf32> -> vector<128x40xf32>
    %dot_general3A_128 = arith.constant dense<0.000000e+00> : vector<64x40xf32>
    %dot_general3A_129 = tpu.matmul %convert_element_type3A_122, %concatenate3A_127, %dot_general3A_128 {dimension_numbers = #tpu.dot_dimension_numbers<[0], [0], [1], [1], [0, 1, 1, 1], [], []>, transpose_lhs_hint = false} : vector<128x64xf32>, vector<128x40xf32>, vector<64x40xf32> -> vector<64x40xf32>
    %add3A_130 = arith.addf %add3A_116, %dot_general3A_129 : vector<64x40xf32>
    %get3A_131 = arith.constant 0 : index
    %get3A_132 = arith.constant 0 : index
    %get3A_133 = vector.load %arg12[%get3A_131, %get3A_132] : memref<64x40xf32, #tpu.memory_space<vmem>>, vector<64x40xf32>
    %add3A_134 = arith.addf %get3A_133, %add3A_130 : vector<64x40xf32>
    %swap3A = arith.constant 0 : index
    %swap3A_135 = arith.constant 0 : index
    %swap3A_136 = vector.load %arg12[%swap3A, %swap3A_135] : memref<64x40xf32, #tpu.memory_space<vmem>>, vector<64x40xf32>
    tpu.vector_store %arg12[%swap3A, %swap3A_135], %add3A_134 {strides = array<i32>} : memref<64x40xf32, #tpu.memory_space<vmem>>, vector<64x40xf32>,
    %eq3A_137 = arith.constant 99 : i32
    %eq3A_138 = arith.cmpi eq, %arg0, %eq3A_137 : i32
    %convert_element_type3A_139 = arith.extui %eq3A_138 : i1 to i32
    %cond3A_140 = arith.constant 0 : i32
    %cond3A_141 = arith.cmpi ne, %convert_element_type3A_139, %cond3A_140 : i32
    scf.if %cond3A_141 {
      %get3A_142 = arith.constant 0 : index
      %get3A_143 = arith.constant 0 : index
      %get3A_144 = vector.load %arg12[%get3A_142, %get3A_143] : memref<64x40xf32, #tpu.memory_space<vmem>>, vector<64x40xf32>
      %slice3A_145 = vector.extract_strided_slice %get3A_144 {offsets = [0, 32], sizes = [64, 1], strides = [1, 1]} : vector<64x40xf32> to vector<64x1xf32>
      %max3A = arith.constant 1.000000e+00 : f32
      %max3A_146 = vector.broadcast %max3A : f32 to vector<64x1xf32>
      %max3A_147 = arith.maximumf %slice3A_145, %max3A_146 : vector<64x1xf32>
      %slice3A_148 = vector.extract_strided_slice %get3A_144 {offsets = [0, 0], sizes = [64, 32], strides = [1, 1]} : vector<64x40xf32> to vector<64x32xf32>
      %div3A = vector.broadcast %max3A_147 : vector<64x1xf32> to vector<64x32xf32>
      %div3A_149 = arith.divf %slice3A_148, %div3A : vector<64x32xf32>
      %swap3A_150 = arith.constant 0 : index
      %swap3A_151 = arith.constant 0 : index
      %swap3A_152 = vector.load %arg11[%swap3A_150, %swap3A_151] : memref<64x32xf32, #tpu.memory_space<vmem>>, vector<64x32xf32>
      tpu.vector_store %arg11[%swap3A_150, %swap3A_151], %div3A_149 {strides = array<i32>} : memref<64x32xf32, #tpu.memory_space<vmem>>, vector<64x32xf32>,
      %get3A_153 = arith.constant 0 : index
      %get3A_154 = arith.constant 0 : index
      %get3A_155 = vector.load %arg6[%get3A_153, %get3A_154] : memref<32x32xf32, #tpu.memory_space<vmem>>, vector<32x32xf32>
      %dot_general3A_156 = arith.constant dense<0.000000e+00> : vector<64x32xf32>
      %dot_general3A_157 = tpu.matmul %div3A_149, %get3A_155, %dot_general3A_156 {dimension_numbers = #tpu.dot_dimension_numbers<[1], [0], [0], [1], [0, 0, 1, 1], [], []>, transpose_lhs_hint = false} : vector<64x32xf32>, vector<32x32xf32>, vector<64x32xf32> -> vector<64x32xf32>
      %get3A_158 = arith.constant 0 : index
      %get3A_159 = arith.constant 0 : index
      %get3A_160 = vector.load %arg7[%get3A_158, %get3A_159] : memref<1x32xf32, #tpu.memory_space<vmem>>, vector<1x32xf32>
      %add3A_161 = vector.broadcast %get3A_160 : vector<1x32xf32> to vector<64x32xf32>
      %add3A_162 = arith.addf %dot_general3A_157, %add3A_161 : vector<64x32xf32>
      %max3A_163 = arith.constant 0.000000e+00 : f32
      %max3A_164 = vector.broadcast %max3A_163 : f32 to vector<64x32xf32>
      %max3A_165 = arith.maximumf %add3A_162, %max3A_164 : vector<64x32xf32>
      %get3A_166 = arith.constant 0 : index
      %get3A_167 = arith.constant 0 : index
      %get3A_168 = vector.load %arg8[%get3A_166, %get3A_167] : memref<32x4xf32, #tpu.memory_space<vmem>>, vector<32x4xf32>
      %dot_general3A_169 = arith.constant dense<0.000000e+00> : vector<64x4xf32>
      %dot_general3A_170 = tpu.matmul %max3A_165, %get3A_168, %dot_general3A_169 {dimension_numbers = #tpu.dot_dimension_numbers<[1], [0], [0], [1], [0, 0, 1, 1], [], []>, transpose_lhs_hint = false} : vector<64x32xf32>, vector<32x4xf32>, vector<64x4xf32> -> vector<64x4xf32>
      %get3A_171 = arith.constant 0 : index
      %get3A_172 = arith.constant 0 : index
      %get3A_173 = vector.load %arg9[%get3A_171, %get3A_172] : memref<1x4xf32, #tpu.memory_space<vmem>>, vector<1x4xf32>
      %add3A_174 = vector.broadcast %get3A_173 : vector<1x4xf32> to vector<64x4xf32>
      %add3A_175 = arith.addf %dot_general3A_170, %add3A_174 : vector<64x4xf32>
      %max3A_176 = arith.constant 0.000000e+00 : f32
      %max3A_177 = vector.broadcast %max3A_176 : f32 to vector<64x4xf32>
      %max3A_178 = arith.maximumf %add3A_175, %max3A_177 : vector<64x4xf32>
      %abs3A = math.absf %add3A_175 : vector<64x4xf32>
      %neg3A = arith.constant 0.000000e+00 : f32
      %neg3A_179 = vector.broadcast %neg3A : f32 to vector<64x4xf32>
      %neg3A_180 = arith.subf %neg3A_179, %abs3A : vector<64x4xf32>
      %exp3A = math.exp %neg3A_180 : vector<64x4xf32>
      %add3A_181 = arith.constant 1.000000e+00 : f32
      %add3A_182 = vector.broadcast %add3A_181 : f32 to vector<64x4xf32>
      %add3A_183 = arith.addf %add3A_182, %exp3A : vector<64x4xf32>
      %log3A = math.log %add3A_183 : vector<64x4xf32>
      %add3A_184 = arith.addf %max3A_178, %log3A : vector<64x4xf32>
      %slice3A_185 = vector.extract_strided_slice %add3A_184 {offsets = [0, 0], sizes = [64, 1], strides = [1, 1]} : vector<64x4xf32> to vector<64x1xf32>
      %add3A_186 = arith.constant 1.000000e+00 : f32
      %add3A_187 = vector.broadcast %add3A_186 : f32 to vector<64x1xf32>
      %add3A_188 = arith.addf %slice3A_185, %add3A_187 : vector<64x1xf32>
      %slice3A_189 = vector.extract_strided_slice %add3A_184 {offsets = [0, 0], sizes = [64, 1], strides = [1, 1]} : vector<64x4xf32> to vector<64x1xf32>
      %slice3A_190 = vector.extract_strided_slice %add3A_184 {offsets = [0, 1], sizes = [64, 1], strides = [1, 1]} : vector<64x4xf32> to vector<64x1xf32>
      %add3A_191 = arith.addf %slice3A_189, %slice3A_190 : vector<64x1xf32>
      %add3A_192 = arith.constant 2.000000e+00 : f32
      %add3A_193 = vector.broadcast %add3A_192 : f32 to vector<64x1xf32>
      %add3A_194 = arith.addf %add3A_191, %add3A_193 : vector<64x1xf32>
      %slice3A_195 = vector.extract_strided_slice %add3A_184 {offsets = [0, 2], sizes = [64, 1], strides = [1, 1]} : vector<64x4xf32> to vector<64x1xf32>
      %add3A_196 = arith.constant 1.000000e-01 : f32
      %add3A_197 = vector.broadcast %add3A_196 : f32 to vector<64x1xf32>
      %add3A_198 = arith.addf %slice3A_195, %add3A_197 : vector<64x1xf32>
      %slice3A_199 = vector.extract_strided_slice %add3A_184 {offsets = [0, 2], sizes = [64, 1], strides = [1, 1]} : vector<64x4xf32> to vector<64x1xf32>
      %slice3A_200 = vector.extract_strided_slice %add3A_184 {offsets = [0, 3], sizes = [64, 1], strides = [1, 1]} : vector<64x4xf32> to vector<64x1xf32>
      %add3A_201 = arith.addf %slice3A_199, %slice3A_200 : vector<64x1xf32>
      %add3A_202 = arith.constant 3.000000e-01 : f32
      %add3A_203 = vector.broadcast %add3A_202 : f32 to vector<64x1xf32>
      %add3A_204 = arith.addf %add3A_201, %add3A_203 : vector<64x1xf32>
      %concatenate3A_205 = tpu.concatenate %add3A_188, %add3A_194, %add3A_198, %add3A_204 in 1 : vector<64x1xf32>, vector<64x1xf32>, vector<64x1xf32>, vector<64x1xf32> -> vector<64x4xf32>
      %swap3A_206 = arith.constant 0 : index
      %swap3A_207 = arith.constant 0 : index
      %swap3A_208 = vector.load %arg10[%swap3A_206, %swap3A_207] : memref<64x4xf32, #tpu.memory_space<vmem>>, vector<64x4xf32>
      tpu.vector_store %arg10[%swap3A_206, %swap3A_207], %concatenate3A_205 {strides = array<i32>} : memref<64x4xf32, #tpu.memory_space<vmem>>, vector<64x4xf32>,
    } else {
    }
    return
  }
  func.func @transform_0(%arg0: i32) -> (i32, i32) {
    %c0_i32 = arith.constant 0 : i32
    %c0_i32_0 = arith.constant 0 : i32
    return %arg0, %c0_i32 : i32, i32
  }
  func.func @transform_1(%arg0: i32) -> (i32, i32) {
    %c0_i32 = arith.constant 0 : i32
    %c0_i32_0 = arith.constant 0 : i32
    return %arg0, %c0_i32 : i32, i32
  }
  func.func @transform_2(%arg0: i32) -> (i32, i32) {
    %c0_i32 = arith.constant 0 : i32
    %c0_i32_0 = arith.constant 0 : i32
    return %arg0, %c0_i32 : i32, i32
  }
  func.func @transform_3(%arg0: i32) -> (i32, i32) {
    %c0_i32 = arith.constant 0 : i32
    %c0_i32_0 = arith.constant 0 : i32
    %c0_i32_1 = arith.constant 0 : i32
    return %c0_i32, %c0_i32_0 : i32, i32
  }
  func.func @transform_4(%arg0: i32) -> (i32, i32) {
    %c0_i32 = arith.constant 0 : i32
    %c0_i32_0 = arith.constant 0 : i32
    return %arg0, %c0_i32 : i32, i32
  }
  func.func @transform_5(%arg0: i32) -> (i32, i32) {
    %c0_i32 = arith.constant 0 : i32
    %c0_i32_0 = arith.constant 0 : i32
    %c0_i32_1 = arith.constant 0 : i32
    return %c0_i32, %c0_i32_0 : i32, i32
  }
  func.func @transform_6(%arg0: i32) -> (i32, i32) {
    %c0_i32 = arith.constant 0 : i32
    %c0_i32_0 = arith.constant 0 : i32
    %c0_i32_1 = arith.constant 0 : i32
    return %c0_i32, %c0_i32_0 : i32, i32
  }
  func.func @transform_7(%arg0: i32) -> (i32, i32) {
    %c0_i32 = arith.constant 0 : i32
    %c0_i32_0 = arith.constant 0 : i32
    %c0_i32_1 = arith.constant 0 : i32
    return %c0_i32, %c0_i32_0 : i32, i32
  }
  func.func @transform_8(%arg0: i32) -> (i32, i32) {
    %c0_i32 = arith.constant 0 : i32
    %c0_i32_0 = arith.constant 0 : i32
    %c0_i32_1 = arith.constant 0 : i32
    return %c0_i32, %c0_i32_0 : i32, i32
  }
  func.func @transform_9(%arg0: i32) -> (i32, i32) {
    %c0_i32 = arith.constant 0 : i32
    %c0_i32_0 = arith.constant 0 : i32
    %c0_i32_1 = arith.constant 0 : i32
    return %c0_i32, %c0_i32_0 : i32, i32
  }
  func.func @transform_10(%arg0: i32) -> (i32, i32) {
    %c0_i32 = arith.constant 0 : i32
    %c0_i32_0 = arith.constant 0 : i32
    %c0_i32_1 = arith.constant 0 : i32
    return %c0_i32, %c0_i32_0 : i32, i32
  }
}

</mosaic_0001>

<sc_bundles>
// kernel: kernel.10.cloned.1.call-start
scs
__scs_entry_jumppad:
0x0: {  	(pc) =	sbr.rel $0x88, $3  }
0x1: {  	(tag) =	ssettag $0x0;
	lr =	simm.s32 $0x1  }
0x2: {  	[smem:$0x3F94] =	sst lr;
	_ =	strace $0xD0000000  }
0x3: {  	_ = 	snop  }
0x4: {  	_ = 	snop  }
0x5: {  	_ = 	snop  }
0x6: {  	_ = 	snop  }
0x7: {  	_ = 	snop  }
__scs_overlays_trampoline_lowered:
0x8: {  	[smem:$0x3FA3] =	sst s0  }
0x9: {  	[smem:$0x3FA4] =	sst s1  }
0xa: {  	[smem:$0x3FA5] =	sst s2  }
0xb: {  	[smem:$0x3FA6] =	sst s3  }
0xc: {  	[smem:$0x3FA7] =	sst s4  }
0xd: {  	[smem:$0x3FA8] =	sst s5  }
0xe: {  	[smem:$0x3FA9] =	sst s6  }
0xf: {  	[smem:$0x3FAA] =	sst s7  }
0x10: {  	[smem:$0x3FAB] =	sst s8  }
0x11: {  	[smem:$0x3FAC] =	sst s9;
	s0 =	simm.s32 @!p0 $0x0  }
0x12: {  	s1 =	sld [smem:$0x3F92];
	s0 =	simm.s32 @p0 $0x1  }
0x13: {  	[smem:$0x3FAD] =	sst s0;
	s0 =	simm.s32 @!p1 $0x0  }
0x14: {  	s2 =	sld [smem:$0x3F91];
	s0 =	simm.s32 @p1 $0x1  }
0x15: {  	[smem:$0x3FAE] =	sst s0;
	s0 =	simm.s32 @!p2 $0x0  }
0x16: {  	s3 =	sld [smem:$0x3FDB];
	s0 =	simm.s32 @p2 $0x1  }
0x17: {  	s4 =	simm.s32 $0x1BF5;
	[smem:$0x3FB0] =	sst s0  }
0x18: {  	s0 =	sld [smem:$0x3F93];
	_ =	swait.ge [sflag:s4], $0x0  }
0x19: {  	s7 =	sld [smem:$0x3F94]  }
0x1a: {  	s8 =	sadd.s32 $0xFFFFE003, lr  }
0x1b: {  	s9 =	sadd.s32 $0xFFFFFEF7, lr;
	s5 =	simm.s32 $0xFFFFFFFF;
	p2 =	slt.u32 s8, $0xFFFFF086  }
0x1c: {  	p1 =	slt.u32 s9, $0xF7A;
	s5 =	simm.s32 @!p2 $0x0  }
0x1d: {  	s5 =	simm.s32 @p1 $0x1;
	p0 =	seq.s32 s7, s2  }
0x1e: {  	s7 =	smul.u32 @!p0 $0xF7A, s2;
	p2 =	seq.s32 @!p0 s5, $0x0  }
0x1f: {  	s9 =	smul.u32 $0xF7A, s1;
	s8 =	simm.s32 @!p0 $0x1BF5;
	p2 =	por !p2, p0  }
0x20: {  	[sflag:s8] =	ssyncset.s32 @!p0 $0xFFFFF086;
	s6 =	sadd.s32 @!p0 s3, s7;
	s7 =	simm.s32 @!p0 $0x108  }
0x21: {  	s3 =	sadd.s32 s3, s9;
	s6 =	sadd.s32 @!p0 $0x88, s6;
	s7 =	simm.s32 @p2 $0x1082  }
0x22: {  	[simem:s7], [sflag:s8] =	dma.local @!p0 [hbm:s6], $0xF7A  }
0x23: {  	s9 =	sor.u32 $0xD0000000, s2;
	s6 =	simm.s32 $0x108;
	_ =	swait.ge @!p0 [sflag:s8], $0x0  }
0x24: {  	s3 =	sadd.s32 $0x88, s3;
	s6 =	simm.s32 @!p1 $0x1082;
	[sflag:s4] =	ssyncset.s32 $0xFFFFF086  }
0x25: {  	[simem:s6], [sflag:s4] =	dma.local [hbm:s3], $0xF7A  }
0x26: {  	[smem:$0x3F94] =	sst s1;
	(tag) =	ssettag s2;
	_ =	strace s9  }
0x27: {  	s1 =	sld [smem:$0x3FA4]  }
0x28: {  	s2 =	sld [smem:$0x3FA5]  }
0x29: {  	s4 =	sld [smem:$0x3FA7]  }
0x2a: {  	p0 =	seq.s32 s5, $0x0;
	s5 =	sld [smem:$0x3FA8]  }
0x2b: {  	s6 =	sld [smem:$0x3FA9]  }
0x2c: {  	s7 =	sld [smem:$0x3FAA]  }
0x2d: {  	s3 =	simm.s32 $0x108;
	s8 =	sld [smem:$0x3FAB]  }
0x2e: {  	s3 =	simm.s32 @!p0 $0x1082;
	s9 =	sld [smem:$0x3FAC]  }
0x2f: {  	lr =	sadd.s32 s0, s3;
	s0 =	sld [smem:$0x3FA3]  }
0x30: {  	s3 =	sld [smem:$0x3FA6]  }
0x31: {  	[smem:$0x3FAF] =	sst s10  }
0x32: {  	s10 =	sld [smem:$0x3FAD];
	_ =	sdelay $0x3  }
0x33: {  	p0 =	seq.s32 s10, $0x1;
	s10 =	sld [smem:$0x3FAF];
	_ =	sdelay $0x3  }
0x34: {  	[smem:$0x3FAF] =	sst s10  }
0x35: {  	s10 =	sld [smem:$0x3FAE];
	_ =	sdelay $0x3  }
0x36: {  	p1 =	seq.s32 s10, $0x1;
	s10 =	sld [smem:$0x3FAF];
	_ =	sdelay $0x3  }
0x37: {  	[smem:$0x3FAF] =	sst s10  }
0x38: {  	s10 =	sld [smem:$0x3FB0]  }
0x39: {  	_ = 	snop;
	(pc) =	sbr.ind lr, $3  }
0x3a: {  	_ = 	snop  }
0x3b: {  	_ = 	snop  }
0x3c: {  	p2 =	seq.s32 s10, $0x1;
	s10 =	sld [smem:$0x3FAF]  }
0x3d: {  	_ =	shalt  }
0x3e: {  	_ =	shalt  }
0x3f: {  	_ =	shalt  }
0x40: {  	_ =	shalt  }
0x41: {  	_ =	shalt  }
0x42: {  	_ =	shalt  }
0x43: {  	_ =	shalt  }
0x44: {  	_ =	shalt  }
0x45: {  	_ =	shalt  }
0x46: {  	_ =	shalt  }
0x47: {  	_ =	shalt  }
0x48: {  	_ =	shalt  }
0x49: {  	_ =	shalt  }
0x4a: {  	_ =	shalt  }
0x4b: {  	_ =	shalt  }
0x4c: {  	_ =	shalt  }
0x4d: {  	_ =	shalt  }
0x4e: {  	_ =	shalt  }
0x4f: {  	_ =	shalt  }
0x50: {  	_ =	shalt  }
0x51: {  	_ =	shalt  }
0x52: {  	_ =	shalt  }
0x53: {  	_ =	shalt  }
0x54: {  	_ =	shalt  }
0x55: {  	_ =	shalt  }
0x56: {  	_ =	shalt  }
0x57: {  	_ =	shalt  }
0x58: {  	_ =	shalt  }
0x59: {  	_ =	shalt  }
0x5a: {  	_ =	shalt  }
0x5b: {  	_ =	shalt  }
0x5c: {  	_ =	shalt  }
0x5d: {  	_ =	shalt  }
0x5e: {  	_ =	shalt  }
0x5f: {  	_ =	shalt  }
0x60: {  	_ =	shalt  }
0x61: {  	_ =	shalt  }
0x62: {  	_ =	shalt  }
0x63: {  	_ =	shalt  }
0x64: {  	_ =	shalt  }
0x65: {  	_ =	shalt  }
0x66: {  	_ =	shalt  }
0x67: {  	_ =	shalt  }
0x68: {  	_ =	shalt  }
0x69: {  	_ =	shalt  }
0x6a: {  	_ =	shalt  }
0x6b: {  	_ =	shalt  }
0x6c: {  	_ =	shalt  }
0x6d: {  	_ =	shalt  }
0x6e: {  	_ =	shalt  }
0x6f: {  	_ =	shalt  }
0x70: {  	_ =	shalt  }
0x71: {  	_ =	shalt  }
0x72: {  	_ =	shalt  }
0x73: {  	_ =	shalt  }
0x74: {  	_ =	shalt  }
0x75: {  	_ =	shalt  }
0x76: {  	_ =	shalt  }
0x77: {  	_ =	shalt  }
0x78: {  	_ =	shalt  }
0x79: {  	_ =	shalt  }
0x7a: {  	_ =	shalt  }
0x7b: {  	_ =	shalt  }
0x7c: {  	_ =	shalt  }
0x7d: {  	_ =	shalt  }
0x7e: {  	_ =	shalt  }
0x7f: {  	_ =	shalt  }
0x80: {  	_ =	shalt  }
0x81: {  	_ =	shalt  }
0x82: {  	_ =	shalt  }
0x83: {  	_ =	shalt  }
0x84: {  	_ =	shalt  }
0x85: {  	_ =	shalt  }
0x86: {  	_ =	shalt  }
0x87: {  	_ =	shalt  }
.Lfunc_end0:
.L_simem_size_0:
called_computation_lowered:
.L_overlay_start_0:
0x88: {  	s2 =	sld [smem:$0x3FD9]  }
0x89: {  	s3 =	sld [smem:$0x3FFE];
	_ =	sdelay $0x1  }
0x8a: {  	s1 =	srdreg.scid  }
0x8b: {  	s0 =	sand.u32 $0x1, s1  }
0x8c: {  	s16 =	sshll.u32 s0, $0xA;
	s2 =	sadd.s32 s3, s2  }
0x8d: {  	s2 =	sadd.s32 s2, s16  }
0x8e: {  	[smem:$0x3FBB] =	sst s2  }
0x8f: {  	_ = 	snop  }
0x90: {  	(tm) =	ssettm $0x1  }
0x91: {  	s17 =	sld [smem:$0x3FFB];
	_ =	sdelay $0x3  }
0x92: {  	_ =	strace s17  }
0x93: {  	s2 =	sld [smem:$0x3FFC];
	_ =	sdelay $0x3  }
0x94: {  	_ =	strace s2  }
0x95: {  	s2 =	sld [smem:$0x3FFD];
	_ =	sdelay $0x3  }
0x96: {  	_ =	strace s2  }
0x97: {  	_ =	strace $0x8FFFFFFF  }
0x98: {  	s18 =	sld [smem:$0x3FDB];
	_ =	sdelay $0x1  }
0x99: {  	s19 =	simm.s32 $_scs_section_size  }
0x9a: {  	s4 =	simm.s32 $_size__tile_overlayer_lowered;
	s5 =	simm.s32 $_tile_overlayer_lowered  }
0x9b: {  	s22 =	simm.s32 $0x1BFF;
	s21 =	sshll.u32 s5, $0x1;
	s2 =	sadd.s32 s19, s18  }
0x9c: {  	s6 =	simm.s32 $0x0;
	s20 =	sshll.u32 s4, $0x1;
	s4 =	sadd.s32 s21, s2  }
0x9d: {  	[timem:s6], [sflag:s22] =	dma.local [hbm:s4], s20  }
0x9e: {  	_ =	swait.ge [sflag:s22], s20  }
0x9f: {  	s3 =	ssub.s32 $0x0, s20;
	[sflag:s22] =	ssyncset.done $0x0  }
0xa0: {  	[sflag:s22] =	ssyncadd.s32 s3;
	_ =	sdelay $0x1  }
0xa1: {  	s23 =	simm.s32 $0x1B8B  }
0xa2: {  	_ =	swait.ge [sflag:s23], $0x1  }
0xa3: {  	[sflag:s23] =	ssyncset.done $0x0  }
0xa4: {  	s25 =	simm.s32 $0x1B8E;
	s24 =	sld [smem:$0x3FFE];
	[sflag:s23] =	ssyncadd.s32 $0xFFFFFFFF  }
0xa5: {  	s26 =	simm.s32 $execute0_lowered;
	[smem:$0x3FD2] =	sst s25  }
0xa6: {  	s4 =	sshll.u32 s26, $0x1;
	_ =	strace $0x80000046;
	[dreg:$0x1] =	wrdreg $0xFFFFFFFF  }
0xa7: {  	s28 =	simm.s32 $_size_execute0_lowered;
	s2 =	sadd.s32 s2, s4;
	[dreg:$0x0] =	wrdreg $0x0  }
0xa8: {  	s4 =	sshll.u32 s28, $0x1;
	[dreg:$0x2] =	wrdreg s2  }
0xa9: {  	[dreg:$0x3] =	wrdreg s4  }
0xaa: {  	[dreg:$0x4] =	wrdreg $0xC0  }
0xab: {  	_ =	task [dreg:s6], $0x5FFFF  }
0xac: {  	[dreg:$0x1] =	wrdreg $0xFFFFFFFF  }
0xad: {  	[dreg:$0x0] =	wrdreg $0x60  }
0xae: {  	[dreg:$0x2] =	wrdreg s24  }
0xaf: {  	[dreg:$0x3] =	wrdreg $0xA000  }
0xb0: {  	[dreg:$0x4] =	wrdreg $0x9  }
0xb1: {  	_ =	task.clear_ibuf [dreg:s6], $0x5FFFF;
	_ =	strace $0x90000046  }
0xb2: {  	s29 =	simm.s32 $0x9;
	_ =	strace $0x80000048  }
0xb3: {  	_ =	swait.ge [sflag:s29], $0x1  }
0xb4: {  	[sflag:s29] =	ssyncadd.s32 $0xFFFFFFFF  }
0xb5: {  	_ =	strace $0x90000048  }
0xb6: {  	_ =	sfence  }
0xb7: {  	s30 =	sld [smem:$0x0];
	_ =	sdelay $0x2  }
0xb8: {  	s31 =	sshll.u32 s1, $0xD;
	s1 =	sshrl.u32 s1, $0x2  }
0xb9: {  	s3 =	sand.u32 $0x4000, s31;
	s1 =	sadd.s32 s1, s30  }
0xba: {  	s0 =	sor.u32 s3, s0;
	s1 =	sshll.u32 s1, $0x11  }
0xbb: {  	s0 =	sor.u32 s1, s0  }
0xbc: {  	s0 =	sadd.s32 $0x8F2B, s0  }
0xbd: {  	[sflag:s0] =	ssyncadd.remote.s32 $0x1  }
0xbe: {  	_ =	sfence.sel $0xFFFF  }
0xbf: {  	[dreg:$0x0] =	wrdreg $0xFFFFFFFF;
	(pc) =	sbr.abs _section_cstart, $3  }
0xc0: {  	[dreg:$0x1] =	wrdreg $0xFFFFFFFF  }
0xc1: {  	_ =	task.clear_ibuf [dreg:s6], $0x2FFFF;
	_ =	strace $0x9FFFFFFF  }
0xc2: {  	(tm) =	ssettm $0x7FFFFFFF  }
0xc3: {  	_ =	shalt  }
tec
execute0_lowered:
.L_overlay_start_1:
0x0: {  	(tag) =	ssettag $0x1  }
0x1: {  	s0 =	srdreg.scid;
	s4 =	rddreg [dreg:$0x0]  }
0x2: {  	s2 =	rddreg [dreg:$0x1];
	s5 =	sand.u32 $0x1, s0  }
0x3: {  	s0 =	stileid.u32;
	s6 =	smul.u32 $0xC8000, s5  }
0x4: {  	s1 =	rddreg [dreg:$0x2];
	s3 =	simm.s32 $0x0;
	s7 =	smul.u32 $0xC800, s0  }
0x5: {  	s12 =	simm.s32 $0x1;
	s13 =	simm.s32 $0x0;
	s8 =	smul.u32 $0x1900, s0  }
0x6: {  	[smem:$0x7FF] =	sst s3;
	s28 =	smul.u32 $0x19000, s5;
	s5 =	ssub.s32 $0x2, s5  }
0x7: {  	_ =	strace $0x80000047;
	s31 =	sshll.u32 s0, $0x6;
	s10 =	sshrl.u32 s5, $0x1  }
0x8: {  	s6 =	sadd.s32 s7, s6;
	s29 =	sadd.s32 s8, s28;
	s30 =	sshrl.u32 s8, $0x3  }
0x9: {  	s10 =	ssub.s32 s5, s10;
	s11 =	sadd.s32 s8, s2;
	s6 =	sshrl.u32 s6, $0x3  }
0xa: {  	s7 =	sadd.s32 s30, s4;
	s9 =	sadd.s32 s6, s4;
	s6 =	sshrl.u32 s29, $0x3  }
0xb: {  	s5 =	sor.u32 $0x1C02, s31;
	s6 =	sadd.s32 s6, s4;
	s4 =	sadd.s32 $0x37A00, s7  }
0xc: {  	s7 =	smax.u32 s10, $0x1;
	s8 =	sadd.s32 $0x5A00, s9;
	s9 =	sshrl.u32 s11, $0x3  }
0xd: {  	v0 =	vimm.f32 $1.000000000e+00;
	s10 =	simm.s32 $0x2;
	s11 =	simm.s32 $0x500;
	s6 =	sadd.s32 $0x3AC00, s6  }
.LBB2_1:
0xe: {  	s14 =	simm.s32 $0x40;
	s15 =	simm.s32 $0x0  }
.LBB2_2:
0xf: {  	p0 =	sne.s32 s14, $0x13C0;
	[tilespmem:s15+$0x500] =	vst v0;
	s15 =	smov.u32 s14;
	s14 =	sadd.s32 $0x40, s14  }
.Ltmp0:
0x10: {  	(pc) =	sbr.rel @p0 .LBB2_2-.Ltmp0, $2  }
0x11: {  	_ =	sdelay $0x2  }
0x12: {  	s15 =	sshra.s32 s15, $0x2  }
0x13: {  	[tilespmem:s15+$0x500] =	vst v0  }
0x14: {  	[spmem:s9], [sflag:s5] =	dma.local [hbm:s4], $0x320  }
0x15: {  	_ =	swait.ge [sflag:s10], $0x320  }
0x16: {  	[sflag:s10] =	ssyncset.done $0x0  }
0x17: {  	[sflag:s10] =	ssyncadd.s32 $0xFFFFFCE0  }
0x18: {  	s14 =	sadd.s32 $0x0, s8;
	[bflag:$0x0] =	sbarrier.arrive $0xFFFF  }
0x19: {  	[tilespmem:s3], [sflag:$0x2] =	stream.linear.gather [hbm4b:s14+s3], $0x500, $0x38;
	[tilespmem:$0x2300] =	vst v63  }
0x1a: {  	_ =	swait.ge [sflag:s10], $0x500  }
0x1b: {  	[sflag:s10] =	ssyncset.done $0x0  }
0x1c: {  	[sflag:s10] =	ssyncadd.s32 $0xFFFFFB00  }
0x1d: {  	[spmem:s2] =	stream.indirect.scatter.add.f32 [tilespmem:s11], [sflag:$0x1], $0x1, s3, s11, $0xb8;
	[tilespmem:$0x2300] =	vst v63  }
0x1e: {  	_ =	swait.ge [sflag:s12], $0x500  }
0x1f: {  	s15 =	simm.s32 $0x140;
	s14 =	simm.s32 $0xA0;
	[sflag:s12] =	ssyncset.done $0x0  }
.LBB2_4:
0x20: {  	s16 =	sadd.s32 s14, s8  }
0x21: {  	[sflag:s12] =	ssyncadd.s32 $0xFFFFFB00;
	s14 =	smov.u32 s15;
	s17 =	sadd.s32 $0xA0, s15  }
0x22: {  	[tilespmem:s3], [sflag:$0x2] =	stream.linear.gather [hbm4b:s16+s3], $0x500, $0x38;
	[tilespmem:$0x2300] =	vst v63  }
0x23: {  	p0 =	sne.s32 s15, $0x1860;
	_ =	swait.ge [sflag:s10], $0x500  }
.Ltmp1:
0x24: {  	[sflag:s10] =	ssyncset.done $0x0;
	(pc) =	sbr.rel @p0 .LBB2_4-.Ltmp1, $4  }
0x25: {  	[sflag:s10] =	ssyncadd.s32 $0xFFFFFB00  }
0x26: {  	[spmem:s2] =	stream.indirect.scatter.add.f32 [tilespmem:s11], [sflag:$0x1], $0x1, s3, s11, $0xb8;
	[tilespmem:$0x2300] =	vst v63  }
0x27: {  	_ =	swait.ge [sflag:s12], $0x500  }
0x28: {  	s15 =	smov.u32 s17;
	[sflag:s12] =	ssyncset.done $0x0  }
0x29: {  	s14 =	sadd.s32 s14, s8;
	[sflag:s12] =	ssyncadd.s32 $0xFFFFFB00  }
0x2a: {  	[tilespmem:s3], [sflag:$0x2] =	stream.linear.gather [hbm4b:s14+s3], $0x500, $0x38;
	[tilespmem:$0x2300] =	vst v63  }
0x2b: {  	_ =	swait.ge [sflag:s10], $0x500  }
0x2c: {  	[sflag:s10] =	ssyncset.done $0x0  }
0x2d: {  	[sflag:s10] =	ssyncadd.s32 $0xFFFFFB00  }
0x2e: {  	[spmem:s2] =	stream.indirect.scatter.add.f32 [tilespmem:s11], [sflag:$0x1], $0x1, s3, s11, $0xb8;
	[tilespmem:$0x2300] =	vst v63  }
0x2f: {  	_ =	swait.ge [sflag:s12], $0x500  }
0x30: {  	s13 =	sadd.s32 $0x1, s13;
	[sflag:s12] =	ssyncset.done $0x0  }
0x31: {  	p0 =	sne.s32 s13, s7;
	[sflag:s12] =	ssyncadd.s32 $0xFFFFFB00  }
.Ltmp2:
0x32: {  	[bflag:$0x0] =	sbarrier.arrive $0xFFFF;
	(pc) =	sbr.rel @p0 .LBB2_1-.Ltmp2, $4  }
0x33: {  	[hbm:s6], [sflag:s5] =	dma.local [spmem:s9], $0x320  }
0x34: {  	_ =	swait.ge [sflag:s10], $0x320  }
0x35: {  	[sflag:s10] =	ssyncset.done $0x0  }
0x36: {  	[sflag:s10] =	ssyncadd.s32 $0xFFFFFCE0  }
0x37: {  	_ =	sfence.sel $0x180000  }
0x38: {  	[bflag:$0x0] =	sbarrier.arrive $0xFFFF  }
0x39: {  	p0 =	sne.s32 s0, $0x0;
	_ =	strace $0x90000047  }
0x3a: {  	s0 =	sadd.s32 @!p0 $0x100000, s1;
	[bflag:$0x2] =	sbarrier.arrive $0xFFFF  }
0x3b: {  	[sflag:s0] =	ssyncadd.tile.s32 @!p0 $0x1;
	_ =	shalt  }
.Lfunc_end2:
_tile_overlayer_lowered:
.L_overlay_start_2:
0x3c: {  	(tag) =	ssettag $0x2  }
0x3d: {  	s0 =	rddreg [dreg:$0x0];
	s2 =	stileid.u32  }
0x3e: {  	s1 =	rddreg [dreg:$0x1];
	p0 =	sne.s32 s2, $0x0  }
0x3f: {  	s3 =	rddreg [dreg:$0x2];
	[bflag:$0x3] =	sbarrier.arrive $0xFFFF;
	s2 =	simm.s32 @!p0 $0x1C02  }
0x40: {  	[timem:s3], [sflag:s2] =	dma.local @!p0 [hbm:s0], s1  }
0x41: {  	s0 =	simm.s32 @!p0 $0x2  }
0x42: {  	_ =	swait.ge @!p0 [sflag:s0], s1  }
0x43: {  	s1 =	ssub.s32 @!p0 $0x0, s1;
	[sflag:s0] =	ssyncset.done @!p0 $0x0  }
0x44: {  	[sflag:s0] =	ssyncadd.s32 @!p0 s1  }
0x45: {  	[bflag:$0x3] =	sbarrier.arrive $0xFFFF  }
0x46: {  	_ =	shalt  }

// kernel: kernel.13.cloned.1.call-start
scs
__scs_entry_jumppad:
0x0: {  	(pc) =	sbr.rel $0x88, $3  }
0x1: {  	(tag) =	ssettag $0x0;
	lr =	simm.s32 $0x1  }
0x2: {  	[smem:$0x3F94] =	sst lr;
	_ =	strace $0xD0000000  }
0x3: {  	_ = 	snop  }
0x4: {  	_ = 	snop  }
0x5: {  	_ = 	snop  }
0x6: {  	_ = 	snop  }
0x7: {  	_ = 	snop  }
__scs_overlays_trampoline_lowered:
0x8: {  	[smem:$0x3FA3] =	sst s0  }
0x9: {  	[smem:$0x3FA4] =	sst s1  }
0xa: {  	[smem:$0x3FA5] =	sst s2  }
0xb: {  	[smem:$0x3FA6] =	sst s3  }
0xc: {  	[smem:$0x3FA7] =	sst s4  }
0xd: {  	[smem:$0x3FA8] =	sst s5  }
0xe: {  	[smem:$0x3FA9] =	sst s6  }
0xf: {  	[smem:$0x3FAA] =	sst s7  }
0x10: {  	[smem:$0x3FAB] =	sst s8  }
0x11: {  	[smem:$0x3FAC] =	sst s9;
	s0 =	simm.s32 @!p0 $0x0  }
0x12: {  	s1 =	sld [smem:$0x3F92];
	s0 =	simm.s32 @p0 $0x1  }
0x13: {  	[smem:$0x3FAD] =	sst s0;
	s0 =	simm.s32 @!p1 $0x0  }
0x14: {  	s2 =	sld [smem:$0x3F91];
	s0 =	simm.s32 @p1 $0x1  }
0x15: {  	[smem:$0x3FAE] =	sst s0;
	s0 =	simm.s32 @!p2 $0x0  }
0x16: {  	s3 =	sld [smem:$0x3FDB];
	s0 =	simm.s32 @p2 $0x1  }
0x17: {  	s4 =	simm.s32 $0x1BF5;
	[smem:$0x3FB0] =	sst s0  }
0x18: {  	s0 =	sld [smem:$0x3F93];
	_ =	swait.ge [sflag:s4], $0x0  }
0x19: {  	s7 =	sld [smem:$0x3F94]  }
0x1a: {  	s8 =	sadd.s32 $0xFFFFE003, lr  }
0x1b: {  	s9 =	sadd.s32 $0xFFFFFEF7, lr;
	s5 =	simm.s32 $0xFFFFFFFF;
	p2 =	slt.u32 s8, $0xFFFFF086  }
0x1c: {  	p1 =	slt.u32 s9, $0xF7A;
	s5 =	simm.s32 @!p2 $0x0  }
0x1d: {  	s5 =	simm.s32 @p1 $0x1;
	p0 =	seq.s32 s7, s2  }
0x1e: {  	s7 =	smul.u32 @!p0 $0xF7A, s2;
	p2 =	seq.s32 @!p0 s5, $0x0  }
0x1f: {  	s9 =	smul.u32 $0xF7A, s1;
	s8 =	simm.s32 @!p0 $0x1BF5;
	p2 =	por !p2, p0  }
0x20: {  	[sflag:s8] =	ssyncset.s32 @!p0 $0xFFFFF086;
	s6 =	sadd.s32 @!p0 s3, s7;
	s7 =	simm.s32 @!p0 $0x108  }
0x21: {  	s3 =	sadd.s32 s3, s9;
	s6 =	sadd.s32 @!p0 $0x88, s6;
	s7 =	simm.s32 @p2 $0x1082  }
0x22: {  	[simem:s7], [sflag:s8] =	dma.local @!p0 [hbm:s6], $0xF7A  }
0x23: {  	s9 =	sor.u32 $0xD0000000, s2;
	s6 =	simm.s32 $0x108;
	_ =	swait.ge @!p0 [sflag:s8], $0x0  }
0x24: {  	s3 =	sadd.s32 $0x88, s3;
	s6 =	simm.s32 @!p1 $0x1082;
	[sflag:s4] =	ssyncset.s32 $0xFFFFF086  }
0x25: {  	[simem:s6], [sflag:s4] =	dma.local [hbm:s3], $0xF7A  }
0x26: {  	[smem:$0x3F94] =	sst s1;
	(tag) =	ssettag s2;
	_ =	strace s9  }
0x27: {  	s1 =	sld [smem:$0x3FA4]  }
0x28: {  	s2 =	sld [smem:$0x3FA5]  }
0x29: {  	s4 =	sld [smem:$0x3FA7]  }
0x2a: {  	p0 =	seq.s32 s5, $0x0;
	s5 =	sld [smem:$0x3FA8]  }
0x2b: {  	s6 =	sld [smem:$0x3FA9]  }
0x2c: {  	s7 =	sld [smem:$0x3FAA]  }
0x2d: {  	s3 =	simm.s32 $0x108;
	s8 =	sld [smem:$0x3FAB]  }
0x2e: {  	s3 =	simm.s32 @!p0 $0x1082;
	s9 =	sld [smem:$0x3FAC]  }
0x2f: {  	lr =	sadd.s32 s0, s3;
	s0 =	sld [smem:$0x3FA3]  }
0x30: {  	s3 =	sld [smem:$0x3FA6]  }
0x31: {  	[smem:$0x3FAF] =	sst s10  }
0x32: {  	s10 =	sld [smem:$0x3FAD];
	_ =	sdelay $0x3  }
0x33: {  	p0 =	seq.s32 s10, $0x1;
	s10 =	sld [smem:$0x3FAF];
	_ =	sdelay $0x3  }
0x34: {  	[smem:$0x3FAF] =	sst s10  }
0x35: {  	s10 =	sld [smem:$0x3FAE];
	_ =	sdelay $0x3  }
0x36: {  	p1 =	seq.s32 s10, $0x1;
	s10 =	sld [smem:$0x3FAF];
	_ =	sdelay $0x3  }
0x37: {  	[smem:$0x3FAF] =	sst s10  }
0x38: {  	s10 =	sld [smem:$0x3FB0]  }
0x39: {  	_ = 	snop;
	(pc) =	sbr.ind lr, $3  }
0x3a: {  	_ = 	snop  }
0x3b: {  	_ = 	snop  }
0x3c: {  	p2 =	seq.s32 s10, $0x1;
	s10 =	sld [smem:$0x3FAF]  }
0x3d: {  	_ =	shalt  }
0x3e: {  	_ =	shalt  }
0x3f: {  	_ =	shalt  }
0x40: {  	_ =	shalt  }
0x41: {  	_ =	shalt  }
0x42: {  	_ =	shalt  }
0x43: {  	_ =	shalt  }
0x44: {  	_ =	shalt  }
0x45: {  	_ =	shalt  }
0x46: {  	_ =	shalt  }
0x47: {  	_ =	shalt  }
0x48: {  	_ =	shalt  }
0x49: {  	_ =	shalt  }
0x4a: {  	_ =	shalt  }
0x4b: {  	_ =	shalt  }
0x4c: {  	_ =	shalt  }
0x4d: {  	_ =	shalt  }
0x4e: {  	_ =	shalt  }
0x4f: {  	_ =	shalt  }
0x50: {  	_ =	shalt  }
0x51: {  	_ =	shalt  }
0x52: {  	_ =	shalt  }
0x53: {  	_ =	shalt  }
0x54: {  	_ =	shalt  }
0x55: {  	_ =	shalt  }
0x56: {  	_ =	shalt  }
0x57: {  	_ =	shalt  }
0x58: {  	_ =	shalt  }
0x59: {  	_ =	shalt  }
0x5a: {  	_ =	shalt  }
0x5b: {  	_ =	shalt  }
0x5c: {  	_ =	shalt  }
0x5d: {  	_ =	shalt  }
0x5e: {  	_ =	shalt  }
0x5f: {  	_ =	shalt  }
0x60: {  	_ =	shalt  }
0x61: {  	_ =	shalt  }
0x62: {  	_ =	shalt  }
0x63: {  	_ =	shalt  }
0x64: {  	_ =	shalt  }
0x65: {  	_ =	shalt  }
0x66: {  	_ =	shalt  }
0x67: {  	_ =	shalt  }
0x68: {  	_ =	shalt  }
0x69: {  	_ =	shalt  }
0x6a: {  	_ =	shalt  }
0x6b: {  	_ =	shalt  }
0x6c: {  	_ =	shalt  }
0x6d: {  	_ =	shalt  }
0x6e: {  	_ =	shalt  }
0x6f: {  	_ =	shalt  }
0x70: {  	_ =	shalt  }
0x71: {  	_ =	shalt  }
0x72: {  	_ =	shalt  }
0x73: {  	_ =	shalt  }
0x74: {  	_ =	shalt  }
0x75: {  	_ =	shalt  }
0x76: {  	_ =	shalt  }
0x77: {  	_ =	shalt  }
0x78: {  	_ =	shalt  }
0x79: {  	_ =	shalt  }
0x7a: {  	_ =	shalt  }
0x7b: {  	_ =	shalt  }
0x7c: {  	_ =	shalt  }
0x7d: {  	_ =	shalt  }
0x7e: {  	_ =	shalt  }
0x7f: {  	_ =	shalt  }
0x80: {  	_ =	shalt  }
0x81: {  	_ =	shalt  }
0x82: {  	_ =	shalt  }
0x83: {  	_ =	shalt  }
0x84: {  	_ =	shalt  }
0x85: {  	_ =	shalt  }
0x86: {  	_ =	shalt  }
0x87: {  	_ =	shalt  }
.Lfunc_end0:
.L_simem_size_0:
called_computation.1_lowered:
.L_overlay_start_0:
0x88: {  	s2 =	sld [smem:$0x3FD9]  }
0x89: {  	s3 =	sld [smem:$0x3FFE];
	_ =	sdelay $0x1  }
0x8a: {  	s1 =	srdreg.scid  }
0x8b: {  	s0 =	sand.u32 $0x1, s1  }
0x8c: {  	s16 =	sshll.u32 s0, $0xA;
	s2 =	sadd.s32 s3, s2  }
0x8d: {  	s2 =	sadd.s32 s2, s16  }
0x8e: {  	[smem:$0x3FBB] =	sst s2  }
0x8f: {  	_ = 	snop  }
0x90: {  	(tm) =	ssettm $0x1  }
0x91: {  	s17 =	sld [smem:$0x3FFB];
	_ =	sdelay $0x3  }
0x92: {  	_ =	strace s17  }
0x93: {  	s2 =	sld [smem:$0x3FFC];
	_ =	sdelay $0x3  }
0x94: {  	_ =	strace s2  }
0x95: {  	s2 =	sld [smem:$0x3FFD];
	_ =	sdelay $0x3  }
0x96: {  	_ =	strace s2  }
0x97: {  	_ =	strace $0x8FFFFFFF  }
0x98: {  	s18 =	sld [smem:$0x3FDB];
	_ =	sdelay $0x1  }
0x99: {  	s19 =	simm.s32 $_scs_section_size  }
0x9a: {  	s4 =	simm.s32 $_size__tile_overlayer_lowered;
	s5 =	simm.s32 $_tile_overlayer_lowered  }
0x9b: {  	s22 =	simm.s32 $0x1BFF;
	s21 =	sshll.u32 s5, $0x1;
	s2 =	sadd.s32 s19, s18  }
0x9c: {  	s6 =	simm.s32 $0x0;
	s20 =	sshll.u32 s4, $0x1;
	s4 =	sadd.s32 s21, s2  }
0x9d: {  	[timem:s6], [sflag:s22] =	dma.local [hbm:s4], s20  }
0x9e: {  	_ =	swait.ge [sflag:s22], s20  }
0x9f: {  	s3 =	ssub.s32 $0x0, s20;
	[sflag:s22] =	ssyncset.done $0x0  }
0xa0: {  	[sflag:s22] =	ssyncadd.s32 s3;
	_ =	sdelay $0x1  }
0xa1: {  	s23 =	simm.s32 $0x1B8B  }
0xa2: {  	_ =	swait.ge [sflag:s23], $0x1  }
0xa3: {  	[sflag:s23] =	ssyncset.done $0x0  }
0xa4: {  	s25 =	simm.s32 $0x1B8E;
	s24 =	sld [smem:$0x3FFE];
	[sflag:s23] =	ssyncadd.s32 $0xFFFFFFFF  }
0xa5: {  	s26 =	simm.s32 $execute0_lowered;
	[smem:$0x3FD2] =	sst s25  }
0xa6: {  	s4 =	sshll.u32 s26, $0x1;
	_ =	strace $0x80000049;
	[dreg:$0x1] =	wrdreg $0xFFFFFFFF  }
0xa7: {  	s28 =	simm.s32 $_size_execute0_lowered;
	s2 =	sadd.s32 s2, s4;
	[dreg:$0x0] =	wrdreg $0x0  }
0xa8: {  	s4 =	sshll.u32 s28, $0x1;
	[dreg:$0x2] =	wrdreg s2  }
0xa9: {  	[dreg:$0x3] =	wrdreg s4  }
0xaa: {  	[dreg:$0x4] =	wrdreg $0xC0  }
0xab: {  	_ =	task [dreg:s6], $0x5FFFF  }
0xac: {  	[dreg:$0x1] =	wrdreg $0xFFFFFFFF  }
0xad: {  	[dreg:$0x0] =	wrdreg $0x60  }
0xae: {  	[dreg:$0x2] =	wrdreg s24  }
0xaf: {  	[dreg:$0x3] =	wrdreg $0x5A000  }
0xb0: {  	[dreg:$0x4] =	wrdreg $0x9  }
0xb1: {  	_ =	task.clear_ibuf [dreg:s6], $0x5FFFF;
	_ =	strace $0x90000049  }
0xb2: {  	s29 =	simm.s32 $0x9;
	_ =	strace $0x8000004B  }
0xb3: {  	_ =	swait.ge [sflag:s29], $0x1  }
0xb4: {  	[sflag:s29] =	ssyncadd.s32 $0xFFFFFFFF  }
0xb5: {  	_ =	strace $0x9000004B  }
0xb6: {  	_ =	sfence  }
0xb7: {  	s30 =	sld [smem:$0x0];
	_ =	sdelay $0x2  }
0xb8: {  	s31 =	sshll.u32 s1, $0xD;
	s1 =	sshrl.u32 s1, $0x2  }
0xb9: {  	s3 =	sand.u32 $0x4000, s31;
	s1 =	sadd.s32 s1, s30  }
0xba: {  	s0 =	sor.u32 s3, s0;
	s1 =	sshll.u32 s1, $0x11  }
0xbb: {  	s0 =	sor.u32 s1, s0  }
0xbc: {  	s0 =	sadd.s32 $0x8F2B, s0  }
0xbd: {  	[sflag:s0] =	ssyncadd.remote.s32 $0x1  }
0xbe: {  	_ =	sfence.sel $0xFFFF  }
0xbf: {  	[dreg:$0x0] =	wrdreg $0xFFFFFFFF;
	(pc) =	sbr.abs _section_cstart, $3  }
0xc0: {  	[dreg:$0x1] =	wrdreg $0xFFFFFFFF  }
0xc1: {  	_ =	task.clear_ibuf [dreg:s6], $0x2FFFF;
	_ =	strace $0x9FFFFFFF  }
0xc2: {  	(tm) =	ssettm $0x7FFFFFFF  }
0xc3: {  	_ =	shalt  }
tec
execute0_lowered:
.L_overlay_start_1:
0x0: {  	(tag) =	ssettag $0x1  }
0x1: {  	s0 =	rddreg [dreg:$0x0]  }
0x2: {  	s2 =	rddreg [dreg:$0x1]  }
0x3: {  	s3 =	simm.s32 $0x0;
	s10 =	stileid.u32;
	s8 =	srdreg.scid  }
0x4: {  	s28 =	simm.s32 $0x3200;
	s29 =	simm.s32 $0x1;
	s30 =	simm.s32 $0x3  }
0x5: {  	s31 =	simm.s32 $0x2;
	[smem:$0x7FF] =	sst s3;
	s1 =	smul.u32 $0x6400, s10  }
0x6: {  	s4 =	sadd.s32 $0xD7000, s0;
	s5 =	sadd.s32 $0x5A00, s0;
	s9 =	smul.u32 $0x19000, s10  }
0x7: {  	s6 =	sadd.s32 $0x37A00, s0;
	s7 =	sadd.s32 $0x109000, s0;
	s11 =	sand.u32 $0x1, s8  }
0x8: {  	s13 =	sadd.s32 $0x19F000, s0;
	s18 =	sshll.u32 s10, $0x6;
	_ =	strace $0x8000004A  }
0x9: {  	s12 =	ssub.s32 $0x2, s11;
	[dreg:$0x3] =	wrdreg s13;
	p0 =	seq.s32 s11, $0x1  }
0xa: {  	s11 =	sor.u32 $0x1C05, s18;
	s1 =	sadd.s32 s1, s0;
	s8 =	sshrl.u32 s9, $0x3  }
0xb: {  	s22 =	sshrl.u32 s12, $0x1;
	s9 =	sadd.s32 s9, s2;
	s15 =	sadd.s32 s8, s0  }
0xc: {  	s0 =	sadd.s32 $0x203000, s0;
	s23 =	ssub.s32 s12, s22;
	s24 =	sadd.s32 s4, s8  }
0xd: {  	s26 =	sadd.s32 s5, s8;
	s14 =	sadd.s32 s6, s8;
	s16 =	sadd.s32 s7, s8  }
0xe: {  	s19 =	sadd.s32 $0x73000, s1;
	s20 =	sadd.s32 $0x730A0, s1;
	s22 =	sshrl.u32 s9, $0x3  }
.Ltmp0:
0xf: {  	s1 =	simm.s32 $0x4;
	[dreg:$0x4] =	wrdreg s0;
	(pc) =	sbr.rel .LBB2_1-.Ltmp0, $4  }
0x10: {  	s9 =	simm.s32 $0x0;
	[dreg:$0x5] =	wrdreg s24;
	s25 =	sadd.s32 $0x16D000, s15  }
0x11: {  	[dreg:$0x7] =	wrdreg s26;
	s15 =	sadd.s32 $0x1D1000, s15;
	s17 =	smax.u32 s23, $0x1  }
0x12: {  	s23 =	simm.s32 $0x5;
	s24 =	simm.s32 $0x280;
	s26 =	simm.s32 $0x500  }
0x13: {  	s0 =	simm.s32 $0x780;
	[dreg:$0x6] =	wrdreg s25;
	s25 =	simm.s32 $0xA00  }
.LBB2_11:
0x14: {  	[spmem:s2] =	stream.indirect.scatter.add.f32 [tilespmem:s25], [sflag:$0x3], $0x10, s24, s24, $0xb8;
	[tilespmem:$0x1EA00] =	vst v63  }
0x15: {  	s12 =	rddreg [dreg:$0x4];
	s21 =	smov.u32 s11  }
.LBB2_12:
0x16: {  	_ =	swait.ge [sflag:s31], $0x2800  }
0x17: {  	[sflag:s31] =	ssyncset.done $0x0  }
0x18: {  	[sflag:s31] =	ssyncadd.s32 $0xFFFFD800  }
0x19: {  	[spmem:s2] =	stream.indirect.scatter.add.f32 [tilespmem:s28], [sflag:$0x4], $0x10, s0, s24, $0xb8;
	[tilespmem:$0x1EA00] =	vst v63  }
0x1a: {  	_ =	swait.ge [sflag:s30], $0x2800  }
0x1b: {  	[sflag:s30] =	ssyncset.done $0x0  }
0x1c: {  	[sflag:s30] =	ssyncadd.s32 $0xFFFFD800  }
0x1d: {  	_ =	swait.ge [sflag:s1], $0x2800  }
0x1e: {  	[sflag:s1] =	ssyncset.done $0x0  }
0x1f: {  	s9 =	sadd.s32 $0x1, s9;
	[sflag:s1] =	ssyncadd.s32 $0xFFFFD800  }
0x20: {  	s10 =	sadd.s32 s12, s8;
	p1 =	sne.s32 s9, s17;
	[bflag:$0x0] =	sbarrier.arrive $0xFFFF  }
0x21: {  	[hbm:s10], [sflag:s21] =	dma.local [spmem:s22], $0x3200  }
.Ltmp1:
0x22: {  	_ =	swait.ge [sflag:s23], $0x3200;
	(pc) =	sbr.rel @!p1 .LBB2_13-.Ltmp1, $3  }
0x23: {  	[sflag:s23] =	ssyncset.done $0x0  }
0x24: {  	[sflag:s23] =	ssyncadd.s32 $0xFFFFCE00  }
0x25: {  	[bflag:$0x0] =	sbarrier.arrive $0xFFFF;
	_ =	sdelay $0x1  }
.LBB2_1:
.Ltmp2:
0x26: {  	(pc) =	sbr.rel @!p0 .LBB2_2-.Ltmp2, $1  }
0x27: {  	_ =	sdelay $0x3  }
0x28: {  	[spmem:s22], [sflag:s11] =	dma.local [hbm:s14], $0x3200  }
0x29: {  	_ =	swait.ge [sflag:s23], $0x3200  }
0x2a: {  	[sflag:s23] =	ssyncset.done $0x0  }
0x2b: {  	[sflag:s23] =	ssyncadd.s32 $0xFFFFCE00  }
0x2c: {  	[bflag:$0x0] =	sbarrier.arrive $0xFFFF  }
0x2d: {  	[tilespmem:s3], [sflag:$0x5] =	stream.linear.gather [hbm4b:s19+s3], $0x500, $0x38;
	[tilespmem:$0x1EA00] =	vst v63  }
0x2e: {  	_ =	swait.ge [sflag:s23], $0x500  }
0x2f: {  	[sflag:s23] =	ssyncset.done $0x0  }
0x30: {  	[sflag:s23] =	ssyncadd.s32 $0xFFFFFB00  }
0x31: {  	[tilespmem:s25], [sflag:$0x1] =	stream.indirect.gather [hbm4b:s6+s24], $0x10, s3, s24, $0xb8;
	[tilespmem:$0x1EA00] =	vst v63  }
0x32: {  	_ = 	snop  }
0x33: {  	[tilespmem:s26], [sflag:$0x5] =	stream.linear.gather [hbm4b:s20+s3], $0x500, $0x38;
	[tilespmem:$0x1EA00] =	vst v63  }
0x34: {  	_ =	swait.ge [sflag:s23], $0x500  }
0x35: {  	[sflag:s23] =	ssyncset.done $0x0  }
0x36: {  	[sflag:s23] =	ssyncadd.s32 $0xFFFFFB00  }
0x37: {  	[tilespmem:s28], [sflag:$0x2] =	stream.indirect.gather [hbm4b:s6+s24], $0x10, s26, s24, $0xb8;
	[tilespmem:$0x1EA00] =	vst v63  }
0x38: {  	_ =	swait.ge [sflag:s29], $0x2800  }
0x39: {  	[sflag:s29] =	ssyncset.done $0x0  }
0x3a: {  	[sflag:s29] =	ssyncadd.s32 $0xFFFFD800  }
0x3b: {  	[spmem:s2] =	stream.indirect.scatter.add.f32 [tilespmem:s25], [sflag:$0x3], $0x10, s24, s24, $0xb8;
	[tilespmem:$0x1EA00] =	vst v63  }
0x3c: {  	_ =	swait.ge [sflag:s30], $0x2800  }
0x3d: {  	s10 =	sadd.s32 $0xFFFF9D40, s19;
	[sflag:s30] =	ssyncset.done $0x0  }
0x3e: {  	s12 =	sadd.s32 $0x6400, s10;
	[sflag:s30] =	ssyncadd.s32 $0xFFFFD800  }
0x3f: {  	[tilespmem:s3], [sflag:$0x5] =	stream.linear.gather [hbm4b:s12+s3], $0x500, $0x38;
	[tilespmem:$0x1EA00] =	vst v63  }
0x40: {  	_ =	swait.ge [sflag:s23], $0x500  }
0x41: {  	[sflag:s23] =	ssyncset.done $0x0  }
0x42: {  	[sflag:s23] =	ssyncadd.s32 $0xFFFFFB00  }
0x43: {  	[tilespmem:s25], [sflag:$0x1] =	stream.indirect.gather [hbm4b:s6+s24], $0x10, s3, s24, $0xb8;
	[tilespmem:$0x1EA00] =	vst v63  }
0x44: {  	_ =	swait.ge [sflag:s31], $0x2800  }
0x45: {  	[sflag:s31] =	ssyncset.done $0x0  }
0x46: {  	[sflag:s31] =	ssyncadd.s32 $0xFFFFD800  }
0x47: {  	[spmem:s2] =	stream.indirect.scatter.add.f32 [tilespmem:s28], [sflag:$0x4], $0x10, s0, s24, $0xb8;
	[tilespmem:$0x1EA00] =	vst v63  }
0x48: {  	_ =	swait.ge [sflag:s1], $0x2800  }
0x49: {  	[sflag:s1] =	ssyncset.done $0x0  }
0x4a: {  	s10 =	sadd.s32 $0x64A0, s10;
	[sflag:s1] =	ssyncadd.s32 $0xFFFFD800  }
0x4b: {  	[tilespmem:s26], [sflag:$0x5] =	stream.linear.gather [hbm4b:s10+s3], $0x500, $0x38;
	[tilespmem:$0x1EA00] =	vst v63  }
0x4c: {  	_ =	swait.ge [sflag:s23], $0x500  }
0x4d: {  	[sflag:s23] =	ssyncset.done $0x0  }
0x4e: {  	[sflag:s23] =	ssyncadd.s32 $0xFFFFFB00  }
0x4f: {  	[tilespmem:s28], [sflag:$0x2] =	stream.indirect.gather [hbm4b:s6+s24], $0x10, s26, s24, $0xb8;
	[tilespmem:$0x1EA00] =	vst v63  }
0x50: {  	_ =	swait.ge [sflag:s29], $0x2800  }
0x51: {  	[sflag:s29] =	ssyncset.done $0x0  }
0x52: {  	s12 =	simm.s32 $0xFFFF9E80;
	[sflag:s29] =	ssyncadd.s32 $0xFFFFD800  }
.LBB2_8:
0x53: {  	[spmem:s2] =	stream.indirect.scatter.add.f32 [tilespmem:s25], [sflag:$0x3], $0x10, s24, s24, $0xb8;
	[tilespmem:$0x1EA00] =	vst v63  }
0x54: {  	s10 =	smov.u32 s12  }
0x55: {  	p1 =	sne.s32 s12, $0xFFFFFEC0;
	s12 =	sadd.s32 $0x140, s12;
	_ =	swait.ge [sflag:s30], $0x2800  }
0x56: {  	s10 =	sadd.s32 s10, s19;
	[sflag:s30] =	ssyncset.done $0x0  }
0x57: {  	s13 =	sadd.s32 $0x6400, s10;
	[sflag:s30] =	ssyncadd.s32 $0xFFFFD800  }
0x58: {  	[tilespmem:s3], [sflag:$0x5] =	stream.linear.gather [hbm4b:s13+s3], $0x500, $0x38;
	[tilespmem:$0x1EA00] =	vst v63  }
0x59: {  	_ =	swait.ge [sflag:s23], $0x500  }
0x5a: {  	[sflag:s23] =	ssyncset.done $0x0  }
0x5b: {  	[sflag:s23] =	ssyncadd.s32 $0xFFFFFB00  }
0x5c: {  	[tilespmem:s25], [sflag:$0x1] =	stream.indirect.gather [hbm4b:s6+s24], $0x10, s3, s24, $0xb8;
	[tilespmem:$0x1EA00] =	vst v63  }
0x5d: {  	_ =	swait.ge [sflag:s31], $0x2800  }
0x5e: {  	[sflag:s31] =	ssyncset.done $0x0  }
0x5f: {  	[sflag:s31] =	ssyncadd.s32 $0xFFFFD800  }
0x60: {  	[spmem:s2] =	stream.indirect.scatter.add.f32 [tilespmem:s28], [sflag:$0x4], $0x10, s0, s24, $0xb8;
	[tilespmem:$0x1EA00] =	vst v63  }
0x61: {  	_ =	swait.ge [sflag:s1], $0x2800  }
0x62: {  	[sflag:s1] =	ssyncset.done $0x0  }
0x63: {  	s10 =	sadd.s32 $0x64A0, s10;
	[sflag:s1] =	ssyncadd.s32 $0xFFFFD800  }
0x64: {  	[tilespmem:s26], [sflag:$0x5] =	stream.linear.gather [hbm4b:s10+s3], $0x500, $0x38;
	[tilespmem:$0x1EA00] =	vst v63  }
0x65: {  	_ =	swait.ge [sflag:s23], $0x500  }
0x66: {  	[sflag:s23] =	ssyncset.done $0x0  }
.Ltmp3:
0x67: {  	[sflag:s23] =	ssyncadd.s32 $0xFFFFFB00;
	(pc) =	sbr.rel @p1 .LBB2_8-.Ltmp3, $4  }
0x68: {  	[tilespmem:s28], [sflag:$0x2] =	stream.indirect.gather [hbm4b:s6+s24], $0x10, s26, s24, $0xb8;
	[tilespmem:$0x1EA00] =	vst v63  }
0x69: {  	_ =	swait.ge [sflag:s29], $0x2800  }
0x6a: {  	[sflag:s29] =	ssyncset.done $0x0  }
0x6b: {  	[sflag:s29] =	ssyncadd.s32 $0xFFFFD800  }
0x6c: {  	[spmem:s2] =	stream.indirect.scatter.add.f32 [tilespmem:s25], [sflag:$0x3], $0x10, s24, s24, $0xb8;
	[tilespmem:$0x1EA00] =	vst v63  }
0x6d: {  	_ =	swait.ge [sflag:s31], $0x2800  }
0x6e: {  	[sflag:s31] =	ssyncset.done $0x0  }
0x6f: {  	[sflag:s31] =	ssyncadd.s32 $0xFFFFD800  }
0x70: {  	[spmem:s2] =	stream.indirect.scatter.add.f32 [tilespmem:s28], [sflag:$0x4], $0x10, s0, s24, $0xb8;
	[tilespmem:$0x1EA00] =	vst v63  }
0x71: {  	_ =	swait.ge [sflag:s30], $0x2800  }
0x72: {  	[sflag:s30] =	ssyncset.done $0x0  }
0x73: {  	[sflag:s30] =	ssyncadd.s32 $0xFFFFD800  }
0x74: {  	_ =	swait.ge [sflag:s1], $0x2800  }
0x75: {  	[sflag:s1] =	ssyncset.done $0x0  }
0x76: {  	[sflag:s1] =	ssyncadd.s32 $0xFFFFD800  }
0x77: {  	[bflag:$0x0] =	sbarrier.arrive $0xFFFF  }
0x78: {  	[hbm:s15], [sflag:s11] =	dma.local [spmem:s22], $0x3200  }
0x79: {  	_ =	swait.ge [sflag:s23], $0x3200  }
0x7a: {  	[sflag:s23] =	ssyncset.done $0x0  }
0x7b: {  	[sflag:s23] =	ssyncadd.s32 $0xFFFFCE00  }
0x7c: {  	[bflag:$0x0] =	sbarrier.arrive $0xFFFF  }
0x7d: {  	[spmem:s22], [sflag:s11] =	dma.local [hbm:s16], $0x3200  }
0x7e: {  	_ =	swait.ge [sflag:s23], $0x3200  }
0x7f: {  	[sflag:s23] =	ssyncset.done $0x0  }
0x80: {  	[sflag:s23] =	ssyncadd.s32 $0xFFFFCE00  }
0x81: {  	[bflag:$0x0] =	sbarrier.arrive $0xFFFF  }
0x82: {  	[tilespmem:s3], [sflag:$0x5] =	stream.linear.gather [hbm4b:s19+s3], $0x500, $0x38;
	[tilespmem:$0x1EA00] =	vst v63  }
0x83: {  	_ =	swait.ge [sflag:s23], $0x500  }
0x84: {  	[sflag:s23] =	ssyncset.done $0x0  }
0x85: {  	[sflag:s23] =	ssyncadd.s32 $0xFFFFFB00  }
0x86: {  	[tilespmem:s25], [sflag:$0x1] =	stream.indirect.gather [hbm4b:s7+s24], $0x10, s3, s24, $0xb8;
	[tilespmem:$0x1EA00] =	vst v63  }
0x87: {  	_ = 	snop  }
0x88: {  	[tilespmem:s26], [sflag:$0x5] =	stream.linear.gather [hbm4b:s20+s3], $0x500, $0x38;
	[tilespmem:$0x1EA00] =	vst v63  }
0x89: {  	_ =	swait.ge [sflag:s23], $0x500  }
0x8a: {  	[sflag:s23] =	ssyncset.done $0x0  }
0x8b: {  	[sflag:s23] =	ssyncadd.s32 $0xFFFFFB00  }
0x8c: {  	[tilespmem:s28], [sflag:$0x2] =	stream.indirect.gather [hbm4b:s7+s24], $0x10, s26, s24, $0xb8;
	[tilespmem:$0x1EA00] =	vst v63  }
0x8d: {  	_ =	swait.ge [sflag:s29], $0x2800  }
0x8e: {  	[sflag:s29] =	ssyncset.done $0x0  }
0x8f: {  	[sflag:s29] =	ssyncadd.s32 $0xFFFFD800  }
0x90: {  	[spmem:s2] =	stream.indirect.scatter.add.f32 [tilespmem:s25], [sflag:$0x3], $0x10, s24, s24, $0xb8;
	[tilespmem:$0x1EA00] =	vst v63  }
0x91: {  	_ =	swait.ge [sflag:s30], $0x2800  }
0x92: {  	s10 =	sadd.s32 $0xFFFF9D40, s19;
	[sflag:s30] =	ssyncset.done $0x0  }
0x93: {  	s12 =	sadd.s32 $0x6400, s10;
	[sflag:s30] =	ssyncadd.s32 $0xFFFFD800  }
0x94: {  	[tilespmem:s3], [sflag:$0x5] =	stream.linear.gather [hbm4b:s12+s3], $0x500, $0x38;
	[tilespmem:$0x1EA00] =	vst v63  }
0x95: {  	_ =	swait.ge [sflag:s23], $0x500  }
0x96: {  	[sflag:s23] =	ssyncset.done $0x0  }
0x97: {  	[sflag:s23] =	ssyncadd.s32 $0xFFFFFB00  }
0x98: {  	[tilespmem:s25], [sflag:$0x1] =	stream.indirect.gather [hbm4b:s7+s24], $0x10, s3, s24, $0xb8;
	[tilespmem:$0x1EA00] =	vst v63  }
0x99: {  	_ =	swait.ge [sflag:s31], $0x2800  }
0x9a: {  	[sflag:s31] =	ssyncset.done $0x0  }
0x9b: {  	[sflag:s31] =	ssyncadd.s32 $0xFFFFD800  }
0x9c: {  	[spmem:s2] =	stream.indirect.scatter.add.f32 [tilespmem:s28], [sflag:$0x4], $0x10, s0, s24, $0xb8;
	[tilespmem:$0x1EA00] =	vst v63  }
0x9d: {  	_ =	swait.ge [sflag:s1], $0x2800  }
0x9e: {  	[sflag:s1] =	ssyncset.done $0x0  }
0x9f: {  	s10 =	sadd.s32 $0x64A0, s10;
	[sflag:s1] =	ssyncadd.s32 $0xFFFFD800  }
0xa0: {  	[tilespmem:s26], [sflag:$0x5] =	stream.linear.gather [hbm4b:s10+s3], $0x500, $0x38;
	[tilespmem:$0x1EA00] =	vst v63  }
0xa1: {  	_ =	swait.ge [sflag:s23], $0x500  }
0xa2: {  	[sflag:s23] =	ssyncset.done $0x0  }
0xa3: {  	[sflag:s23] =	ssyncadd.s32 $0xFFFFFB00  }
0xa4: {  	[tilespmem:s28], [sflag:$0x2] =	stream.indirect.gather [hbm4b:s7+s24], $0x10, s26, s24, $0xb8;
	[tilespmem:$0x1EA00] =	vst v63  }
0xa5: {  	_ =	swait.ge [sflag:s29], $0x2800  }
0xa6: {  	[sflag:s29] =	ssyncset.done $0x0  }
0xa7: {  	s12 =	simm.s32 $0xFFFF9E80;
	[sflag:s29] =	ssyncadd.s32 $0xFFFFD800  }
.LBB2_10:
0xa8: {  	[spmem:s2] =	stream.indirect.scatter.add.f32 [tilespmem:s25], [sflag:$0x3], $0x10, s24, s24, $0xb8;
	[tilespmem:$0x1EA00] =	vst v63  }
0xa9: {  	s10 =	smov.u32 s12  }
0xaa: {  	p1 =	sne.s32 s12, $0xFFFFFEC0;
	s12 =	sadd.s32 $0x140, s12;
	_ =	swait.ge [sflag:s30], $0x2800  }
0xab: {  	s10 =	sadd.s32 s10, s19;
	[sflag:s30] =	ssyncset.done $0x0  }
0xac: {  	s13 =	sadd.s32 $0x6400, s10;
	[sflag:s30] =	ssyncadd.s32 $0xFFFFD800  }
0xad: {  	[tilespmem:s3], [sflag:$0x5] =	stream.linear.gather [hbm4b:s13+s3], $0x500, $0x38;
	[tilespmem:$0x1EA00] =	vst v63  }
0xae: {  	_ =	swait.ge [sflag:s23], $0x500  }
0xaf: {  	[sflag:s23] =	ssyncset.done $0x0  }
0xb0: {  	[sflag:s23] =	ssyncadd.s32 $0xFFFFFB00  }
0xb1: {  	[tilespmem:s25], [sflag:$0x1] =	stream.indirect.gather [hbm4b:s7+s24], $0x10, s3, s24, $0xb8;
	[tilespmem:$0x1EA00] =	vst v63  }
0xb2: {  	_ =	swait.ge [sflag:s31], $0x2800  }
0xb3: {  	[sflag:s31] =	ssyncset.done $0x0  }
0xb4: {  	[sflag:s31] =	ssyncadd.s32 $0xFFFFD800  }
0xb5: {  	[spmem:s2] =	stream.indirect.scatter.add.f32 [tilespmem:s28], [sflag:$0x4], $0x10, s0, s24, $0xb8;
	[tilespmem:$0x1EA00] =	vst v63  }
0xb6: {  	_ =	swait.ge [sflag:s1], $0x2800  }
0xb7: {  	[sflag:s1] =	ssyncset.done $0x0  }
0xb8: {  	s10 =	sadd.s32 $0x64A0, s10;
	[sflag:s1] =	ssyncadd.s32 $0xFFFFD800  }
0xb9: {  	[tilespmem:s26], [sflag:$0x5] =	stream.linear.gather [hbm4b:s10+s3], $0x500, $0x38;
	[tilespmem:$0x1EA00] =	vst v63  }
0xba: {  	_ =	swait.ge [sflag:s23], $0x500  }
0xbb: {  	[sflag:s23] =	ssyncset.done $0x0  }
.Ltmp4:
0xbc: {  	[sflag:s23] =	ssyncadd.s32 $0xFFFFFB00;
	(pc) =	sbr.rel @p1 .LBB2_10-.Ltmp4, $4  }
0xbd: {  	[tilespmem:s28], [sflag:$0x2] =	stream.indirect.gather [hbm4b:s7+s24], $0x10, s26, s24, $0xb8;
	[tilespmem:$0x1EA00] =	vst v63  }
0xbe: {  	_ =	swait.ge [sflag:s29], $0x2800  }
0xbf: {  	[sflag:s29] =	ssyncset.done $0x0  }
0xc0: {  	[sflag:s29] =	ssyncadd.s32 $0xFFFFD800  }
.Ltmp5:
0xc1: {  	_ = 	snop;
	(pc) =	sbr.rel .LBB2_11-.Ltmp5, $1  }
0xc2: {  	_ =	sdelay $0x3  }
.LBB2_2:
0xc3: {  	s21 =	sor.u32 $0x1C05, s18;
	s10 =	rddreg [dreg:$0x5]  }
0xc4: {  	[spmem:s22], [sflag:s21] =	dma.local [hbm:s10], $0x3200  }
0xc5: {  	_ =	swait.ge [sflag:s23], $0x3200  }
0xc6: {  	[sflag:s23] =	ssyncset.done $0x0  }
0xc7: {  	[sflag:s23] =	ssyncadd.s32 $0xFFFFCE00  }
0xc8: {  	[bflag:$0x0] =	sbarrier.arrive $0xFFFF  }
0xc9: {  	[tilespmem:s3], [sflag:$0x5] =	stream.linear.gather [hbm4b:s19+s3], $0x500, $0x38;
	[tilespmem:$0x1EA00] =	vst v63  }
0xca: {  	_ =	swait.ge [sflag:s23], $0x500  }
0xcb: {  	[sflag:s23] =	ssyncset.done $0x0  }
0xcc: {  	[sflag:s23] =	ssyncadd.s32 $0xFFFFFB00  }
0xcd: {  	[tilespmem:s25], [sflag:$0x1] =	stream.indirect.gather [hbm4b:s4+s24], $0x10, s3, s24, $0xb8;
	[tilespmem:$0x1EA00] =	vst v63  }
0xce: {  	_ = 	snop  }
0xcf: {  	[tilespmem:s26], [sflag:$0x5] =	stream.linear.gather [hbm4b:s20+s3], $0x500, $0x38;
	[tilespmem:$0x1EA00] =	vst v63  }
0xd0: {  	_ =	swait.ge [sflag:s23], $0x500  }
0xd1: {  	[sflag:s23] =	ssyncset.done $0x0  }
0xd2: {  	[sflag:s23] =	ssyncadd.s32 $0xFFFFFB00  }
0xd3: {  	[tilespmem:s28], [sflag:$0x2] =	stream.indirect.gather [hbm4b:s4+s24], $0x10, s26, s24, $0xb8;
	[tilespmem:$0x1EA00] =	vst v63  }
0xd4: {  	_ =	swait.ge [sflag:s29], $0x2800  }
0xd5: {  	[sflag:s29] =	ssyncset.done $0x0  }
0xd6: {  	[sflag:s29] =	ssyncadd.s32 $0xFFFFD800  }
0xd7: {  	[spmem:s2] =	stream.indirect.scatter.add.f32 [tilespmem:s25], [sflag:$0x3], $0x10, s24, s24, $0xb8;
	[tilespmem:$0x1EA00] =	vst v63  }
0xd8: {  	_ =	swait.ge [sflag:s30], $0x2800  }
0xd9: {  	s12 =	sadd.s32 $0xFFFF9D40, s19;
	[sflag:s30] =	ssyncset.done $0x0  }
0xda: {  	s13 =	sadd.s32 $0x6400, s12;
	[sflag:s30] =	ssyncadd.s32 $0xFFFFD800  }
0xdb: {  	[tilespmem:s3], [sflag:$0x5] =	stream.linear.gather [hbm4b:s13+s3], $0x500, $0x38;
	[tilespmem:$0x1EA00] =	vst v63  }
0xdc: {  	_ =	swait.ge [sflag:s23], $0x500  }
0xdd: {  	[sflag:s23] =	ssyncset.done $0x0  }
0xde: {  	[sflag:s23] =	ssyncadd.s32 $0xFFFFFB00  }
0xdf: {  	[tilespmem:s25], [sflag:$0x1] =	stream.indirect.gather [hbm4b:s4+s24], $0x10, s3, s24, $0xb8;
	[tilespmem:$0x1EA00] =	vst v63  }
0xe0: {  	_ =	swait.ge [sflag:s31], $0x2800  }
0xe1: {  	[sflag:s31] =	ssyncset.done $0x0  }
0xe2: {  	[sflag:s31] =	ssyncadd.s32 $0xFFFFD800  }
0xe3: {  	[spmem:s2] =	stream.indirect.scatter.add.f32 [tilespmem:s28], [sflag:$0x4], $0x10, s0, s24, $0xb8;
	[tilespmem:$0x1EA00] =	vst v63  }
0xe4: {  	_ =	swait.ge [sflag:s1], $0x2800  }
0xe5: {  	[sflag:s1] =	ssyncset.done $0x0  }
0xe6: {  	s13 =	sadd.s32 $0x64A0, s12;
	[sflag:s1] =	ssyncadd.s32 $0xFFFFD800  }
0xe7: {  	[tilespmem:s26], [sflag:$0x5] =	stream.linear.gather [hbm4b:s13+s3], $0x500, $0x38;
	[tilespmem:$0x1EA00] =	vst v63  }
0xe8: {  	_ =	swait.ge [sflag:s23], $0x500  }
0xe9: {  	[sflag:s23] =	ssyncset.done $0x0  }
0xea: {  	[sflag:s23] =	ssyncadd.s32 $0xFFFFFB00  }
0xeb: {  	[tilespmem:s28], [sflag:$0x2] =	stream.indirect.gather [hbm4b:s4+s24], $0x10, s26, s24, $0xb8;
	[tilespmem:$0x1EA00] =	vst v63  }
0xec: {  	_ =	swait.ge [sflag:s29], $0x2800  }
0xed: {  	[sflag:s29] =	ssyncset.done $0x0  }
0xee: {  	s12 =	simm.s32 $0xFFFF9E80;
	[sflag:s29] =	ssyncadd.s32 $0xFFFFD800  }
.LBB2_3:
0xef: {  	[spmem:s2] =	stream.indirect.scatter.add.f32 [tilespmem:s25], [sflag:$0x3], $0x10, s24, s24, $0xb8;
	[tilespmem:$0x1EA00] =	vst v63  }
0xf0: {  	s10 =	smov.u32 s12  }
0xf1: {  	p1 =	sne.s32 s12, $0xFFFFFEC0;
	s12 =	sadd.s32 $0x140, s12;
	_ =	swait.ge [sflag:s30], $0x2800  }
0xf2: {  	s10 =	sadd.s32 s10, s19;
	[sflag:s30] =	ssyncset.done $0x0  }
0xf3: {  	s13 =	sadd.s32 $0x6400, s10;
	[sflag:s30] =	ssyncadd.s32 $0xFFFFD800  }
0xf4: {  	[tilespmem:s3], [sflag:$0x5] =	stream.linear.gather [hbm4b:s13+s3], $0x500, $0x38;
	[tilespmem:$0x1EA00] =	vst v63  }
0xf5: {  	_ =	swait.ge [sflag:s23], $0x500  }
0xf6: {  	[sflag:s23] =	ssyncset.done $0x0  }
0xf7: {  	[sflag:s23] =	ssyncadd.s32 $0xFFFFFB00  }
0xf8: {  	[tilespmem:s25], [sflag:$0x1] =	stream.indirect.gather [hbm4b:s4+s24], $0x10, s3, s24, $0xb8;
	[tilespmem:$0x1EA00] =	vst v63  }
0xf9: {  	_ =	swait.ge [sflag:s31], $0x2800  }
0xfa: {  	[sflag:s31] =	ssyncset.done $0x0  }
0xfb: {  	[sflag:s31] =	ssyncadd.s32 $0xFFFFD800  }
0xfc: {  	[spmem:s2] =	stream.indirect.scatter.add.f32 [tilespmem:s28], [sflag:$0x4], $0x10, s0, s24, $0xb8;
	[tilespmem:$0x1EA00] =	vst v63  }
0xfd: {  	_ =	swait.ge [sflag:s1], $0x2800  }
0xfe: {  	[sflag:s1] =	ssyncset.done $0x0  }
0xff: {  	s10 =	sadd.s32 $0x64A0, s10;
	[sflag:s1] =	ssyncadd.s32 $0xFFFFD800  }
0x100: {  	[tilespmem:s26], [sflag:$0x5] =	stream.linear.gather [hbm4b:s10+s3], $0x500, $0x38;
	[tilespmem:$0x1EA00] =	vst v63  }
0x101: {  	_ =	swait.ge [sflag:s23], $0x500  }
0x102: {  	[sflag:s23] =	ssyncset.done $0x0  }
.Ltmp6:
0x103: {  	[sflag:s23] =	ssyncadd.s32 $0xFFFFFB00;
	(pc) =	sbr.rel @p1 .LBB2_3-.Ltmp6, $4  }
0x104: {  	[tilespmem:s28], [sflag:$0x2] =	stream.indirect.gather [hbm4b:s4+s24], $0x10, s26, s24, $0xb8;
	[tilespmem:$0x1EA00] =	vst v63  }
0x105: {  	_ =	swait.ge [sflag:s29], $0x2800  }
0x106: {  	[sflag:s29] =	ssyncset.done $0x0  }
0x107: {  	[sflag:s29] =	ssyncadd.s32 $0xFFFFD800  }
0x108: {  	[spmem:s2] =	stream.indirect.scatter.add.f32 [tilespmem:s25], [sflag:$0x3], $0x10, s24, s24, $0xb8;
	[tilespmem:$0x1EA00] =	vst v63  }
0x109: {  	_ =	swait.ge [sflag:s31], $0x2800  }
0x10a: {  	[sflag:s31] =	ssyncset.done $0x0  }
0x10b: {  	[sflag:s31] =	ssyncadd.s32 $0xFFFFD800  }
0x10c: {  	[spmem:s2] =	stream.indirect.scatter.add.f32 [tilespmem:s28], [sflag:$0x4], $0x10, s0, s24, $0xb8;
	[tilespmem:$0x1EA00] =	vst v63  }
0x10d: {  	_ =	swait.ge [sflag:s30], $0x2800  }
0x10e: {  	[sflag:s30] =	ssyncset.done $0x0  }
0x10f: {  	[sflag:s30] =	ssyncadd.s32 $0xFFFFD800  }
0x110: {  	_ =	swait.ge [sflag:s1], $0x2800  }
0x111: {  	[sflag:s1] =	ssyncset.done $0x0  }
0x112: {  	[sflag:s1] =	ssyncadd.s32 $0xFFFFD800  }
0x113: {  	[bflag:$0x0] =	sbarrier.arrive $0xFFFF  }
0x114: {  	s10 =	rddreg [dreg:$0x6]  }
0x115: {  	[hbm:s10], [sflag:s21] =	dma.local [spmem:s22], $0x3200  }
0x116: {  	_ =	swait.ge [sflag:s23], $0x3200  }
0x117: {  	[sflag:s23] =	ssyncset.done $0x0  }
0x118: {  	[sflag:s23] =	ssyncadd.s32 $0xFFFFCE00  }
0x119: {  	[bflag:$0x0] =	sbarrier.arrive $0xFFFF  }
0x11a: {  	s12 =	rddreg [dreg:$0x7]  }
0x11b: {  	[spmem:s22], [sflag:s21] =	dma.local [hbm:s12], $0x3200  }
0x11c: {  	_ =	swait.ge [sflag:s23], $0x3200  }
0x11d: {  	[sflag:s23] =	ssyncset.done $0x0  }
0x11e: {  	[sflag:s23] =	ssyncadd.s32 $0xFFFFCE00  }
0x11f: {  	[bflag:$0x0] =	sbarrier.arrive $0xFFFF  }
0x120: {  	[tilespmem:s3], [sflag:$0x5] =	stream.linear.gather [hbm4b:s19+s3], $0x500, $0x38;
	[tilespmem:$0x1EA00] =	vst v63  }
0x121: {  	_ =	swait.ge [sflag:s23], $0x500  }
0x122: {  	[sflag:s23] =	ssyncset.done $0x0  }
0x123: {  	[sflag:s23] =	ssyncadd.s32 $0xFFFFFB00  }
0x124: {  	[tilespmem:s25], [sflag:$0x1] =	stream.indirect.gather [hbm4b:s5+s24], $0x10, s3, s24, $0xb8;
	[tilespmem:$0x1EA00] =	vst v63  }
0x125: {  	_ = 	snop  }
0x126: {  	[tilespmem:s26], [sflag:$0x5] =	stream.linear.gather [hbm4b:s20+s3], $0x500, $0x38;
	[tilespmem:$0x1EA00] =	vst v63  }
0x127: {  	_ =	swait.ge [sflag:s23], $0x500  }
0x128: {  	[sflag:s23] =	ssyncset.done $0x0  }
0x129: {  	[sflag:s23] =	ssyncadd.s32 $0xFFFFFB00  }
0x12a: {  	[tilespmem:s28], [sflag:$0x2] =	stream.indirect.gather [hbm4b:s5+s24], $0x10, s26, s24, $0xb8;
	[tilespmem:$0x1EA00] =	vst v63  }
0x12b: {  	_ =	swait.ge [sflag:s29], $0x2800  }
0x12c: {  	[sflag:s29] =	ssyncset.done $0x0  }
0x12d: {  	[sflag:s29] =	ssyncadd.s32 $0xFFFFD800  }
0x12e: {  	[spmem:s2] =	stream.indirect.scatter.add.f32 [tilespmem:s25], [sflag:$0x3], $0x10, s24, s24, $0xb8;
	[tilespmem:$0x1EA00] =	vst v63  }
0x12f: {  	_ =	swait.ge [sflag:s30], $0x2800  }
0x130: {  	s13 =	sadd.s32 $0xFFFF9D40, s19;
	[sflag:s30] =	ssyncset.done $0x0  }
0x131: {  	s12 =	sadd.s32 $0x6400, s13;
	[sflag:s30] =	ssyncadd.s32 $0xFFFFD800  }
0x132: {  	[tilespmem:s3], [sflag:$0x5] =	stream.linear.gather [hbm4b:s12+s3], $0x500, $0x38;
	[tilespmem:$0x1EA00] =	vst v63  }
0x133: {  	_ =	swait.ge [sflag:s23], $0x500  }
0x134: {  	[sflag:s23] =	ssyncset.done $0x0  }
0x135: {  	[sflag:s23] =	ssyncadd.s32 $0xFFFFFB00  }
0x136: {  	[tilespmem:s25], [sflag:$0x1] =	stream.indirect.gather [hbm4b:s5+s24], $0x10, s3, s24, $0xb8;
	[tilespmem:$0x1EA00] =	vst v63  }
0x137: {  	_ =	swait.ge [sflag:s31], $0x2800  }
0x138: {  	[sflag:s31] =	ssyncset.done $0x0  }
0x139: {  	[sflag:s31] =	ssyncadd.s32 $0xFFFFD800  }
0x13a: {  	[spmem:s2] =	stream.indirect.scatter.add.f32 [tilespmem:s28], [sflag:$0x4], $0x10, s0, s24, $0xb8;
	[tilespmem:$0x1EA00] =	vst v63  }
0x13b: {  	_ =	swait.ge [sflag:s1], $0x2800  }
0x13c: {  	[sflag:s1] =	ssyncset.done $0x0  }
0x13d: {  	s10 =	sadd.s32 $0x64A0, s13;
	[sflag:s1] =	ssyncadd.s32 $0xFFFFD800  }
0x13e: {  	[tilespmem:s26], [sflag:$0x5] =	stream.linear.gather [hbm4b:s10+s3], $0x500, $0x38;
	[tilespmem:$0x1EA00] =	vst v63  }
0x13f: {  	_ =	swait.ge [sflag:s23], $0x500  }
0x140: {  	[sflag:s23] =	ssyncset.done $0x0  }
0x141: {  	[sflag:s23] =	ssyncadd.s32 $0xFFFFFB00  }
0x142: {  	[tilespmem:s28], [sflag:$0x2] =	stream.indirect.gather [hbm4b:s5+s24], $0x10, s26, s24, $0xb8;
	[tilespmem:$0x1EA00] =	vst v63  }
0x143: {  	_ =	swait.ge [sflag:s29], $0x2800  }
0x144: {  	[sflag:s29] =	ssyncset.done $0x0  }
0x145: {  	s12 =	simm.s32 $0xFFFF9E80;
	[sflag:s29] =	ssyncadd.s32 $0xFFFFD800  }
.LBB2_5:
0x146: {  	[spmem:s2] =	stream.indirect.scatter.add.f32 [tilespmem:s25], [sflag:$0x3], $0x10, s24, s24, $0xb8;
	[tilespmem:$0x1EA00] =	vst v63  }
0x147: {  	s10 =	smov.u32 s12  }
0x148: {  	p1 =	seq.s32 s12, $0xFFFFFEC0;
	s12 =	sadd.s32 $0x140, s12;
	_ =	swait.ge [sflag:s30], $0x2800  }
0x149: {  	s10 =	sadd.s32 s10, s19;
	[sflag:s30] =	ssyncset.done $0x0  }
0x14a: {  	s13 =	sadd.s32 $0x6400, s10;
	[sflag:s30] =	ssyncadd.s32 $0xFFFFD800  }
0x14b: {  	[tilespmem:s3], [sflag:$0x5] =	stream.linear.gather [hbm4b:s13+s3], $0x500, $0x38;
	[tilespmem:$0x1EA00] =	vst v63  }
0x14c: {  	_ =	swait.ge [sflag:s23], $0x500  }
0x14d: {  	[sflag:s23] =	ssyncset.done $0x0  }
0x14e: {  	[sflag:s23] =	ssyncadd.s32 $0xFFFFFB00  }
0x14f: {  	[tilespmem:s25], [sflag:$0x1] =	stream.indirect.gather [hbm4b:s5+s24], $0x10, s3, s24, $0xb8;
	[tilespmem:$0x1EA00] =	vst v63  }
0x150: {  	_ =	swait.ge [sflag:s31], $0x2800  }
0x151: {  	[sflag:s31] =	ssyncset.done $0x0  }
0x152: {  	[sflag:s31] =	ssyncadd.s32 $0xFFFFD800  }
0x153: {  	[spmem:s2] =	stream.indirect.scatter.add.f32 [tilespmem:s28], [sflag:$0x4], $0x10, s0, s24, $0xb8;
	[tilespmem:$0x1EA00] =	vst v63  }
0x154: {  	_ =	swait.ge [sflag:s1], $0x2800  }
0x155: {  	[sflag:s1] =	ssyncset.done $0x0  }
0x156: {  	s10 =	sadd.s32 $0x64A0, s10;
	[sflag:s1] =	ssyncadd.s32 $0xFFFFD800  }
0x157: {  	[tilespmem:s26], [sflag:$0x5] =	stream.linear.gather [hbm4b:s10+s3], $0x500, $0x38;
	[tilespmem:$0x1EA00] =	vst v63  }
0x158: {  	_ =	swait.ge [sflag:s23], $0x500  }
0x159: {  	[sflag:s23] =	ssyncset.done $0x0  }
.Ltmp7:
0x15a: {  	[sflag:s23] =	ssyncadd.s32 $0xFFFFFB00;
	(pc) =	sbr.rel @!p1 .LBB2_5-.Ltmp7, $4  }
0x15b: {  	[tilespmem:s28], [sflag:$0x2] =	stream.indirect.gather [hbm4b:s5+s24], $0x10, s26, s24, $0xb8;
	[tilespmem:$0x1EA00] =	vst v63  }
0x15c: {  	_ =	swait.ge [sflag:s29], $0x2800  }
0x15d: {  	[sflag:s29] =	ssyncset.done $0x0  }
0x15e: {  	[sflag:s29] =	ssyncadd.s32 $0xFFFFD800  }
.Ltmp8:
0x15f: {  	(pc) =	sbr.rel .LBB2_12-.Ltmp8, $3  }
0x160: {  	_ =	sdelay $0x1  }
0x161: {  	[spmem:s2] =	stream.indirect.scatter.add.f32 [tilespmem:s25], [sflag:$0x3], $0x10, s24, s24, $0xb8;
	[tilespmem:$0x1EA00] =	vst v63  }
0x162: {  	s12 =	rddreg [dreg:$0x3]  }
.LBB2_13:
0x163: {  	_ =	sfence.sel $0x180000  }
0x164: {  	[bflag:$0x0] =	sbarrier.arrive $0xFFFF  }
0x165: {  	_ =	strace $0x9000004A  }
0x166: {  	s0 =	stileid.u32;
	[bflag:$0x2] =	sbarrier.arrive $0xFFFF  }
0x167: {  	p0 =	sne.s32 s0, $0x0;
	s0 =	rddreg [dreg:$0x2]  }
0x168: {  	s0 =	sadd.s32 @!p0 $0x100000, s0  }
0x169: {  	[sflag:s0] =	ssyncadd.tile.s32 @!p0 $0x1;
	_ =	shalt  }
.Lfunc_end2:
_tile_overlayer_lowered:
.L_overlay_start_2:
0x16a: {  	(tag) =	ssettag $0x2  }
0x16b: {  	s0 =	rddreg [dreg:$0x0];
	s2 =	stileid.u32  }
0x16c: {  	s1 =	rddreg [dreg:$0x1];
	p0 =	sne.s32 s2, $0x0  }
0x16d: {  	s3 =	rddreg [dreg:$0x2];
	[bflag:$0x3] =	sbarrier.arrive $0xFFFF;
	s2 =	simm.s32 @!p0 $0x1C05  }
0x16e: {  	[timem:s3], [sflag:s2] =	dma.local @!p0 [hbm:s0], s1  }
0x16f: {  	s0 =	simm.s32 @!p0 $0x5  }
0x170: {  	_ =	swait.ge @!p0 [sflag:s0], s1  }
0x171: {  	s1 =	ssub.s32 @!p0 $0x0, s1;
	[sflag:s0] =	ssyncset.done @!p0 $0x0  }
0x172: {  	[sflag:s0] =	ssyncadd.s32 @!p0 s1  }
0x173: {  	[bflag:$0x3] =	sbarrier.arrive $0xFFFF  }
0x174: {  	_ =	shalt  }

// kernel: kernel.16.cloned.1.call-start
scs
__scs_entry_jumppad:
0x0: {  	(pc) =	sbr.rel $0x88, $3  }
0x1: {  	(tag) =	ssettag $0x0;
	lr =	simm.s32 $0x1  }
0x2: {  	[smem:$0x3F94] =	sst lr;
	_ =	strace $0xD0000000  }
0x3: {  	_ = 	snop  }
0x4: {  	_ = 	snop  }
0x5: {  	_ = 	snop  }
0x6: {  	_ = 	snop  }
0x7: {  	_ = 	snop  }
__scs_overlays_trampoline_lowered:
0x8: {  	[smem:$0x3FA3] =	sst s0  }
0x9: {  	[smem:$0x3FA4] =	sst s1  }
0xa: {  	[smem:$0x3FA5] =	sst s2  }
0xb: {  	[smem:$0x3FA6] =	sst s3  }
0xc: {  	[smem:$0x3FA7] =	sst s4  }
0xd: {  	[smem:$0x3FA8] =	sst s5  }
0xe: {  	[smem:$0x3FA9] =	sst s6  }
0xf: {  	[smem:$0x3FAA] =	sst s7  }
0x10: {  	[smem:$0x3FAB] =	sst s8  }
0x11: {  	[smem:$0x3FAC] =	sst s9;
	s0 =	simm.s32 @!p0 $0x0  }
0x12: {  	s1 =	sld [smem:$0x3F92];
	s0 =	simm.s32 @p0 $0x1  }
0x13: {  	[smem:$0x3FAD] =	sst s0;
	s0 =	simm.s32 @!p1 $0x0  }
0x14: {  	s2 =	sld [smem:$0x3F91];
	s0 =	simm.s32 @p1 $0x1  }
0x15: {  	[smem:$0x3FAE] =	sst s0;
	s0 =	simm.s32 @!p2 $0x0  }
0x16: {  	s3 =	sld [smem:$0x3FDB];
	s0 =	simm.s32 @p2 $0x1  }
0x17: {  	s4 =	simm.s32 $0x1BF5;
	[smem:$0x3FB0] =	sst s0  }
0x18: {  	s0 =	sld [smem:$0x3F93];
	_ =	swait.ge [sflag:s4], $0x0  }
0x19: {  	s7 =	sld [smem:$0x3F94]  }
0x1a: {  	s8 =	sadd.s32 $0xFFFFE003, lr  }
0x1b: {  	s9 =	sadd.s32 $0xFFFFFEF7, lr;
	s5 =	simm.s32 $0xFFFFFFFF;
	p2 =	slt.u32 s8, $0xFFFFF086  }
0x1c: {  	p1 =	slt.u32 s9, $0xF7A;
	s5 =	simm.s32 @!p2 $0x0  }
0x1d: {  	s5 =	simm.s32 @p1 $0x1;
	p0 =	seq.s32 s7, s2  }
0x1e: {  	s7 =	smul.u32 @!p0 $0xF7A, s2;
	p2 =	seq.s32 @!p0 s5, $0x0  }
0x1f: {  	s9 =	smul.u32 $0xF7A, s1;
	s8 =	simm.s32 @!p0 $0x1BF5;
	p2 =	por !p2, p0  }
0x20: {  	[sflag:s8] =	ssyncset.s32 @!p0 $0xFFFFF086;
	s6 =	sadd.s32 @!p0 s3, s7;
	s7 =	simm.s32 @!p0 $0x108  }
0x21: {  	s3 =	sadd.s32 s3, s9;
	s6 =	sadd.s32 @!p0 $0x88, s6;
	s7 =	simm.s32 @p2 $0x1082  }
0x22: {  	[simem:s7], [sflag:s8] =	dma.local @!p0 [hbm:s6], $0xF7A  }
0x23: {  	s9 =	sor.u32 $0xD0000000, s2;
	s6 =	simm.s32 $0x108;
	_ =	swait.ge @!p0 [sflag:s8], $0x0  }
0x24: {  	s3 =	sadd.s32 $0x88, s3;
	s6 =	simm.s32 @!p1 $0x1082;
	[sflag:s4] =	ssyncset.s32 $0xFFFFF086  }
0x25: {  	[simem:s6], [sflag:s4] =	dma.local [hbm:s3], $0xF7A  }
0x26: {  	[smem:$0x3F94] =	sst s1;
	(tag) =	ssettag s2;
	_ =	strace s9  }
0x27: {  	s1 =	sld [smem:$0x3FA4]  }
0x28: {  	s2 =	sld [smem:$0x3FA5]  }
0x29: {  	s4 =	sld [smem:$0x3FA7]  }
0x2a: {  	p0 =	seq.s32 s5, $0x0;
	s5 =	sld [smem:$0x3FA8]  }
0x2b: {  	s6 =	sld [smem:$0x3FA9]  }
0x2c: {  	s7 =	sld [smem:$0x3FAA]  }
0x2d: {  	s3 =	simm.s32 $0x108;
	s8 =	sld [smem:$0x3FAB]  }
0x2e: {  	s3 =	simm.s32 @!p0 $0x1082;
	s9 =	sld [smem:$0x3FAC]  }
0x2f: {  	lr =	sadd.s32 s0, s3;
	s0 =	sld [smem:$0x3FA3]  }
0x30: {  	s3 =	sld [smem:$0x3FA6]  }
0x31: {  	[smem:$0x3FAF] =	sst s10  }
0x32: {  	s10 =	sld [smem:$0x3FAD];
	_ =	sdelay $0x3  }
0x33: {  	p0 =	seq.s32 s10, $0x1;
	s10 =	sld [smem:$0x3FAF];
	_ =	sdelay $0x3  }
0x34: {  	[smem:$0x3FAF] =	sst s10  }
0x35: {  	s10 =	sld [smem:$0x3FAE];
	_ =	sdelay $0x3  }
0x36: {  	p1 =	seq.s32 s10, $0x1;
	s10 =	sld [smem:$0x3FAF];
	_ =	sdelay $0x3  }
0x37: {  	[smem:$0x3FAF] =	sst s10  }
0x38: {  	s10 =	sld [smem:$0x3FB0]  }
0x39: {  	_ = 	snop;
	(pc) =	sbr.ind lr, $3  }
0x3a: {  	_ = 	snop  }
0x3b: {  	_ = 	snop  }
0x3c: {  	p2 =	seq.s32 s10, $0x1;
	s10 =	sld [smem:$0x3FAF]  }
0x3d: {  	_ =	shalt  }
0x3e: {  	_ =	shalt  }
0x3f: {  	_ =	shalt  }
0x40: {  	_ =	shalt  }
0x41: {  	_ =	shalt  }
0x42: {  	_ =	shalt  }
0x43: {  	_ =	shalt  }
0x44: {  	_ =	shalt  }
0x45: {  	_ =	shalt  }
0x46: {  	_ =	shalt  }
0x47: {  	_ =	shalt  }
0x48: {  	_ =	shalt  }
0x49: {  	_ =	shalt  }
0x4a: {  	_ =	shalt  }
0x4b: {  	_ =	shalt  }
0x4c: {  	_ =	shalt  }
0x4d: {  	_ =	shalt  }
0x4e: {  	_ =	shalt  }
0x4f: {  	_ =	shalt  }
0x50: {  	_ =	shalt  }
0x51: {  	_ =	shalt  }
0x52: {  	_ =	shalt  }
0x53: {  	_ =	shalt  }
0x54: {  	_ =	shalt  }
0x55: {  	_ =	shalt  }
0x56: {  	_ =	shalt  }
0x57: {  	_ =	shalt  }
0x58: {  	_ =	shalt  }
0x59: {  	_ =	shalt  }
0x5a: {  	_ =	shalt  }
0x5b: {  	_ =	shalt  }
0x5c: {  	_ =	shalt  }
0x5d: {  	_ =	shalt  }
0x5e: {  	_ =	shalt  }
0x5f: {  	_ =	shalt  }
0x60: {  	_ =	shalt  }
0x61: {  	_ =	shalt  }
0x62: {  	_ =	shalt  }
0x63: {  	_ =	shalt  }
0x64: {  	_ =	shalt  }
0x65: {  	_ =	shalt  }
0x66: {  	_ =	shalt  }
0x67: {  	_ =	shalt  }
0x68: {  	_ =	shalt  }
0x69: {  	_ =	shalt  }
0x6a: {  	_ =	shalt  }
0x6b: {  	_ =	shalt  }
0x6c: {  	_ =	shalt  }
0x6d: {  	_ =	shalt  }
0x6e: {  	_ =	shalt  }
0x6f: {  	_ =	shalt  }
0x70: {  	_ =	shalt  }
0x71: {  	_ =	shalt  }
0x72: {  	_ =	shalt  }
0x73: {  	_ =	shalt  }
0x74: {  	_ =	shalt  }
0x75: {  	_ =	shalt  }
0x76: {  	_ =	shalt  }
0x77: {  	_ =	shalt  }
0x78: {  	_ =	shalt  }
0x79: {  	_ =	shalt  }
0x7a: {  	_ =	shalt  }
0x7b: {  	_ =	shalt  }
0x7c: {  	_ =	shalt  }
0x7d: {  	_ =	shalt  }
0x7e: {  	_ =	shalt  }
0x7f: {  	_ =	shalt  }
0x80: {  	_ =	shalt  }
0x81: {  	_ =	shalt  }
0x82: {  	_ =	shalt  }
0x83: {  	_ =	shalt  }
0x84: {  	_ =	shalt  }
0x85: {  	_ =	shalt  }
0x86: {  	_ =	shalt  }
0x87: {  	_ =	shalt  }
.Lfunc_end0:
.L_simem_size_0:
called_computation.2_lowered:
.L_overlay_start_0:
0x88: {  	s2 =	sld [smem:$0x3FD9]  }
0x89: {  	s3 =	sld [smem:$0x3FFE];
	_ =	sdelay $0x1  }
0x8a: {  	s1 =	srdreg.scid  }
0x8b: {  	s0 =	sand.u32 $0x1, s1  }
0x8c: {  	s16 =	sshll.u32 s0, $0xA;
	s2 =	sadd.s32 s3, s2  }
0x8d: {  	s2 =	sadd.s32 s2, s16  }
0x8e: {  	[smem:$0x3FBB] =	sst s2  }
0x8f: {  	_ = 	snop  }
0x90: {  	(tm) =	ssettm $0x1  }
0x91: {  	s17 =	sld [smem:$0x3FFB];
	_ =	sdelay $0x3  }
0x92: {  	_ =	strace s17  }
0x93: {  	s2 =	sld [smem:$0x3FFC];
	_ =	sdelay $0x3  }
0x94: {  	_ =	strace s2  }
0x95: {  	s2 =	sld [smem:$0x3FFD];
	_ =	sdelay $0x3  }
0x96: {  	_ =	strace s2  }
0x97: {  	_ =	strace $0x8FFFFFFF  }
0x98: {  	s18 =	sld [smem:$0x3FDB];
	_ =	sdelay $0x1  }
0x99: {  	s19 =	simm.s32 $_scs_section_size  }
0x9a: {  	s4 =	simm.s32 $_size__tile_overlayer_lowered;
	s5 =	simm.s32 $_tile_overlayer_lowered  }
0x9b: {  	s22 =	simm.s32 $0x1BFF;
	s21 =	sshll.u32 s5, $0x1;
	s2 =	sadd.s32 s19, s18  }
0x9c: {  	s6 =	simm.s32 $0x0;
	s20 =	sshll.u32 s4, $0x1;
	s4 =	sadd.s32 s21, s2  }
0x9d: {  	[timem:s6], [sflag:s22] =	dma.local [hbm:s4], s20  }
0x9e: {  	_ =	swait.ge [sflag:s22], s20  }
0x9f: {  	s3 =	ssub.s32 $0x0, s20;
	[sflag:s22] =	ssyncset.done $0x0  }
0xa0: {  	[sflag:s22] =	ssyncadd.s32 s3;
	_ =	sdelay $0x1  }
0xa1: {  	s23 =	simm.s32 $0x1B8B  }
0xa2: {  	_ =	swait.ge [sflag:s23], $0x1  }
0xa3: {  	[sflag:s23] =	ssyncset.done $0x0  }
0xa4: {  	s25 =	simm.s32 $0x1B8E;
	s24 =	sld [smem:$0x3FFE];
	[sflag:s23] =	ssyncadd.s32 $0xFFFFFFFF  }
0xa5: {  	s26 =	simm.s32 $execute0_lowered;
	[smem:$0x3FD2] =	sst s25  }
0xa6: {  	s4 =	sshll.u32 s26, $0x1;
	_ =	strace $0x8000004C;
	[dreg:$0x1] =	wrdreg $0xFFFFFFFF  }
0xa7: {  	s28 =	simm.s32 $_size_execute0_lowered;
	s2 =	sadd.s32 s2, s4;
	[dreg:$0x0] =	wrdreg $0x0  }
0xa8: {  	s4 =	sshll.u32 s28, $0x1;
	[dreg:$0x2] =	wrdreg s2  }
0xa9: {  	[dreg:$0x3] =	wrdreg s4  }
0xaa: {  	[dreg:$0x4] =	wrdreg $0xC0  }
0xab: {  	_ =	task [dreg:s6], $0x5FFFF  }
0xac: {  	[dreg:$0x1] =	wrdreg $0xFFFFFFFF  }
0xad: {  	[dreg:$0x0] =	wrdreg $0x60  }
0xae: {  	[dreg:$0x2] =	wrdreg s24  }
0xaf: {  	[dreg:$0x3] =	wrdreg $0x5A000  }
0xb0: {  	[dreg:$0x4] =	wrdreg $0x9  }
0xb1: {  	_ =	task.clear_ibuf [dreg:s6], $0x5FFFF;
	_ =	strace $0x9000004C  }
0xb2: {  	s29 =	simm.s32 $0x9;
	_ =	strace $0x8000004E  }
0xb3: {  	_ =	swait.ge [sflag:s29], $0x1  }
0xb4: {  	[sflag:s29] =	ssyncadd.s32 $0xFFFFFFFF  }
0xb5: {  	_ =	strace $0x9000004E  }
0xb6: {  	_ =	sfence  }
0xb7: {  	s30 =	sld [smem:$0x0];
	_ =	sdelay $0x2  }
0xb8: {  	s31 =	sshll.u32 s1, $0xD;
	s1 =	sshrl.u32 s1, $0x2  }
0xb9: {  	s3 =	sand.u32 $0x4000, s31;
	s1 =	sadd.s32 s1, s30  }
0xba: {  	s0 =	sor.u32 s3, s0;
	s1 =	sshll.u32 s1, $0x11  }
0xbb: {  	s0 =	sor.u32 s1, s0  }
0xbc: {  	s0 =	sadd.s32 $0x8F2B, s0  }
0xbd: {  	[sflag:s0] =	ssyncadd.remote.s32 $0x1  }
0xbe: {  	_ =	sfence.sel $0xFFFF  }
0xbf: {  	[dreg:$0x0] =	wrdreg $0xFFFFFFFF;
	(pc) =	sbr.abs _section_cstart, $3  }
0xc0: {  	[dreg:$0x1] =	wrdreg $0xFFFFFFFF  }
0xc1: {  	_ =	task.clear_ibuf [dreg:s6], $0x2FFFF;
	_ =	strace $0x9FFFFFFF  }
0xc2: {  	(tm) =	ssettm $0x7FFFFFFF  }
0xc3: {  	_ =	shalt  }
tec
execute0_lowered:
.L_overlay_start_1:
0x0: {  	(tag) =	ssettag $0x1  }
0x1: {  	s0 =	rddreg [dreg:$0x0]  }
0x2: {  	s2 =	rddreg [dreg:$0x1]  }
0x3: {  	s3 =	simm.s32 $0x0;
	s10 =	stileid.u32;
	s8 =	srdreg.scid  }
0x4: {  	s28 =	simm.s32 $0x3200;
	s29 =	simm.s32 $0x1;
	s30 =	simm.s32 $0x3  }
0x5: {  	s31 =	simm.s32 $0x2;
	[smem:$0x7FF] =	sst s3;
	s1 =	smul.u32 $0x6400, s10  }
0x6: {  	s4 =	sadd.s32 $0x109000, s0;
	s5 =	sadd.s32 $0x5A00, s0;
	s9 =	smul.u32 $0x19000, s10  }
0x7: {  	s6 =	sadd.s32 $0x37A00, s0;
	s7 =	sadd.s32 $0xD7000, s0;
	s11 =	sand.u32 $0x1, s8  }
0x8: {  	s13 =	sadd.s32 $0x19F000, s0;
	s18 =	sshll.u32 s10, $0x6;
	_ =	strace $0x8000004D  }
0x9: {  	s12 =	ssub.s32 $0x2, s11;
	[dreg:$0x3] =	wrdreg s13;
	p0 =	seq.s32 s11, $0x1  }
0xa: {  	s11 =	sor.u32 $0x1C05, s18;
	s1 =	sadd.s32 s1, s0;
	s8 =	sshrl.u32 s9, $0x3  }
0xb: {  	s22 =	sshrl.u32 s12, $0x1;
	s9 =	sadd.s32 s9, s2;
	s15 =	sadd.s32 s8, s0  }
0xc: {  	s0 =	sadd.s32 $0x203000, s0;
	s23 =	ssub.s32 s12, s22;
	s24 =	sadd.s32 s4, s8  }
0xd: {  	s26 =	sadd.s32 s5, s8;
	s14 =	sadd.s32 s6, s8;
	s16 =	sadd.s32 s7, s8  }
0xe: {  	s19 =	sadd.s32 $0x73000, s1;
	s20 =	sadd.s32 $0x730A0, s1;
	s22 =	sshrl.u32 s9, $0x3  }
.Ltmp0:
0xf: {  	s1 =	simm.s32 $0x4;
	[dreg:$0x4] =	wrdreg s0;
	(pc) =	sbr.rel .LBB2_1-.Ltmp0, $4  }
0x10: {  	s9 =	simm.s32 $0x0;
	[dreg:$0x5] =	wrdreg s24;
	s25 =	sadd.s32 $0x16D000, s15  }
0x11: {  	[dreg:$0x7] =	wrdreg s26;
	s15 =	sadd.s32 $0x1D1000, s15;
	s17 =	smax.u32 s23, $0x1  }
0x12: {  	s23 =	simm.s32 $0x5;
	s24 =	simm.s32 $0x280;
	s26 =	simm.s32 $0x500  }
0x13: {  	s0 =	simm.s32 $0x780;
	[dreg:$0x6] =	wrdreg s25;
	s25 =	simm.s32 $0xA00  }
.LBB2_11:
0x14: {  	[spmem:s2] =	stream.indirect.scatter.add.f32 [tilespmem:s25], [sflag:$0x3], $0x10, s24, s24, $0xb8;
	[tilespmem:$0x1EA00] =	vst v63  }
0x15: {  	s12 =	rddreg [dreg:$0x4];
	s21 =	smov.u32 s11  }
.LBB2_12:
0x16: {  	_ =	swait.ge [sflag:s31], $0x2800  }
0x17: {  	[sflag:s31] =	ssyncset.done $0x0  }
0x18: {  	[sflag:s31] =	ssyncadd.s32 $0xFFFFD800  }
0x19: {  	[spmem:s2] =	stream.indirect.scatter.add.f32 [tilespmem:s28], [sflag:$0x4], $0x10, s0, s24, $0xb8;
	[tilespmem:$0x1EA00] =	vst v63  }
0x1a: {  	_ =	swait.ge [sflag:s30], $0x2800  }
0x1b: {  	[sflag:s30] =	ssyncset.done $0x0  }
0x1c: {  	[sflag:s30] =	ssyncadd.s32 $0xFFFFD800  }
0x1d: {  	_ =	swait.ge [sflag:s1], $0x2800  }
0x1e: {  	[sflag:s1] =	ssyncset.done $0x0  }
0x1f: {  	s9 =	sadd.s32 $0x1, s9;
	[sflag:s1] =	ssyncadd.s32 $0xFFFFD800  }
0x20: {  	s10 =	sadd.s32 s12, s8;
	p1 =	sne.s32 s9, s17;
	[bflag:$0x0] =	sbarrier.arrive $0xFFFF  }
0x21: {  	[hbm:s10], [sflag:s21] =	dma.local [spmem:s22], $0x3200  }
.Ltmp1:
0x22: {  	_ =	swait.ge [sflag:s23], $0x3200;
	(pc) =	sbr.rel @!p1 .LBB2_13-.Ltmp1, $3  }
0x23: {  	[sflag:s23] =	ssyncset.done $0x0  }
0x24: {  	[sflag:s23] =	ssyncadd.s32 $0xFFFFCE00  }
0x25: {  	[bflag:$0x0] =	sbarrier.arrive $0xFFFF;
	_ =	sdelay $0x1  }
.LBB2_1:
.Ltmp2:
0x26: {  	(pc) =	sbr.rel @!p0 .LBB2_2-.Ltmp2, $1  }
0x27: {  	_ =	sdelay $0x3  }
0x28: {  	[spmem:s22], [sflag:s11] =	dma.local [hbm:s14], $0x3200  }
0x29: {  	_ =	swait.ge [sflag:s23], $0x3200  }
0x2a: {  	[sflag:s23] =	ssyncset.done $0x0  }
0x2b: {  	[sflag:s23] =	ssyncadd.s32 $0xFFFFCE00  }
0x2c: {  	[bflag:$0x0] =	sbarrier.arrive $0xFFFF  }
0x2d: {  	[tilespmem:s3], [sflag:$0x5] =	stream.linear.gather [hbm4b:s19+s3], $0x500, $0x38;
	[tilespmem:$0x1EA00] =	vst v63  }
0x2e: {  	_ =	swait.ge [sflag:s23], $0x500  }
0x2f: {  	[sflag:s23] =	ssyncset.done $0x0  }
0x30: {  	[sflag:s23] =	ssyncadd.s32 $0xFFFFFB00  }
0x31: {  	[tilespmem:s25], [sflag:$0x1] =	stream.indirect.gather [hbm4b:s6+s24], $0x10, s3, s24, $0xb8;
	[tilespmem:$0x1EA00] =	vst v63  }
0x32: {  	_ = 	snop  }
0x33: {  	[tilespmem:s26], [sflag:$0x5] =	stream.linear.gather [hbm4b:s20+s3], $0x500, $0x38;
	[tilespmem:$0x1EA00] =	vst v63  }
0x34: {  	_ =	swait.ge [sflag:s23], $0x500  }
0x35: {  	[sflag:s23] =	ssyncset.done $0x0  }
0x36: {  	[sflag:s23] =	ssyncadd.s32 $0xFFFFFB00  }
0x37: {  	[tilespmem:s28], [sflag:$0x2] =	stream.indirect.gather [hbm4b:s6+s24], $0x10, s26, s24, $0xb8;
	[tilespmem:$0x1EA00] =	vst v63  }
0x38: {  	_ =	swait.ge [sflag:s29], $0x2800  }
0x39: {  	[sflag:s29] =	ssyncset.done $0x0  }
0x3a: {  	[sflag:s29] =	ssyncadd.s32 $0xFFFFD800  }
0x3b: {  	[spmem:s2] =	stream.indirect.scatter.add.f32 [tilespmem:s25], [sflag:$0x3], $0x10, s24, s24, $0xb8;
	[tilespmem:$0x1EA00] =	vst v63  }
0x3c: {  	_ =	swait.ge [sflag:s30], $0x2800  }
0x3d: {  	s10 =	sadd.s32 $0xFFFF9D40, s19;
	[sflag:s30] =	ssyncset.done $0x0  }
0x3e: {  	s12 =	sadd.s32 $0x6400, s10;
	[sflag:s30] =	ssyncadd.s32 $0xFFFFD800  }
0x3f: {  	[tilespmem:s3], [sflag:$0x5] =	stream.linear.gather [hbm4b:s12+s3], $0x500, $0x38;
	[tilespmem:$0x1EA00] =	vst v63  }
0x40: {  	_ =	swait.ge [sflag:s23], $0x500  }
0x41: {  	[sflag:s23] =	ssyncset.done $0x0  }
0x42: {  	[sflag:s23] =	ssyncadd.s32 $0xFFFFFB00  }
0x43: {  	[tilespmem:s25], [sflag:$0x1] =	stream.indirect.gather [hbm4b:s6+s24], $0x10, s3, s24, $0xb8;
	[tilespmem:$0x1EA00] =	vst v63  }
0x44: {  	_ =	swait.ge [sflag:s31], $0x2800  }
0x45: {  	[sflag:s31] =	ssyncset.done $0x0  }
0x46: {  	[sflag:s31] =	ssyncadd.s32 $0xFFFFD800  }
0x47: {  	[spmem:s2] =	stream.indirect.scatter.add.f32 [tilespmem:s28], [sflag:$0x4], $0x10, s0, s24, $0xb8;
	[tilespmem:$0x1EA00] =	vst v63  }
0x48: {  	_ =	swait.ge [sflag:s1], $0x2800  }
0x49: {  	[sflag:s1] =	ssyncset.done $0x0  }
0x4a: {  	s10 =	sadd.s32 $0x64A0, s10;
	[sflag:s1] =	ssyncadd.s32 $0xFFFFD800  }
0x4b: {  	[tilespmem:s26], [sflag:$0x5] =	stream.linear.gather [hbm4b:s10+s3], $0x500, $0x38;
	[tilespmem:$0x1EA00] =	vst v63  }
0x4c: {  	_ =	swait.ge [sflag:s23], $0x500  }
0x4d: {  	[sflag:s23] =	ssyncset.done $0x0  }
0x4e: {  	[sflag:s23] =	ssyncadd.s32 $0xFFFFFB00  }
0x4f: {  	[tilespmem:s28], [sflag:$0x2] =	stream.indirect.gather [hbm4b:s6+s24], $0x10, s26, s24, $0xb8;
	[tilespmem:$0x1EA00] =	vst v63  }
0x50: {  	_ =	swait.ge [sflag:s29], $0x2800  }
0x51: {  	[sflag:s29] =	ssyncset.done $0x0  }
0x52: {  	s12 =	simm.s32 $0xFFFF9E80;
	[sflag:s29] =	ssyncadd.s32 $0xFFFFD800  }
.LBB2_8:
0x53: {  	[spmem:s2] =	stream.indirect.scatter.add.f32 [tilespmem:s25], [sflag:$0x3], $0x10, s24, s24, $0xb8;
	[tilespmem:$0x1EA00] =	vst v63  }
0x54: {  	s10 =	smov.u32 s12  }
0x55: {  	p1 =	sne.s32 s12, $0xFFFFFEC0;
	s12 =	sadd.s32 $0x140, s12;
	_ =	swait.ge [sflag:s30], $0x2800  }
0x56: {  	s10 =	sadd.s32 s10, s19;
	[sflag:s30] =	ssyncset.done $0x0  }
0x57: {  	s13 =	sadd.s32 $0x6400, s10;
	[sflag:s30] =	ssyncadd.s32 $0xFFFFD800  }
0x58: {  	[tilespmem:s3], [sflag:$0x5] =	stream.linear.gather [hbm4b:s13+s3], $0x500, $0x38;
	[tilespmem:$0x1EA00] =	vst v63  }
0x59: {  	_ =	swait.ge [sflag:s23], $0x500  }
0x5a: {  	[sflag:s23] =	ssyncset.done $0x0  }
0x5b: {  	[sflag:s23] =	ssyncadd.s32 $0xFFFFFB00  }
0x5c: {  	[tilespmem:s25], [sflag:$0x1] =	stream.indirect.gather [hbm4b:s6+s24], $0x10, s3, s24, $0xb8;
	[tilespmem:$0x1EA00] =	vst v63  }
0x5d: {  	_ =	swait.ge [sflag:s31], $0x2800  }
0x5e: {  	[sflag:s31] =	ssyncset.done $0x0  }
0x5f: {  	[sflag:s31] =	ssyncadd.s32 $0xFFFFD800  }
0x60: {  	[spmem:s2] =	stream.indirect.scatter.add.f32 [tilespmem:s28], [sflag:$0x4], $0x10, s0, s24, $0xb8;
	[tilespmem:$0x1EA00] =	vst v63  }
0x61: {  	_ =	swait.ge [sflag:s1], $0x2800  }
0x62: {  	[sflag:s1] =	ssyncset.done $0x0  }
0x63: {  	s10 =	sadd.s32 $0x64A0, s10;
	[sflag:s1] =	ssyncadd.s32 $0xFFFFD800  }
0x64: {  	[tilespmem:s26], [sflag:$0x5] =	stream.linear.gather [hbm4b:s10+s3], $0x500, $0x38;
	[tilespmem:$0x1EA00] =	vst v63  }
0x65: {  	_ =	swait.ge [sflag:s23], $0x500  }
0x66: {  	[sflag:s23] =	ssyncset.done $0x0  }
.Ltmp3:
0x67: {  	[sflag:s23] =	ssyncadd.s32 $0xFFFFFB00;
	(pc) =	sbr.rel @p1 .LBB2_8-.Ltmp3, $4  }
0x68: {  	[tilespmem:s28], [sflag:$0x2] =	stream.indirect.gather [hbm4b:s6+s24], $0x10, s26, s24, $0xb8;
	[tilespmem:$0x1EA00] =	vst v63  }
0x69: {  	_ =	swait.ge [sflag:s29], $0x2800  }
0x6a: {  	[sflag:s29] =	ssyncset.done $0x0  }
0x6b: {  	[sflag:s29] =	ssyncadd.s32 $0xFFFFD800  }
0x6c: {  	[spmem:s2] =	stream.indirect.scatter.add.f32 [tilespmem:s25], [sflag:$0x3], $0x10, s24, s24, $0xb8;
	[tilespmem:$0x1EA00] =	vst v63  }
0x6d: {  	_ =	swait.ge [sflag:s31], $0x2800  }
0x6e: {  	[sflag:s31] =	ssyncset.done $0x0  }
0x6f: {  	[sflag:s31] =	ssyncadd.s32 $0xFFFFD800  }
0x70: {  	[spmem:s2] =	stream.indirect.scatter.add.f32 [tilespmem:s28], [sflag:$0x4], $0x10, s0, s24, $0xb8;
	[tilespmem:$0x1EA00] =	vst v63  }
0x71: {  	_ =	swait.ge [sflag:s30], $0x2800  }
0x72: {  	[sflag:s30] =	ssyncset.done $0x0  }
0x73: {  	[sflag:s30] =	ssyncadd.s32 $0xFFFFD800  }
0x74: {  	_ =	swait.ge [sflag:s1], $0x2800  }
0x75: {  	[sflag:s1] =	ssyncset.done $0x0  }
0x76: {  	[sflag:s1] =	ssyncadd.s32 $0xFFFFD800  }
0x77: {  	[bflag:$0x0] =	sbarrier.arrive $0xFFFF  }
0x78: {  	[hbm:s15], [sflag:s11] =	dma.local [spmem:s22], $0x3200  }
0x79: {  	_ =	swait.ge [sflag:s23], $0x3200  }
0x7a: {  	[sflag:s23] =	ssyncset.done $0x0  }
0x7b: {  	[sflag:s23] =	ssyncadd.s32 $0xFFFFCE00  }
0x7c: {  	[bflag:$0x0] =	sbarrier.arrive $0xFFFF  }
0x7d: {  	[spmem:s22], [sflag:s11] =	dma.local [hbm:s16], $0x3200  }
0x7e: {  	_ =	swait.ge [sflag:s23], $0x3200  }
0x7f: {  	[sflag:s23] =	ssyncset.done $0x0  }
0x80: {  	[sflag:s23] =	ssyncadd.s32 $0xFFFFCE00  }
0x81: {  	[bflag:$0x0] =	sbarrier.arrive $0xFFFF  }
0x82: {  	[tilespmem:s3], [sflag:$0x5] =	stream.linear.gather [hbm4b:s19+s3], $0x500, $0x38;
	[tilespmem:$0x1EA00] =	vst v63  }
0x83: {  	_ =	swait.ge [sflag:s23], $0x500  }
0x84: {  	[sflag:s23] =	ssyncset.done $0x0  }
0x85: {  	[sflag:s23] =	ssyncadd.s32 $0xFFFFFB00  }
0x86: {  	[tilespmem:s25], [sflag:$0x1] =	stream.indirect.gather [hbm4b:s7+s24], $0x10, s3, s24, $0xb8;
	[tilespmem:$0x1EA00] =	vst v63  }
0x87: {  	_ = 	snop  }
0x88: {  	[tilespmem:s26], [sflag:$0x5] =	stream.linear.gather [hbm4b:s20+s3], $0x500, $0x38;
	[tilespmem:$0x1EA00] =	vst v63  }
0x89: {  	_ =	swait.ge [sflag:s23], $0x500  }
0x8a: {  	[sflag:s23] =	ssyncset.done $0x0  }
0x8b: {  	[sflag:s23] =	ssyncadd.s32 $0xFFFFFB00  }
0x8c: {  	[tilespmem:s28], [sflag:$0x2] =	stream.indirect.gather [hbm4b:s7+s24], $0x10, s26, s24, $0xb8;
	[tilespmem:$0x1EA00] =	vst v63  }
0x8d: {  	_ =	swait.ge [sflag:s29], $0x2800  }
0x8e: {  	[sflag:s29] =	ssyncset.done $0x0  }
0x8f: {  	[sflag:s29] =	ssyncadd.s32 $0xFFFFD800  }
0x90: {  	[spmem:s2] =	stream.indirect.scatter.add.f32 [tilespmem:s25], [sflag:$0x3], $0x10, s24, s24, $0xb8;
	[tilespmem:$0x1EA00] =	vst v63  }
0x91: {  	_ =	swait.ge [sflag:s30], $0x2800  }
0x92: {  	s10 =	sadd.s32 $0xFFFF9D40, s19;
	[sflag:s30] =	ssyncset.done $0x0  }
0x93: {  	s12 =	sadd.s32 $0x6400, s10;
	[sflag:s30] =	ssyncadd.s32 $0xFFFFD800  }
0x94: {  	[tilespmem:s3], [sflag:$0x5] =	stream.linear.gather [hbm4b:s12+s3], $0x500, $0x38;
	[tilespmem:$0x1EA00] =	vst v63  }
0x95: {  	_ =	swait.ge [sflag:s23], $0x500  }
0x96: {  	[sflag:s23] =	ssyncset.done $0x0  }
0x97: {  	[sflag:s23] =	ssyncadd.s32 $0xFFFFFB00  }
0x98: {  	[tilespmem:s25], [sflag:$0x1] =	stream.indirect.gather [hbm4b:s7+s24], $0x10, s3, s24, $0xb8;
	[tilespmem:$0x1EA00] =	vst v63  }
0x99: {  	_ =	swait.ge [sflag:s31], $0x2800  }
0x9a: {  	[sflag:s31] =	ssyncset.done $0x0  }
0x9b: {  	[sflag:s31] =	ssyncadd.s32 $0xFFFFD800  }
0x9c: {  	[spmem:s2] =	stream.indirect.scatter.add.f32 [tilespmem:s28], [sflag:$0x4], $0x10, s0, s24, $0xb8;
	[tilespmem:$0x1EA00] =	vst v63  }
0x9d: {  	_ =	swait.ge [sflag:s1], $0x2800  }
0x9e: {  	[sflag:s1] =	ssyncset.done $0x0  }
0x9f: {  	s10 =	sadd.s32 $0x64A0, s10;
	[sflag:s1] =	ssyncadd.s32 $0xFFFFD800  }
0xa0: {  	[tilespmem:s26], [sflag:$0x5] =	stream.linear.gather [hbm4b:s10+s3], $0x500, $0x38;
	[tilespmem:$0x1EA00] =	vst v63  }
0xa1: {  	_ =	swait.ge [sflag:s23], $0x500  }
0xa2: {  	[sflag:s23] =	ssyncset.done $0x0  }
0xa3: {  	[sflag:s23] =	ssyncadd.s32 $0xFFFFFB00  }
0xa4: {  	[tilespmem:s28], [sflag:$0x2] =	stream.indirect.gather [hbm4b:s7+s24], $0x10, s26, s24, $0xb8;
	[tilespmem:$0x1EA00] =	vst v63  }
0xa5: {  	_ =	swait.ge [sflag:s29], $0x2800  }
0xa6: {  	[sflag:s29] =	ssyncset.done $0x0  }
0xa7: {  	s12 =	simm.s32 $0xFFFF9E80;
	[sflag:s29] =	ssyncadd.s32 $0xFFFFD800  }
.LBB2_10:
0xa8: {  	[spmem:s2] =	stream.indirect.scatter.add.f32 [tilespmem:s25], [sflag:$0x3], $0x10, s24, s24, $0xb8;
	[tilespmem:$0x1EA00] =	vst v63  }
0xa9: {  	s10 =	smov.u32 s12  }
0xaa: {  	p1 =	sne.s32 s12, $0xFFFFFEC0;
	s12 =	sadd.s32 $0x140, s12;
	_ =	swait.ge [sflag:s30], $0x2800  }
0xab: {  	s10 =	sadd.s32 s10, s19;
	[sflag:s30] =	ssyncset.done $0x0  }
0xac: {  	s13 =	sadd.s32 $0x6400, s10;
	[sflag:s30] =	ssyncadd.s32 $0xFFFFD800  }
0xad: {  	[tilespmem:s3], [sflag:$0x5] =	stream.linear.gather [hbm4b:s13+s3], $0x500, $0x38;
	[tilespmem:$0x1EA00] =	vst v63  }
0xae: {  	_ =	swait.ge [sflag:s23], $0x500  }
0xaf: {  	[sflag:s23] =	ssyncset.done $0x0  }
0xb0: {  	[sflag:s23] =	ssyncadd.s32 $0xFFFFFB00  }
0xb1: {  	[tilespmem:s25], [sflag:$0x1] =	stream.indirect.gather [hbm4b:s7+s24], $0x10, s3, s24, $0xb8;
	[tilespmem:$0x1EA00] =	vst v63  }
0xb2: {  	_ =	swait.ge [sflag:s31], $0x2800  }
0xb3: {  	[sflag:s31] =	ssyncset.done $0x0  }
0xb4: {  	[sflag:s31] =	ssyncadd.s32 $0xFFFFD800  }
0xb5: {  	[spmem:s2] =	stream.indirect.scatter.add.f32 [tilespmem:s28], [sflag:$0x4], $0x10, s0, s24, $0xb8;
	[tilespmem:$0x1EA00] =	vst v63  }
0xb6: {  	_ =	swait.ge [sflag:s1], $0x2800  }
0xb7: {  	[sflag:s1] =	ssyncset.done $0x0  }
0xb8: {  	s10 =	sadd.s32 $0x64A0, s10;
	[sflag:s1] =	ssyncadd.s32 $0xFFFFD800  }
0xb9: {  	[tilespmem:s26], [sflag:$0x5] =	stream.linear.gather [hbm4b:s10+s3], $0x500, $0x38;
	[tilespmem:$0x1EA00] =	vst v63  }
0xba: {  	_ =	swait.ge [sflag:s23], $0x500  }
0xbb: {  	[sflag:s23] =	ssyncset.done $0x0  }
.Ltmp4:
0xbc: {  	[sflag:s23] =	ssyncadd.s32 $0xFFFFFB00;
	(pc) =	sbr.rel @p1 .LBB2_10-.Ltmp4, $4  }
0xbd: {  	[tilespmem:s28], [sflag:$0x2] =	stream.indirect.gather [hbm4b:s7+s24], $0x10, s26, s24, $0xb8;
	[tilespmem:$0x1EA00] =	vst v63  }
0xbe: {  	_ =	swait.ge [sflag:s29], $0x2800  }
0xbf: {  	[sflag:s29] =	ssyncset.done $0x0  }
0xc0: {  	[sflag:s29] =	ssyncadd.s32 $0xFFFFD800  }
.Ltmp5:
0xc1: {  	_ = 	snop;
	(pc) =	sbr.rel .LBB2_11-.Ltmp5, $1  }
0xc2: {  	_ =	sdelay $0x3  }
.LBB2_2:
0xc3: {  	s21 =	sor.u32 $0x1C05, s18;
	s10 =	rddreg [dreg:$0x5]  }
0xc4: {  	[spmem:s22], [sflag:s21] =	dma.local [hbm:s10], $0x3200  }
0xc5: {  	_ =	swait.ge [sflag:s23], $0x3200  }
0xc6: {  	[sflag:s23] =	ssyncset.done $0x0  }
0xc7: {  	[sflag:s23] =	ssyncadd.s32 $0xFFFFCE00  }
0xc8: {  	[bflag:$0x0] =	sbarrier.arrive $0xFFFF  }
0xc9: {  	[tilespmem:s3], [sflag:$0x5] =	stream.linear.gather [hbm4b:s19+s3], $0x500, $0x38;
	[tilespmem:$0x1EA00] =	vst v63  }
0xca: {  	_ =	swait.ge [sflag:s23], $0x500  }
0xcb: {  	[sflag:s23] =	ssyncset.done $0x0  }
0xcc: {  	[sflag:s23] =	ssyncadd.s32 $0xFFFFFB00  }
0xcd: {  	[tilespmem:s25], [sflag:$0x1] =	stream.indirect.gather [hbm4b:s4+s24], $0x10, s3, s24, $0xb8;
	[tilespmem:$0x1EA00] =	vst v63  }
0xce: {  	_ = 	snop  }
0xcf: {  	[tilespmem:s26], [sflag:$0x5] =	stream.linear.gather [hbm4b:s20+s3], $0x500, $0x38;
	[tilespmem:$0x1EA00] =	vst v63  }
0xd0: {  	_ =	swait.ge [sflag:s23], $0x500  }
0xd1: {  	[sflag:s23] =	ssyncset.done $0x0  }
0xd2: {  	[sflag:s23] =	ssyncadd.s32 $0xFFFFFB00  }
0xd3: {  	[tilespmem:s28], [sflag:$0x2] =	stream.indirect.gather [hbm4b:s4+s24], $0x10, s26, s24, $0xb8;
	[tilespmem:$0x1EA00] =	vst v63  }
0xd4: {  	_ =	swait.ge [sflag:s29], $0x2800  }
0xd5: {  	[sflag:s29] =	ssyncset.done $0x0  }
0xd6: {  	[sflag:s29] =	ssyncadd.s32 $0xFFFFD800  }
0xd7: {  	[spmem:s2] =	stream.indirect.scatter.add.f32 [tilespmem:s25], [sflag:$0x3], $0x10, s24, s24, $0xb8;
	[tilespmem:$0x1EA00] =	vst v63  }
0xd8: {  	_ =	swait.ge [sflag:s30], $0x2800  }
0xd9: {  	s12 =	sadd.s32 $0xFFFF9D40, s19;
	[sflag:s30] =	ssyncset.done $0x0  }
0xda: {  	s13 =	sadd.s32 $0x6400, s12;
	[sflag:s30] =	ssyncadd.s32 $0xFFFFD800  }
0xdb: {  	[tilespmem:s3], [sflag:$0x5] =	stream.linear.gather [hbm4b:s13+s3], $0x500, $0x38;
	[tilespmem:$0x1EA00] =	vst v63  }
0xdc: {  	_ =	swait.ge [sflag:s23], $0x500  }
0xdd: {  	[sflag:s23] =	ssyncset.done $0x0  }
0xde: {  	[sflag:s23] =	ssyncadd.s32 $0xFFFFFB00  }
0xdf: {  	[tilespmem:s25], [sflag:$0x1] =	stream.indirect.gather [hbm4b:s4+s24], $0x10, s3, s24, $0xb8;
	[tilespmem:$0x1EA00] =	vst v63  }
0xe0: {  	_ =	swait.ge [sflag:s31], $0x2800  }
0xe1: {  	[sflag:s31] =	ssyncset.done $0x0  }
0xe2: {  	[sflag:s31] =	ssyncadd.s32 $0xFFFFD800  }
0xe3: {  	[spmem:s2] =	stream.indirect.scatter.add.f32 [tilespmem:s28], [sflag:$0x4], $0x10, s0, s24, $0xb8;
	[tilespmem:$0x1EA00] =	vst v63  }
0xe4: {  	_ =	swait.ge [sflag:s1], $0x2800  }
0xe5: {  	[sflag:s1] =	ssyncset.done $0x0  }
0xe6: {  	s13 =	sadd.s32 $0x64A0, s12;
	[sflag:s1] =	ssyncadd.s32 $0xFFFFD800  }
0xe7: {  	[tilespmem:s26], [sflag:$0x5] =	stream.linear.gather [hbm4b:s13+s3], $0x500, $0x38;
	[tilespmem:$0x1EA00] =	vst v63  }
0xe8: {  	_ =	swait.ge [sflag:s23], $0x500  }
0xe9: {  	[sflag:s23] =	ssyncset.done $0x0  }
0xea: {  	[sflag:s23] =	ssyncadd.s32 $0xFFFFFB00  }
0xeb: {  	[tilespmem:s28], [sflag:$0x2] =	stream.indirect.gather [hbm4b:s4+s24], $0x10, s26, s24, $0xb8;
	[tilespmem:$0x1EA00] =	vst v63  }
0xec: {  	_ =	swait.ge [sflag:s29], $0x2800  }
0xed: {  	[sflag:s29] =	ssyncset.done $0x0  }
0xee: {  	s12 =	simm.s32 $0xFFFF9E80;
	[sflag:s29] =	ssyncadd.s32 $0xFFFFD800  }
.LBB2_3:
0xef: {  	[spmem:s2] =	stream.indirect.scatter.add.f32 [tilespmem:s25], [sflag:$0x3], $0x10, s24, s24, $0xb8;
	[tilespmem:$0x1EA00] =	vst v63  }
0xf0: {  	s10 =	smov.u32 s12  }
0xf1: {  	p1 =	sne.s32 s12, $0xFFFFFEC0;
	s12 =	sadd.s32 $0x140, s12;
	_ =	swait.ge [sflag:s30], $0x2800  }
0xf2: {  	s10 =	sadd.s32 s10, s19;
	[sflag:s30] =	ssyncset.done $0x0  }
0xf3: {  	s13 =	sadd.s32 $0x6400, s10;
	[sflag:s30] =	ssyncadd.s32 $0xFFFFD800  }
0xf4: {  	[tilespmem:s3], [sflag:$0x5] =	stream.linear.gather [hbm4b:s13+s3], $0x500, $0x38;
	[tilespmem:$0x1EA00] =	vst v63  }
0xf5: {  	_ =	swait.ge [sflag:s23], $0x500  }
0xf6: {  	[sflag:s23] =	ssyncset.done $0x0  }
0xf7: {  	[sflag:s23] =	ssyncadd.s32 $0xFFFFFB00  }
0xf8: {  	[tilespmem:s25], [sflag:$0x1] =	stream.indirect.gather [hbm4b:s4+s24], $0x10, s3, s24, $0xb8;
	[tilespmem:$0x1EA00] =	vst v63  }
0xf9: {  	_ =	swait.ge [sflag:s31], $0x2800  }
0xfa: {  	[sflag:s31] =	ssyncset.done $0x0  }
0xfb: {  	[sflag:s31] =	ssyncadd.s32 $0xFFFFD800  }
0xfc: {  	[spmem:s2] =	stream.indirect.scatter.add.f32 [tilespmem:s28], [sflag:$0x4], $0x10, s0, s24, $0xb8;
	[tilespmem:$0x1EA00] =	vst v63  }
0xfd: {  	_ =	swait.ge [sflag:s1], $0x2800  }
0xfe: {  	[sflag:s1] =	ssyncset.done $0x0  }
0xff: {  	s10 =	sadd.s32 $0x64A0, s10;
	[sflag:s1] =	ssyncadd.s32 $0xFFFFD800  }
0x100: {  	[tilespmem:s26], [sflag:$0x5] =	stream.linear.gather [hbm4b:s10+s3], $0x500, $0x38;
	[tilespmem:$0x1EA00] =	vst v63  }
0x101: {  	_ =	swait.ge [sflag:s23], $0x500  }
0x102: {  	[sflag:s23] =	ssyncset.done $0x0  }
.Ltmp6:
0x103: {  	[sflag:s23] =	ssyncadd.s32 $0xFFFFFB00;
	(pc) =	sbr.rel @p1 .LBB2_3-.Ltmp6, $4  }
0x104: {  	[tilespmem:s28], [sflag:$0x2] =	stream.indirect.gather [hbm4b:s4+s24], $0x10, s26, s24, $0xb8;
	[tilespmem:$0x1EA00] =	vst v63  }
0x105: {  	_ =	swait.ge [sflag:s29], $0x2800  }
0x106: {  	[sflag:s29] =	ssyncset.done $0x0  }
0x107: {  	[sflag:s29] =	ssyncadd.s32 $0xFFFFD800  }
0x108: {  	[spmem:s2] =	stream.indirect.scatter.add.f32 [tilespmem:s25], [sflag:$0x3], $0x10, s24, s24, $0xb8;
	[tilespmem:$0x1EA00] =	vst v63  }
0x109: {  	_ =	swait.ge [sflag:s31], $0x2800  }
0x10a: {  	[sflag:s31] =	ssyncset.done $0x0  }
0x10b: {  	[sflag:s31] =	ssyncadd.s32 $0xFFFFD800  }
0x10c: {  	[spmem:s2] =	stream.indirect.scatter.add.f32 [tilespmem:s28], [sflag:$0x4], $0x10, s0, s24, $0xb8;
	[tilespmem:$0x1EA00] =	vst v63  }
0x10d: {  	_ =	swait.ge [sflag:s30], $0x2800  }
0x10e: {  	[sflag:s30] =	ssyncset.done $0x0  }
0x10f: {  	[sflag:s30] =	ssyncadd.s32 $0xFFFFD800  }
0x110: {  	_ =	swait.ge [sflag:s1], $0x2800  }
0x111: {  	[sflag:s1] =	ssyncset.done $0x0  }
0x112: {  	[sflag:s1] =	ssyncadd.s32 $0xFFFFD800  }
0x113: {  	[bflag:$0x0] =	sbarrier.arrive $0xFFFF  }
0x114: {  	s10 =	rddreg [dreg:$0x6]  }
0x115: {  	[hbm:s10], [sflag:s21] =	dma.local [spmem:s22], $0x3200  }
0x116: {  	_ =	swait.ge [sflag:s23], $0x3200  }
0x117: {  	[sflag:s23] =	ssyncset.done $0x0  }
0x118: {  	[sflag:s23] =	ssyncadd.s32 $0xFFFFCE00  }
0x119: {  	[bflag:$0x0] =	sbarrier.arrive $0xFFFF  }
0x11a: {  	s12 =	rddreg [dreg:$0x7]  }
0x11b: {  	[spmem:s22], [sflag:s21] =	dma.local [hbm:s12], $0x3200  }
0x11c: {  	_ =	swait.ge [sflag:s23], $0x3200  }
0x11d: {  	[sflag:s23] =	ssyncset.done $0x0  }
0x11e: {  	[sflag:s23] =	ssyncadd.s32 $0xFFFFCE00  }
0x11f: {  	[bflag:$0x0] =	sbarrier.arrive $0xFFFF  }
0x120: {  	[tilespmem:s3], [sflag:$0x5] =	stream.linear.gather [hbm4b:s19+s3], $0x500, $0x38;
	[tilespmem:$0x1EA00] =	vst v63  }
0x121: {  	_ =	swait.ge [sflag:s23], $0x500  }
0x122: {  	[sflag:s23] =	ssyncset.done $0x0  }
0x123: {  	[sflag:s23] =	ssyncadd.s32 $0xFFFFFB00  }
0x124: {  	[tilespmem:s25], [sflag:$0x1] =	stream.indirect.gather [hbm4b:s5+s24], $0x10, s3, s24, $0xb8;
	[tilespmem:$0x1EA00] =	vst v63  }
0x125: {  	_ = 	snop  }
0x126: {  	[tilespmem:s26], [sflag:$0x5] =	stream.linear.gather [hbm4b:s20+s3], $0x500, $0x38;
	[tilespmem:$0x1EA00] =	vst v63  }
0x127: {  	_ =	swait.ge [sflag:s23], $0x500  }
0x128: {  	[sflag:s23] =	ssyncset.done $0x0  }
0x129: {  	[sflag:s23] =	ssyncadd.s32 $0xFFFFFB00  }
0x12a: {  	[tilespmem:s28], [sflag:$0x2] =	stream.indirect.gather [hbm4b:s5+s24], $0x10, s26, s24, $0xb8;
	[tilespmem:$0x1EA00] =	vst v63  }
0x12b: {  	_ =	swait.ge [sflag:s29], $0x2800  }
0x12c: {  	[sflag:s29] =	ssyncset.done $0x0  }
0x12d: {  	[sflag:s29] =	ssyncadd.s32 $0xFFFFD800  }
0x12e: {  	[spmem:s2] =	stream.indirect.scatter.add.f32 [tilespmem:s25], [sflag:$0x3], $0x10, s24, s24, $0xb8;
	[tilespmem:$0x1EA00] =	vst v63  }
0x12f: {  	_ =	swait.ge [sflag:s30], $0x2800  }
0x130: {  	s13 =	sadd.s32 $0xFFFF9D40, s19;
	[sflag:s30] =	ssyncset.done $0x0  }
0x131: {  	s12 =	sadd.s32 $0x6400, s13;
	[sflag:s30] =	ssyncadd.s32 $0xFFFFD800  }
0x132: {  	[tilespmem:s3], [sflag:$0x5] =	stream.linear.gather [hbm4b:s12+s3], $0x500, $0x38;
	[tilespmem:$0x1EA00] =	vst v63  }
0x133: {  	_ =	swait.ge [sflag:s23], $0x500  }
0x134: {  	[sflag:s23] =	ssyncset.done $0x0  }
0x135: {  	[sflag:s23] =	ssyncadd.s32 $0xFFFFFB00  }
0x136: {  	[tilespmem:s25], [sflag:$0x1] =	stream.indirect.gather [hbm4b:s5+s24], $0x10, s3, s24, $0xb8;
	[tilespmem:$0x1EA00] =	vst v63  }
0x137: {  	_ =	swait.ge [sflag:s31], $0x2800  }
0x138: {  	[sflag:s31] =	ssyncset.done $0x0  }
0x139: {  	[sflag:s31] =	ssyncadd.s32 $0xFFFFD800  }
0x13a: {  	[spmem:s2] =	stream.indirect.scatter.add.f32 [tilespmem:s28], [sflag:$0x4], $0x10, s0, s24, $0xb8;
	[tilespmem:$0x1EA00] =	vst v63  }
0x13b: {  	_ =	swait.ge [sflag:s1], $0x2800  }
0x13c: {  	[sflag:s1] =	ssyncset.done $0x0  }
0x13d: {  	s10 =	sadd.s32 $0x64A0, s13;
	[sflag:s1] =	ssyncadd.s32 $0xFFFFD800  }
0x13e: {  	[tilespmem:s26], [sflag:$0x5] =	stream.linear.gather [hbm4b:s10+s3], $0x500, $0x38;
	[tilespmem:$0x1EA00] =	vst v63  }
0x13f: {  	_ =	swait.ge [sflag:s23], $0x500  }
0x140: {  	[sflag:s23] =	ssyncset.done $0x0  }
0x141: {  	[sflag:s23] =	ssyncadd.s32 $0xFFFFFB00  }
0x142: {  	[tilespmem:s28], [sflag:$0x2] =	stream.indirect.gather [hbm4b:s5+s24], $0x10, s26, s24, $0xb8;
	[tilespmem:$0x1EA00] =	vst v63  }
0x143: {  	_ =	swait.ge [sflag:s29], $0x2800  }
0x144: {  	[sflag:s29] =	ssyncset.done $0x0  }
0x145: {  	s12 =	simm.s32 $0xFFFF9E80;
	[sflag:s29] =	ssyncadd.s32 $0xFFFFD800  }
.LBB2_5:
0x146: {  	[spmem:s2] =	stream.indirect.scatter.add.f32 [tilespmem:s25], [sflag:$0x3], $0x10, s24, s24, $0xb8;
	[tilespmem:$0x1EA00] =	vst v63  }
0x147: {  	s10 =	smov.u32 s12  }
0x148: {  	p1 =	seq.s32 s12, $0xFFFFFEC0;
	s12 =	sadd.s32 $0x140, s12;
	_ =	swait.ge [sflag:s30], $0x2800  }
0x149: {  	s10 =	sadd.s32 s10, s19;
	[sflag:s30] =	ssyncset.done $0x0  }
0x14a: {  	s13 =	sadd.s32 $0x6400, s10;
	[sflag:s30] =	ssyncadd.s32 $0xFFFFD800  }
0x14b: {  	[tilespmem:s3], [sflag:$0x5] =	stream.linear.gather [hbm4b:s13+s3], $0x500, $0x38;
	[tilespmem:$0x1EA00] =	vst v63  }
0x14c: {  	_ =	swait.ge [sflag:s23], $0x500  }
0x14d: {  	[sflag:s23] =	ssyncset.done $0x0  }
0x14e: {  	[sflag:s23] =	ssyncadd.s32 $0xFFFFFB00  }
0x14f: {  	[tilespmem:s25], [sflag:$0x1] =	stream.indirect.gather [hbm4b:s5+s24], $0x10, s3, s24, $0xb8;
	[tilespmem:$0x1EA00] =	vst v63  }
0x150: {  	_ =	swait.ge [sflag:s31], $0x2800  }
0x151: {  	[sflag:s31] =	ssyncset.done $0x0  }
0x152: {  	[sflag:s31] =	ssyncadd.s32 $0xFFFFD800  }
0x153: {  	[spmem:s2] =	stream.indirect.scatter.add.f32 [tilespmem:s28], [sflag:$0x4], $0x10, s0, s24, $0xb8;
	[tilespmem:$0x1EA00] =	vst v63  }
0x154: {  	_ =	swait.ge [sflag:s1], $0x2800  }
0x155: {  	[sflag:s1] =	ssyncset.done $0x0  }
0x156: {  	s10 =	sadd.s32 $0x64A0, s10;
	[sflag:s1] =	ssyncadd.s32 $0xFFFFD800  }
0x157: {  	[tilespmem:s26], [sflag:$0x5] =	stream.linear.gather [hbm4b:s10+s3], $0x500, $0x38;
	[tilespmem:$0x1EA00] =	vst v63  }
0x158: {  	_ =	swait.ge [sflag:s23], $0x500  }
0x159: {  	[sflag:s23] =	ssyncset.done $0x0  }
.Ltmp7:
0x15a: {  	[sflag:s23] =	ssyncadd.s32 $0xFFFFFB00;
	(pc) =	sbr.rel @!p1 .LBB2_5-.Ltmp7, $4  }
0x15b: {  	[tilespmem:s28], [sflag:$0x2] =	stream.indirect.gather [hbm4b:s5+s24], $0x10, s26, s24, $0xb8;
	[tilespmem:$0x1EA00] =	vst v63  }
0x15c: {  	_ =	swait.ge [sflag:s29], $0x2800  }
0x15d: {  	[sflag:s29] =	ssyncset.done $0x0  }
0x15e: {  	[sflag:s29] =	ssyncadd.s32 $0xFFFFD800  }
.Ltmp8:
0x15f: {  	(pc) =	sbr.rel .LBB2_12-.Ltmp8, $3  }
0x160: {  	_ =	sdelay $0x1  }
0x161: {  	[spmem:s2] =	stream.indirect.scatter.add.f32 [tilespmem:s25], [sflag:$0x3], $0x10, s24, s24, $0xb8;
	[tilespmem:$0x1EA00] =	vst v63  }
0x162: {  	s12 =	rddreg [dreg:$0x3]  }
.LBB2_13:
0x163: {  	_ =	sfence.sel $0x180000  }
0x164: {  	[bflag:$0x0] =	sbarrier.arrive $0xFFFF  }
0x165: {  	_ =	strace $0x9000004D  }
0x166: {  	s0 =	stileid.u32;
	[bflag:$0x2] =	sbarrier.arrive $0xFFFF  }
0x167: {  	p0 =	sne.s32 s0, $0x0;
	s0 =	rddreg [dreg:$0x2]  }
0x168: {  	s0 =	sadd.s32 @!p0 $0x100000, s0  }
0x169: {  	[sflag:s0] =	ssyncadd.tile.s32 @!p0 $0x1;
	_ =	shalt  }
.Lfunc_end2:
_tile_overlayer_lowered:
.L_overlay_start_2:
0x16a: {  	(tag) =	ssettag $0x2  }
0x16b: {  	s0 =	rddreg [dreg:$0x0];
	s2 =	stileid.u32  }
0x16c: {  	s1 =	rddreg [dreg:$0x1];
	p0 =	sne.s32 s2, $0x0  }
0x16d: {  	s3 =	rddreg [dreg:$0x2];
	[bflag:$0x3] =	sbarrier.arrive $0xFFFF;
	s2 =	simm.s32 @!p0 $0x1C05  }
0x16e: {  	[timem:s3], [sflag:s2] =	dma.local @!p0 [hbm:s0], s1  }
0x16f: {  	s0 =	simm.s32 @!p0 $0x5  }
0x170: {  	_ =	swait.ge @!p0 [sflag:s0], s1  }
0x171: {  	s1 =	ssub.s32 @!p0 $0x0, s1;
	[sflag:s0] =	ssyncset.done @!p0 $0x0  }
0x172: {  	[sflag:s0] =	ssyncadd.s32 @!p0 s1  }
0x173: {  	[bflag:$0x3] =	sbarrier.arrive $0xFFFF  }
0x174: {  	_ =	shalt  }

// kernel: kernel.19.cloned.1.call-start
scs
__scs_entry_jumppad:
0x0: {  	(pc) =	sbr.rel $0x88, $3  }
0x1: {  	(tag) =	ssettag $0x0;
	lr =	simm.s32 $0x1  }
0x2: {  	[smem:$0x3F94] =	sst lr;
	_ =	strace $0xD0000000  }
0x3: {  	_ = 	snop  }
0x4: {  	_ = 	snop  }
0x5: {  	_ = 	snop  }
0x6: {  	_ = 	snop  }
0x7: {  	_ = 	snop  }
__scs_overlays_trampoline_lowered:
0x8: {  	[smem:$0x3FA3] =	sst s0  }
0x9: {  	[smem:$0x3FA4] =	sst s1  }
0xa: {  	[smem:$0x3FA5] =	sst s2  }
0xb: {  	[smem:$0x3FA6] =	sst s3  }
0xc: {  	[smem:$0x3FA7] =	sst s4  }
0xd: {  	[smem:$0x3FA8] =	sst s5  }
0xe: {  	[smem:$0x3FA9] =	sst s6  }
0xf: {  	[smem:$0x3FAA] =	sst s7  }
0x10: {  	[smem:$0x3FAB] =	sst s8  }
0x11: {  	[smem:$0x3FAC] =	sst s9;
	s0 =	simm.s32 @!p0 $0x0  }
0x12: {  	s1 =	sld [smem:$0x3F92];
	s0 =	simm.s32 @p0 $0x1  }
0x13: {  	[smem:$0x3FAD] =	sst s0;
	s0 =	simm.s32 @!p1 $0x0  }
0x14: {  	s2 =	sld [smem:$0x3F91];
	s0 =	simm.s32 @p1 $0x1  }
0x15: {  	[smem:$0x3FAE] =	sst s0;
	s0 =	simm.s32 @!p2 $0x0  }
0x16: {  	s3 =	sld [smem:$0x3FDB];
	s0 =	simm.s32 @p2 $0x1  }
0x17: {  	s4 =	simm.s32 $0x1BF5;
	[smem:$0x3FB0] =	sst s0  }
0x18: {  	s0 =	sld [smem:$0x3F93];
	_ =	swait.ge [sflag:s4], $0x0  }
0x19: {  	s7 =	sld [smem:$0x3F94]  }
0x1a: {  	s8 =	sadd.s32 $0xFFFFE003, lr  }
0x1b: {  	s9 =	sadd.s32 $0xFFFFFEF7, lr;
	s5 =	simm.s32 $0xFFFFFFFF;
	p2 =	slt.u32 s8, $0xFFFFF086  }
0x1c: {  	p1 =	slt.u32 s9, $0xF7A;
	s5 =	simm.s32 @!p2 $0x0  }
0x1d: {  	s5 =	simm.s32 @p1 $0x1;
	p0 =	seq.s32 s7, s2  }
0x1e: {  	s7 =	smul.u32 @!p0 $0xF7A, s2;
	p2 =	seq.s32 @!p0 s5, $0x0  }
0x1f: {  	s9 =	smul.u32 $0xF7A, s1;
	s8 =	simm.s32 @!p0 $0x1BF5;
	p2 =	por !p2, p0  }
0x20: {  	[sflag:s8] =	ssyncset.s32 @!p0 $0xFFFFF086;
	s6 =	sadd.s32 @!p0 s3, s7;
	s7 =	simm.s32 @!p0 $0x108  }
0x21: {  	s3 =	sadd.s32 s3, s9;
	s6 =	sadd.s32 @!p0 $0x88, s6;
	s7 =	simm.s32 @p2 $0x1082  }
0x22: {  	[simem:s7], [sflag:s8] =	dma.local @!p0 [hbm:s6], $0xF7A  }
0x23: {  	s9 =	sor.u32 $0xD0000000, s2;
	s6 =	simm.s32 $0x108;
	_ =	swait.ge @!p0 [sflag:s8], $0x0  }
0x24: {  	s3 =	sadd.s32 $0x88, s3;
	s6 =	simm.s32 @!p1 $0x1082;
	[sflag:s4] =	ssyncset.s32 $0xFFFFF086  }
0x25: {  	[simem:s6], [sflag:s4] =	dma.local [hbm:s3], $0xF7A  }
0x26: {  	[smem:$0x3F94] =	sst s1;
	(tag) =	ssettag s2;
	_ =	strace s9  }
0x27: {  	s1 =	sld [smem:$0x3FA4]  }
0x28: {  	s2 =	sld [smem:$0x3FA5]  }
0x29: {  	s4 =	sld [smem:$0x3FA7]  }
0x2a: {  	p0 =	seq.s32 s5, $0x0;
	s5 =	sld [smem:$0x3FA8]  }
0x2b: {  	s6 =	sld [smem:$0x3FA9]  }
0x2c: {  	s7 =	sld [smem:$0x3FAA]  }
0x2d: {  	s3 =	simm.s32 $0x108;
	s8 =	sld [smem:$0x3FAB]  }
0x2e: {  	s3 =	simm.s32 @!p0 $0x1082;
	s9 =	sld [smem:$0x3FAC]  }
0x2f: {  	lr =	sadd.s32 s0, s3;
	s0 =	sld [smem:$0x3FA3]  }
0x30: {  	s3 =	sld [smem:$0x3FA6]  }
0x31: {  	[smem:$0x3FAF] =	sst s10  }
0x32: {  	s10 =	sld [smem:$0x3FAD];
	_ =	sdelay $0x3  }
0x33: {  	p0 =	seq.s32 s10, $0x1;
	s10 =	sld [smem:$0x3FAF];
	_ =	sdelay $0x3  }
0x34: {  	[smem:$0x3FAF] =	sst s10  }
0x35: {  	s10 =	sld [smem:$0x3FAE];
	_ =	sdelay $0x3  }
0x36: {  	p1 =	seq.s32 s10, $0x1;
	s10 =	sld [smem:$0x3FAF];
	_ =	sdelay $0x3  }
0x37: {  	[smem:$0x3FAF] =	sst s10  }
0x38: {  	s10 =	sld [smem:$0x3FB0]  }
0x39: {  	_ = 	snop;
	(pc) =	sbr.ind lr, $3  }
0x3a: {  	_ = 	snop  }
0x3b: {  	_ = 	snop  }
0x3c: {  	p2 =	seq.s32 s10, $0x1;
	s10 =	sld [smem:$0x3FAF]  }
0x3d: {  	_ =	shalt  }
0x3e: {  	_ =	shalt  }
0x3f: {  	_ =	shalt  }
0x40: {  	_ =	shalt  }
0x41: {  	_ =	shalt  }
0x42: {  	_ =	shalt  }
0x43: {  	_ =	shalt  }
0x44: {  	_ =	shalt  }
0x45: {  	_ =	shalt  }
0x46: {  	_ =	shalt  }
0x47: {  	_ =	shalt  }
0x48: {  	_ =	shalt  }
0x49: {  	_ =	shalt  }
0x4a: {  	_ =	shalt  }
0x4b: {  	_ =	shalt  }
0x4c: {  	_ =	shalt  }
0x4d: {  	_ =	shalt  }
0x4e: {  	_ =	shalt  }
0x4f: {  	_ =	shalt  }
0x50: {  	_ =	shalt  }
0x51: {  	_ =	shalt  }
0x52: {  	_ =	shalt  }
0x53: {  	_ =	shalt  }
0x54: {  	_ =	shalt  }
0x55: {  	_ =	shalt  }
0x56: {  	_ =	shalt  }
0x57: {  	_ =	shalt  }
0x58: {  	_ =	shalt  }
0x59: {  	_ =	shalt  }
0x5a: {  	_ =	shalt  }
0x5b: {  	_ =	shalt  }
0x5c: {  	_ =	shalt  }
0x5d: {  	_ =	shalt  }
0x5e: {  	_ =	shalt  }
0x5f: {  	_ =	shalt  }
0x60: {  	_ =	shalt  }
0x61: {  	_ =	shalt  }
0x62: {  	_ =	shalt  }
0x63: {  	_ =	shalt  }
0x64: {  	_ =	shalt  }
0x65: {  	_ =	shalt  }
0x66: {  	_ =	shalt  }
0x67: {  	_ =	shalt  }
0x68: {  	_ =	shalt  }
0x69: {  	_ =	shalt  }
0x6a: {  	_ =	shalt  }
0x6b: {  	_ =	shalt  }
0x6c: {  	_ =	shalt  }
0x6d: {  	_ =	shalt  }
0x6e: {  	_ =	shalt  }
0x6f: {  	_ =	shalt  }
0x70: {  	_ =	shalt  }
0x71: {  	_ =	shalt  }
0x72: {  	_ =	shalt  }
0x73: {  	_ =	shalt  }
0x74: {  	_ =	shalt  }
0x75: {  	_ =	shalt  }
0x76: {  	_ =	shalt  }
0x77: {  	_ =	shalt  }
0x78: {  	_ =	shalt  }
0x79: {  	_ =	shalt  }
0x7a: {  	_ =	shalt  }
0x7b: {  	_ =	shalt  }
0x7c: {  	_ =	shalt  }
0x7d: {  	_ =	shalt  }
0x7e: {  	_ =	shalt  }
0x7f: {  	_ =	shalt  }
0x80: {  	_ =	shalt  }
0x81: {  	_ =	shalt  }
0x82: {  	_ =	shalt  }
0x83: {  	_ =	shalt  }
0x84: {  	_ =	shalt  }
0x85: {  	_ =	shalt  }
0x86: {  	_ =	shalt  }
0x87: {  	_ =	shalt  }
.Lfunc_end0:
.L_simem_size_0:
called_computation.3_lowered:
.L_overlay_start_0:
0x88: {  	s2 =	sld [smem:$0x3FD9]  }
0x89: {  	s3 =	sld [smem:$0x3FFE];
	_ =	sdelay $0x1  }
0x8a: {  	s1 =	srdreg.scid  }
0x8b: {  	s0 =	sand.u32 $0x1, s1  }
0x8c: {  	s16 =	sshll.u32 s0, $0xA;
	s2 =	sadd.s32 s3, s2  }
0x8d: {  	s2 =	sadd.s32 s2, s16  }
0x8e: {  	[smem:$0x3FBB] =	sst s2  }
0x8f: {  	_ = 	snop  }
0x90: {  	(tm) =	ssettm $0x1  }
0x91: {  	s17 =	sld [smem:$0x3FFB];
	_ =	sdelay $0x3  }
0x92: {  	_ =	strace s17  }
0x93: {  	s2 =	sld [smem:$0x3FFC];
	_ =	sdelay $0x3  }
0x94: {  	_ =	strace s2  }
0x95: {  	s2 =	sld [smem:$0x3FFD];
	_ =	sdelay $0x3  }
0x96: {  	_ =	strace s2  }
0x97: {  	_ =	strace $0x8FFFFFFF  }
0x98: {  	s18 =	sld [smem:$0x3FDB];
	_ =	sdelay $0x1  }
0x99: {  	s19 =	simm.s32 $_scs_section_size  }
0x9a: {  	s4 =	simm.s32 $_size__tile_overlayer_lowered;
	s5 =	simm.s32 $_tile_overlayer_lowered  }
0x9b: {  	s22 =	simm.s32 $0x1BFF;
	s21 =	sshll.u32 s5, $0x1;
	s2 =	sadd.s32 s19, s18  }
0x9c: {  	s6 =	simm.s32 $0x0;
	s20 =	sshll.u32 s4, $0x1;
	s4 =	sadd.s32 s21, s2  }
0x9d: {  	[timem:s6], [sflag:s22] =	dma.local [hbm:s4], s20  }
0x9e: {  	_ =	swait.ge [sflag:s22], s20  }
0x9f: {  	s3 =	ssub.s32 $0x0, s20;
	[sflag:s22] =	ssyncset.done $0x0  }
0xa0: {  	[sflag:s22] =	ssyncadd.s32 s3;
	_ =	sdelay $0x1  }
0xa1: {  	s23 =	simm.s32 $0x1B8B  }
0xa2: {  	_ =	swait.ge [sflag:s23], $0x1  }
0xa3: {  	[sflag:s23] =	ssyncset.done $0x0  }
0xa4: {  	s25 =	simm.s32 $0x1B8E;
	s24 =	sld [smem:$0x3FFE];
	[sflag:s23] =	ssyncadd.s32 $0xFFFFFFFF  }
0xa5: {  	s26 =	simm.s32 $execute0_lowered;
	[smem:$0x3FD2] =	sst s25  }
0xa6: {  	s4 =	sshll.u32 s26, $0x1;
	_ =	strace $0x8000004F;
	[dreg:$0x1] =	wrdreg $0xFFFFFFFF  }
0xa7: {  	s28 =	simm.s32 $_size_execute0_lowered;
	s2 =	sadd.s32 s2, s4;
	[dreg:$0x0] =	wrdreg $0x0  }
0xa8: {  	s4 =	sshll.u32 s28, $0x1;
	[dreg:$0x2] =	wrdreg s2  }
0xa9: {  	[dreg:$0x3] =	wrdreg s4  }
0xaa: {  	[dreg:$0x4] =	wrdreg $0xC0  }
0xab: {  	_ =	task [dreg:s6], $0x5FFFF  }
0xac: {  	[dreg:$0x1] =	wrdreg $0xFFFFFFFF  }
0xad: {  	[dreg:$0x0] =	wrdreg $0x60  }
0xae: {  	[dreg:$0x2] =	wrdreg s24  }
0xaf: {  	[dreg:$0x3] =	wrdreg $0x5A000  }
0xb0: {  	[dreg:$0x4] =	wrdreg $0x9  }
0xb1: {  	_ =	task.clear_ibuf [dreg:s6], $0x5FFFF;
	_ =	strace $0x9000004F  }
0xb2: {  	s29 =	simm.s32 $0x9;
	_ =	strace $0x80000051  }
0xb3: {  	_ =	swait.ge [sflag:s29], $0x1  }
0xb4: {  	[sflag:s29] =	ssyncadd.s32 $0xFFFFFFFF  }
0xb5: {  	_ =	strace $0x90000051  }
0xb6: {  	_ =	sfence  }
0xb7: {  	s30 =	sld [smem:$0x0];
	_ =	sdelay $0x2  }
0xb8: {  	s31 =	sshll.u32 s1, $0xD;
	s1 =	sshrl.u32 s1, $0x2  }
0xb9: {  	s3 =	sand.u32 $0x4000, s31;
	s1 =	sadd.s32 s1, s30  }
0xba: {  	s0 =	sor.u32 s3, s0;
	s1 =	sshll.u32 s1, $0x11  }
0xbb: {  	s0 =	sor.u32 s1, s0  }
0xbc: {  	s0 =	sadd.s32 $0x8F2B, s0  }
0xbd: {  	[sflag:s0] =	ssyncadd.remote.s32 $0x1  }
0xbe: {  	_ =	sfence.sel $0xFFFF  }
0xbf: {  	[dreg:$0x0] =	wrdreg $0xFFFFFFFF;
	(pc) =	sbr.abs _section_cstart, $3  }
0xc0: {  	[dreg:$0x1] =	wrdreg $0xFFFFFFFF  }
0xc1: {  	_ =	task.clear_ibuf [dreg:s6], $0x2FFFF;
	_ =	strace $0x9FFFFFFF  }
0xc2: {  	(tm) =	ssettm $0x7FFFFFFF  }
0xc3: {  	_ =	shalt  }
tec
execute0_lowered:
.L_overlay_start_1:
0x0: {  	(tag) =	ssettag $0x1  }
0x1: {  	s7 =	rddreg [dreg:$0x0]  }
0x2: {  	s1 =	rddreg [dreg:$0x1]  }
0x3: {  	s3 =	simm.s32 $0x0;
	s2 =	stileid.u32;
	s5 =	srdreg.scid  }
0x4: {  	s17 =	simm.s32 $0x5;
	s18 =	simm.s32 $0x280;
	s19 =	simm.s32 $0xA00  }
0x5: {  	s20 =	simm.s32 $0x500;
	s21 =	simm.s32 $0x3200;
	s22 =	simm.s32 $0x1  }
0x6: {  	s23 =	simm.s32 $0x3;
	s24 =	simm.s32 $0x2;
	s25 =	simm.s32 $0x780  }
0x7: {  	s26 =	simm.s32 $0x4;
	s28 =	simm.s32 $0x0;
	[smem:$0x7FF] =	sst s3  }
0x8: {  	s4 =	sadd.s32 $0xD7000, s7;
	s6 =	smul.u32 $0x6400, s2;
	s9 =	sand.u32 $0x1, s5  }
0x9: {  	s5 =	sadd.s32 $0x109000, s7;
	s10 =	smul.u32 $0x19000, s2;
	s12 =	sshll.u32 s2, $0x6  }
0xa: {  	_ =	strace $0x80000050;
	s8 =	ssub.s32 $0x2, s9;
	p0 =	seq.s32 s9, $0x1  }
.Ltmp0:
0xb: {  	s15 =	sor.u32 $0x1C05, s12;
	s14 =	sadd.s32 s6, s7;
	(pc) =	sbr.rel .LBB2_1-.Ltmp0, $4  }
0xc: {  	s6 =	sadd.s32 $0x5A00, s7;
	s11 =	sshrl.u32 s8, $0x1;
	s7 =	sadd.s32 $0x37A00, s7  }
0xd: {  	s16 =	sadd.s32 s10, s1;
	s11 =	ssub.s32 s8, s11;
	s8 =	sshrl.u32 s10, $0x3  }
0xe: {  	s13 =	sadd.s32 $0x73000, s14;
	s14 =	sadd.s32 $0x730A0, s14;
	s16 =	sshrl.u32 s16, $0x3  }
0xf: {  	s9 =	sadd.s32 s4, s8;
	s10 =	sadd.s32 s5, s8;
	s11 =	smax.u32 s11, $0x1  }
.LBB2_7:
0x10: {  	[spmem:s1] =	stream.indirect.scatter.add.f32 [tilespmem:s19], [sflag:$0x3], $0x10, s18, s18, $0xb8;
	[tilespmem:$0x1EA00] =	vst v63  }
0x11: {  	s30 =	smov.u32 s7;
	s29 =	smov.u32 s15  }
.LBB2_8:
0x12: {  	_ =	swait.ge [sflag:s24], $0x2800  }
0x13: {  	[sflag:s24] =	ssyncset.done $0x0  }
0x14: {  	[sflag:s24] =	ssyncadd.s32 $0xFFFFD800  }
0x15: {  	[spmem:s1] =	stream.indirect.scatter.add.f32 [tilespmem:s21], [sflag:$0x4], $0x10, s25, s18, $0xb8;
	[tilespmem:$0x1EA00] =	vst v63  }
0x16: {  	_ =	swait.ge [sflag:s23], $0x2800  }
0x17: {  	[sflag:s23] =	ssyncset.done $0x0  }
0x18: {  	[sflag:s23] =	ssyncadd.s32 $0xFFFFD800  }
0x19: {  	_ =	swait.ge [sflag:s26], $0x2800  }
0x1a: {  	[sflag:s26] =	ssyncset.done $0x0  }
0x1b: {  	s28 =	sadd.s32 $0x1, s28;
	[sflag:s26] =	ssyncadd.s32 $0xFFFFD800  }
0x1c: {  	s0 =	sadd.s32 s30, s8;
	p1 =	sne.s32 s28, s11;
	[bflag:$0x0] =	sbarrier.arrive $0xFFFF  }
0x1d: {  	[hbm:s0], [sflag:s29] =	dma.local [spmem:s16], $0x3200  }
.Ltmp1:
0x1e: {  	_ =	swait.ge [sflag:s17], $0x3200;
	(pc) =	sbr.rel @!p1 .LBB2_9-.Ltmp1, $3  }
0x1f: {  	[sflag:s17] =	ssyncset.done $0x0  }
0x20: {  	[sflag:s17] =	ssyncadd.s32 $0xFFFFCE00  }
0x21: {  	[bflag:$0x0] =	sbarrier.arrive $0xFFFF;
	_ =	sdelay $0x1  }
.LBB2_1:
.Ltmp2:
0x22: {  	(pc) =	sbr.rel @!p0 .LBB2_2-.Ltmp2, $1  }
0x23: {  	_ =	sdelay $0x3  }
0x24: {  	[spmem:s16], [sflag:s15] =	dma.local [hbm:s10], $0x3200  }
0x25: {  	_ =	swait.ge [sflag:s17], $0x3200  }
0x26: {  	[sflag:s17] =	ssyncset.done $0x0  }
0x27: {  	[sflag:s17] =	ssyncadd.s32 $0xFFFFCE00  }
0x28: {  	[bflag:$0x0] =	sbarrier.arrive $0xFFFF  }
0x29: {  	[tilespmem:s3], [sflag:$0x5] =	stream.linear.gather [hbm4b:s13+s3], $0x500, $0x38;
	[tilespmem:$0x1EA00] =	vst v63  }
0x2a: {  	_ =	swait.ge [sflag:s17], $0x500  }
0x2b: {  	[sflag:s17] =	ssyncset.done $0x0  }
0x2c: {  	[sflag:s17] =	ssyncadd.s32 $0xFFFFFB00  }
0x2d: {  	[tilespmem:s19], [sflag:$0x1] =	stream.indirect.gather [hbm4b:s5+s18], $0x10, s3, s18, $0xb8;
	[tilespmem:$0x1EA00] =	vst v63  }
0x2e: {  	_ = 	snop  }
0x2f: {  	[tilespmem:s20], [sflag:$0x5] =	stream.linear.gather [hbm4b:s14+s3], $0x500, $0x38;
	[tilespmem:$0x1EA00] =	vst v63  }
0x30: {  	_ =	swait.ge [sflag:s17], $0x500  }
0x31: {  	[sflag:s17] =	ssyncset.done $0x0  }
0x32: {  	[sflag:s17] =	ssyncadd.s32 $0xFFFFFB00  }
0x33: {  	[tilespmem:s21], [sflag:$0x2] =	stream.indirect.gather [hbm4b:s5+s18], $0x10, s20, s18, $0xb8;
	[tilespmem:$0x1EA00] =	vst v63  }
0x34: {  	_ =	swait.ge [sflag:s22], $0x2800  }
0x35: {  	[sflag:s22] =	ssyncset.done $0x0  }
0x36: {  	[sflag:s22] =	ssyncadd.s32 $0xFFFFD800  }
0x37: {  	[spmem:s1] =	stream.indirect.scatter.add.f32 [tilespmem:s19], [sflag:$0x3], $0x10, s18, s18, $0xb8;
	[tilespmem:$0x1EA00] =	vst v63  }
0x38: {  	_ =	swait.ge [sflag:s23], $0x2800  }
0x39: {  	s0 =	sadd.s32 $0xFFFF9D40, s13;
	[sflag:s23] =	ssyncset.done $0x0  }
0x3a: {  	s29 =	sadd.s32 $0x6400, s0;
	[sflag:s23] =	ssyncadd.s32 $0xFFFFD800  }
0x3b: {  	[tilespmem:s3], [sflag:$0x5] =	stream.linear.gather [hbm4b:s29+s3], $0x500, $0x38;
	[tilespmem:$0x1EA00] =	vst v63  }
0x3c: {  	_ =	swait.ge [sflag:s17], $0x500  }
0x3d: {  	[sflag:s17] =	ssyncset.done $0x0  }
0x3e: {  	[sflag:s17] =	ssyncadd.s32 $0xFFFFFB00  }
0x3f: {  	[tilespmem:s19], [sflag:$0x1] =	stream.indirect.gather [hbm4b:s5+s18], $0x10, s3, s18, $0xb8;
	[tilespmem:$0x1EA00] =	vst v63  }
0x40: {  	_ =	swait.ge [sflag:s24], $0x2800  }
0x41: {  	[sflag:s24] =	ssyncset.done $0x0  }
0x42: {  	[sflag:s24] =	ssyncadd.s32 $0xFFFFD800  }
0x43: {  	[spmem:s1] =	stream.indirect.scatter.add.f32 [tilespmem:s21], [sflag:$0x4], $0x10, s25, s18, $0xb8;
	[tilespmem:$0x1EA00] =	vst v63  }
0x44: {  	_ =	swait.ge [sflag:s26], $0x2800  }
0x45: {  	[sflag:s26] =	ssyncset.done $0x0  }
0x46: {  	s0 =	sadd.s32 $0x64A0, s0;
	[sflag:s26] =	ssyncadd.s32 $0xFFFFD800  }
0x47: {  	[tilespmem:s20], [sflag:$0x5] =	stream.linear.gather [hbm4b:s0+s3], $0x500, $0x38;
	[tilespmem:$0x1EA00] =	vst v63  }
0x48: {  	_ =	swait.ge [sflag:s17], $0x500  }
0x49: {  	[sflag:s17] =	ssyncset.done $0x0  }
0x4a: {  	[sflag:s17] =	ssyncadd.s32 $0xFFFFFB00  }
0x4b: {  	[tilespmem:s21], [sflag:$0x2] =	stream.indirect.gather [hbm4b:s5+s18], $0x10, s20, s18, $0xb8;
	[tilespmem:$0x1EA00] =	vst v63  }
0x4c: {  	_ =	swait.ge [sflag:s22], $0x2800  }
0x4d: {  	[sflag:s22] =	ssyncset.done $0x0  }
0x4e: {  	s29 =	simm.s32 $0xFFFF9E80;
	[sflag:s22] =	ssyncadd.s32 $0xFFFFD800  }
.LBB2_6:
0x4f: {  	[spmem:s1] =	stream.indirect.scatter.add.f32 [tilespmem:s19], [sflag:$0x3], $0x10, s18, s18, $0xb8;
	[tilespmem:$0x1EA00] =	vst v63  }
0x50: {  	s0 =	smov.u32 s29  }
0x51: {  	p1 =	sne.s32 s29, $0xFFFFFEC0;
	s29 =	sadd.s32 $0x140, s29;
	_ =	swait.ge [sflag:s23], $0x2800  }
0x52: {  	s0 =	sadd.s32 s0, s13;
	[sflag:s23] =	ssyncset.done $0x0  }
0x53: {  	s30 =	sadd.s32 $0x6400, s0;
	[sflag:s23] =	ssyncadd.s32 $0xFFFFD800  }
0x54: {  	[tilespmem:s3], [sflag:$0x5] =	stream.linear.gather [hbm4b:s30+s3], $0x500, $0x38;
	[tilespmem:$0x1EA00] =	vst v63  }
0x55: {  	_ =	swait.ge [sflag:s17], $0x500  }
0x56: {  	[sflag:s17] =	ssyncset.done $0x0  }
0x57: {  	[sflag:s17] =	ssyncadd.s32 $0xFFFFFB00  }
0x58: {  	[tilespmem:s19], [sflag:$0x1] =	stream.indirect.gather [hbm4b:s5+s18], $0x10, s3, s18, $0xb8;
	[tilespmem:$0x1EA00] =	vst v63  }
0x59: {  	_ =	swait.ge [sflag:s24], $0x2800  }
0x5a: {  	[sflag:s24] =	ssyncset.done $0x0  }
0x5b: {  	[sflag:s24] =	ssyncadd.s32 $0xFFFFD800  }
0x5c: {  	[spmem:s1] =	stream.indirect.scatter.add.f32 [tilespmem:s21], [sflag:$0x4], $0x10, s25, s18, $0xb8;
	[tilespmem:$0x1EA00] =	vst v63  }
0x5d: {  	_ =	swait.ge [sflag:s26], $0x2800  }
0x5e: {  	[sflag:s26] =	ssyncset.done $0x0  }
0x5f: {  	s0 =	sadd.s32 $0x64A0, s0;
	[sflag:s26] =	ssyncadd.s32 $0xFFFFD800  }
0x60: {  	[tilespmem:s20], [sflag:$0x5] =	stream.linear.gather [hbm4b:s0+s3], $0x500, $0x38;
	[tilespmem:$0x1EA00] =	vst v63  }
0x61: {  	_ =	swait.ge [sflag:s17], $0x500  }
0x62: {  	[sflag:s17] =	ssyncset.done $0x0  }
.Ltmp3:
0x63: {  	[sflag:s17] =	ssyncadd.s32 $0xFFFFFB00;
	(pc) =	sbr.rel @p1 .LBB2_6-.Ltmp3, $4  }
0x64: {  	[tilespmem:s21], [sflag:$0x2] =	stream.indirect.gather [hbm4b:s5+s18], $0x10, s20, s18, $0xb8;
	[tilespmem:$0x1EA00] =	vst v63  }
0x65: {  	_ =	swait.ge [sflag:s22], $0x2800  }
0x66: {  	[sflag:s22] =	ssyncset.done $0x0  }
0x67: {  	[sflag:s22] =	ssyncadd.s32 $0xFFFFD800  }
.Ltmp4:
0x68: {  	_ = 	snop;
	(pc) =	sbr.rel .LBB2_7-.Ltmp4, $1  }
0x69: {  	_ =	sdelay $0x3  }
.LBB2_2:
0x6a: {  	s29 =	sor.u32 $0x1C05, s12  }
0x6b: {  	[spmem:s16], [sflag:s29] =	dma.local [hbm:s9], $0x3200  }
0x6c: {  	_ =	swait.ge [sflag:s17], $0x3200  }
0x6d: {  	[sflag:s17] =	ssyncset.done $0x0  }
0x6e: {  	[sflag:s17] =	ssyncadd.s32 $0xFFFFCE00  }
0x6f: {  	[bflag:$0x0] =	sbarrier.arrive $0xFFFF  }
0x70: {  	[tilespmem:s3], [sflag:$0x5] =	stream.linear.gather [hbm4b:s13+s3], $0x500, $0x38;
	[tilespmem:$0x1EA00] =	vst v63  }
0x71: {  	_ =	swait.ge [sflag:s17], $0x500  }
0x72: {  	[sflag:s17] =	ssyncset.done $0x0  }
0x73: {  	[sflag:s17] =	ssyncadd.s32 $0xFFFFFB00  }
0x74: {  	[tilespmem:s19], [sflag:$0x1] =	stream.indirect.gather [hbm4b:s4+s18], $0x10, s3, s18, $0xb8;
	[tilespmem:$0x1EA00] =	vst v63  }
0x75: {  	_ = 	snop  }
0x76: {  	[tilespmem:s20], [sflag:$0x5] =	stream.linear.gather [hbm4b:s14+s3], $0x500, $0x38;
	[tilespmem:$0x1EA00] =	vst v63  }
0x77: {  	_ =	swait.ge [sflag:s17], $0x500  }
0x78: {  	[sflag:s17] =	ssyncset.done $0x0  }
0x79: {  	[sflag:s17] =	ssyncadd.s32 $0xFFFFFB00  }
0x7a: {  	[tilespmem:s21], [sflag:$0x2] =	stream.indirect.gather [hbm4b:s4+s18], $0x10, s20, s18, $0xb8;
	[tilespmem:$0x1EA00] =	vst v63  }
0x7b: {  	_ =	swait.ge [sflag:s22], $0x2800  }
0x7c: {  	[sflag:s22] =	ssyncset.done $0x0  }
0x7d: {  	[sflag:s22] =	ssyncadd.s32 $0xFFFFD800  }
0x7e: {  	[spmem:s1] =	stream.indirect.scatter.add.f32 [tilespmem:s19], [sflag:$0x3], $0x10, s18, s18, $0xb8;
	[tilespmem:$0x1EA00] =	vst v63  }
0x7f: {  	_ =	swait.ge [sflag:s23], $0x2800  }
0x80: {  	s30 =	sadd.s32 $0xFFFF9D40, s13;
	[sflag:s23] =	ssyncset.done $0x0  }
0x81: {  	s31 =	sadd.s32 $0x6400, s30;
	[sflag:s23] =	ssyncadd.s32 $0xFFFFD800  }
0x82: {  	[tilespmem:s3], [sflag:$0x5] =	stream.linear.gather [hbm4b:s31+s3], $0x500, $0x38;
	[tilespmem:$0x1EA00] =	vst v63  }
0x83: {  	_ =	swait.ge [sflag:s17], $0x500  }
0x84: {  	[sflag:s17] =	ssyncset.done $0x0  }
0x85: {  	[sflag:s17] =	ssyncadd.s32 $0xFFFFFB00  }
0x86: {  	[tilespmem:s19], [sflag:$0x1] =	stream.indirect.gather [hbm4b:s4+s18], $0x10, s3, s18, $0xb8;
	[tilespmem:$0x1EA00] =	vst v63  }
0x87: {  	_ =	swait.ge [sflag:s24], $0x2800  }
0x88: {  	[sflag:s24] =	ssyncset.done $0x0  }
0x89: {  	[sflag:s24] =	ssyncadd.s32 $0xFFFFD800  }
0x8a: {  	[spmem:s1] =	stream.indirect.scatter.add.f32 [tilespmem:s21], [sflag:$0x4], $0x10, s25, s18, $0xb8;
	[tilespmem:$0x1EA00] =	vst v63  }
0x8b: {  	_ =	swait.ge [sflag:s26], $0x2800  }
0x8c: {  	[sflag:s26] =	ssyncset.done $0x0  }
0x8d: {  	s30 =	sadd.s32 $0x64A0, s30;
	[sflag:s26] =	ssyncadd.s32 $0xFFFFD800  }
0x8e: {  	[tilespmem:s20], [sflag:$0x5] =	stream.linear.gather [hbm4b:s30+s3], $0x500, $0x38;
	[tilespmem:$0x1EA00] =	vst v63  }
0x8f: {  	_ =	swait.ge [sflag:s17], $0x500  }
0x90: {  	[sflag:s17] =	ssyncset.done $0x0  }
0x91: {  	[sflag:s17] =	ssyncadd.s32 $0xFFFFFB00  }
0x92: {  	[tilespmem:s21], [sflag:$0x2] =	stream.indirect.gather [hbm4b:s4+s18], $0x10, s20, s18, $0xb8;
	[tilespmem:$0x1EA00] =	vst v63  }
0x93: {  	_ =	swait.ge [sflag:s22], $0x2800  }
0x94: {  	[sflag:s22] =	ssyncset.done $0x0  }
0x95: {  	s30 =	simm.s32 $0xFFFF9E80;
	[sflag:s22] =	ssyncadd.s32 $0xFFFFD800  }
.LBB2_3:
0x96: {  	[spmem:s1] =	stream.indirect.scatter.add.f32 [tilespmem:s19], [sflag:$0x3], $0x10, s18, s18, $0xb8;
	[tilespmem:$0x1EA00] =	vst v63  }
0x97: {  	s31 =	smov.u32 s30  }
0x98: {  	p1 =	seq.s32 s30, $0xFFFFFEC0;
	s30 =	sadd.s32 $0x140, s30;
	_ =	swait.ge [sflag:s23], $0x2800  }
0x99: {  	s31 =	sadd.s32 s31, s13;
	[sflag:s23] =	ssyncset.done $0x0  }
0x9a: {  	s0 =	sadd.s32 $0x6400, s31;
	[sflag:s23] =	ssyncadd.s32 $0xFFFFD800  }
0x9b: {  	[tilespmem:s3], [sflag:$0x5] =	stream.linear.gather [hbm4b:s0+s3], $0x500, $0x38;
	[tilespmem:$0x1EA00] =	vst v63  }
0x9c: {  	_ =	swait.ge [sflag:s17], $0x500  }
0x9d: {  	[sflag:s17] =	ssyncset.done $0x0  }
0x9e: {  	[sflag:s17] =	ssyncadd.s32 $0xFFFFFB00  }
0x9f: {  	[tilespmem:s19], [sflag:$0x1] =	stream.indirect.gather [hbm4b:s4+s18], $0x10, s3, s18, $0xb8;
	[tilespmem:$0x1EA00] =	vst v63  }
0xa0: {  	_ =	swait.ge [sflag:s24], $0x2800  }
0xa1: {  	[sflag:s24] =	ssyncset.done $0x0  }
0xa2: {  	[sflag:s24] =	ssyncadd.s32 $0xFFFFD800  }
0xa3: {  	[spmem:s1] =	stream.indirect.scatter.add.f32 [tilespmem:s21], [sflag:$0x4], $0x10, s25, s18, $0xb8;
	[tilespmem:$0x1EA00] =	vst v63  }
0xa4: {  	_ =	swait.ge [sflag:s26], $0x2800  }
0xa5: {  	[sflag:s26] =	ssyncset.done $0x0  }
0xa6: {  	s0 =	sadd.s32 $0x64A0, s31;
	[sflag:s26] =	ssyncadd.s32 $0xFFFFD800  }
0xa7: {  	[tilespmem:s20], [sflag:$0x5] =	stream.linear.gather [hbm4b:s0+s3], $0x500, $0x38;
	[tilespmem:$0x1EA00] =	vst v63  }
0xa8: {  	_ =	swait.ge [sflag:s17], $0x500  }
0xa9: {  	[sflag:s17] =	ssyncset.done $0x0  }
.Ltmp5:
0xaa: {  	[sflag:s17] =	ssyncadd.s32 $0xFFFFFB00;
	(pc) =	sbr.rel @!p1 .LBB2_3-.Ltmp5, $4  }
0xab: {  	[tilespmem:s21], [sflag:$0x2] =	stream.indirect.gather [hbm4b:s4+s18], $0x10, s20, s18, $0xb8;
	[tilespmem:$0x1EA00] =	vst v63  }
0xac: {  	_ =	swait.ge [sflag:s22], $0x2800  }
0xad: {  	[sflag:s22] =	ssyncset.done $0x0  }
0xae: {  	[sflag:s22] =	ssyncadd.s32 $0xFFFFD800  }
.Ltmp6:
0xaf: {  	(pc) =	sbr.rel .LBB2_8-.Ltmp6, $3  }
0xb0: {  	_ =	sdelay $0x1  }
0xb1: {  	[spmem:s1] =	stream.indirect.scatter.add.f32 [tilespmem:s19], [sflag:$0x3], $0x10, s18, s18, $0xb8;
	[tilespmem:$0x1EA00] =	vst v63  }
0xb2: {  	s30 =	smov.u32 s6  }
.LBB2_9:
0xb3: {  	_ =	sfence.sel $0x180000  }
0xb4: {  	[bflag:$0x0] =	sbarrier.arrive $0xFFFF  }
0xb5: {  	_ =	strace $0x90000050  }
0xb6: {  	[bflag:$0x2] =	sbarrier.arrive $0xFFFF  }
0xb7: {  	p0 =	sne.s32 s2, $0x0;
	s0 =	rddreg [dreg:$0x2]  }
0xb8: {  	s0 =	sadd.s32 @!p0 $0x100000, s0  }
0xb9: {  	[sflag:s0] =	ssyncadd.tile.s32 @!p0 $0x1;
	_ =	shalt  }
.Lfunc_end2:
_tile_overlayer_lowered:
.L_overlay_start_2:
0xba: {  	(tag) =	ssettag $0x2  }
0xbb: {  	s0 =	rddreg [dreg:$0x0];
	s2 =	stileid.u32  }
0xbc: {  	s1 =	rddreg [dreg:$0x1];
	p0 =	sne.s32 s2, $0x0  }
0xbd: {  	s3 =	rddreg [dreg:$0x2];
	[bflag:$0x3] =	sbarrier.arrive $0xFFFF;
	s2 =	simm.s32 @!p0 $0x1C05  }
0xbe: {  	[timem:s3], [sflag:s2] =	dma.local @!p0 [hbm:s0], s1  }
0xbf: {  	s0 =	simm.s32 @!p0 $0x5  }
0xc0: {  	_ =	swait.ge @!p0 [sflag:s0], s1  }
0xc1: {  	s1 =	ssub.s32 @!p0 $0x0, s1;
	[sflag:s0] =	ssyncset.done @!p0 $0x0  }
0xc2: {  	[sflag:s0] =	ssyncadd.s32 @!p0 s1  }
0xc3: {  	[bflag:$0x3] =	sbarrier.arrive $0xFFFF  }
0xc4: {  	_ =	shalt  }

</sc_bundles>
